<compile_context>
chip_gen: v7x
topology: tpu7x:2x2x1
jax: 0.10.2.dev20260603
libtpu: 0.0.44.dev20260713+nightly
codegen_flags: <defaults>
</compile_context>

<pallas_src>
import functools

import jax
import jax.numpy as jnp
from jax import lax
from jax.experimental import pallas as pl
from jax.experimental.pallas import tpu as pltpu
from jax.experimental.pallas import tpu_sc as plsc


def _take16(x, perm):
    dnums = lax.GatherDimensionNumbers(
        offset_dims=(), collapsed_slice_dims=(0,), start_index_map=(0,))
    return lax.gather(x, perm[:, None], dnums, (1,),
                      mode=lax.GatherScatterMode.PROMISE_IN_BOUNDS)


NUM_CORES = 2
NUM_SUBCORES = 16
LANES = 16
NUM_WORKERS = NUM_CORES * NUM_SUBCORES

BATCH = 16384
EMBED_DIM = 64
B_PER_W = BATCH // NUM_WORKERS
WAVE = 256
N_WAVES = B_PER_W // WAVE
GROUPS_PER_WAVE = WAVE // LANES


def _body(h_hbm, r_hbm, t_hbm, entity_hbm, relation_hbm, out_hbm,
          h_idx, r_idx, t_idx, h_rows, r_rows, t_rows, out_v, sem, sem2):
    wid = lax.axis_index("s") * NUM_CORES + lax.axis_index("c")
    base = wid * B_PER_W

    pltpu.sync_copy(h_hbm.at[pl.ds(base, B_PER_W)], h_idx)
    pltpu.sync_copy(r_hbm.at[pl.ds(base, B_PER_W)], r_idx)
    pltpu.sync_copy(t_hbm.at[pl.ds(base, B_PER_W)], t_idx)

    for w in range(N_WAVES):
        wbase = w * WAVE

        def dma_body(g, c):
            hvec = h_idx[pl.ds(wbase + g * LANES, LANES)]
            tvec = t_idx[pl.ds(wbase + g * LANES, LANES)]
            rvec = r_idx[pl.ds(wbase + g * LANES, LANES)]
            for j in range(LANES):
                row = g * LANES + j
                s_a = sem if j % 2 == 0 else sem2
                s_b = sem2 if j % 2 == 0 else sem
                pltpu.async_copy(entity_hbm.at[pl.ds(hvec[j], 1)],
                                 h_rows.at[pl.ds(row, 1)], s_a)
                pltpu.async_copy(entity_hbm.at[pl.ds(tvec[j], 1)],
                                 t_rows.at[pl.ds(row, 1)], s_b)
                pltpu.async_copy(relation_hbm.at[pl.ds(rvec[j], 1)],
                                 r_rows.at[pl.ds(row, 1)], s_a)
            return c

        lax.fori_loop(0, WAVE // LANES, dma_body, 0)
        half = WAVE // 2
        for s in (sem, sem2):
            pltpu.make_async_copy(
                entity_hbm.at[pl.ds(0, half)], h_rows.at[pl.ds(0, half)], s).wait()
            pltpu.make_async_copy(
                entity_hbm.at[pl.ds(0, half)], t_rows.at[pl.ds(0, half)], s).wait()
            pltpu.make_async_copy(
                relation_hbm.at[pl.ds(0, half)], r_rows.at[pl.ds(0, half)], s).wait()

        def group_body(g, carry):
            lane = lax.iota(jnp.int32, LANES)
            vs = []
            for j in range(LANES):
                row = g * LANES + j
                acc = None
                for k in range(EMBED_DIM // LANES):
                    hv = h_rows[row, pl.ds(k * LANES, LANES)]
                    rv = r_rows[row, pl.ds(k * LANES, LANES)]
                    tv = t_rows[row, pl.ds(k * LANES, LANES)]
                    term = hv * rv - tv
                    acc = term if acc is None else acc + term
                vs.append(acc)
            for step in (1, 2, 4, 8):
                bit = (lane & step) != 0
                perm = lane ^ step
                nxt = []
                for a, b in zip(vs[0::2], vs[1::2]):
                    lo = jnp.where(bit, b, a)
                    hi = jnp.where(bit, a, b)
                    nxt.append(lo + _take16(hi, perm))
                vs = nxt
            out_v[pl.ds(wbase + g * LANES, LANES)] = vs[0]
            return carry

        lax.fori_loop(0, GROUPS_PER_WAVE, group_body, 0)

    pltpu.sync_copy(out_v, out_hbm.at[pl.ds(base, B_PER_W)])


def kernel(h, r, t, entity_emb, relation_emb):
    mesh = plsc.VectorSubcoreMesh(core_axis_name="c", subcore_axis_name="s")
    run = functools.partial(
        pl.kernel,
        mesh=mesh,
        compiler_params=pltpu.CompilerParams(use_tc_tiling_on_sc=True),
        out_type=jax.ShapeDtypeStruct((BATCH,), jnp.float32),
        scratch_types=[
            pltpu.VMEM((B_PER_W,), jnp.int32),
            pltpu.VMEM((B_PER_W,), jnp.int32),
            pltpu.VMEM((B_PER_W,), jnp.int32),
            pltpu.VMEM((WAVE, EMBED_DIM), jnp.float32),
            pltpu.VMEM((WAVE, EMBED_DIM), jnp.float32),
            pltpu.VMEM((WAVE, EMBED_DIM), jnp.float32),
            pltpu.VMEM((B_PER_W,), jnp.float32),
            pltpu.SemaphoreType.DMA,
            pltpu.SemaphoreType.DMA,
        ],
    )(_body)
    return run(h, r, t, entity_emb, relation_emb)

# --- scband reference (transcript-rebuilt; emitter-appended) ---
"""Pipeline reference for scband-rotat-emodel-30562987279072 (READ-ONLY COPY).

The authoritative reference and input builder live on the scoring server;
editing this copy changes nothing except your own understanding.
"""

import jax, jax.numpy as jnp
import numpy as np

NUM_ENTITIES = 1000000
NUM_RELATIONS = 1000
EMBED_DIM = 64
BATCH = 16384


def setup_inputs(seed: int = 0) -> dict:
    key = jax.random.key(seed)
    k1, k2, k3, k4, k5 = jax.random.split(key, 5)
    h = jax.random.randint(k1, (BATCH,), 0, NUM_ENTITIES, dtype=jnp.int64 if jax.config.jax_enable_x64 else jnp.int32).astype(jnp.int32)
    r = jax.random.randint(k2, (BATCH,), 0, NUM_RELATIONS, dtype=jnp.int32)
    t = jax.random.randint(k3, (BATCH,), 0, NUM_ENTITIES, dtype=jnp.int32)
    # Xavier-uniform init for embedding tables (as in nn.init.xavier_uniform_)
    bound_e = float(np.sqrt(6.0 / (NUM_ENTITIES + EMBED_DIM)))
    bound_r = float(np.sqrt(6.0 / (NUM_RELATIONS + EMBED_DIM)))
    entity_emb = jax.random.uniform(k4, (NUM_ENTITIES, EMBED_DIM), minval=-bound_e, maxval=bound_e, dtype=jnp.float32)
    relation_emb = jax.random.uniform(k5, (NUM_RELATIONS, EMBED_DIM), minval=-bound_r, maxval=bound_r, dtype=jnp.float32)
    return {"h": h, "r": r, "t": t, "entity_emb": entity_emb, "relation_emb": relation_emb}


def reference(h, r, t, entity_emb, relation_emb):
    # Faithful translation of RotatEModel.score
    h_emb = jnp.take(entity_emb, h, axis=0)
    r_emb = jnp.take(relation_emb, r, axis=0)
    t_emb = jnp.take(entity_emb, t, axis=0)
    return jnp.sum(h_emb * r_emb - t_emb, axis=1)

if __name__ == "__main__":
    import jax
    _d = setup_inputs()
    print(jax.jit(kernel)(*tuple(_d.values())))

</pallas_src>

<mosaic_0001>
#map = affine_map<(d0, d1) -> (0)>
#map1 = affine_map<(d0, d1) -> (0, 0)>
module attributes {stable_mosaic.version = 14 : i64} {
  func.func @_body(%arg0: i32, %arg1: i32, %arg2: memref<16384xi32, #tpu.memory_space<hbm>>, %arg3: memref<16384xi32, #tpu.memory_space<hbm>>, %arg4: memref<16384xi32, #tpu.memory_space<hbm>>, %arg5: memref<1000000x64xf32, #tpu.memory_space<hbm>>, %arg6: memref<1000x64xf32, #tpu.memory_space<hbm>>, %arg7: memref<16384xf32, #tpu.memory_space<hbm>>, %arg8: memref<512xi32, #tpu.memory_space<vmem>>, %arg9: memref<512xi32, #tpu.memory_space<vmem>>, %arg10: memref<512xi32, #tpu.memory_space<vmem>>, %arg11: memref<256x64xf32, #tpu.memory_space<vmem>>, %arg12: memref<256x64xf32, #tpu.memory_space<vmem>>, %arg13: memref<256x64xf32, #tpu.memory_space<vmem>>, %arg14: memref<512xf32, #tpu.memory_space<vmem>>, %arg15: memref<!tpu.dma_semaphore, #tpu.memory_space<semaphore_mem>>, %arg16: memref<!tpu.dma_semaphore, #tpu.memory_space<semaphore_mem>>) attributes {dimension_semantics = [#tpu.dimension_semantics<core_parallel>, #tpu.dimension_semantics<subcore_parallel>], iteration_bounds = array<i64: 2, 16>, scalar_prefetch = 0 : i64, scratch_operands = 9 : i64, tpu.core_type = #tpu.core_type<sc_vector_subcore>, window_params = [{transform_indices = #map}, {transform_indices = #map}, {transform_indices = #map}, {transform_indices = #map1}, {transform_indices = #map1}, {transform_indices = #map}]} {
    %mul3A = arith.constant 2 : i32
    %mul3A_0 = arith.muli %arg1, %mul3A : i32
    %add3A = arith.addi %mul3A_0, %arg0 : i32
    %mul3A_1 = arith.constant 512 : i32
    %mul3A_2 = arith.muli %add3A, %mul3A_1 : i32
    "tpu.region"() ({
      %run_scoped3A = tpu.sem_alloc : memref<!tpu.dma_semaphore, #tpu.memory_space<semaphore_mem>>
      %dma_start3A = tpu.memref_slice %arg2[%mul3A_2] : memref<16384xi32, #tpu.memory_space<hbm>> -> memref<512xi32, #tpu.memory_space<hbm>>
      %dma_start3A_169 = tpu.memref_slice %arg2[%mul3A_2] : memref<16384xi32, #tpu.memory_space<hbm>> -> memref<512xi32, #tpu.memory_space<hbm>>
      tpu.enqueue_dma source(%dma_start3A_169 : memref<512xi32, #tpu.memory_space<hbm>>) target(%arg8 : memref<512xi32, #tpu.memory_space<vmem>>) target_semaphore(%run_scoped3A : memref<!tpu.dma_semaphore, #tpu.memory_space<semaphore_mem>>)
      %dma_wait3A_170 = tpu.memref_slice %arg2[%mul3A_2] : memref<16384xi32, #tpu.memory_space<hbm>> -> memref<512xi32, #tpu.memory_space<hbm>>
      %dma_wait3A_171 = tpu.memref_slice %arg2[%mul3A_2] : memref<16384xi32, #tpu.memory_space<hbm>> -> memref<512xi32, #tpu.memory_space<hbm>>
      tpu.wait_dma2 semaphore(%run_scoped3A : memref<!tpu.dma_semaphore, #tpu.memory_space<semaphore_mem>>) src(%dma_wait3A_171 : memref<512xi32, #tpu.memory_space<hbm>>) dst(%arg8 : memref<512xi32, #tpu.memory_space<vmem>>)
      tpu.yield
    }) : () -> ()
    "tpu.region"() ({
      %run_scoped3A = tpu.sem_alloc : memref<!tpu.dma_semaphore, #tpu.memory_space<semaphore_mem>>
      %dma_start3A = tpu.memref_slice %arg3[%mul3A_2] : memref<16384xi32, #tpu.memory_space<hbm>> -> memref<512xi32, #tpu.memory_space<hbm>>
      %dma_start3A_169 = tpu.memref_slice %arg3[%mul3A_2] : memref<16384xi32, #tpu.memory_space<hbm>> -> memref<512xi32, #tpu.memory_space<hbm>>
      tpu.enqueue_dma source(%dma_start3A_169 : memref<512xi32, #tpu.memory_space<hbm>>) target(%arg9 : memref<512xi32, #tpu.memory_space<vmem>>) target_semaphore(%run_scoped3A : memref<!tpu.dma_semaphore, #tpu.memory_space<semaphore_mem>>)
      %dma_wait3A_170 = tpu.memref_slice %arg3[%mul3A_2] : memref<16384xi32, #tpu.memory_space<hbm>> -> memref<512xi32, #tpu.memory_space<hbm>>
      %dma_wait3A_171 = tpu.memref_slice %arg3[%mul3A_2] : memref<16384xi32, #tpu.memory_space<hbm>> -> memref<512xi32, #tpu.memory_space<hbm>>
      tpu.wait_dma2 semaphore(%run_scoped3A : memref<!tpu.dma_semaphore, #tpu.memory_space<semaphore_mem>>) src(%dma_wait3A_171 : memref<512xi32, #tpu.memory_space<hbm>>) dst(%arg9 : memref<512xi32, #tpu.memory_space<vmem>>)
      tpu.yield
    }) : () -> ()
    "tpu.region"() ({
      %run_scoped3A = tpu.sem_alloc : memref<!tpu.dma_semaphore, #tpu.memory_space<semaphore_mem>>
      %dma_start3A = tpu.memref_slice %arg4[%mul3A_2] : memref<16384xi32, #tpu.memory_space<hbm>> -> memref<512xi32, #tpu.memory_space<hbm>>
      %dma_start3A_169 = tpu.memref_slice %arg4[%mul3A_2] : memref<16384xi32, #tpu.memory_space<hbm>> -> memref<512xi32, #tpu.memory_space<hbm>>
      tpu.enqueue_dma source(%dma_start3A_169 : memref<512xi32, #tpu.memory_space<hbm>>) target(%arg10 : memref<512xi32, #tpu.memory_space<vmem>>) target_semaphore(%run_scoped3A : memref<!tpu.dma_semaphore, #tpu.memory_space<semaphore_mem>>)
      %dma_wait3A_170 = tpu.memref_slice %arg4[%mul3A_2] : memref<16384xi32, #tpu.memory_space<hbm>> -> memref<512xi32, #tpu.memory_space<hbm>>
      %dma_wait3A_171 = tpu.memref_slice %arg4[%mul3A_2] : memref<16384xi32, #tpu.memory_space<hbm>> -> memref<512xi32, #tpu.memory_space<hbm>>
      tpu.wait_dma2 semaphore(%run_scoped3A : memref<!tpu.dma_semaphore, #tpu.memory_space<semaphore_mem>>) src(%dma_wait3A_171 : memref<512xi32, #tpu.memory_space<hbm>>) dst(%arg10 : memref<512xi32, #tpu.memory_space<vmem>>)
      tpu.yield
    }) : () -> ()
    %scan3A = arith.constant 0 : i32
    %scan3A_3 = arith.constant 0 : i32
    %scan3A_4 = arith.constant 16 : i32
    %scan3A_5 = arith.addi %scan3A_3, %scan3A_4 : i32
    %scan3A_6 = arith.constant 1 : i32
    scf.for %scan3A_169 = %scan3A_3 to %scan3A_5 step %scan3A_6  : i32 {
      %mul3A_170 = arith.constant 16 : i32
      %mul3A_171 = arith.muli %scan3A_169, %mul3A_170 : i32
      %add3A_172 = arith.constant 0 : i32
      %add3A_173 = arith.addi %add3A_172, %mul3A_171 : i32
      %get3A = arith.index_cast %add3A_173 : i32 to index
      %get3A_174 = tpu.vector_load %arg8[%get3A] {strides = array<i32>} : memref<512xi32, #tpu.memory_space<vmem>>, vector<16xi32>,
      %get3A_175 = vector.shape_cast %get3A_174 : vector<16xi32> to vector<16xi32>
      %mul3A_176 = arith.constant 16 : i32
      %mul3A_177 = arith.muli %scan3A_169, %mul3A_176 : i32
      %add3A_178 = arith.constant 0 : i32
      %add3A_179 = arith.addi %add3A_178, %mul3A_177 : i32
      %get3A_180 = arith.index_cast %add3A_179 : i32 to index
      %get3A_181 = tpu.vector_load %arg10[%get3A_180] {strides = array<i32>} : memref<512xi32, #tpu.memory_space<vmem>>, vector<16xi32>,
      %get3A_182 = vector.shape_cast %get3A_181 : vector<16xi32> to vector<16xi32>
      %mul3A_183 = arith.constant 16 : i32
      %mul3A_184 = arith.muli %scan3A_169, %mul3A_183 : i32
      %add3A_185 = arith.constant 0 : i32
      %add3A_186 = arith.addi %add3A_185, %mul3A_184 : i32
      %get3A_187 = arith.index_cast %add3A_186 : i32 to index
      %get3A_188 = tpu.vector_load %arg9[%get3A_187] {strides = array<i32>} : memref<512xi32, #tpu.memory_space<vmem>>, vector<16xi32>,
      %get3A_189 = vector.shape_cast %get3A_188 : vector<16xi32> to vector<16xi32>
      %mul3A_190 = arith.constant 16 : i32
      %mul3A_191 = arith.muli %scan3A_169, %mul3A_190 : i32
      %add3A_192 = arith.constant 0 : i32
      %add3A_193 = arith.addi %mul3A_191, %add3A_192 : i32
      %slice3A = vector.extract_strided_slice %get3A_175 {offsets = [0], sizes = [1], strides = [1]} : vector<16xi32> to vector<1xi32>
      %squeeze3A = vector.extract %slice3A[0] : i32 from vector<1xi32>
      %dma_start3A = arith.constant 0 : i32
      %dma_start3A_194 = tpu.memref_slice %arg11[%add3A_193, %dma_start3A] : memref<256x64xf32, #tpu.memory_space<vmem>> -> memref<1x64xf32, #tpu.memory_space<vmem>>
      %dma_start3A_195 = arith.constant 0 : i32
      %dma_start3A_196 = tpu.memref_slice %arg5[%squeeze3A, %dma_start3A_195] : memref<1000000x64xf32, #tpu.memory_space<hbm>> -> memref<1x64xf32, #tpu.memory_space<hbm>>
      %dma_start3A_197 = arith.constant 0 : i32
      %dma_start3A_198 = tpu.memref_slice %arg11[%add3A_193, %dma_start3A_197] : memref<256x64xf32, #tpu.memory_space<vmem>> -> memref<1x64xf32, #tpu.memory_space<vmem>>
      %dma_start3A_199 = arith.constant 0 : i32
      %dma_start3A_200 = tpu.memref_slice %arg5[%squeeze3A, %dma_start3A_199] : memref<1000000x64xf32, #tpu.memory_space<hbm>> -> memref<1x64xf32, #tpu.memory_space<hbm>>
      tpu.enqueue_dma source(%dma_start3A_200 : memref<1x64xf32, #tpu.memory_space<hbm>>) target(%dma_start3A_198 : memref<1x64xf32, #tpu.memory_space<vmem>>) target_semaphore(%arg15 : memref<!tpu.dma_semaphore, #tpu.memory_space<semaphore_mem>>)
      %slice3A_201 = vector.extract_strided_slice %get3A_182 {offsets = [0], sizes = [1], strides = [1]} : vector<16xi32> to vector<1xi32>
      %squeeze3A_202 = vector.extract %slice3A_201[0] : i32 from vector<1xi32>
      %dma_start3A_203 = arith.constant 0 : i32
      %dma_start3A_204 = tpu.memref_slice %arg13[%add3A_193, %dma_start3A_203] : memref<256x64xf32, #tpu.memory_space<vmem>> -> memref<1x64xf32, #tpu.memory_space<vmem>>
      %dma_start3A_205 = arith.constant 0 : i32
      %dma_start3A_206 = tpu.memref_slice %arg5[%squeeze3A_202, %dma_start3A_205] : memref<1000000x64xf32, #tpu.memory_space<hbm>> -> memref<1x64xf32, #tpu.memory_space<hbm>>
      %dma_start3A_207 = arith.constant 0 : i32
      %dma_start3A_208 = tpu.memref_slice %arg13[%add3A_193, %dma_start3A_207] : memref<256x64xf32, #tpu.memory_space<vmem>> -> memref<1x64xf32, #tpu.memory_space<vmem>>
      %dma_start3A_209 = arith.constant 0 : i32
      %dma_start3A_210 = tpu.memref_slice %arg5[%squeeze3A_202, %dma_start3A_209] : memref<1000000x64xf32, #tpu.memory_space<hbm>> -> memref<1x64xf32, #tpu.memory_space<hbm>>
      tpu.enqueue_dma source(%dma_start3A_210 : memref<1x64xf32, #tpu.memory_space<hbm>>) target(%dma_start3A_208 : memref<1x64xf32, #tpu.memory_space<vmem>>) target_semaphore(%arg16 : memref<!tpu.dma_semaphore, #tpu.memory_space<semaphore_mem>>)
      %slice3A_211 = vector.extract_strided_slice %get3A_189 {offsets = [0], sizes = [1], strides = [1]} : vector<16xi32> to vector<1xi32>
      %squeeze3A_212 = vector.extract %slice3A_211[0] : i32 from vector<1xi32>
      %dma_start3A_213 = arith.constant 0 : i32
      %dma_start3A_214 = tpu.memref_slice %arg12[%add3A_193, %dma_start3A_213] : memref<256x64xf32, #tpu.memory_space<vmem>> -> memref<1x64xf32, #tpu.memory_space<vmem>>
      %dma_start3A_215 = arith.constant 0 : i32
      %dma_start3A_216 = tpu.memref_slice %arg6[%squeeze3A_212, %dma_start3A_215] : memref<1000x64xf32, #tpu.memory_space<hbm>> -> memref<1x64xf32, #tpu.memory_space<hbm>>
      %dma_start3A_217 = arith.constant 0 : i32
      %dma_start3A_218 = tpu.memref_slice %arg12[%add3A_193, %dma_start3A_217] : memref<256x64xf32, #tpu.memory_space<vmem>> -> memref<1x64xf32, #tpu.memory_space<vmem>>
      %dma_start3A_219 = arith.constant 0 : i32
      %dma_start3A_220 = tpu.memref_slice %arg6[%squeeze3A_212, %dma_start3A_219] : memref<1000x64xf32, #tpu.memory_space<hbm>> -> memref<1x64xf32, #tpu.memory_space<hbm>>
      tpu.enqueue_dma source(%dma_start3A_220 : memref<1x64xf32, #tpu.memory_space<hbm>>) target(%dma_start3A_218 : memref<1x64xf32, #tpu.memory_space<vmem>>) target_semaphore(%arg15 : memref<!tpu.dma_semaphore, #tpu.memory_space<semaphore_mem>>)
      %mul3A_221 = arith.constant 16 : i32
      %mul3A_222 = arith.muli %scan3A_169, %mul3A_221 : i32
      %add3A_223 = arith.constant 1 : i32
      %add3A_224 = arith.addi %mul3A_222, %add3A_223 : i32
      %slice3A_225 = vector.extract_strided_slice %get3A_175 {offsets = [1], sizes = [1], strides = [1]} : vector<16xi32> to vector<1xi32>
      %squeeze3A_226 = vector.extract %slice3A_225[0] : i32 from vector<1xi32>
      %dma_start3A_227 = arith.constant 0 : i32
      %dma_start3A_228 = tpu.memref_slice %arg11[%add3A_224, %dma_start3A_227] : memref<256x64xf32, #tpu.memory_space<vmem>> -> memref<1x64xf32, #tpu.memory_space<vmem>>
      %dma_start3A_229 = arith.constant 0 : i32
      %dma_start3A_230 = tpu.memref_slice %arg5[%squeeze3A_226, %dma_start3A_229] : memref<1000000x64xf32, #tpu.memory_space<hbm>> -> memref<1x64xf32, #tpu.memory_space<hbm>>
      %dma_start3A_231 = arith.constant 0 : i32
      %dma_start3A_232 = tpu.memref_slice %arg11[%add3A_224, %dma_start3A_231] : memref<256x64xf32, #tpu.memory_space<vmem>> -> memref<1x64xf32, #tpu.memory_space<vmem>>
      %dma_start3A_233 = arith.constant 0 : i32
      %dma_start3A_234 = tpu.memref_slice %arg5[%squeeze3A_226, %dma_start3A_233] : memref<1000000x64xf32, #tpu.memory_space<hbm>> -> memref<1x64xf32, #tpu.memory_space<hbm>>
      tpu.enqueue_dma source(%dma_start3A_234 : memref<1x64xf32, #tpu.memory_space<hbm>>) target(%dma_start3A_232 : memref<1x64xf32, #tpu.memory_space<vmem>>) target_semaphore(%arg16 : memref<!tpu.dma_semaphore, #tpu.memory_space<semaphore_mem>>)
      %slice3A_235 = vector.extract_strided_slice %get3A_182 {offsets = [1], sizes = [1], strides = [1]} : vector<16xi32> to vector<1xi32>
      %squeeze3A_236 = vector.extract %slice3A_235[0] : i32 from vector<1xi32>
      %dma_start3A_237 = arith.constant 0 : i32
      %dma_start3A_238 = tpu.memref_slice %arg13[%add3A_224, %dma_start3A_237] : memref<256x64xf32, #tpu.memory_space<vmem>> -> memref<1x64xf32, #tpu.memory_space<vmem>>
      %dma_start3A_239 = arith.constant 0 : i32
      %dma_start3A_240 = tpu.memref_slice %arg5[%squeeze3A_236, %dma_start3A_239] : memref<1000000x64xf32, #tpu.memory_space<hbm>> -> memref<1x64xf32, #tpu.memory_space<hbm>>
      %dma_start3A_241 = arith.constant 0 : i32
      %dma_start3A_242 = tpu.memref_slice %arg13[%add3A_224, %dma_start3A_241] : memref<256x64xf32, #tpu.memory_space<vmem>> -> memref<1x64xf32, #tpu.memory_space<vmem>>
      %dma_start3A_243 = arith.constant 0 : i32
      %dma_start3A_244 = tpu.memref_slice %arg5[%squeeze3A_236, %dma_start3A_243] : memref<1000000x64xf32, #tpu.memory_space<hbm>> -> memref<1x64xf32, #tpu.memory_space<hbm>>
      tpu.enqueue_dma source(%dma_start3A_244 : memref<1x64xf32, #tpu.memory_space<hbm>>) target(%dma_start3A_242 : memref<1x64xf32, #tpu.memory_space<vmem>>) target_semaphore(%arg15 : memref<!tpu.dma_semaphore, #tpu.memory_space<semaphore_mem>>)
      %slice3A_245 = vector.extract_strided_slice %get3A_189 {offsets = [1], sizes = [1], strides = [1]} : vector<16xi32> to vector<1xi32>
      %squeeze3A_246 = vector.extract %slice3A_245[0] : i32 from vector<1xi32>
      %dma_start3A_247 = arith.constant 0 : i32
      %dma_start3A_248 = tpu.memref_slice %arg12[%add3A_224, %dma_start3A_247] : memref<256x64xf32, #tpu.memory_space<vmem>> -> memref<1x64xf32, #tpu.memory_space<vmem>>
      %dma_start3A_249 = arith.constant 0 : i32
      %dma_start3A_250 = tpu.memref_slice %arg6[%squeeze3A_246, %dma_start3A_249] : memref<1000x64xf32, #tpu.memory_space<hbm>> -> memref<1x64xf32, #tpu.memory_space<hbm>>
      %dma_start3A_251 = arith.constant 0 : i32
      %dma_start3A_252 = tpu.memref_slice %arg12[%add3A_224, %dma_start3A_251] : memref<256x64xf32, #tpu.memory_space<vmem>> -> memref<1x64xf32, #tpu.memory_space<vmem>>
      %dma_start3A_253 = arith.constant 0 : i32
      %dma_start3A_254 = tpu.memref_slice %arg6[%squeeze3A_246, %dma_start3A_253] : memref<1000x64xf32, #tpu.memory_space<hbm>> -> memref<1x64xf32, #tpu.memory_space<hbm>>
      tpu.enqueue_dma source(%dma_start3A_254 : memref<1x64xf32, #tpu.memory_space<hbm>>) target(%dma_start3A_252 : memref<1x64xf32, #tpu.memory_space<vmem>>) target_semaphore(%arg16 : memref<!tpu.dma_semaphore, #tpu.memory_space<semaphore_mem>>)
      %mul3A_255 = arith.constant 16 : i32
      %mul3A_256 = arith.muli %scan3A_169, %mul3A_255 : i32
      %add3A_257 = arith.constant 2 : i32
      %add3A_258 = arith.addi %mul3A_256, %add3A_257 : i32
      %slice3A_259 = vector.extract_strided_slice %get3A_175 {offsets = [2], sizes = [1], strides = [1]} : vector<16xi32> to vector<1xi32>
      %squeeze3A_260 = vector.extract %slice3A_259[0] : i32 from vector<1xi32>
      %dma_start3A_261 = arith.constant 0 : i32
      %dma_start3A_262 = tpu.memref_slice %arg11[%add3A_258, %dma_start3A_261] : memref<256x64xf32, #tpu.memory_space<vmem>> -> memref<1x64xf32, #tpu.memory_space<vmem>>
      %dma_start3A_263 = arith.constant 0 : i32
      %dma_start3A_264 = tpu.memref_slice %arg5[%squeeze3A_260, %dma_start3A_263] : memref<1000000x64xf32, #tpu.memory_space<hbm>> -> memref<1x64xf32, #tpu.memory_space<hbm>>
      %dma_start3A_265 = arith.constant 0 : i32
      %dma_start3A_266 = tpu.memref_slice %arg11[%add3A_258, %dma_start3A_265] : memref<256x64xf32, #tpu.memory_space<vmem>> -> memref<1x64xf32, #tpu.memory_space<vmem>>
      %dma_start3A_267 = arith.constant 0 : i32
      %dma_start3A_268 = tpu.memref_slice %arg5[%squeeze3A_260, %dma_start3A_267] : memref<1000000x64xf32, #tpu.memory_space<hbm>> -> memref<1x64xf32, #tpu.memory_space<hbm>>
      tpu.enqueue_dma source(%dma_start3A_268 : memref<1x64xf32, #tpu.memory_space<hbm>>) target(%dma_start3A_266 : memref<1x64xf32, #tpu.memory_space<vmem>>) target_semaphore(%arg15 : memref<!tpu.dma_semaphore, #tpu.memory_space<semaphore_mem>>)
      %slice3A_269 = vector.extract_strided_slice %get3A_182 {offsets = [2], sizes = [1], strides = [1]} : vector<16xi32> to vector<1xi32>
      %squeeze3A_270 = vector.extract %slice3A_269[0] : i32 from vector<1xi32>
      %dma_start3A_271 = arith.constant 0 : i32
      %dma_start3A_272 = tpu.memref_slice %arg13[%add3A_258, %dma_start3A_271] : memref<256x64xf32, #tpu.memory_space<vmem>> -> memref<1x64xf32, #tpu.memory_space<vmem>>
      %dma_start3A_273 = arith.constant 0 : i32
      %dma_start3A_274 = tpu.memref_slice %arg5[%squeeze3A_270, %dma_start3A_273] : memref<1000000x64xf32, #tpu.memory_space<hbm>> -> memref<1x64xf32, #tpu.memory_space<hbm>>
      %dma_start3A_275 = arith.constant 0 : i32
      %dma_start3A_276 = tpu.memref_slice %arg13[%add3A_258, %dma_start3A_275] : memref<256x64xf32, #tpu.memory_space<vmem>> -> memref<1x64xf32, #tpu.memory_space<vmem>>
      %dma_start3A_277 = arith.constant 0 : i32
      %dma_start3A_278 = tpu.memref_slice %arg5[%squeeze3A_270, %dma_start3A_277] : memref<1000000x64xf32, #tpu.memory_space<hbm>> -> memref<1x64xf32, #tpu.memory_space<hbm>>
      tpu.enqueue_dma source(%dma_start3A_278 : memref<1x64xf32, #tpu.memory_space<hbm>>) target(%dma_start3A_276 : memref<1x64xf32, #tpu.memory_space<vmem>>) target_semaphore(%arg16 : memref<!tpu.dma_semaphore, #tpu.memory_space<semaphore_mem>>)
      %slice3A_279 = vector.extract_strided_slice %get3A_189 {offsets = [2], sizes = [1], strides = [1]} : vector<16xi32> to vector<1xi32>
      %squeeze3A_280 = vector.extract %slice3A_279[0] : i32 from vector<1xi32>
      %dma_start3A_281 = arith.constant 0 : i32
      %dma_start3A_282 = tpu.memref_slice %arg12[%add3A_258, %dma_start3A_281] : memref<256x64xf32, #tpu.memory_space<vmem>> -> memref<1x64xf32, #tpu.memory_space<vmem>>
      %dma_start3A_283 = arith.constant 0 : i32
      %dma_start3A_284 = tpu.memref_slice %arg6[%squeeze3A_280, %dma_start3A_283] : memref<1000x64xf32, #tpu.memory_space<hbm>> -> memref<1x64xf32, #tpu.memory_space<hbm>>
      %dma_start3A_285 = arith.constant 0 : i32
      %dma_start3A_286 = tpu.memref_slice %arg12[%add3A_258, %dma_start3A_285] : memref<256x64xf32, #tpu.memory_space<vmem>> -> memref<1x64xf32, #tpu.memory_space<vmem>>
      %dma_start3A_287 = arith.constant 0 : i32
      %dma_start3A_288 = tpu.memref_slice %arg6[%squeeze3A_280, %dma_start3A_287] : memref<1000x64xf32, #tpu.memory_space<hbm>> -> memref<1x64xf32, #tpu.memory_space<hbm>>
      tpu.enqueue_dma source(%dma_start3A_288 : memref<1x64xf32, #tpu.memory_space<hbm>>) target(%dma_start3A_286 : memref<1x64xf32, #tpu.memory_space<vmem>>) target_semaphore(%arg15 : memref<!tpu.dma_semaphore, #tpu.memory_space<semaphore_mem>>)
      %mul3A_289 = arith.constant 16 : i32
      %mul3A_290 = arith.muli %scan3A_169, %mul3A_289 : i32
      %add3A_291 = arith.constant 3 : i32
      %add3A_292 = arith.addi %mul3A_290, %add3A_291 : i32
      %slice3A_293 = vector.extract_strided_slice %get3A_175 {offsets = [3], sizes = [1], strides = [1]} : vector<16xi32> to vector<1xi32>
      %squeeze3A_294 = vector.extract %slice3A_293[0] : i32 from vector<1xi32>
      %dma_start3A_295 = arith.constant 0 : i32
      %dma_start3A_296 = tpu.memref_slice %arg11[%add3A_292, %dma_start3A_295] : memref<256x64xf32, #tpu.memory_space<vmem>> -> memref<1x64xf32, #tpu.memory_space<vmem>>
      %dma_start3A_297 = arith.constant 0 : i32
      %dma_start3A_298 = tpu.memref_slice %arg5[%squeeze3A_294, %dma_start3A_297] : memref<1000000x64xf32, #tpu.memory_space<hbm>> -> memref<1x64xf32, #tpu.memory_space<hbm>>
      %dma_start3A_299 = arith.constant 0 : i32
      %dma_start3A_300 = tpu.memref_slice %arg11[%add3A_292, %dma_start3A_299] : memref<256x64xf32, #tpu.memory_space<vmem>> -> memref<1x64xf32, #tpu.memory_space<vmem>>
      %dma_start3A_301 = arith.constant 0 : i32
      %dma_start3A_302 = tpu.memref_slice %arg5[%squeeze3A_294, %dma_start3A_301] : memref<1000000x64xf32, #tpu.memory_space<hbm>> -> memref<1x64xf32, #tpu.memory_space<hbm>>
      tpu.enqueue_dma source(%dma_start3A_302 : memref<1x64xf32, #tpu.memory_space<hbm>>) target(%dma_start3A_300 : memref<1x64xf32, #tpu.memory_space<vmem>>) target_semaphore(%arg16 : memref<!tpu.dma_semaphore, #tpu.memory_space<semaphore_mem>>)
      %slice3A_303 = vector.extract_strided_slice %get3A_182 {offsets = [3], sizes = [1], strides = [1]} : vector<16xi32> to vector<1xi32>
      %squeeze3A_304 = vector.extract %slice3A_303[0] : i32 from vector<1xi32>
      %dma_start3A_305 = arith.constant 0 : i32
      %dma_start3A_306 = tpu.memref_slice %arg13[%add3A_292, %dma_start3A_305] : memref<256x64xf32, #tpu.memory_space<vmem>> -> memref<1x64xf32, #tpu.memory_space<vmem>>
      %dma_start3A_307 = arith.constant 0 : i32
      %dma_start3A_308 = tpu.memref_slice %arg5[%squeeze3A_304, %dma_start3A_307] : memref<1000000x64xf32, #tpu.memory_space<hbm>> -> memref<1x64xf32, #tpu.memory_space<hbm>>
      %dma_start3A_309 = arith.constant 0 : i32
      %dma_start3A_310 = tpu.memref_slice %arg13[%add3A_292, %dma_start3A_309] : memref<256x64xf32, #tpu.memory_space<vmem>> -> memref<1x64xf32, #tpu.memory_space<vmem>>
      %dma_start3A_311 = arith.constant 0 : i32
      %dma_start3A_312 = tpu.memref_slice %arg5[%squeeze3A_304, %dma_start3A_311] : memref<1000000x64xf32, #tpu.memory_space<hbm>> -> memref<1x64xf32, #tpu.memory_space<hbm>>
      tpu.enqueue_dma source(%dma_start3A_312 : memref<1x64xf32, #tpu.memory_space<hbm>>) target(%dma_start3A_310 : memref<1x64xf32, #tpu.memory_space<vmem>>) target_semaphore(%arg15 : memref<!tpu.dma_semaphore, #tpu.memory_space<semaphore_mem>>)
      %slice3A_313 = vector.extract_strided_slice %get3A_189 {offsets = [3], sizes = [1], strides = [1]} : vector<16xi32> to vector<1xi32>
      %squeeze3A_314 = vector.extract %slice3A_313[0] : i32 from vector<1xi32>
      %dma_start3A_315 = arith.constant 0 : i32
      %dma_start3A_316 = tpu.memref_slice %arg12[%add3A_292, %dma_start3A_315] : memref<256x64xf32, #tpu.memory_space<vmem>> -> memref<1x64xf32, #tpu.memory_space<vmem>>
      %dma_start3A_317 = arith.constant 0 : i32
      %dma_start3A_318 = tpu.memref_slice %arg6[%squeeze3A_314, %dma_start3A_317] : memref<1000x64xf32, #tpu.memory_space<hbm>> -> memref<1x64xf32, #tpu.memory_space<hbm>>
      %dma_start3A_319 = arith.constant 0 : i32
      %dma_start3A_320 = tpu.memref_slice %arg12[%add3A_292, %dma_start3A_319] : memref<256x64xf32, #tpu.memory_space<vmem>> -> memref<1x64xf32, #tpu.memory_space<vmem>>
      %dma_start3A_321 = arith.constant 0 : i32
      %dma_start3A_322 = tpu.memref_slice %arg6[%squeeze3A_314, %dma_start3A_321] : memref<1000x64xf32, #tpu.memory_space<hbm>> -> memref<1x64xf32, #tpu.memory_space<hbm>>
      tpu.enqueue_dma source(%dma_start3A_322 : memref<1x64xf32, #tpu.memory_space<hbm>>) target(%dma_start3A_320 : memref<1x64xf32, #tpu.memory_space<vmem>>) target_semaphore(%arg16 : memref<!tpu.dma_semaphore, #tpu.memory_space<semaphore_mem>>)
      %mul3A_323 = arith.constant 16 : i32
      %mul3A_324 = arith.muli %scan3A_169, %mul3A_323 : i32
      %add3A_325 = arith.constant 4 : i32
      %add3A_326 = arith.addi %mul3A_324, %add3A_325 : i32
      %slice3A_327 = vector.extract_strided_slice %get3A_175 {offsets = [4], sizes = [1], strides = [1]} : vector<16xi32> to vector<1xi32>
      %squeeze3A_328 = vector.extract %slice3A_327[0] : i32 from vector<1xi32>
      %dma_start3A_329 = arith.constant 0 : i32
      %dma_start3A_330 = tpu.memref_slice %arg11[%add3A_326, %dma_start3A_329] : memref<256x64xf32, #tpu.memory_space<vmem>> -> memref<1x64xf32, #tpu.memory_space<vmem>>
      %dma_start3A_331 = arith.constant 0 : i32
      %dma_start3A_332 = tpu.memref_slice %arg5[%squeeze3A_328, %dma_start3A_331] : memref<1000000x64xf32, #tpu.memory_space<hbm>> -> memref<1x64xf32, #tpu.memory_space<hbm>>
      %dma_start3A_333 = arith.constant 0 : i32
      %dma_start3A_334 = tpu.memref_slice %arg11[%add3A_326, %dma_start3A_333] : memref<256x64xf32, #tpu.memory_space<vmem>> -> memref<1x64xf32, #tpu.memory_space<vmem>>
      %dma_start3A_335 = arith.constant 0 : i32
      %dma_start3A_336 = tpu.memref_slice %arg5[%squeeze3A_328, %dma_start3A_335] : memref<1000000x64xf32, #tpu.memory_space<hbm>> -> memref<1x64xf32, #tpu.memory_space<hbm>>
      tpu.enqueue_dma source(%dma_start3A_336 : memref<1x64xf32, #tpu.memory_space<hbm>>) target(%dma_start3A_334 : memref<1x64xf32, #tpu.memory_space<vmem>>) target_semaphore(%arg15 : memref<!tpu.dma_semaphore, #tpu.memory_space<semaphore_mem>>)
      %slice3A_337 = vector.extract_strided_slice %get3A_182 {offsets = [4], sizes = [1], strides = [1]} : vector<16xi32> to vector<1xi32>
      %squeeze3A_338 = vector.extract %slice3A_337[0] : i32 from vector<1xi32>
      %dma_start3A_339 = arith.constant 0 : i32
      %dma_start3A_340 = tpu.memref_slice %arg13[%add3A_326, %dma_start3A_339] : memref<256x64xf32, #tpu.memory_space<vmem>> -> memref<1x64xf32, #tpu.memory_space<vmem>>
      %dma_start3A_341 = arith.constant 0 : i32
      %dma_start3A_342 = tpu.memref_slice %arg5[%squeeze3A_338, %dma_start3A_341] : memref<1000000x64xf32, #tpu.memory_space<hbm>> -> memref<1x64xf32, #tpu.memory_space<hbm>>
      %dma_start3A_343 = arith.constant 0 : i32
      %dma_start3A_344 = tpu.memref_slice %arg13[%add3A_326, %dma_start3A_343] : memref<256x64xf32, #tpu.memory_space<vmem>> -> memref<1x64xf32, #tpu.memory_space<vmem>>
      %dma_start3A_345 = arith.constant 0 : i32
      %dma_start3A_346 = tpu.memref_slice %arg5[%squeeze3A_338, %dma_start3A_345] : memref<1000000x64xf32, #tpu.memory_space<hbm>> -> memref<1x64xf32, #tpu.memory_space<hbm>>
      tpu.enqueue_dma source(%dma_start3A_346 : memref<1x64xf32, #tpu.memory_space<hbm>>) target(%dma_start3A_344 : memref<1x64xf32, #tpu.memory_space<vmem>>) target_semaphore(%arg16 : memref<!tpu.dma_semaphore, #tpu.memory_space<semaphore_mem>>)
      %slice3A_347 = vector.extract_strided_slice %get3A_189 {offsets = [4], sizes = [1], strides = [1]} : vector<16xi32> to vector<1xi32>
      %squeeze3A_348 = vector.extract %slice3A_347[0] : i32 from vector<1xi32>
      %dma_start3A_349 = arith.constant 0 : i32
      %dma_start3A_350 = tpu.memref_slice %arg12[%add3A_326, %dma_start3A_349] : memref<256x64xf32, #tpu.memory_space<vmem>> -> memref<1x64xf32, #tpu.memory_space<vmem>>
      %dma_start3A_351 = arith.constant 0 : i32
      %dma_start3A_352 = tpu.memref_slice %arg6[%squeeze3A_348, %dma_start3A_351] : memref<1000x64xf32, #tpu.memory_space<hbm>> -> memref<1x64xf32, #tpu.memory_space<hbm>>
      %dma_start3A_353 = arith.constant 0 : i32
      %dma_start3A_354 = tpu.memref_slice %arg12[%add3A_326, %dma_start3A_353] : memref<256x64xf32, #tpu.memory_space<vmem>> -> memref<1x64xf32, #tpu.memory_space<vmem>>
      %dma_start3A_355 = arith.constant 0 : i32
      %dma_start3A_356 = tpu.memref_slice %arg6[%squeeze3A_348, %dma_start3A_355] : memref<1000x64xf32, #tpu.memory_space<hbm>> -> memref<1x64xf32, #tpu.memory_space<hbm>>
      tpu.enqueue_dma source(%dma_start3A_356 : memref<1x64xf32, #tpu.memory_space<hbm>>) target(%dma_start3A_354 : memref<1x64xf32, #tpu.memory_space<vmem>>) target_semaphore(%arg15 : memref<!tpu.dma_semaphore, #tpu.memory_space<semaphore_mem>>)
      %mul3A_357 = arith.constant 16 : i32
      %mul3A_358 = arith.muli %scan3A_169, %mul3A_357 : i32
      %add3A_359 = arith.constant 5 : i32
      %add3A_360 = arith.addi %mul3A_358, %add3A_359 : i32
      %slice3A_361 = vector.extract_strided_slice %get3A_175 {offsets = [5], sizes = [1], strides = [1]} : vector<16xi32> to vector<1xi32>
      %squeeze3A_362 = vector.extract %slice3A_361[0] : i32 from vector<1xi32>
      %dma_start3A_363 = arith.constant 0 : i32
      %dma_start3A_364 = tpu.memref_slice %arg11[%add3A_360, %dma_start3A_363] : memref<256x64xf32, #tpu.memory_space<vmem>> -> memref<1x64xf32, #tpu.memory_space<vmem>>
      %dma_start3A_365 = arith.constant 0 : i32
      %dma_start3A_366 = tpu.memref_slice %arg5[%squeeze3A_362, %dma_start3A_365] : memref<1000000x64xf32, #tpu.memory_space<hbm>> -> memref<1x64xf32, #tpu.memory_space<hbm>>
      %dma_start3A_367 = arith.constant 0 : i32
      %dma_start3A_368 = tpu.memref_slice %arg11[%add3A_360, %dma_start3A_367] : memref<256x64xf32, #tpu.memory_space<vmem>> -> memref<1x64xf32, #tpu.memory_space<vmem>>
      %dma_start3A_369 = arith.constant 0 : i32
      %dma_start3A_370 = tpu.memref_slice %arg5[%squeeze3A_362, %dma_start3A_369] : memref<1000000x64xf32, #tpu.memory_space<hbm>> -> memref<1x64xf32, #tpu.memory_space<hbm>>
      tpu.enqueue_dma source(%dma_start3A_370 : memref<1x64xf32, #tpu.memory_space<hbm>>) target(%dma_start3A_368 : memref<1x64xf32, #tpu.memory_space<vmem>>) target_semaphore(%arg16 : memref<!tpu.dma_semaphore, #tpu.memory_space<semaphore_mem>>)
      %slice3A_371 = vector.extract_strided_slice %get3A_182 {offsets = [5], sizes = [1], strides = [1]} : vector<16xi32> to vector<1xi32>
      %squeeze3A_372 = vector.extract %slice3A_371[0] : i32 from vector<1xi32>
      %dma_start3A_373 = arith.constant 0 : i32
      %dma_start3A_374 = tpu.memref_slice %arg13[%add3A_360, %dma_start3A_373] : memref<256x64xf32, #tpu.memory_space<vmem>> -> memref<1x64xf32, #tpu.memory_space<vmem>>
      %dma_start3A_375 = arith.constant 0 : i32
      %dma_start3A_376 = tpu.memref_slice %arg5[%squeeze3A_372, %dma_start3A_375] : memref<1000000x64xf32, #tpu.memory_space<hbm>> -> memref<1x64xf32, #tpu.memory_space<hbm>>
      %dma_start3A_377 = arith.constant 0 : i32
      %dma_start3A_378 = tpu.memref_slice %arg13[%add3A_360, %dma_start3A_377] : memref<256x64xf32, #tpu.memory_space<vmem>> -> memref<1x64xf32, #tpu.memory_space<vmem>>
      %dma_start3A_379 = arith.constant 0 : i32
      %dma_start3A_380 = tpu.memref_slice %arg5[%squeeze3A_372, %dma_start3A_379] : memref<1000000x64xf32, #tpu.memory_space<hbm>> -> memref<1x64xf32, #tpu.memory_space<hbm>>
      tpu.enqueue_dma source(%dma_start3A_380 : memref<1x64xf32, #tpu.memory_space<hbm>>) target(%dma_start3A_378 : memref<1x64xf32, #tpu.memory_space<vmem>>) target_semaphore(%arg15 : memref<!tpu.dma_semaphore, #tpu.memory_space<semaphore_mem>>)
      %slice3A_381 = vector.extract_strided_slice %get3A_189 {offsets = [5], sizes = [1], strides = [1]} : vector<16xi32> to vector<1xi32>
      %squeeze3A_382 = vector.extract %slice3A_381[0] : i32 from vector<1xi32>
      %dma_start3A_383 = arith.constant 0 : i32
      %dma_start3A_384 = tpu.memref_slice %arg12[%add3A_360, %dma_start3A_383] : memref<256x64xf32, #tpu.memory_space<vmem>> -> memref<1x64xf32, #tpu.memory_space<vmem>>
      %dma_start3A_385 = arith.constant 0 : i32
      %dma_start3A_386 = tpu.memref_slice %arg6[%squeeze3A_382, %dma_start3A_385] : memref<1000x64xf32, #tpu.memory_space<hbm>> -> memref<1x64xf32, #tpu.memory_space<hbm>>
      %dma_start3A_387 = arith.constant 0 : i32
      %dma_start3A_388 = tpu.memref_slice %arg12[%add3A_360, %dma_start3A_387] : memref<256x64xf32, #tpu.memory_space<vmem>> -> memref<1x64xf32, #tpu.memory_space<vmem>>
      %dma_start3A_389 = arith.constant 0 : i32
      %dma_start3A_390 = tpu.memref_slice %arg6[%squeeze3A_382, %dma_start3A_389] : memref<1000x64xf32, #tpu.memory_space<hbm>> -> memref<1x64xf32, #tpu.memory_space<hbm>>
      tpu.enqueue_dma source(%dma_start3A_390 : memref<1x64xf32, #tpu.memory_space<hbm>>) target(%dma_start3A_388 : memref<1x64xf32, #tpu.memory_space<vmem>>) target_semaphore(%arg16 : memref<!tpu.dma_semaphore, #tpu.memory_space<semaphore_mem>>)
      %mul3A_391 = arith.constant 16 : i32
      %mul3A_392 = arith.muli %scan3A_169, %mul3A_391 : i32
      %add3A_393 = arith.constant 6 : i32
      %add3A_394 = arith.addi %mul3A_392, %add3A_393 : i32
      %slice3A_395 = vector.extract_strided_slice %get3A_175 {offsets = [6], sizes = [1], strides = [1]} : vector<16xi32> to vector<1xi32>
      %squeeze3A_396 = vector.extract %slice3A_395[0] : i32 from vector<1xi32>
      %dma_start3A_397 = arith.constant 0 : i32
      %dma_start3A_398 = tpu.memref_slice %arg11[%add3A_394, %dma_start3A_397] : memref<256x64xf32, #tpu.memory_space<vmem>> -> memref<1x64xf32, #tpu.memory_space<vmem>>
      %dma_start3A_399 = arith.constant 0 : i32
      %dma_start3A_400 = tpu.memref_slice %arg5[%squeeze3A_396, %dma_start3A_399] : memref<1000000x64xf32, #tpu.memory_space<hbm>> -> memref<1x64xf32, #tpu.memory_space<hbm>>
      %dma_start3A_401 = arith.constant 0 : i32
      %dma_start3A_402 = tpu.memref_slice %arg11[%add3A_394, %dma_start3A_401] : memref<256x64xf32, #tpu.memory_space<vmem>> -> memref<1x64xf32, #tpu.memory_space<vmem>>
      %dma_start3A_403 = arith.constant 0 : i32
      %dma_start3A_404 = tpu.memref_slice %arg5[%squeeze3A_396, %dma_start3A_403] : memref<1000000x64xf32, #tpu.memory_space<hbm>> -> memref<1x64xf32, #tpu.memory_space<hbm>>
      tpu.enqueue_dma source(%dma_start3A_404 : memref<1x64xf32, #tpu.memory_space<hbm>>) target(%dma_start3A_402 : memref<1x64xf32, #tpu.memory_space<vmem>>) target_semaphore(%arg15 : memref<!tpu.dma_semaphore, #tpu.memory_space<semaphore_mem>>)
      %slice3A_405 = vector.extract_strided_slice %get3A_182 {offsets = [6], sizes = [1], strides = [1]} : vector<16xi32> to vector<1xi32>
      %squeeze3A_406 = vector.extract %slice3A_405[0] : i32 from vector<1xi32>
      %dma_start3A_407 = arith.constant 0 : i32
      %dma_start3A_408 = tpu.memref_slice %arg13[%add3A_394, %dma_start3A_407] : memref<256x64xf32, #tpu.memory_space<vmem>> -> memref<1x64xf32, #tpu.memory_space<vmem>>
      %dma_start3A_409 = arith.constant 0 : i32
      %dma_start3A_410 = tpu.memref_slice %arg5[%squeeze3A_406, %dma_start3A_409] : memref<1000000x64xf32, #tpu.memory_space<hbm>> -> memref<1x64xf32, #tpu.memory_space<hbm>>
      %dma_start3A_411 = arith.constant 0 : i32
      %dma_start3A_412 = tpu.memref_slice %arg13[%add3A_394, %dma_start3A_411] : memref<256x64xf32, #tpu.memory_space<vmem>> -> memref<1x64xf32, #tpu.memory_space<vmem>>
      %dma_start3A_413 = arith.constant 0 : i32
      %dma_start3A_414 = tpu.memref_slice %arg5[%squeeze3A_406, %dma_start3A_413] : memref<1000000x64xf32, #tpu.memory_space<hbm>> -> memref<1x64xf32, #tpu.memory_space<hbm>>
      tpu.enqueue_dma source(%dma_start3A_414 : memref<1x64xf32, #tpu.memory_space<hbm>>) target(%dma_start3A_412 : memref<1x64xf32, #tpu.memory_space<vmem>>) target_semaphore(%arg16 : memref<!tpu.dma_semaphore, #tpu.memory_space<semaphore_mem>>)
      %slice3A_415 = vector.extract_strided_slice %get3A_189 {offsets = [6], sizes = [1], strides = [1]} : vector<16xi32> to vector<1xi32>
      %squeeze3A_416 = vector.extract %slice3A_415[0] : i32 from vector<1xi32>
      %dma_start3A_417 = arith.constant 0 : i32
      %dma_start3A_418 = tpu.memref_slice %arg12[%add3A_394, %dma_start3A_417] : memref<256x64xf32, #tpu.memory_space<vmem>> -> memref<1x64xf32, #tpu.memory_space<vmem>>
      %dma_start3A_419 = arith.constant 0 : i32
      %dma_start3A_420 = tpu.memref_slice %arg6[%squeeze3A_416, %dma_start3A_419] : memref<1000x64xf32, #tpu.memory_space<hbm>> -> memref<1x64xf32, #tpu.memory_space<hbm>>
      %dma_start3A_421 = arith.constant 0 : i32
      %dma_start3A_422 = tpu.memref_slice %arg12[%add3A_394, %dma_start3A_421] : memref<256x64xf32, #tpu.memory_space<vmem>> -> memref<1x64xf32, #tpu.memory_space<vmem>>
      %dma_start3A_423 = arith.constant 0 : i32
      %dma_start3A_424 = tpu.memref_slice %arg6[%squeeze3A_416, %dma_start3A_423] : memref<1000x64xf32, #tpu.memory_space<hbm>> -> memref<1x64xf32, #tpu.memory_space<hbm>>
      tpu.enqueue_dma source(%dma_start3A_424 : memref<1x64xf32, #tpu.memory_space<hbm>>) target(%dma_start3A_422 : memref<1x64xf32, #tpu.memory_space<vmem>>) target_semaphore(%arg15 : memref<!tpu.dma_semaphore, #tpu.memory_space<semaphore_mem>>)
      %mul3A_425 = arith.constant 16 : i32
      %mul3A_426 = arith.muli %scan3A_169, %mul3A_425 : i32
      %add3A_427 = arith.constant 7 : i32
      %add3A_428 = arith.addi %mul3A_426, %add3A_427 : i32
      %slice3A_429 = vector.extract_strided_slice %get3A_175 {offsets = [7], sizes = [1], strides = [1]} : vector<16xi32> to vector<1xi32>
      %squeeze3A_430 = vector.extract %slice3A_429[0] : i32 from vector<1xi32>
      %dma_start3A_431 = arith.constant 0 : i32
      %dma_start3A_432 = tpu.memref_slice %arg11[%add3A_428, %dma_start3A_431] : memref<256x64xf32, #tpu.memory_space<vmem>> -> memref<1x64xf32, #tpu.memory_space<vmem>>
      %dma_start3A_433 = arith.constant 0 : i32
      %dma_start3A_434 = tpu.memref_slice %arg5[%squeeze3A_430, %dma_start3A_433] : memref<1000000x64xf32, #tpu.memory_space<hbm>> -> memref<1x64xf32, #tpu.memory_space<hbm>>
      %dma_start3A_435 = arith.constant 0 : i32
      %dma_start3A_436 = tpu.memref_slice %arg11[%add3A_428, %dma_start3A_435] : memref<256x64xf32, #tpu.memory_space<vmem>> -> memref<1x64xf32, #tpu.memory_space<vmem>>
      %dma_start3A_437 = arith.constant 0 : i32
      %dma_start3A_438 = tpu.memref_slice %arg5[%squeeze3A_430, %dma_start3A_437] : memref<1000000x64xf32, #tpu.memory_space<hbm>> -> memref<1x64xf32, #tpu.memory_space<hbm>>
      tpu.enqueue_dma source(%dma_start3A_438 : memref<1x64xf32, #tpu.memory_space<hbm>>) target(%dma_start3A_436 : memref<1x64xf32, #tpu.memory_space<vmem>>) target_semaphore(%arg16 : memref<!tpu.dma_semaphore, #tpu.memory_space<semaphore_mem>>)
      %slice3A_439 = vector.extract_strided_slice %get3A_182 {offsets = [7], sizes = [1], strides = [1]} : vector<16xi32> to vector<1xi32>
      %squeeze3A_440 = vector.extract %slice3A_439[0] : i32 from vector<1xi32>
      %dma_start3A_441 = arith.constant 0 : i32
      %dma_start3A_442 = tpu.memref_slice %arg13[%add3A_428, %dma_start3A_441] : memref<256x64xf32, #tpu.memory_space<vmem>> -> memref<1x64xf32, #tpu.memory_space<vmem>>
      %dma_start3A_443 = arith.constant 0 : i32
      %dma_start3A_444 = tpu.memref_slice %arg5[%squeeze3A_440, %dma_start3A_443] : memref<1000000x64xf32, #tpu.memory_space<hbm>> -> memref<1x64xf32, #tpu.memory_space<hbm>>
      %dma_start3A_445 = arith.constant 0 : i32
      %dma_start3A_446 = tpu.memref_slice %arg13[%add3A_428, %dma_start3A_445] : memref<256x64xf32, #tpu.memory_space<vmem>> -> memref<1x64xf32, #tpu.memory_space<vmem>>
      %dma_start3A_447 = arith.constant 0 : i32
      %dma_start3A_448 = tpu.memref_slice %arg5[%squeeze3A_440, %dma_start3A_447] : memref<1000000x64xf32, #tpu.memory_space<hbm>> -> memref<1x64xf32, #tpu.memory_space<hbm>>
      tpu.enqueue_dma source(%dma_start3A_448 : memref<1x64xf32, #tpu.memory_space<hbm>>) target(%dma_start3A_446 : memref<1x64xf32, #tpu.memory_space<vmem>>) target_semaphore(%arg15 : memref<!tpu.dma_semaphore, #tpu.memory_space<semaphore_mem>>)
      %slice3A_449 = vector.extract_strided_slice %get3A_189 {offsets = [7], sizes = [1], strides = [1]} : vector<16xi32> to vector<1xi32>
      %squeeze3A_450 = vector.extract %slice3A_449[0] : i32 from vector<1xi32>
      %dma_start3A_451 = arith.constant 0 : i32
      %dma_start3A_452 = tpu.memref_slice %arg12[%add3A_428, %dma_start3A_451] : memref<256x64xf32, #tpu.memory_space<vmem>> -> memref<1x64xf32, #tpu.memory_space<vmem>>
      %dma_start3A_453 = arith.constant 0 : i32
      %dma_start3A_454 = tpu.memref_slice %arg6[%squeeze3A_450, %dma_start3A_453] : memref<1000x64xf32, #tpu.memory_space<hbm>> -> memref<1x64xf32, #tpu.memory_space<hbm>>
      %dma_start3A_455 = arith.constant 0 : i32
      %dma_start3A_456 = tpu.memref_slice %arg12[%add3A_428, %dma_start3A_455] : memref<256x64xf32, #tpu.memory_space<vmem>> -> memref<1x64xf32, #tpu.memory_space<vmem>>
      %dma_start3A_457 = arith.constant 0 : i32
      %dma_start3A_458 = tpu.memref_slice %arg6[%squeeze3A_450, %dma_start3A_457] : memref<1000x64xf32, #tpu.memory_space<hbm>> -> memref<1x64xf32, #tpu.memory_space<hbm>>
      tpu.enqueue_dma source(%dma_start3A_458 : memref<1x64xf32, #tpu.memory_space<hbm>>) target(%dma_start3A_456 : memref<1x64xf32, #tpu.memory_space<vmem>>) target_semaphore(%arg16 : memref<!tpu.dma_semaphore, #tpu.memory_space<semaphore_mem>>)
      %mul3A_459 = arith.constant 16 : i32
      %mul3A_460 = arith.muli %scan3A_169, %mul3A_459 : i32
      %add3A_461 = arith.constant 8 : i32
      %add3A_462 = arith.addi %mul3A_460, %add3A_461 : i32
      %slice3A_463 = vector.extract_strided_slice %get3A_175 {offsets = [8], sizes = [1], strides = [1]} : vector<16xi32> to vector<1xi32>
      %squeeze3A_464 = vector.extract %slice3A_463[0] : i32 from vector<1xi32>
      %dma_start3A_465 = arith.constant 0 : i32
      %dma_start3A_466 = tpu.memref_slice %arg11[%add3A_462, %dma_start3A_465] : memref<256x64xf32, #tpu.memory_space<vmem>> -> memref<1x64xf32, #tpu.memory_space<vmem>>
      %dma_start3A_467 = arith.constant 0 : i32
      %dma_start3A_468 = tpu.memref_slice %arg5[%squeeze3A_464, %dma_start3A_467] : memref<1000000x64xf32, #tpu.memory_space<hbm>> -> memref<1x64xf32, #tpu.memory_space<hbm>>
      %dma_start3A_469 = arith.constant 0 : i32
      %dma_start3A_470 = tpu.memref_slice %arg11[%add3A_462, %dma_start3A_469] : memref<256x64xf32, #tpu.memory_space<vmem>> -> memref<1x64xf32, #tpu.memory_space<vmem>>
      %dma_start3A_471 = arith.constant 0 : i32
      %dma_start3A_472 = tpu.memref_slice %arg5[%squeeze3A_464, %dma_start3A_471] : memref<1000000x64xf32, #tpu.memory_space<hbm>> -> memref<1x64xf32, #tpu.memory_space<hbm>>
      tpu.enqueue_dma source(%dma_start3A_472 : memref<1x64xf32, #tpu.memory_space<hbm>>) target(%dma_start3A_470 : memref<1x64xf32, #tpu.memory_space<vmem>>) target_semaphore(%arg15 : memref<!tpu.dma_semaphore, #tpu.memory_space<semaphore_mem>>)
      %slice3A_473 = vector.extract_strided_slice %get3A_182 {offsets = [8], sizes = [1], strides = [1]} : vector<16xi32> to vector<1xi32>
      %squeeze3A_474 = vector.extract %slice3A_473[0] : i32 from vector<1xi32>
      %dma_start3A_475 = arith.constant 0 : i32
      %dma_start3A_476 = tpu.memref_slice %arg13[%add3A_462, %dma_start3A_475] : memref<256x64xf32, #tpu.memory_space<vmem>> -> memref<1x64xf32, #tpu.memory_space<vmem>>
      %dma_start3A_477 = arith.constant 0 : i32
      %dma_start3A_478 = tpu.memref_slice %arg5[%squeeze3A_474, %dma_start3A_477] : memref<1000000x64xf32, #tpu.memory_space<hbm>> -> memref<1x64xf32, #tpu.memory_space<hbm>>
      %dma_start3A_479 = arith.constant 0 : i32
      %dma_start3A_480 = tpu.memref_slice %arg13[%add3A_462, %dma_start3A_479] : memref<256x64xf32, #tpu.memory_space<vmem>> -> memref<1x64xf32, #tpu.memory_space<vmem>>
      %dma_start3A_481 = arith.constant 0 : i32
      %dma_start3A_482 = tpu.memref_slice %arg5[%squeeze3A_474, %dma_start3A_481] : memref<1000000x64xf32, #tpu.memory_space<hbm>> -> memref<1x64xf32, #tpu.memory_space<hbm>>
      tpu.enqueue_dma source(%dma_start3A_482 : memref<1x64xf32, #tpu.memory_space<hbm>>) target(%dma_start3A_480 : memref<1x64xf32, #tpu.memory_space<vmem>>) target_semaphore(%arg16 : memref<!tpu.dma_semaphore, #tpu.memory_space<semaphore_mem>>)
      %slice3A_483 = vector.extract_strided_slice %get3A_189 {offsets = [8], sizes = [1], strides = [1]} : vector<16xi32> to vector<1xi32>
      %squeeze3A_484 = vector.extract %slice3A_483[0] : i32 from vector<1xi32>
      %dma_start3A_485 = arith.constant 0 : i32
      %dma_start3A_486 = tpu.memref_slice %arg12[%add3A_462, %dma_start3A_485] : memref<256x64xf32, #tpu.memory_space<vmem>> -> memref<1x64xf32, #tpu.memory_space<vmem>>
      %dma_start3A_487 = arith.constant 0 : i32
      %dma_start3A_488 = tpu.memref_slice %arg6[%squeeze3A_484, %dma_start3A_487] : memref<1000x64xf32, #tpu.memory_space<hbm>> -> memref<1x64xf32, #tpu.memory_space<hbm>>
      %dma_start3A_489 = arith.constant 0 : i32
      %dma_start3A_490 = tpu.memref_slice %arg12[%add3A_462, %dma_start3A_489] : memref<256x64xf32, #tpu.memory_space<vmem>> -> memref<1x64xf32, #tpu.memory_space<vmem>>
      %dma_start3A_491 = arith.constant 0 : i32
      %dma_start3A_492 = tpu.memref_slice %arg6[%squeeze3A_484, %dma_start3A_491] : memref<1000x64xf32, #tpu.memory_space<hbm>> -> memref<1x64xf32, #tpu.memory_space<hbm>>
      tpu.enqueue_dma source(%dma_start3A_492 : memref<1x64xf32, #tpu.memory_space<hbm>>) target(%dma_start3A_490 : memref<1x64xf32, #tpu.memory_space<vmem>>) target_semaphore(%arg15 : memref<!tpu.dma_semaphore, #tpu.memory_space<semaphore_mem>>)
      %mul3A_493 = arith.constant 16 : i32
      %mul3A_494 = arith.muli %scan3A_169, %mul3A_493 : i32
      %add3A_495 = arith.constant 9 : i32
      %add3A_496 = arith.addi %mul3A_494, %add3A_495 : i32
      %slice3A_497 = vector.extract_strided_slice %get3A_175 {offsets = [9], sizes = [1], strides = [1]} : vector<16xi32> to vector<1xi32>
      %squeeze3A_498 = vector.extract %slice3A_497[0] : i32 from vector<1xi32>
      %dma_start3A_499 = arith.constant 0 : i32
      %dma_start3A_500 = tpu.memref_slice %arg11[%add3A_496, %dma_start3A_499] : memref<256x64xf32, #tpu.memory_space<vmem>> -> memref<1x64xf32, #tpu.memory_space<vmem>>
      %dma_start3A_501 = arith.constant 0 : i32
      %dma_start3A_502 = tpu.memref_slice %arg5[%squeeze3A_498, %dma_start3A_501] : memref<1000000x64xf32, #tpu.memory_space<hbm>> -> memref<1x64xf32, #tpu.memory_space<hbm>>
      %dma_start3A_503 = arith.constant 0 : i32
      %dma_start3A_504 = tpu.memref_slice %arg11[%add3A_496, %dma_start3A_503] : memref<256x64xf32, #tpu.memory_space<vmem>> -> memref<1x64xf32, #tpu.memory_space<vmem>>
      %dma_start3A_505 = arith.constant 0 : i32
      %dma_start3A_506 = tpu.memref_slice %arg5[%squeeze3A_498, %dma_start3A_505] : memref<1000000x64xf32, #tpu.memory_space<hbm>> -> memref<1x64xf32, #tpu.memory_space<hbm>>
      tpu.enqueue_dma source(%dma_start3A_506 : memref<1x64xf32, #tpu.memory_space<hbm>>) target(%dma_start3A_504 : memref<1x64xf32, #tpu.memory_space<vmem>>) target_semaphore(%arg16 : memref<!tpu.dma_semaphore, #tpu.memory_space<semaphore_mem>>)
      %slice3A_507 = vector.extract_strided_slice %get3A_182 {offsets = [9], sizes = [1], strides = [1]} : vector<16xi32> to vector<1xi32>
      %squeeze3A_508 = vector.extract %slice3A_507[0] : i32 from vector<1xi32>
      %dma_start3A_509 = arith.constant 0 : i32
      %dma_start3A_510 = tpu.memref_slice %arg13[%add3A_496, %dma_start3A_509] : memref<256x64xf32, #tpu.memory_space<vmem>> -> memref<1x64xf32, #tpu.memory_space<vmem>>
      %dma_start3A_511 = arith.constant 0 : i32
      %dma_start3A_512 = tpu.memref_slice %arg5[%squeeze3A_508, %dma_start3A_511] : memref<1000000x64xf32, #tpu.memory_space<hbm>> -> memref<1x64xf32, #tpu.memory_space<hbm>>
      %dma_start3A_513 = arith.constant 0 : i32
      %dma_start3A_514 = tpu.memref_slice %arg13[%add3A_496, %dma_start3A_513] : memref<256x64xf32, #tpu.memory_space<vmem>> -> memref<1x64xf32, #tpu.memory_space<vmem>>
      %dma_start3A_515 = arith.constant 0 : i32
      %dma_start3A_516 = tpu.memref_slice %arg5[%squeeze3A_508, %dma_start3A_515] : memref<1000000x64xf32, #tpu.memory_space<hbm>> -> memref<1x64xf32, #tpu.memory_space<hbm>>
      tpu.enqueue_dma source(%dma_start3A_516 : memref<1x64xf32, #tpu.memory_space<hbm>>) target(%dma_start3A_514 : memref<1x64xf32, #tpu.memory_space<vmem>>) target_semaphore(%arg15 : memref<!tpu.dma_semaphore, #tpu.memory_space<semaphore_mem>>)
      %slice3A_517 = vector.extract_strided_slice %get3A_189 {offsets = [9], sizes = [1], strides = [1]} : vector<16xi32> to vector<1xi32>
      %squeeze3A_518 = vector.extract %slice3A_517[0] : i32 from vector<1xi32>
      %dma_start3A_519 = arith.constant 0 : i32
      %dma_start3A_520 = tpu.memref_slice %arg12[%add3A_496, %dma_start3A_519] : memref<256x64xf32, #tpu.memory_space<vmem>> -> memref<1x64xf32, #tpu.memory_space<vmem>>
      %dma_start3A_521 = arith.constant 0 : i32
      %dma_start3A_522 = tpu.memref_slice %arg6[%squeeze3A_518, %dma_start3A_521] : memref<1000x64xf32, #tpu.memory_space<hbm>> -> memref<1x64xf32, #tpu.memory_space<hbm>>
      %dma_start3A_523 = arith.constant 0 : i32
      %dma_start3A_524 = tpu.memref_slice %arg12[%add3A_496, %dma_start3A_523] : memref<256x64xf32, #tpu.memory_space<vmem>> -> memref<1x64xf32, #tpu.memory_space<vmem>>
      %dma_start3A_525 = arith.constant 0 : i32
      %dma_start3A_526 = tpu.memref_slice %arg6[%squeeze3A_518, %dma_start3A_525] : memref<1000x64xf32, #tpu.memory_space<hbm>> -> memref<1x64xf32, #tpu.memory_space<hbm>>
      tpu.enqueue_dma source(%dma_start3A_526 : memref<1x64xf32, #tpu.memory_space<hbm>>) target(%dma_start3A_524 : memref<1x64xf32, #tpu.memory_space<vmem>>) target_semaphore(%arg16 : memref<!tpu.dma_semaphore, #tpu.memory_space<semaphore_mem>>)
      %mul3A_527 = arith.constant 16 : i32
      %mul3A_528 = arith.muli %scan3A_169, %mul3A_527 : i32
      %add3A_529 = arith.constant 10 : i32
      %add3A_530 = arith.addi %mul3A_528, %add3A_529 : i32
      %slice3A_531 = vector.extract_strided_slice %get3A_175 {offsets = [10], sizes = [1], strides = [1]} : vector<16xi32> to vector<1xi32>
      %squeeze3A_532 = vector.extract %slice3A_531[0] : i32 from vector<1xi32>
      %dma_start3A_533 = arith.constant 0 : i32
      %dma_start3A_534 = tpu.memref_slice %arg11[%add3A_530, %dma_start3A_533] : memref<256x64xf32, #tpu.memory_space<vmem>> -> memref<1x64xf32, #tpu.memory_space<vmem>>
      %dma_start3A_535 = arith.constant 0 : i32
      %dma_start3A_536 = tpu.memref_slice %arg5[%squeeze3A_532, %dma_start3A_535] : memref<1000000x64xf32, #tpu.memory_space<hbm>> -> memref<1x64xf32, #tpu.memory_space<hbm>>
      %dma_start3A_537 = arith.constant 0 : i32
      %dma_start3A_538 = tpu.memref_slice %arg11[%add3A_530, %dma_start3A_537] : memref<256x64xf32, #tpu.memory_space<vmem>> -> memref<1x64xf32, #tpu.memory_space<vmem>>
      %dma_start3A_539 = arith.constant 0 : i32
      %dma_start3A_540 = tpu.memref_slice %arg5[%squeeze3A_532, %dma_start3A_539] : memref<1000000x64xf32, #tpu.memory_space<hbm>> -> memref<1x64xf32, #tpu.memory_space<hbm>>
      tpu.enqueue_dma source(%dma_start3A_540 : memref<1x64xf32, #tpu.memory_space<hbm>>) target(%dma_start3A_538 : memref<1x64xf32, #tpu.memory_space<vmem>>) target_semaphore(%arg15 : memref<!tpu.dma_semaphore, #tpu.memory_space<semaphore_mem>>)
      %slice3A_541 = vector.extract_strided_slice %get3A_182 {offsets = [10], sizes = [1], strides = [1]} : vector<16xi32> to vector<1xi32>
      %squeeze3A_542 = vector.extract %slice3A_541[0] : i32 from vector<1xi32>
      %dma_start3A_543 = arith.constant 0 : i32
      %dma_start3A_544 = tpu.memref_slice %arg13[%add3A_530, %dma_start3A_543] : memref<256x64xf32, #tpu.memory_space<vmem>> -> memref<1x64xf32, #tpu.memory_space<vmem>>
      %dma_start3A_545 = arith.constant 0 : i32
      %dma_start3A_546 = tpu.memref_slice %arg5[%squeeze3A_542, %dma_start3A_545] : memref<1000000x64xf32, #tpu.memory_space<hbm>> -> memref<1x64xf32, #tpu.memory_space<hbm>>
      %dma_start3A_547 = arith.constant 0 : i32
      %dma_start3A_548 = tpu.memref_slice %arg13[%add3A_530, %dma_start3A_547] : memref<256x64xf32, #tpu.memory_space<vmem>> -> memref<1x64xf32, #tpu.memory_space<vmem>>
      %dma_start3A_549 = arith.constant 0 : i32
      %dma_start3A_550 = tpu.memref_slice %arg5[%squeeze3A_542, %dma_start3A_549] : memref<1000000x64xf32, #tpu.memory_space<hbm>> -> memref<1x64xf32, #tpu.memory_space<hbm>>
      tpu.enqueue_dma source(%dma_start3A_550 : memref<1x64xf32, #tpu.memory_space<hbm>>) target(%dma_start3A_548 : memref<1x64xf32, #tpu.memory_space<vmem>>) target_semaphore(%arg16 : memref<!tpu.dma_semaphore, #tpu.memory_space<semaphore_mem>>)
      %slice3A_551 = vector.extract_strided_slice %get3A_189 {offsets = [10], sizes = [1], strides = [1]} : vector<16xi32> to vector<1xi32>
      %squeeze3A_552 = vector.extract %slice3A_551[0] : i32 from vector<1xi32>
      %dma_start3A_553 = arith.constant 0 : i32
      %dma_start3A_554 = tpu.memref_slice %arg12[%add3A_530, %dma_start3A_553] : memref<256x64xf32, #tpu.memory_space<vmem>> -> memref<1x64xf32, #tpu.memory_space<vmem>>
      %dma_start3A_555 = arith.constant 0 : i32
      %dma_start3A_556 = tpu.memref_slice %arg6[%squeeze3A_552, %dma_start3A_555] : memref<1000x64xf32, #tpu.memory_space<hbm>> -> memref<1x64xf32, #tpu.memory_space<hbm>>
      %dma_start3A_557 = arith.constant 0 : i32
      %dma_start3A_558 = tpu.memref_slice %arg12[%add3A_530, %dma_start3A_557] : memref<256x64xf32, #tpu.memory_space<vmem>> -> memref<1x64xf32, #tpu.memory_space<vmem>>
      %dma_start3A_559 = arith.constant 0 : i32
      %dma_start3A_560 = tpu.memref_slice %arg6[%squeeze3A_552, %dma_start3A_559] : memref<1000x64xf32, #tpu.memory_space<hbm>> -> memref<1x64xf32, #tpu.memory_space<hbm>>
      tpu.enqueue_dma source(%dma_start3A_560 : memref<1x64xf32, #tpu.memory_space<hbm>>) target(%dma_start3A_558 : memref<1x64xf32, #tpu.memory_space<vmem>>) target_semaphore(%arg15 : memref<!tpu.dma_semaphore, #tpu.memory_space<semaphore_mem>>)
      %mul3A_561 = arith.constant 16 : i32
      %mul3A_562 = arith.muli %scan3A_169, %mul3A_561 : i32
      %add3A_563 = arith.constant 11 : i32
      %add3A_564 = arith.addi %mul3A_562, %add3A_563 : i32
      %slice3A_565 = vector.extract_strided_slice %get3A_175 {offsets = [11], sizes = [1], strides = [1]} : vector<16xi32> to vector<1xi32>
      %squeeze3A_566 = vector.extract %slice3A_565[0] : i32 from vector<1xi32>
      %dma_start3A_567 = arith.constant 0 : i32
      %dma_start3A_568 = tpu.memref_slice %arg11[%add3A_564, %dma_start3A_567] : memref<256x64xf32, #tpu.memory_space<vmem>> -> memref<1x64xf32, #tpu.memory_space<vmem>>
      %dma_start3A_569 = arith.constant 0 : i32
      %dma_start3A_570 = tpu.memref_slice %arg5[%squeeze3A_566, %dma_start3A_569] : memref<1000000x64xf32, #tpu.memory_space<hbm>> -> memref<1x64xf32, #tpu.memory_space<hbm>>
      %dma_start3A_571 = arith.constant 0 : i32
      %dma_start3A_572 = tpu.memref_slice %arg11[%add3A_564, %dma_start3A_571] : memref<256x64xf32, #tpu.memory_space<vmem>> -> memref<1x64xf32, #tpu.memory_space<vmem>>
      %dma_start3A_573 = arith.constant 0 : i32
      %dma_start3A_574 = tpu.memref_slice %arg5[%squeeze3A_566, %dma_start3A_573] : memref<1000000x64xf32, #tpu.memory_space<hbm>> -> memref<1x64xf32, #tpu.memory_space<hbm>>
      tpu.enqueue_dma source(%dma_start3A_574 : memref<1x64xf32, #tpu.memory_space<hbm>>) target(%dma_start3A_572 : memref<1x64xf32, #tpu.memory_space<vmem>>) target_semaphore(%arg16 : memref<!tpu.dma_semaphore, #tpu.memory_space<semaphore_mem>>)
      %slice3A_575 = vector.extract_strided_slice %get3A_182 {offsets = [11], sizes = [1], strides = [1]} : vector<16xi32> to vector<1xi32>
      %squeeze3A_576 = vector.extract %slice3A_575[0] : i32 from vector<1xi32>
      %dma_start3A_577 = arith.constant 0 : i32
      %dma_start3A_578 = tpu.memref_slice %arg13[%add3A_564, %dma_start3A_577] : memref<256x64xf32, #tpu.memory_space<vmem>> -> memref<1x64xf32, #tpu.memory_space<vmem>>
      %dma_start3A_579 = arith.constant 0 : i32
      %dma_start3A_580 = tpu.memref_slice %arg5[%squeeze3A_576, %dma_start3A_579] : memref<1000000x64xf32, #tpu.memory_space<hbm>> -> memref<1x64xf32, #tpu.memory_space<hbm>>
      %dma_start3A_581 = arith.constant 0 : i32
      %dma_start3A_582 = tpu.memref_slice %arg13[%add3A_564, %dma_start3A_581] : memref<256x64xf32, #tpu.memory_space<vmem>> -> memref<1x64xf32, #tpu.memory_space<vmem>>
      %dma_start3A_583 = arith.constant 0 : i32
      %dma_start3A_584 = tpu.memref_slice %arg5[%squeeze3A_576, %dma_start3A_583] : memref<1000000x64xf32, #tpu.memory_space<hbm>> -> memref<1x64xf32, #tpu.memory_space<hbm>>
      tpu.enqueue_dma source(%dma_start3A_584 : memref<1x64xf32, #tpu.memory_space<hbm>>) target(%dma_start3A_582 : memref<1x64xf32, #tpu.memory_space<vmem>>) target_semaphore(%arg15 : memref<!tpu.dma_semaphore, #tpu.memory_space<semaphore_mem>>)
      %slice3A_585 = vector.extract_strided_slice %get3A_189 {offsets = [11], sizes = [1], strides = [1]} : vector<16xi32> to vector<1xi32>
      %squeeze3A_586 = vector.extract %slice3A_585[0] : i32 from vector<1xi32>
      %dma_start3A_587 = arith.constant 0 : i32
      %dma_start3A_588 = tpu.memref_slice %arg12[%add3A_564, %dma_start3A_587] : memref<256x64xf32, #tpu.memory_space<vmem>> -> memref<1x64xf32, #tpu.memory_space<vmem>>
      %dma_start3A_589 = arith.constant 0 : i32
      %dma_start3A_590 = tpu.memref_slice %arg6[%squeeze3A_586, %dma_start3A_589] : memref<1000x64xf32, #tpu.memory_space<hbm>> -> memref<1x64xf32, #tpu.memory_space<hbm>>
      %dma_start3A_591 = arith.constant 0 : i32
      %dma_start3A_592 = tpu.memref_slice %arg12[%add3A_564, %dma_start3A_591] : memref<256x64xf32, #tpu.memory_space<vmem>> -> memref<1x64xf32, #tpu.memory_space<vmem>>
      %dma_start3A_593 = arith.constant 0 : i32
      %dma_start3A_594 = tpu.memref_slice %arg6[%squeeze3A_586, %dma_start3A_593] : memref<1000x64xf32, #tpu.memory_space<hbm>> -> memref<1x64xf32, #tpu.memory_space<hbm>>
      tpu.enqueue_dma source(%dma_start3A_594 : memref<1x64xf32, #tpu.memory_space<hbm>>) target(%dma_start3A_592 : memref<1x64xf32, #tpu.memory_space<vmem>>) target_semaphore(%arg16 : memref<!tpu.dma_semaphore, #tpu.memory_space<semaphore_mem>>)
      %mul3A_595 = arith.constant 16 : i32
      %mul3A_596 = arith.muli %scan3A_169, %mul3A_595 : i32
      %add3A_597 = arith.constant 12 : i32
      %add3A_598 = arith.addi %mul3A_596, %add3A_597 : i32
      %slice3A_599 = vector.extract_strided_slice %get3A_175 {offsets = [12], sizes = [1], strides = [1]} : vector<16xi32> to vector<1xi32>
      %squeeze3A_600 = vector.extract %slice3A_599[0] : i32 from vector<1xi32>
      %dma_start3A_601 = arith.constant 0 : i32
      %dma_start3A_602 = tpu.memref_slice %arg11[%add3A_598, %dma_start3A_601] : memref<256x64xf32, #tpu.memory_space<vmem>> -> memref<1x64xf32, #tpu.memory_space<vmem>>
      %dma_start3A_603 = arith.constant 0 : i32
      %dma_start3A_604 = tpu.memref_slice %arg5[%squeeze3A_600, %dma_start3A_603] : memref<1000000x64xf32, #tpu.memory_space<hbm>> -> memref<1x64xf32, #tpu.memory_space<hbm>>
      %dma_start3A_605 = arith.constant 0 : i32
      %dma_start3A_606 = tpu.memref_slice %arg11[%add3A_598, %dma_start3A_605] : memref<256x64xf32, #tpu.memory_space<vmem>> -> memref<1x64xf32, #tpu.memory_space<vmem>>
      %dma_start3A_607 = arith.constant 0 : i32
      %dma_start3A_608 = tpu.memref_slice %arg5[%squeeze3A_600, %dma_start3A_607] : memref<1000000x64xf32, #tpu.memory_space<hbm>> -> memref<1x64xf32, #tpu.memory_space<hbm>>
      tpu.enqueue_dma source(%dma_start3A_608 : memref<1x64xf32, #tpu.memory_space<hbm>>) target(%dma_start3A_606 : memref<1x64xf32, #tpu.memory_space<vmem>>) target_semaphore(%arg15 : memref<!tpu.dma_semaphore, #tpu.memory_space<semaphore_mem>>)
      %slice3A_609 = vector.extract_strided_slice %get3A_182 {offsets = [12], sizes = [1], strides = [1]} : vector<16xi32> to vector<1xi32>
      %squeeze3A_610 = vector.extract %slice3A_609[0] : i32 from vector<1xi32>
      %dma_start3A_611 = arith.constant 0 : i32
      %dma_start3A_612 = tpu.memref_slice %arg13[%add3A_598, %dma_start3A_611] : memref<256x64xf32, #tpu.memory_space<vmem>> -> memref<1x64xf32, #tpu.memory_space<vmem>>
      %dma_start3A_613 = arith.constant 0 : i32
      %dma_start3A_614 = tpu.memref_slice %arg5[%squeeze3A_610, %dma_start3A_613] : memref<1000000x64xf32, #tpu.memory_space<hbm>> -> memref<1x64xf32, #tpu.memory_space<hbm>>
      %dma_start3A_615 = arith.constant 0 : i32
      %dma_start3A_616 = tpu.memref_slice %arg13[%add3A_598, %dma_start3A_615] : memref<256x64xf32, #tpu.memory_space<vmem>> -> memref<1x64xf32, #tpu.memory_space<vmem>>
      %dma_start3A_617 = arith.constant 0 : i32
      %dma_start3A_618 = tpu.memref_slice %arg5[%squeeze3A_610, %dma_start3A_617] : memref<1000000x64xf32, #tpu.memory_space<hbm>> -> memref<1x64xf32, #tpu.memory_space<hbm>>
      tpu.enqueue_dma source(%dma_start3A_618 : memref<1x64xf32, #tpu.memory_space<hbm>>) target(%dma_start3A_616 : memref<1x64xf32, #tpu.memory_space<vmem>>) target_semaphore(%arg16 : memref<!tpu.dma_semaphore, #tpu.memory_space<semaphore_mem>>)
      %slice3A_619 = vector.extract_strided_slice %get3A_189 {offsets = [12], sizes = [1], strides = [1]} : vector<16xi32> to vector<1xi32>
      %squeeze3A_620 = vector.extract %slice3A_619[0] : i32 from vector<1xi32>
      %dma_start3A_621 = arith.constant 0 : i32
      %dma_start3A_622 = tpu.memref_slice %arg12[%add3A_598, %dma_start3A_621] : memref<256x64xf32, #tpu.memory_space<vmem>> -> memref<1x64xf32, #tpu.memory_space<vmem>>
      %dma_start3A_623 = arith.constant 0 : i32
      %dma_start3A_624 = tpu.memref_slice %arg6[%squeeze3A_620, %dma_start3A_623] : memref<1000x64xf32, #tpu.memory_space<hbm>> -> memref<1x64xf32, #tpu.memory_space<hbm>>
      %dma_start3A_625 = arith.constant 0 : i32
      %dma_start3A_626 = tpu.memref_slice %arg12[%add3A_598, %dma_start3A_625] : memref<256x64xf32, #tpu.memory_space<vmem>> -> memref<1x64xf32, #tpu.memory_space<vmem>>
      %dma_start3A_627 = arith.constant 0 : i32
      %dma_start3A_628 = tpu.memref_slice %arg6[%squeeze3A_620, %dma_start3A_627] : memref<1000x64xf32, #tpu.memory_space<hbm>> -> memref<1x64xf32, #tpu.memory_space<hbm>>
      tpu.enqueue_dma source(%dma_start3A_628 : memref<1x64xf32, #tpu.memory_space<hbm>>) target(%dma_start3A_626 : memref<1x64xf32, #tpu.memory_space<vmem>>) target_semaphore(%arg15 : memref<!tpu.dma_semaphore, #tpu.memory_space<semaphore_mem>>)
      %mul3A_629 = arith.constant 16 : i32
      %mul3A_630 = arith.muli %scan3A_169, %mul3A_629 : i32
      %add3A_631 = arith.constant 13 : i32
      %add3A_632 = arith.addi %mul3A_630, %add3A_631 : i32
      %slice3A_633 = vector.extract_strided_slice %get3A_175 {offsets = [13], sizes = [1], strides = [1]} : vector<16xi32> to vector<1xi32>
      %squeeze3A_634 = vector.extract %slice3A_633[0] : i32 from vector<1xi32>
      %dma_start3A_635 = arith.constant 0 : i32
      %dma_start3A_636 = tpu.memref_slice %arg11[%add3A_632, %dma_start3A_635] : memref<256x64xf32, #tpu.memory_space<vmem>> -> memref<1x64xf32, #tpu.memory_space<vmem>>
      %dma_start3A_637 = arith.constant 0 : i32
      %dma_start3A_638 = tpu.memref_slice %arg5[%squeeze3A_634, %dma_start3A_637] : memref<1000000x64xf32, #tpu.memory_space<hbm>> -> memref<1x64xf32, #tpu.memory_space<hbm>>
      %dma_start3A_639 = arith.constant 0 : i32
      %dma_start3A_640 = tpu.memref_slice %arg11[%add3A_632, %dma_start3A_639] : memref<256x64xf32, #tpu.memory_space<vmem>> -> memref<1x64xf32, #tpu.memory_space<vmem>>
      %dma_start3A_641 = arith.constant 0 : i32
      %dma_start3A_642 = tpu.memref_slice %arg5[%squeeze3A_634, %dma_start3A_641] : memref<1000000x64xf32, #tpu.memory_space<hbm>> -> memref<1x64xf32, #tpu.memory_space<hbm>>
      tpu.enqueue_dma source(%dma_start3A_642 : memref<1x64xf32, #tpu.memory_space<hbm>>) target(%dma_start3A_640 : memref<1x64xf32, #tpu.memory_space<vmem>>) target_semaphore(%arg16 : memref<!tpu.dma_semaphore, #tpu.memory_space<semaphore_mem>>)
      %slice3A_643 = vector.extract_strided_slice %get3A_182 {offsets = [13], sizes = [1], strides = [1]} : vector<16xi32> to vector<1xi32>
      %squeeze3A_644 = vector.extract %slice3A_643[0] : i32 from vector<1xi32>
      %dma_start3A_645 = arith.constant 0 : i32
      %dma_start3A_646 = tpu.memref_slice %arg13[%add3A_632, %dma_start3A_645] : memref<256x64xf32, #tpu.memory_space<vmem>> -> memref<1x64xf32, #tpu.memory_space<vmem>>
      %dma_start3A_647 = arith.constant 0 : i32
      %dma_start3A_648 = tpu.memref_slice %arg5[%squeeze3A_644, %dma_start3A_647] : memref<1000000x64xf32, #tpu.memory_space<hbm>> -> memref<1x64xf32, #tpu.memory_space<hbm>>
      %dma_start3A_649 = arith.constant 0 : i32
      %dma_start3A_650 = tpu.memref_slice %arg13[%add3A_632, %dma_start3A_649] : memref<256x64xf32, #tpu.memory_space<vmem>> -> memref<1x64xf32, #tpu.memory_space<vmem>>
      %dma_start3A_651 = arith.constant 0 : i32
      %dma_start3A_652 = tpu.memref_slice %arg5[%squeeze3A_644, %dma_start3A_651] : memref<1000000x64xf32, #tpu.memory_space<hbm>> -> memref<1x64xf32, #tpu.memory_space<hbm>>
      tpu.enqueue_dma source(%dma_start3A_652 : memref<1x64xf32, #tpu.memory_space<hbm>>) target(%dma_start3A_650 : memref<1x64xf32, #tpu.memory_space<vmem>>) target_semaphore(%arg15 : memref<!tpu.dma_semaphore, #tpu.memory_space<semaphore_mem>>)
      %slice3A_653 = vector.extract_strided_slice %get3A_189 {offsets = [13], sizes = [1], strides = [1]} : vector<16xi32> to vector<1xi32>
      %squeeze3A_654 = vector.extract %slice3A_653[0] : i32 from vector<1xi32>
      %dma_start3A_655 = arith.constant 0 : i32
      %dma_start3A_656 = tpu.memref_slice %arg12[%add3A_632, %dma_start3A_655] : memref<256x64xf32, #tpu.memory_space<vmem>> -> memref<1x64xf32, #tpu.memory_space<vmem>>
      %dma_start3A_657 = arith.constant 0 : i32
      %dma_start3A_658 = tpu.memref_slice %arg6[%squeeze3A_654, %dma_start3A_657] : memref<1000x64xf32, #tpu.memory_space<hbm>> -> memref<1x64xf32, #tpu.memory_space<hbm>>
      %dma_start3A_659 = arith.constant 0 : i32
      %dma_start3A_660 = tpu.memref_slice %arg12[%add3A_632, %dma_start3A_659] : memref<256x64xf32, #tpu.memory_space<vmem>> -> memref<1x64xf32, #tpu.memory_space<vmem>>
      %dma_start3A_661 = arith.constant 0 : i32
      %dma_start3A_662 = tpu.memref_slice %arg6[%squeeze3A_654, %dma_start3A_661] : memref<1000x64xf32, #tpu.memory_space<hbm>> -> memref<1x64xf32, #tpu.memory_space<hbm>>
      tpu.enqueue_dma source(%dma_start3A_662 : memref<1x64xf32, #tpu.memory_space<hbm>>) target(%dma_start3A_660 : memref<1x64xf32, #tpu.memory_space<vmem>>) target_semaphore(%arg16 : memref<!tpu.dma_semaphore, #tpu.memory_space<semaphore_mem>>)
      %mul3A_663 = arith.constant 16 : i32
      %mul3A_664 = arith.muli %scan3A_169, %mul3A_663 : i32
      %add3A_665 = arith.constant 14 : i32
      %add3A_666 = arith.addi %mul3A_664, %add3A_665 : i32
      %slice3A_667 = vector.extract_strided_slice %get3A_175 {offsets = [14], sizes = [1], strides = [1]} : vector<16xi32> to vector<1xi32>
      %squeeze3A_668 = vector.extract %slice3A_667[0] : i32 from vector<1xi32>
      %dma_start3A_669 = arith.constant 0 : i32
      %dma_start3A_670 = tpu.memref_slice %arg11[%add3A_666, %dma_start3A_669] : memref<256x64xf32, #tpu.memory_space<vmem>> -> memref<1x64xf32, #tpu.memory_space<vmem>>
      %dma_start3A_671 = arith.constant 0 : i32
      %dma_start3A_672 = tpu.memref_slice %arg5[%squeeze3A_668, %dma_start3A_671] : memref<1000000x64xf32, #tpu.memory_space<hbm>> -> memref<1x64xf32, #tpu.memory_space<hbm>>
      %dma_start3A_673 = arith.constant 0 : i32
      %dma_start3A_674 = tpu.memref_slice %arg11[%add3A_666, %dma_start3A_673] : memref<256x64xf32, #tpu.memory_space<vmem>> -> memref<1x64xf32, #tpu.memory_space<vmem>>
      %dma_start3A_675 = arith.constant 0 : i32
      %dma_start3A_676 = tpu.memref_slice %arg5[%squeeze3A_668, %dma_start3A_675] : memref<1000000x64xf32, #tpu.memory_space<hbm>> -> memref<1x64xf32, #tpu.memory_space<hbm>>
      tpu.enqueue_dma source(%dma_start3A_676 : memref<1x64xf32, #tpu.memory_space<hbm>>) target(%dma_start3A_674 : memref<1x64xf32, #tpu.memory_space<vmem>>) target_semaphore(%arg15 : memref<!tpu.dma_semaphore, #tpu.memory_space<semaphore_mem>>)
      %slice3A_677 = vector.extract_strided_slice %get3A_182 {offsets = [14], sizes = [1], strides = [1]} : vector<16xi32> to vector<1xi32>
      %squeeze3A_678 = vector.extract %slice3A_677[0] : i32 from vector<1xi32>
      %dma_start3A_679 = arith.constant 0 : i32
      %dma_start3A_680 = tpu.memref_slice %arg13[%add3A_666, %dma_start3A_679] : memref<256x64xf32, #tpu.memory_space<vmem>> -> memref<1x64xf32, #tpu.memory_space<vmem>>
      %dma_start3A_681 = arith.constant 0 : i32
      %dma_start3A_682 = tpu.memref_slice %arg5[%squeeze3A_678, %dma_start3A_681] : memref<1000000x64xf32, #tpu.memory_space<hbm>> -> memref<1x64xf32, #tpu.memory_space<hbm>>
      %dma_start3A_683 = arith.constant 0 : i32
      %dma_start3A_684 = tpu.memref_slice %arg13[%add3A_666, %dma_start3A_683] : memref<256x64xf32, #tpu.memory_space<vmem>> -> memref<1x64xf32, #tpu.memory_space<vmem>>
      %dma_start3A_685 = arith.constant 0 : i32
      %dma_start3A_686 = tpu.memref_slice %arg5[%squeeze3A_678, %dma_start3A_685] : memref<1000000x64xf32, #tpu.memory_space<hbm>> -> memref<1x64xf32, #tpu.memory_space<hbm>>
      tpu.enqueue_dma source(%dma_start3A_686 : memref<1x64xf32, #tpu.memory_space<hbm>>) target(%dma_start3A_684 : memref<1x64xf32, #tpu.memory_space<vmem>>) target_semaphore(%arg16 : memref<!tpu.dma_semaphore, #tpu.memory_space<semaphore_mem>>)
      %slice3A_687 = vector.extract_strided_slice %get3A_189 {offsets = [14], sizes = [1], strides = [1]} : vector<16xi32> to vector<1xi32>
      %squeeze3A_688 = vector.extract %slice3A_687[0] : i32 from vector<1xi32>
      %dma_start3A_689 = arith.constant 0 : i32
      %dma_start3A_690 = tpu.memref_slice %arg12[%add3A_666, %dma_start3A_689] : memref<256x64xf32, #tpu.memory_space<vmem>> -> memref<1x64xf32, #tpu.memory_space<vmem>>
      %dma_start3A_691 = arith.constant 0 : i32
      %dma_start3A_692 = tpu.memref_slice %arg6[%squeeze3A_688, %dma_start3A_691] : memref<1000x64xf32, #tpu.memory_space<hbm>> -> memref<1x64xf32, #tpu.memory_space<hbm>>
      %dma_start3A_693 = arith.constant 0 : i32
      %dma_start3A_694 = tpu.memref_slice %arg12[%add3A_666, %dma_start3A_693] : memref<256x64xf32, #tpu.memory_space<vmem>> -> memref<1x64xf32, #tpu.memory_space<vmem>>
      %dma_start3A_695 = arith.constant 0 : i32
      %dma_start3A_696 = tpu.memref_slice %arg6[%squeeze3A_688, %dma_start3A_695] : memref<1000x64xf32, #tpu.memory_space<hbm>> -> memref<1x64xf32, #tpu.memory_space<hbm>>
      tpu.enqueue_dma source(%dma_start3A_696 : memref<1x64xf32, #tpu.memory_space<hbm>>) target(%dma_start3A_694 : memref<1x64xf32, #tpu.memory_space<vmem>>) target_semaphore(%arg15 : memref<!tpu.dma_semaphore, #tpu.memory_space<semaphore_mem>>)
      %mul3A_697 = arith.constant 16 : i32
      %mul3A_698 = arith.muli %scan3A_169, %mul3A_697 : i32
      %add3A_699 = arith.constant 15 : i32
      %add3A_700 = arith.addi %mul3A_698, %add3A_699 : i32
      %slice3A_701 = vector.extract_strided_slice %get3A_175 {offsets = [15], sizes = [1], strides = [1]} : vector<16xi32> to vector<1xi32>
      %squeeze3A_702 = vector.extract %slice3A_701[0] : i32 from vector<1xi32>
      %dma_start3A_703 = arith.constant 0 : i32
      %dma_start3A_704 = tpu.memref_slice %arg11[%add3A_700, %dma_start3A_703] : memref<256x64xf32, #tpu.memory_space<vmem>> -> memref<1x64xf32, #tpu.memory_space<vmem>>
      %dma_start3A_705 = arith.constant 0 : i32
      %dma_start3A_706 = tpu.memref_slice %arg5[%squeeze3A_702, %dma_start3A_705] : memref<1000000x64xf32, #tpu.memory_space<hbm>> -> memref<1x64xf32, #tpu.memory_space<hbm>>
      %dma_start3A_707 = arith.constant 0 : i32
      %dma_start3A_708 = tpu.memref_slice %arg11[%add3A_700, %dma_start3A_707] : memref<256x64xf32, #tpu.memory_space<vmem>> -> memref<1x64xf32, #tpu.memory_space<vmem>>
      %dma_start3A_709 = arith.constant 0 : i32
      %dma_start3A_710 = tpu.memref_slice %arg5[%squeeze3A_702, %dma_start3A_709] : memref<1000000x64xf32, #tpu.memory_space<hbm>> -> memref<1x64xf32, #tpu.memory_space<hbm>>
      tpu.enqueue_dma source(%dma_start3A_710 : memref<1x64xf32, #tpu.memory_space<hbm>>) target(%dma_start3A_708 : memref<1x64xf32, #tpu.memory_space<vmem>>) target_semaphore(%arg16 : memref<!tpu.dma_semaphore, #tpu.memory_space<semaphore_mem>>)
      %slice3A_711 = vector.extract_strided_slice %get3A_182 {offsets = [15], sizes = [1], strides = [1]} : vector<16xi32> to vector<1xi32>
      %squeeze3A_712 = vector.extract %slice3A_711[0] : i32 from vector<1xi32>
      %dma_start3A_713 = arith.constant 0 : i32
      %dma_start3A_714 = tpu.memref_slice %arg13[%add3A_700, %dma_start3A_713] : memref<256x64xf32, #tpu.memory_space<vmem>> -> memref<1x64xf32, #tpu.memory_space<vmem>>
      %dma_start3A_715 = arith.constant 0 : i32
      %dma_start3A_716 = tpu.memref_slice %arg5[%squeeze3A_712, %dma_start3A_715] : memref<1000000x64xf32, #tpu.memory_space<hbm>> -> memref<1x64xf32, #tpu.memory_space<hbm>>
      %dma_start3A_717 = arith.constant 0 : i32
      %dma_start3A_718 = tpu.memref_slice %arg13[%add3A_700, %dma_start3A_717] : memref<256x64xf32, #tpu.memory_space<vmem>> -> memref<1x64xf32, #tpu.memory_space<vmem>>
      %dma_start3A_719 = arith.constant 0 : i32
      %dma_start3A_720 = tpu.memref_slice %arg5[%squeeze3A_712, %dma_start3A_719] : memref<1000000x64xf32, #tpu.memory_space<hbm>> -> memref<1x64xf32, #tpu.memory_space<hbm>>
      tpu.enqueue_dma source(%dma_start3A_720 : memref<1x64xf32, #tpu.memory_space<hbm>>) target(%dma_start3A_718 : memref<1x64xf32, #tpu.memory_space<vmem>>) target_semaphore(%arg15 : memref<!tpu.dma_semaphore, #tpu.memory_space<semaphore_mem>>)
      %slice3A_721 = vector.extract_strided_slice %get3A_189 {offsets = [15], sizes = [1], strides = [1]} : vector<16xi32> to vector<1xi32>
      %squeeze3A_722 = vector.extract %slice3A_721[0] : i32 from vector<1xi32>
      %dma_start3A_723 = arith.constant 0 : i32
      %dma_start3A_724 = tpu.memref_slice %arg12[%add3A_700, %dma_start3A_723] : memref<256x64xf32, #tpu.memory_space<vmem>> -> memref<1x64xf32, #tpu.memory_space<vmem>>
      %dma_start3A_725 = arith.constant 0 : i32
      %dma_start3A_726 = tpu.memref_slice %arg6[%squeeze3A_722, %dma_start3A_725] : memref<1000x64xf32, #tpu.memory_space<hbm>> -> memref<1x64xf32, #tpu.memory_space<hbm>>
      %dma_start3A_727 = arith.constant 0 : i32
      %dma_start3A_728 = tpu.memref_slice %arg12[%add3A_700, %dma_start3A_727] : memref<256x64xf32, #tpu.memory_space<vmem>> -> memref<1x64xf32, #tpu.memory_space<vmem>>
      %dma_start3A_729 = arith.constant 0 : i32
      %dma_start3A_730 = tpu.memref_slice %arg6[%squeeze3A_722, %dma_start3A_729] : memref<1000x64xf32, #tpu.memory_space<hbm>> -> memref<1x64xf32, #tpu.memory_space<hbm>>
      tpu.enqueue_dma source(%dma_start3A_730 : memref<1x64xf32, #tpu.memory_space<hbm>>) target(%dma_start3A_728 : memref<1x64xf32, #tpu.memory_space<vmem>>) target_semaphore(%arg16 : memref<!tpu.dma_semaphore, #tpu.memory_space<semaphore_mem>>)
    }
    %scan3A_7 = arith.constant 16 : i32
    %dma_wait3A = arith.constant 0 : i32
    %dma_wait3A_8 = arith.constant 0 : i32
    %dma_wait3A_9 = tpu.memref_slice %arg11[%dma_wait3A, %dma_wait3A_8] : memref<256x64xf32, #tpu.memory_space<vmem>> -> memref<128x64xf32, #tpu.memory_space<vmem>>
    %dma_wait3A_10 = arith.constant 0 : i32
    %dma_wait3A_11 = arith.constant 0 : i32
    %dma_wait3A_12 = tpu.memref_slice %arg5[%dma_wait3A_10, %dma_wait3A_11] : memref<1000000x64xf32, #tpu.memory_space<hbm>> -> memref<128x64xf32, #tpu.memory_space<hbm>>
    %dma_wait3A_13 = arith.constant 0 : i32
    %dma_wait3A_14 = arith.constant 0 : i32
    %dma_wait3A_15 = tpu.memref_slice %arg11[%dma_wait3A_13, %dma_wait3A_14] : memref<256x64xf32, #tpu.memory_space<vmem>> -> memref<128x64xf32, #tpu.memory_space<vmem>>
    %dma_wait3A_16 = arith.constant 0 : i32
    %dma_wait3A_17 = arith.constant 0 : i32
    %dma_wait3A_18 = tpu.memref_slice %arg5[%dma_wait3A_16, %dma_wait3A_17] : memref<1000000x64xf32, #tpu.memory_space<hbm>> -> memref<128x64xf32, #tpu.memory_space<hbm>>
    tpu.wait_dma2 semaphore(%arg15 : memref<!tpu.dma_semaphore, #tpu.memory_space<semaphore_mem>>) src(%dma_wait3A_18 : memref<128x64xf32, #tpu.memory_space<hbm>>) dst(%dma_wait3A_15 : memref<128x64xf32, #tpu.memory_space<vmem>>)
    %dma_wait3A_19 = arith.constant 0 : i32
    %dma_wait3A_20 = arith.constant 0 : i32
    %dma_wait3A_21 = tpu.memref_slice %arg13[%dma_wait3A_19, %dma_wait3A_20] : memref<256x64xf32, #tpu.memory_space<vmem>> -> memref<128x64xf32, #tpu.memory_space<vmem>>
    %dma_wait3A_22 = arith.constant 0 : i32
    %dma_wait3A_23 = arith.constant 0 : i32
    %dma_wait3A_24 = tpu.memref_slice %arg5[%dma_wait3A_22, %dma_wait3A_23] : memref<1000000x64xf32, #tpu.memory_space<hbm>> -> memref<128x64xf32, #tpu.memory_space<hbm>>
    %dma_wait3A_25 = arith.constant 0 : i32
    %dma_wait3A_26 = arith.constant 0 : i32
    %dma_wait3A_27 = tpu.memref_slice %arg13[%dma_wait3A_25, %dma_wait3A_26] : memref<256x64xf32, #tpu.memory_space<vmem>> -> memref<128x64xf32, #tpu.memory_space<vmem>>
    %dma_wait3A_28 = arith.constant 0 : i32
    %dma_wait3A_29 = arith.constant 0 : i32
    %dma_wait3A_30 = tpu.memref_slice %arg5[%dma_wait3A_28, %dma_wait3A_29] : memref<1000000x64xf32, #tpu.memory_space<hbm>> -> memref<128x64xf32, #tpu.memory_space<hbm>>
    tpu.wait_dma2 semaphore(%arg15 : memref<!tpu.dma_semaphore, #tpu.memory_space<semaphore_mem>>) src(%dma_wait3A_30 : memref<128x64xf32, #tpu.memory_space<hbm>>) dst(%dma_wait3A_27 : memref<128x64xf32, #tpu.memory_space<vmem>>)
    %dma_wait3A_31 = arith.constant 0 : i32
    %dma_wait3A_32 = arith.constant 0 : i32
    %dma_wait3A_33 = tpu.memref_slice %arg12[%dma_wait3A_31, %dma_wait3A_32] : memref<256x64xf32, #tpu.memory_space<vmem>> -> memref<128x64xf32, #tpu.memory_space<vmem>>
    %dma_wait3A_34 = arith.constant 0 : i32
    %dma_wait3A_35 = arith.constant 0 : i32
    %dma_wait3A_36 = tpu.memref_slice %arg6[%dma_wait3A_34, %dma_wait3A_35] : memref<1000x64xf32, #tpu.memory_space<hbm>> -> memref<128x64xf32, #tpu.memory_space<hbm>>
    %dma_wait3A_37 = arith.constant 0 : i32
    %dma_wait3A_38 = arith.constant 0 : i32
    %dma_wait3A_39 = tpu.memref_slice %arg12[%dma_wait3A_37, %dma_wait3A_38] : memref<256x64xf32, #tpu.memory_space<vmem>> -> memref<128x64xf32, #tpu.memory_space<vmem>>
    %dma_wait3A_40 = arith.constant 0 : i32
    %dma_wait3A_41 = arith.constant 0 : i32
    %dma_wait3A_42 = tpu.memref_slice %arg6[%dma_wait3A_40, %dma_wait3A_41] : memref<1000x64xf32, #tpu.memory_space<hbm>> -> memref<128x64xf32, #tpu.memory_space<hbm>>
    tpu.wait_dma2 semaphore(%arg15 : memref<!tpu.dma_semaphore, #tpu.memory_space<semaphore_mem>>) src(%dma_wait3A_42 : memref<128x64xf32, #tpu.memory_space<hbm>>) dst(%dma_wait3A_39 : memref<128x64xf32, #tpu.memory_space<vmem>>)
    %dma_wait3A_43 = arith.constant 0 : i32
    %dma_wait3A_44 = arith.constant 0 : i32
    %dma_wait3A_45 = tpu.memref_slice %arg11[%dma_wait3A_43, %dma_wait3A_44] : memref<256x64xf32, #tpu.memory_space<vmem>> -> memref<128x64xf32, #tpu.memory_space<vmem>>
    %dma_wait3A_46 = arith.constant 0 : i32
    %dma_wait3A_47 = arith.constant 0 : i32
    %dma_wait3A_48 = tpu.memref_slice %arg5[%dma_wait3A_46, %dma_wait3A_47] : memref<1000000x64xf32, #tpu.memory_space<hbm>> -> memref<128x64xf32, #tpu.memory_space<hbm>>
    %dma_wait3A_49 = arith.constant 0 : i32
    %dma_wait3A_50 = arith.constant 0 : i32
    %dma_wait3A_51 = tpu.memref_slice %arg11[%dma_wait3A_49, %dma_wait3A_50] : memref<256x64xf32, #tpu.memory_space<vmem>> -> memref<128x64xf32, #tpu.memory_space<vmem>>
    %dma_wait3A_52 = arith.constant 0 : i32
    %dma_wait3A_53 = arith.constant 0 : i32
    %dma_wait3A_54 = tpu.memref_slice %arg5[%dma_wait3A_52, %dma_wait3A_53] : memref<1000000x64xf32, #tpu.memory_space<hbm>> -> memref<128x64xf32, #tpu.memory_space<hbm>>
    tpu.wait_dma2 semaphore(%arg16 : memref<!tpu.dma_semaphore, #tpu.memory_space<semaphore_mem>>) src(%dma_wait3A_54 : memref<128x64xf32, #tpu.memory_space<hbm>>) dst(%dma_wait3A_51 : memref<128x64xf32, #tpu.memory_space<vmem>>)
    %dma_wait3A_55 = arith.constant 0 : i32
    %dma_wait3A_56 = arith.constant 0 : i32
    %dma_wait3A_57 = tpu.memref_slice %arg13[%dma_wait3A_55, %dma_wait3A_56] : memref<256x64xf32, #tpu.memory_space<vmem>> -> memref<128x64xf32, #tpu.memory_space<vmem>>
    %dma_wait3A_58 = arith.constant 0 : i32
    %dma_wait3A_59 = arith.constant 0 : i32
    %dma_wait3A_60 = tpu.memref_slice %arg5[%dma_wait3A_58, %dma_wait3A_59] : memref<1000000x64xf32, #tpu.memory_space<hbm>> -> memref<128x64xf32, #tpu.memory_space<hbm>>
    %dma_wait3A_61 = arith.constant 0 : i32
    %dma_wait3A_62 = arith.constant 0 : i32
    %dma_wait3A_63 = tpu.memref_slice %arg13[%dma_wait3A_61, %dma_wait3A_62] : memref<256x64xf32, #tpu.memory_space<vmem>> -> memref<128x64xf32, #tpu.memory_space<vmem>>
    %dma_wait3A_64 = arith.constant 0 : i32
    %dma_wait3A_65 = arith.constant 0 : i32
    %dma_wait3A_66 = tpu.memref_slice %arg5[%dma_wait3A_64, %dma_wait3A_65] : memref<1000000x64xf32, #tpu.memory_space<hbm>> -> memref<128x64xf32, #tpu.memory_space<hbm>>
    tpu.wait_dma2 semaphore(%arg16 : memref<!tpu.dma_semaphore, #tpu.memory_space<semaphore_mem>>) src(%dma_wait3A_66 : memref<128x64xf32, #tpu.memory_space<hbm>>) dst(%dma_wait3A_63 : memref<128x64xf32, #tpu.memory_space<vmem>>)
    %dma_wait3A_67 = arith.constant 0 : i32
    %dma_wait3A_68 = arith.constant 0 : i32
    %dma_wait3A_69 = tpu.memref_slice %arg12[%dma_wait3A_67, %dma_wait3A_68] : memref<256x64xf32, #tpu.memory_space<vmem>> -> memref<128x64xf32, #tpu.memory_space<vmem>>
    %dma_wait3A_70 = arith.constant 0 : i32
    %dma_wait3A_71 = arith.constant 0 : i32
    %dma_wait3A_72 = tpu.memref_slice %arg6[%dma_wait3A_70, %dma_wait3A_71] : memref<1000x64xf32, #tpu.memory_space<hbm>> -> memref<128x64xf32, #tpu.memory_space<hbm>>
    %dma_wait3A_73 = arith.constant 0 : i32
    %dma_wait3A_74 = arith.constant 0 : i32
    %dma_wait3A_75 = tpu.memref_slice %arg12[%dma_wait3A_73, %dma_wait3A_74] : memref<256x64xf32, #tpu.memory_space<vmem>> -> memref<128x64xf32, #tpu.memory_space<vmem>>
    %dma_wait3A_76 = arith.constant 0 : i32
    %dma_wait3A_77 = arith.constant 0 : i32
    %dma_wait3A_78 = tpu.memref_slice %arg6[%dma_wait3A_76, %dma_wait3A_77] : memref<1000x64xf32, #tpu.memory_space<hbm>> -> memref<128x64xf32, #tpu.memory_space<hbm>>
    tpu.wait_dma2 semaphore(%arg16 : memref<!tpu.dma_semaphore, #tpu.memory_space<semaphore_mem>>) src(%dma_wait3A_78 : memref<128x64xf32, #tpu.memory_space<hbm>>) dst(%dma_wait3A_75 : memref<128x64xf32, #tpu.memory_space<vmem>>)
    %scan3A_79 = arith.constant 0 : i32
    %scan3A_80 = arith.constant 0 : i32
    %scan3A_81 = arith.constant 16 : i32
    %scan3A_82 = arith.addi %scan3A_80, %scan3A_81 : i32
    %scan3A_83 = arith.constant 1 : i32
    scf.for %scan3A_169 = %scan3A_80 to %scan3A_82 step %scan3A_83  : i32 {
      %iota3A = tpu.iota {dimensions = array<i32: 0>} : vector<16xi32>
      %mul3A_170 = arith.constant 16 : i32
      %mul3A_171 = arith.muli %scan3A_169, %mul3A_170 : i32
      %add3A_172 = arith.constant 0 : i32
      %add3A_173 = arith.addi %mul3A_171, %add3A_172 : i32
      %get3A = arith.index_cast %add3A_173 : i32 to index
      %get3A_174 = arith.constant 0 : index
      %get3A_175 = tpu.vector_load %arg11[%get3A, %get3A_174] {strides = array<i32>} : memref<256x64xf32, #tpu.memory_space<vmem>>, vector<1x16xf32>,
      %get3A_176 = vector.shape_cast %get3A_175 : vector<1x16xf32> to vector<16xf32>
      %get3A_177 = arith.index_cast %add3A_173 : i32 to index
      %get3A_178 = arith.constant 0 : index
      %get3A_179 = tpu.vector_load %arg12[%get3A_177, %get3A_178] {strides = array<i32>} : memref<256x64xf32, #tpu.memory_space<vmem>>, vector<1x16xf32>,
      %get3A_180 = vector.shape_cast %get3A_179 : vector<1x16xf32> to vector<16xf32>
      %get3A_181 = arith.index_cast %add3A_173 : i32 to index
      %get3A_182 = arith.constant 0 : index
      %get3A_183 = tpu.vector_load %arg13[%get3A_181, %get3A_182] {strides = array<i32>} : memref<256x64xf32, #tpu.memory_space<vmem>>, vector<1x16xf32>,
      %get3A_184 = vector.shape_cast %get3A_183 : vector<1x16xf32> to vector<16xf32>
      %mul3A_185 = arith.mulf %get3A_176, %get3A_180 : vector<16xf32>
      %sub3A = arith.subf %mul3A_185, %get3A_184 : vector<16xf32>
      %get3A_186 = arith.index_cast %add3A_173 : i32 to index
      %get3A_187 = arith.constant 16 : index
      %get3A_188 = tpu.vector_load %arg11[%get3A_186, %get3A_187] {strides = array<i32>} : memref<256x64xf32, #tpu.memory_space<vmem>>, vector<1x16xf32>,
      %get3A_189 = vector.shape_cast %get3A_188 : vector<1x16xf32> to vector<16xf32>
      %get3A_190 = arith.index_cast %add3A_173 : i32 to index
      %get3A_191 = arith.constant 16 : index
      %get3A_192 = tpu.vector_load %arg12[%get3A_190, %get3A_191] {strides = array<i32>} : memref<256x64xf32, #tpu.memory_space<vmem>>, vector<1x16xf32>,
      %get3A_193 = vector.shape_cast %get3A_192 : vector<1x16xf32> to vector<16xf32>
      %get3A_194 = arith.index_cast %add3A_173 : i32 to index
      %get3A_195 = arith.constant 16 : index
      %get3A_196 = tpu.vector_load %arg13[%get3A_194, %get3A_195] {strides = array<i32>} : memref<256x64xf32, #tpu.memory_space<vmem>>, vector<1x16xf32>,
      %get3A_197 = vector.shape_cast %get3A_196 : vector<1x16xf32> to vector<16xf32>
      %mul3A_198 = arith.mulf %get3A_189, %get3A_193 : vector<16xf32>
      %sub3A_199 = arith.subf %mul3A_198, %get3A_197 : vector<16xf32>
      %add3A_200 = arith.addf %sub3A, %sub3A_199 : vector<16xf32>
      %get3A_201 = arith.index_cast %add3A_173 : i32 to index
      %get3A_202 = arith.constant 32 : index
      %get3A_203 = tpu.vector_load %arg11[%get3A_201, %get3A_202] {strides = array<i32>} : memref<256x64xf32, #tpu.memory_space<vmem>>, vector<1x16xf32>,
      %get3A_204 = vector.shape_cast %get3A_203 : vector<1x16xf32> to vector<16xf32>
      %get3A_205 = arith.index_cast %add3A_173 : i32 to index
      %get3A_206 = arith.constant 32 : index
      %get3A_207 = tpu.vector_load %arg12[%get3A_205, %get3A_206] {strides = array<i32>} : memref<256x64xf32, #tpu.memory_space<vmem>>, vector<1x16xf32>,
      %get3A_208 = vector.shape_cast %get3A_207 : vector<1x16xf32> to vector<16xf32>
      %get3A_209 = arith.index_cast %add3A_173 : i32 to index
      %get3A_210 = arith.constant 32 : index
      %get3A_211 = tpu.vector_load %arg13[%get3A_209, %get3A_210] {strides = array<i32>} : memref<256x64xf32, #tpu.memory_space<vmem>>, vector<1x16xf32>,
      %get3A_212 = vector.shape_cast %get3A_211 : vector<1x16xf32> to vector<16xf32>
      %mul3A_213 = arith.mulf %get3A_204, %get3A_208 : vector<16xf32>
      %sub3A_214 = arith.subf %mul3A_213, %get3A_212 : vector<16xf32>
      %add3A_215 = arith.addf %add3A_200, %sub3A_214 : vector<16xf32>
      %get3A_216 = arith.index_cast %add3A_173 : i32 to index
      %get3A_217 = arith.constant 48 : index
      %get3A_218 = tpu.vector_load %arg11[%get3A_216, %get3A_217] {strides = array<i32>} : memref<256x64xf32, #tpu.memory_space<vmem>>, vector<1x16xf32>,
      %get3A_219 = vector.shape_cast %get3A_218 : vector<1x16xf32> to vector<16xf32>
      %get3A_220 = arith.index_cast %add3A_173 : i32 to index
      %get3A_221 = arith.constant 48 : index
      %get3A_222 = tpu.vector_load %arg12[%get3A_220, %get3A_221] {strides = array<i32>} : memref<256x64xf32, #tpu.memory_space<vmem>>, vector<1x16xf32>,
      %get3A_223 = vector.shape_cast %get3A_222 : vector<1x16xf32> to vector<16xf32>
      %get3A_224 = arith.index_cast %add3A_173 : i32 to index
      %get3A_225 = arith.constant 48 : index
      %get3A_226 = tpu.vector_load %arg13[%get3A_224, %get3A_225] {strides = array<i32>} : memref<256x64xf32, #tpu.memory_space<vmem>>, vector<1x16xf32>,
      %get3A_227 = vector.shape_cast %get3A_226 : vector<1x16xf32> to vector<16xf32>
      %mul3A_228 = arith.mulf %get3A_219, %get3A_223 : vector<16xf32>
      %sub3A_229 = arith.subf %mul3A_228, %get3A_227 : vector<16xf32>
      %add3A_230 = arith.addf %add3A_215, %sub3A_229 : vector<16xf32>
      %mul3A_231 = arith.constant 16 : i32
      %mul3A_232 = arith.muli %scan3A_169, %mul3A_231 : i32
      %add3A_233 = arith.constant 1 : i32
      %add3A_234 = arith.addi %mul3A_232, %add3A_233 : i32
      %get3A_235 = arith.index_cast %add3A_234 : i32 to index
      %get3A_236 = arith.constant 0 : index
      %get3A_237 = tpu.vector_load %arg11[%get3A_235, %get3A_236] {strides = array<i32>} : memref<256x64xf32, #tpu.memory_space<vmem>>, vector<1x16xf32>,
      %get3A_238 = vector.shape_cast %get3A_237 : vector<1x16xf32> to vector<16xf32>
      %get3A_239 = arith.index_cast %add3A_234 : i32 to index
      %get3A_240 = arith.constant 0 : index
      %get3A_241 = tpu.vector_load %arg12[%get3A_239, %get3A_240] {strides = array<i32>} : memref<256x64xf32, #tpu.memory_space<vmem>>, vector<1x16xf32>,
      %get3A_242 = vector.shape_cast %get3A_241 : vector<1x16xf32> to vector<16xf32>
      %get3A_243 = arith.index_cast %add3A_234 : i32 to index
      %get3A_244 = arith.constant 0 : index
      %get3A_245 = tpu.vector_load %arg13[%get3A_243, %get3A_244] {strides = array<i32>} : memref<256x64xf32, #tpu.memory_space<vmem>>, vector<1x16xf32>,
      %get3A_246 = vector.shape_cast %get3A_245 : vector<1x16xf32> to vector<16xf32>
      %mul3A_247 = arith.mulf %get3A_238, %get3A_242 : vector<16xf32>
      %sub3A_248 = arith.subf %mul3A_247, %get3A_246 : vector<16xf32>
      %get3A_249 = arith.index_cast %add3A_234 : i32 to index
      %get3A_250 = arith.constant 16 : index
      %get3A_251 = tpu.vector_load %arg11[%get3A_249, %get3A_250] {strides = array<i32>} : memref<256x64xf32, #tpu.memory_space<vmem>>, vector<1x16xf32>,
      %get3A_252 = vector.shape_cast %get3A_251 : vector<1x16xf32> to vector<16xf32>
      %get3A_253 = arith.index_cast %add3A_234 : i32 to index
      %get3A_254 = arith.constant 16 : index
      %get3A_255 = tpu.vector_load %arg12[%get3A_253, %get3A_254] {strides = array<i32>} : memref<256x64xf32, #tpu.memory_space<vmem>>, vector<1x16xf32>,
      %get3A_256 = vector.shape_cast %get3A_255 : vector<1x16xf32> to vector<16xf32>
      %get3A_257 = arith.index_cast %add3A_234 : i32 to index
      %get3A_258 = arith.constant 16 : index
      %get3A_259 = tpu.vector_load %arg13[%get3A_257, %get3A_258] {strides = array<i32>} : memref<256x64xf32, #tpu.memory_space<vmem>>, vector<1x16xf32>,
      %get3A_260 = vector.shape_cast %get3A_259 : vector<1x16xf32> to vector<16xf32>
      %mul3A_261 = arith.mulf %get3A_252, %get3A_256 : vector<16xf32>
      %sub3A_262 = arith.subf %mul3A_261, %get3A_260 : vector<16xf32>
      %add3A_263 = arith.addf %sub3A_248, %sub3A_262 : vector<16xf32>
      %get3A_264 = arith.index_cast %add3A_234 : i32 to index
      %get3A_265 = arith.constant 32 : index
      %get3A_266 = tpu.vector_load %arg11[%get3A_264, %get3A_265] {strides = array<i32>} : memref<256x64xf32, #tpu.memory_space<vmem>>, vector<1x16xf32>,
      %get3A_267 = vector.shape_cast %get3A_266 : vector<1x16xf32> to vector<16xf32>
      %get3A_268 = arith.index_cast %add3A_234 : i32 to index
      %get3A_269 = arith.constant 32 : index
      %get3A_270 = tpu.vector_load %arg12[%get3A_268, %get3A_269] {strides = array<i32>} : memref<256x64xf32, #tpu.memory_space<vmem>>, vector<1x16xf32>,
      %get3A_271 = vector.shape_cast %get3A_270 : vector<1x16xf32> to vector<16xf32>
      %get3A_272 = arith.index_cast %add3A_234 : i32 to index
      %get3A_273 = arith.constant 32 : index
      %get3A_274 = tpu.vector_load %arg13[%get3A_272, %get3A_273] {strides = array<i32>} : memref<256x64xf32, #tpu.memory_space<vmem>>, vector<1x16xf32>,
      %get3A_275 = vector.shape_cast %get3A_274 : vector<1x16xf32> to vector<16xf32>
      %mul3A_276 = arith.mulf %get3A_267, %get3A_271 : vector<16xf32>
      %sub3A_277 = arith.subf %mul3A_276, %get3A_275 : vector<16xf32>
      %add3A_278 = arith.addf %add3A_263, %sub3A_277 : vector<16xf32>
      %get3A_279 = arith.index_cast %add3A_234 : i32 to index
      %get3A_280 = arith.constant 48 : index
      %get3A_281 = tpu.vector_load %arg11[%get3A_279, %get3A_280] {strides = array<i32>} : memref<256x64xf32, #tpu.memory_space<vmem>>, vector<1x16xf32>,
      %get3A_282 = vector.shape_cast %get3A_281 : vector<1x16xf32> to vector<16xf32>
      %get3A_283 = arith.index_cast %add3A_234 : i32 to index
      %get3A_284 = arith.constant 48 : index
      %get3A_285 = tpu.vector_load %arg12[%get3A_283, %get3A_284] {strides = array<i32>} : memref<256x64xf32, #tpu.memory_space<vmem>>, vector<1x16xf32>,
      %get3A_286 = vector.shape_cast %get3A_285 : vector<1x16xf32> to vector<16xf32>
      %get3A_287 = arith.index_cast %add3A_234 : i32 to index
      %get3A_288 = arith.constant 48 : index
      %get3A_289 = tpu.vector_load %arg13[%get3A_287, %get3A_288] {strides = array<i32>} : memref<256x64xf32, #tpu.memory_space<vmem>>, vector<1x16xf32>,
      %get3A_290 = vector.shape_cast %get3A_289 : vector<1x16xf32> to vector<16xf32>
      %mul3A_291 = arith.mulf %get3A_282, %get3A_286 : vector<16xf32>
      %sub3A_292 = arith.subf %mul3A_291, %get3A_290 : vector<16xf32>
      %add3A_293 = arith.addf %add3A_278, %sub3A_292 : vector<16xf32>
      %mul3A_294 = arith.constant 16 : i32
      %mul3A_295 = arith.muli %scan3A_169, %mul3A_294 : i32
      %add3A_296 = arith.constant 2 : i32
      %add3A_297 = arith.addi %mul3A_295, %add3A_296 : i32
      %get3A_298 = arith.index_cast %add3A_297 : i32 to index
      %get3A_299 = arith.constant 0 : index
      %get3A_300 = tpu.vector_load %arg11[%get3A_298, %get3A_299] {strides = array<i32>} : memref<256x64xf32, #tpu.memory_space<vmem>>, vector<1x16xf32>,
      %get3A_301 = vector.shape_cast %get3A_300 : vector<1x16xf32> to vector<16xf32>
      %get3A_302 = arith.index_cast %add3A_297 : i32 to index
      %get3A_303 = arith.constant 0 : index
      %get3A_304 = tpu.vector_load %arg12[%get3A_302, %get3A_303] {strides = array<i32>} : memref<256x64xf32, #tpu.memory_space<vmem>>, vector<1x16xf32>,
      %get3A_305 = vector.shape_cast %get3A_304 : vector<1x16xf32> to vector<16xf32>
      %get3A_306 = arith.index_cast %add3A_297 : i32 to index
      %get3A_307 = arith.constant 0 : index
      %get3A_308 = tpu.vector_load %arg13[%get3A_306, %get3A_307] {strides = array<i32>} : memref<256x64xf32, #tpu.memory_space<vmem>>, vector<1x16xf32>,
      %get3A_309 = vector.shape_cast %get3A_308 : vector<1x16xf32> to vector<16xf32>
      %mul3A_310 = arith.mulf %get3A_301, %get3A_305 : vector<16xf32>
      %sub3A_311 = arith.subf %mul3A_310, %get3A_309 : vector<16xf32>
      %get3A_312 = arith.index_cast %add3A_297 : i32 to index
      %get3A_313 = arith.constant 16 : index
      %get3A_314 = tpu.vector_load %arg11[%get3A_312, %get3A_313] {strides = array<i32>} : memref<256x64xf32, #tpu.memory_space<vmem>>, vector<1x16xf32>,
      %get3A_315 = vector.shape_cast %get3A_314 : vector<1x16xf32> to vector<16xf32>
      %get3A_316 = arith.index_cast %add3A_297 : i32 to index
      %get3A_317 = arith.constant 16 : index
      %get3A_318 = tpu.vector_load %arg12[%get3A_316, %get3A_317] {strides = array<i32>} : memref<256x64xf32, #tpu.memory_space<vmem>>, vector<1x16xf32>,
      %get3A_319 = vector.shape_cast %get3A_318 : vector<1x16xf32> to vector<16xf32>
      %get3A_320 = arith.index_cast %add3A_297 : i32 to index
      %get3A_321 = arith.constant 16 : index
      %get3A_322 = tpu.vector_load %arg13[%get3A_320, %get3A_321] {strides = array<i32>} : memref<256x64xf32, #tpu.memory_space<vmem>>, vector<1x16xf32>,
      %get3A_323 = vector.shape_cast %get3A_322 : vector<1x16xf32> to vector<16xf32>
      %mul3A_324 = arith.mulf %get3A_315, %get3A_319 : vector<16xf32>
      %sub3A_325 = arith.subf %mul3A_324, %get3A_323 : vector<16xf32>
      %add3A_326 = arith.addf %sub3A_311, %sub3A_325 : vector<16xf32>
      %get3A_327 = arith.index_cast %add3A_297 : i32 to index
      %get3A_328 = arith.constant 32 : index
      %get3A_329 = tpu.vector_load %arg11[%get3A_327, %get3A_328] {strides = array<i32>} : memref<256x64xf32, #tpu.memory_space<vmem>>, vector<1x16xf32>,
      %get3A_330 = vector.shape_cast %get3A_329 : vector<1x16xf32> to vector<16xf32>
      %get3A_331 = arith.index_cast %add3A_297 : i32 to index
      %get3A_332 = arith.constant 32 : index
      %get3A_333 = tpu.vector_load %arg12[%get3A_331, %get3A_332] {strides = array<i32>} : memref<256x64xf32, #tpu.memory_space<vmem>>, vector<1x16xf32>,
      %get3A_334 = vector.shape_cast %get3A_333 : vector<1x16xf32> to vector<16xf32>
      %get3A_335 = arith.index_cast %add3A_297 : i32 to index
      %get3A_336 = arith.constant 32 : index
      %get3A_337 = tpu.vector_load %arg13[%get3A_335, %get3A_336] {strides = array<i32>} : memref<256x64xf32, #tpu.memory_space<vmem>>, vector<1x16xf32>,
      %get3A_338 = vector.shape_cast %get3A_337 : vector<1x16xf32> to vector<16xf32>
      %mul3A_339 = arith.mulf %get3A_330, %get3A_334 : vector<16xf32>
      %sub3A_340 = arith.subf %mul3A_339, %get3A_338 : vector<16xf32>
      %add3A_341 = arith.addf %add3A_326, %sub3A_340 : vector<16xf32>
      %get3A_342 = arith.index_cast %add3A_297 : i32 to index
      %get3A_343 = arith.constant 48 : index
      %get3A_344 = tpu.vector_load %arg11[%get3A_342, %get3A_343] {strides = array<i32>} : memref<256x64xf32, #tpu.memory_space<vmem>>, vector<1x16xf32>,
      %get3A_345 = vector.shape_cast %get3A_344 : vector<1x16xf32> to vector<16xf32>
      %get3A_346 = arith.index_cast %add3A_297 : i32 to index
      %get3A_347 = arith.constant 48 : index
      %get3A_348 = tpu.vector_load %arg12[%get3A_346, %get3A_347] {strides = array<i32>} : memref<256x64xf32, #tpu.memory_space<vmem>>, vector<1x16xf32>,
      %get3A_349 = vector.shape_cast %get3A_348 : vector<1x16xf32> to vector<16xf32>
      %get3A_350 = arith.index_cast %add3A_297 : i32 to index
      %get3A_351 = arith.constant 48 : index
      %get3A_352 = tpu.vector_load %arg13[%get3A_350, %get3A_351] {strides = array<i32>} : memref<256x64xf32, #tpu.memory_space<vmem>>, vector<1x16xf32>,
      %get3A_353 = vector.shape_cast %get3A_352 : vector<1x16xf32> to vector<16xf32>
      %mul3A_354 = arith.mulf %get3A_345, %get3A_349 : vector<16xf32>
      %sub3A_355 = arith.subf %mul3A_354, %get3A_353 : vector<16xf32>
      %add3A_356 = arith.addf %add3A_341, %sub3A_355 : vector<16xf32>
      %mul3A_357 = arith.constant 16 : i32
      %mul3A_358 = arith.muli %scan3A_169, %mul3A_357 : i32
      %add3A_359 = arith.constant 3 : i32
      %add3A_360 = arith.addi %mul3A_358, %add3A_359 : i32
      %get3A_361 = arith.index_cast %add3A_360 : i32 to index
      %get3A_362 = arith.constant 0 : index
      %get3A_363 = tpu.vector_load %arg11[%get3A_361, %get3A_362] {strides = array<i32>} : memref<256x64xf32, #tpu.memory_space<vmem>>, vector<1x16xf32>,
      %get3A_364 = vector.shape_cast %get3A_363 : vector<1x16xf32> to vector<16xf32>
      %get3A_365 = arith.index_cast %add3A_360 : i32 to index
      %get3A_366 = arith.constant 0 : index
      %get3A_367 = tpu.vector_load %arg12[%get3A_365, %get3A_366] {strides = array<i32>} : memref<256x64xf32, #tpu.memory_space<vmem>>, vector<1x16xf32>,
      %get3A_368 = vector.shape_cast %get3A_367 : vector<1x16xf32> to vector<16xf32>
      %get3A_369 = arith.index_cast %add3A_360 : i32 to index
      %get3A_370 = arith.constant 0 : index
      %get3A_371 = tpu.vector_load %arg13[%get3A_369, %get3A_370] {strides = array<i32>} : memref<256x64xf32, #tpu.memory_space<vmem>>, vector<1x16xf32>,
      %get3A_372 = vector.shape_cast %get3A_371 : vector<1x16xf32> to vector<16xf32>
      %mul3A_373 = arith.mulf %get3A_364, %get3A_368 : vector<16xf32>
      %sub3A_374 = arith.subf %mul3A_373, %get3A_372 : vector<16xf32>
      %get3A_375 = arith.index_cast %add3A_360 : i32 to index
      %get3A_376 = arith.constant 16 : index
      %get3A_377 = tpu.vector_load %arg11[%get3A_375, %get3A_376] {strides = array<i32>} : memref<256x64xf32, #tpu.memory_space<vmem>>, vector<1x16xf32>,
      %get3A_378 = vector.shape_cast %get3A_377 : vector<1x16xf32> to vector<16xf32>
      %get3A_379 = arith.index_cast %add3A_360 : i32 to index
      %get3A_380 = arith.constant 16 : index
      %get3A_381 = tpu.vector_load %arg12[%get3A_379, %get3A_380] {strides = array<i32>} : memref<256x64xf32, #tpu.memory_space<vmem>>, vector<1x16xf32>,
      %get3A_382 = vector.shape_cast %get3A_381 : vector<1x16xf32> to vector<16xf32>
      %get3A_383 = arith.index_cast %add3A_360 : i32 to index
      %get3A_384 = arith.constant 16 : index
      %get3A_385 = tpu.vector_load %arg13[%get3A_383, %get3A_384] {strides = array<i32>} : memref<256x64xf32, #tpu.memory_space<vmem>>, vector<1x16xf32>,
      %get3A_386 = vector.shape_cast %get3A_385 : vector<1x16xf32> to vector<16xf32>
      %mul3A_387 = arith.mulf %get3A_378, %get3A_382 : vector<16xf32>
      %sub3A_388 = arith.subf %mul3A_387, %get3A_386 : vector<16xf32>
      %add3A_389 = arith.addf %sub3A_374, %sub3A_388 : vector<16xf32>
      %get3A_390 = arith.index_cast %add3A_360 : i32 to index
      %get3A_391 = arith.constant 32 : index
      %get3A_392 = tpu.vector_load %arg11[%get3A_390, %get3A_391] {strides = array<i32>} : memref<256x64xf32, #tpu.memory_space<vmem>>, vector<1x16xf32>,
      %get3A_393 = vector.shape_cast %get3A_392 : vector<1x16xf32> to vector<16xf32>
      %get3A_394 = arith.index_cast %add3A_360 : i32 to index
      %get3A_395 = arith.constant 32 : index
      %get3A_396 = tpu.vector_load %arg12[%get3A_394, %get3A_395] {strides = array<i32>} : memref<256x64xf32, #tpu.memory_space<vmem>>, vector<1x16xf32>,
      %get3A_397 = vector.shape_cast %get3A_396 : vector<1x16xf32> to vector<16xf32>
      %get3A_398 = arith.index_cast %add3A_360 : i32 to index
      %get3A_399 = arith.constant 32 : index
      %get3A_400 = tpu.vector_load %arg13[%get3A_398, %get3A_399] {strides = array<i32>} : memref<256x64xf32, #tpu.memory_space<vmem>>, vector<1x16xf32>,
      %get3A_401 = vector.shape_cast %get3A_400 : vector<1x16xf32> to vector<16xf32>
      %mul3A_402 = arith.mulf %get3A_393, %get3A_397 : vector<16xf32>
      %sub3A_403 = arith.subf %mul3A_402, %get3A_401 : vector<16xf32>
      %add3A_404 = arith.addf %add3A_389, %sub3A_403 : vector<16xf32>
      %get3A_405 = arith.index_cast %add3A_360 : i32 to index
      %get3A_406 = arith.constant 48 : index
      %get3A_407 = tpu.vector_load %arg11[%get3A_405, %get3A_406] {strides = array<i32>} : memref<256x64xf32, #tpu.memory_space<vmem>>, vector<1x16xf32>,
      %get3A_408 = vector.shape_cast %get3A_407 : vector<1x16xf32> to vector<16xf32>
      %get3A_409 = arith.index_cast %add3A_360 : i32 to index
      %get3A_410 = arith.constant 48 : index
      %get3A_411 = tpu.vector_load %arg12[%get3A_409, %get3A_410] {strides = array<i32>} : memref<256x64xf32, #tpu.memory_space<vmem>>, vector<1x16xf32>,
      %get3A_412 = vector.shape_cast %get3A_411 : vector<1x16xf32> to vector<16xf32>
      %get3A_413 = arith.index_cast %add3A_360 : i32 to index
      %get3A_414 = arith.constant 48 : index
      %get3A_415 = tpu.vector_load %arg13[%get3A_413, %get3A_414] {strides = array<i32>} : memref<256x64xf32, #tpu.memory_space<vmem>>, vector<1x16xf32>,
      %get3A_416 = vector.shape_cast %get3A_415 : vector<1x16xf32> to vector<16xf32>
      %mul3A_417 = arith.mulf %get3A_408, %get3A_412 : vector<16xf32>
      %sub3A_418 = arith.subf %mul3A_417, %get3A_416 : vector<16xf32>
      %add3A_419 = arith.addf %add3A_404, %sub3A_418 : vector<16xf32>
      %mul3A_420 = arith.constant 16 : i32
      %mul3A_421 = arith.muli %scan3A_169, %mul3A_420 : i32
      %add3A_422 = arith.constant 4 : i32
      %add3A_423 = arith.addi %mul3A_421, %add3A_422 : i32
      %get3A_424 = arith.index_cast %add3A_423 : i32 to index
      %get3A_425 = arith.constant 0 : index
      %get3A_426 = tpu.vector_load %arg11[%get3A_424, %get3A_425] {strides = array<i32>} : memref<256x64xf32, #tpu.memory_space<vmem>>, vector<1x16xf32>,
      %get3A_427 = vector.shape_cast %get3A_426 : vector<1x16xf32> to vector<16xf32>
      %get3A_428 = arith.index_cast %add3A_423 : i32 to index
      %get3A_429 = arith.constant 0 : index
      %get3A_430 = tpu.vector_load %arg12[%get3A_428, %get3A_429] {strides = array<i32>} : memref<256x64xf32, #tpu.memory_space<vmem>>, vector<1x16xf32>,
      %get3A_431 = vector.shape_cast %get3A_430 : vector<1x16xf32> to vector<16xf32>
      %get3A_432 = arith.index_cast %add3A_423 : i32 to index
      %get3A_433 = arith.constant 0 : index
      %get3A_434 = tpu.vector_load %arg13[%get3A_432, %get3A_433] {strides = array<i32>} : memref<256x64xf32, #tpu.memory_space<vmem>>, vector<1x16xf32>,
      %get3A_435 = vector.shape_cast %get3A_434 : vector<1x16xf32> to vector<16xf32>
      %mul3A_436 = arith.mulf %get3A_427, %get3A_431 : vector<16xf32>
      %sub3A_437 = arith.subf %mul3A_436, %get3A_435 : vector<16xf32>
      %get3A_438 = arith.index_cast %add3A_423 : i32 to index
      %get3A_439 = arith.constant 16 : index
      %get3A_440 = tpu.vector_load %arg11[%get3A_438, %get3A_439] {strides = array<i32>} : memref<256x64xf32, #tpu.memory_space<vmem>>, vector<1x16xf32>,
      %get3A_441 = vector.shape_cast %get3A_440 : vector<1x16xf32> to vector<16xf32>
      %get3A_442 = arith.index_cast %add3A_423 : i32 to index
      %get3A_443 = arith.constant 16 : index
      %get3A_444 = tpu.vector_load %arg12[%get3A_442, %get3A_443] {strides = array<i32>} : memref<256x64xf32, #tpu.memory_space<vmem>>, vector<1x16xf32>,
      %get3A_445 = vector.shape_cast %get3A_444 : vector<1x16xf32> to vector<16xf32>
      %get3A_446 = arith.index_cast %add3A_423 : i32 to index
      %get3A_447 = arith.constant 16 : index
      %get3A_448 = tpu.vector_load %arg13[%get3A_446, %get3A_447] {strides = array<i32>} : memref<256x64xf32, #tpu.memory_space<vmem>>, vector<1x16xf32>,
      %get3A_449 = vector.shape_cast %get3A_448 : vector<1x16xf32> to vector<16xf32>
      %mul3A_450 = arith.mulf %get3A_441, %get3A_445 : vector<16xf32>
      %sub3A_451 = arith.subf %mul3A_450, %get3A_449 : vector<16xf32>
      %add3A_452 = arith.addf %sub3A_437, %sub3A_451 : vector<16xf32>
      %get3A_453 = arith.index_cast %add3A_423 : i32 to index
      %get3A_454 = arith.constant 32 : index
      %get3A_455 = tpu.vector_load %arg11[%get3A_453, %get3A_454] {strides = array<i32>} : memref<256x64xf32, #tpu.memory_space<vmem>>, vector<1x16xf32>,
      %get3A_456 = vector.shape_cast %get3A_455 : vector<1x16xf32> to vector<16xf32>
      %get3A_457 = arith.index_cast %add3A_423 : i32 to index
      %get3A_458 = arith.constant 32 : index
      %get3A_459 = tpu.vector_load %arg12[%get3A_457, %get3A_458] {strides = array<i32>} : memref<256x64xf32, #tpu.memory_space<vmem>>, vector<1x16xf32>,
      %get3A_460 = vector.shape_cast %get3A_459 : vector<1x16xf32> to vector<16xf32>
      %get3A_461 = arith.index_cast %add3A_423 : i32 to index
      %get3A_462 = arith.constant 32 : index
      %get3A_463 = tpu.vector_load %arg13[%get3A_461, %get3A_462] {strides = array<i32>} : memref<256x64xf32, #tpu.memory_space<vmem>>, vector<1x16xf32>,
      %get3A_464 = vector.shape_cast %get3A_463 : vector<1x16xf32> to vector<16xf32>
      %mul3A_465 = arith.mulf %get3A_456, %get3A_460 : vector<16xf32>
      %sub3A_466 = arith.subf %mul3A_465, %get3A_464 : vector<16xf32>
      %add3A_467 = arith.addf %add3A_452, %sub3A_466 : vector<16xf32>
      %get3A_468 = arith.index_cast %add3A_423 : i32 to index
      %get3A_469 = arith.constant 48 : index
      %get3A_470 = tpu.vector_load %arg11[%get3A_468, %get3A_469] {strides = array<i32>} : memref<256x64xf32, #tpu.memory_space<vmem>>, vector<1x16xf32>,
      %get3A_471 = vector.shape_cast %get3A_470 : vector<1x16xf32> to vector<16xf32>
      %get3A_472 = arith.index_cast %add3A_423 : i32 to index
      %get3A_473 = arith.constant 48 : index
      %get3A_474 = tpu.vector_load %arg12[%get3A_472, %get3A_473] {strides = array<i32>} : memref<256x64xf32, #tpu.memory_space<vmem>>, vector<1x16xf32>,
      %get3A_475 = vector.shape_cast %get3A_474 : vector<1x16xf32> to vector<16xf32>
      %get3A_476 = arith.index_cast %add3A_423 : i32 to index
      %get3A_477 = arith.constant 48 : index
      %get3A_478 = tpu.vector_load %arg13[%get3A_476, %get3A_477] {strides = array<i32>} : memref<256x64xf32, #tpu.memory_space<vmem>>, vector<1x16xf32>,
      %get3A_479 = vector.shape_cast %get3A_478 : vector<1x16xf32> to vector<16xf32>
      %mul3A_480 = arith.mulf %get3A_471, %get3A_475 : vector<16xf32>
      %sub3A_481 = arith.subf %mul3A_480, %get3A_479 : vector<16xf32>
      %add3A_482 = arith.addf %add3A_467, %sub3A_481 : vector<16xf32>
      %mul3A_483 = arith.constant 16 : i32
      %mul3A_484 = arith.muli %scan3A_169, %mul3A_483 : i32
      %add3A_485 = arith.constant 5 : i32
      %add3A_486 = arith.addi %mul3A_484, %add3A_485 : i32
      %get3A_487 = arith.index_cast %add3A_486 : i32 to index
      %get3A_488 = arith.constant 0 : index
      %get3A_489 = tpu.vector_load %arg11[%get3A_487, %get3A_488] {strides = array<i32>} : memref<256x64xf32, #tpu.memory_space<vmem>>, vector<1x16xf32>,
      %get3A_490 = vector.shape_cast %get3A_489 : vector<1x16xf32> to vector<16xf32>
      %get3A_491 = arith.index_cast %add3A_486 : i32 to index
      %get3A_492 = arith.constant 0 : index
      %get3A_493 = tpu.vector_load %arg12[%get3A_491, %get3A_492] {strides = array<i32>} : memref<256x64xf32, #tpu.memory_space<vmem>>, vector<1x16xf32>,
      %get3A_494 = vector.shape_cast %get3A_493 : vector<1x16xf32> to vector<16xf32>
      %get3A_495 = arith.index_cast %add3A_486 : i32 to index
      %get3A_496 = arith.constant 0 : index
      %get3A_497 = tpu.vector_load %arg13[%get3A_495, %get3A_496] {strides = array<i32>} : memref<256x64xf32, #tpu.memory_space<vmem>>, vector<1x16xf32>,
      %get3A_498 = vector.shape_cast %get3A_497 : vector<1x16xf32> to vector<16xf32>
      %mul3A_499 = arith.mulf %get3A_490, %get3A_494 : vector<16xf32>
      %sub3A_500 = arith.subf %mul3A_499, %get3A_498 : vector<16xf32>
      %get3A_501 = arith.index_cast %add3A_486 : i32 to index
      %get3A_502 = arith.constant 16 : index
      %get3A_503 = tpu.vector_load %arg11[%get3A_501, %get3A_502] {strides = array<i32>} : memref<256x64xf32, #tpu.memory_space<vmem>>, vector<1x16xf32>,
      %get3A_504 = vector.shape_cast %get3A_503 : vector<1x16xf32> to vector<16xf32>
      %get3A_505 = arith.index_cast %add3A_486 : i32 to index
      %get3A_506 = arith.constant 16 : index
      %get3A_507 = tpu.vector_load %arg12[%get3A_505, %get3A_506] {strides = array<i32>} : memref<256x64xf32, #tpu.memory_space<vmem>>, vector<1x16xf32>,
      %get3A_508 = vector.shape_cast %get3A_507 : vector<1x16xf32> to vector<16xf32>
      %get3A_509 = arith.index_cast %add3A_486 : i32 to index
      %get3A_510 = arith.constant 16 : index
      %get3A_511 = tpu.vector_load %arg13[%get3A_509, %get3A_510] {strides = array<i32>} : memref<256x64xf32, #tpu.memory_space<vmem>>, vector<1x16xf32>,
      %get3A_512 = vector.shape_cast %get3A_511 : vector<1x16xf32> to vector<16xf32>
      %mul3A_513 = arith.mulf %get3A_504, %get3A_508 : vector<16xf32>
      %sub3A_514 = arith.subf %mul3A_513, %get3A_512 : vector<16xf32>
      %add3A_515 = arith.addf %sub3A_500, %sub3A_514 : vector<16xf32>
      %get3A_516 = arith.index_cast %add3A_486 : i32 to index
      %get3A_517 = arith.constant 32 : index
      %get3A_518 = tpu.vector_load %arg11[%get3A_516, %get3A_517] {strides = array<i32>} : memref<256x64xf32, #tpu.memory_space<vmem>>, vector<1x16xf32>,
      %get3A_519 = vector.shape_cast %get3A_518 : vector<1x16xf32> to vector<16xf32>
      %get3A_520 = arith.index_cast %add3A_486 : i32 to index
      %get3A_521 = arith.constant 32 : index
      %get3A_522 = tpu.vector_load %arg12[%get3A_520, %get3A_521] {strides = array<i32>} : memref<256x64xf32, #tpu.memory_space<vmem>>, vector<1x16xf32>,
      %get3A_523 = vector.shape_cast %get3A_522 : vector<1x16xf32> to vector<16xf32>
      %get3A_524 = arith.index_cast %add3A_486 : i32 to index
      %get3A_525 = arith.constant 32 : index
      %get3A_526 = tpu.vector_load %arg13[%get3A_524, %get3A_525] {strides = array<i32>} : memref<256x64xf32, #tpu.memory_space<vmem>>, vector<1x16xf32>,
      %get3A_527 = vector.shape_cast %get3A_526 : vector<1x16xf32> to vector<16xf32>
      %mul3A_528 = arith.mulf %get3A_519, %get3A_523 : vector<16xf32>
      %sub3A_529 = arith.subf %mul3A_528, %get3A_527 : vector<16xf32>
      %add3A_530 = arith.addf %add3A_515, %sub3A_529 : vector<16xf32>
      %get3A_531 = arith.index_cast %add3A_486 : i32 to index
      %get3A_532 = arith.constant 48 : index
      %get3A_533 = tpu.vector_load %arg11[%get3A_531, %get3A_532] {strides = array<i32>} : memref<256x64xf32, #tpu.memory_space<vmem>>, vector<1x16xf32>,
      %get3A_534 = vector.shape_cast %get3A_533 : vector<1x16xf32> to vector<16xf32>
      %get3A_535 = arith.index_cast %add3A_486 : i32 to index
      %get3A_536 = arith.constant 48 : index
      %get3A_537 = tpu.vector_load %arg12[%get3A_535, %get3A_536] {strides = array<i32>} : memref<256x64xf32, #tpu.memory_space<vmem>>, vector<1x16xf32>,
      %get3A_538 = vector.shape_cast %get3A_537 : vector<1x16xf32> to vector<16xf32>
      %get3A_539 = arith.index_cast %add3A_486 : i32 to index
      %get3A_540 = arith.constant 48 : index
      %get3A_541 = tpu.vector_load %arg13[%get3A_539, %get3A_540] {strides = array<i32>} : memref<256x64xf32, #tpu.memory_space<vmem>>, vector<1x16xf32>,
      %get3A_542 = vector.shape_cast %get3A_541 : vector<1x16xf32> to vector<16xf32>
      %mul3A_543 = arith.mulf %get3A_534, %get3A_538 : vector<16xf32>
      %sub3A_544 = arith.subf %mul3A_543, %get3A_542 : vector<16xf32>
      %add3A_545 = arith.addf %add3A_530, %sub3A_544 : vector<16xf32>
      %mul3A_546 = arith.constant 16 : i32
      %mul3A_547 = arith.muli %scan3A_169, %mul3A_546 : i32
      %add3A_548 = arith.constant 6 : i32
      %add3A_549 = arith.addi %mul3A_547, %add3A_548 : i32
      %get3A_550 = arith.index_cast %add3A_549 : i32 to index
      %get3A_551 = arith.constant 0 : index
      %get3A_552 = tpu.vector_load %arg11[%get3A_550, %get3A_551] {strides = array<i32>} : memref<256x64xf32, #tpu.memory_space<vmem>>, vector<1x16xf32>,
      %get3A_553 = vector.shape_cast %get3A_552 : vector<1x16xf32> to vector<16xf32>
      %get3A_554 = arith.index_cast %add3A_549 : i32 to index
      %get3A_555 = arith.constant 0 : index
      %get3A_556 = tpu.vector_load %arg12[%get3A_554, %get3A_555] {strides = array<i32>} : memref<256x64xf32, #tpu.memory_space<vmem>>, vector<1x16xf32>,
      %get3A_557 = vector.shape_cast %get3A_556 : vector<1x16xf32> to vector<16xf32>
      %get3A_558 = arith.index_cast %add3A_549 : i32 to index
      %get3A_559 = arith.constant 0 : index
      %get3A_560 = tpu.vector_load %arg13[%get3A_558, %get3A_559] {strides = array<i32>} : memref<256x64xf32, #tpu.memory_space<vmem>>, vector<1x16xf32>,
      %get3A_561 = vector.shape_cast %get3A_560 : vector<1x16xf32> to vector<16xf32>
      %mul3A_562 = arith.mulf %get3A_553, %get3A_557 : vector<16xf32>
      %sub3A_563 = arith.subf %mul3A_562, %get3A_561 : vector<16xf32>
      %get3A_564 = arith.index_cast %add3A_549 : i32 to index
      %get3A_565 = arith.constant 16 : index
      %get3A_566 = tpu.vector_load %arg11[%get3A_564, %get3A_565] {strides = array<i32>} : memref<256x64xf32, #tpu.memory_space<vmem>>, vector<1x16xf32>,
      %get3A_567 = vector.shape_cast %get3A_566 : vector<1x16xf32> to vector<16xf32>
      %get3A_568 = arith.index_cast %add3A_549 : i32 to index
      %get3A_569 = arith.constant 16 : index
      %get3A_570 = tpu.vector_load %arg12[%get3A_568, %get3A_569] {strides = array<i32>} : memref<256x64xf32, #tpu.memory_space<vmem>>, vector<1x16xf32>,
      %get3A_571 = vector.shape_cast %get3A_570 : vector<1x16xf32> to vector<16xf32>
      %get3A_572 = arith.index_cast %add3A_549 : i32 to index
      %get3A_573 = arith.constant 16 : index
      %get3A_574 = tpu.vector_load %arg13[%get3A_572, %get3A_573] {strides = array<i32>} : memref<256x64xf32, #tpu.memory_space<vmem>>, vector<1x16xf32>,
      %get3A_575 = vector.shape_cast %get3A_574 : vector<1x16xf32> to vector<16xf32>
      %mul3A_576 = arith.mulf %get3A_567, %get3A_571 : vector<16xf32>
      %sub3A_577 = arith.subf %mul3A_576, %get3A_575 : vector<16xf32>
      %add3A_578 = arith.addf %sub3A_563, %sub3A_577 : vector<16xf32>
      %get3A_579 = arith.index_cast %add3A_549 : i32 to index
      %get3A_580 = arith.constant 32 : index
      %get3A_581 = tpu.vector_load %arg11[%get3A_579, %get3A_580] {strides = array<i32>} : memref<256x64xf32, #tpu.memory_space<vmem>>, vector<1x16xf32>,
      %get3A_582 = vector.shape_cast %get3A_581 : vector<1x16xf32> to vector<16xf32>
      %get3A_583 = arith.index_cast %add3A_549 : i32 to index
      %get3A_584 = arith.constant 32 : index
      %get3A_585 = tpu.vector_load %arg12[%get3A_583, %get3A_584] {strides = array<i32>} : memref<256x64xf32, #tpu.memory_space<vmem>>, vector<1x16xf32>,
      %get3A_586 = vector.shape_cast %get3A_585 : vector<1x16xf32> to vector<16xf32>
      %get3A_587 = arith.index_cast %add3A_549 : i32 to index
      %get3A_588 = arith.constant 32 : index
      %get3A_589 = tpu.vector_load %arg13[%get3A_587, %get3A_588] {strides = array<i32>} : memref<256x64xf32, #tpu.memory_space<vmem>>, vector<1x16xf32>,
      %get3A_590 = vector.shape_cast %get3A_589 : vector<1x16xf32> to vector<16xf32>
      %mul3A_591 = arith.mulf %get3A_582, %get3A_586 : vector<16xf32>
      %sub3A_592 = arith.subf %mul3A_591, %get3A_590 : vector<16xf32>
      %add3A_593 = arith.addf %add3A_578, %sub3A_592 : vector<16xf32>
      %get3A_594 = arith.index_cast %add3A_549 : i32 to index
      %get3A_595 = arith.constant 48 : index
      %get3A_596 = tpu.vector_load %arg11[%get3A_594, %get3A_595] {strides = array<i32>} : memref<256x64xf32, #tpu.memory_space<vmem>>, vector<1x16xf32>,
      %get3A_597 = vector.shape_cast %get3A_596 : vector<1x16xf32> to vector<16xf32>
      %get3A_598 = arith.index_cast %add3A_549 : i32 to index
      %get3A_599 = arith.constant 48 : index
      %get3A_600 = tpu.vector_load %arg12[%get3A_598, %get3A_599] {strides = array<i32>} : memref<256x64xf32, #tpu.memory_space<vmem>>, vector<1x16xf32>,
      %get3A_601 = vector.shape_cast %get3A_600 : vector<1x16xf32> to vector<16xf32>
      %get3A_602 = arith.index_cast %add3A_549 : i32 to index
      %get3A_603 = arith.constant 48 : index
      %get3A_604 = tpu.vector_load %arg13[%get3A_602, %get3A_603] {strides = array<i32>} : memref<256x64xf32, #tpu.memory_space<vmem>>, vector<1x16xf32>,
      %get3A_605 = vector.shape_cast %get3A_604 : vector<1x16xf32> to vector<16xf32>
      %mul3A_606 = arith.mulf %get3A_597, %get3A_601 : vector<16xf32>
      %sub3A_607 = arith.subf %mul3A_606, %get3A_605 : vector<16xf32>
      %add3A_608 = arith.addf %add3A_593, %sub3A_607 : vector<16xf32>
      %mul3A_609 = arith.constant 16 : i32
      %mul3A_610 = arith.muli %scan3A_169, %mul3A_609 : i32
      %add3A_611 = arith.constant 7 : i32
      %add3A_612 = arith.addi %mul3A_610, %add3A_611 : i32
      %get3A_613 = arith.index_cast %add3A_612 : i32 to index
      %get3A_614 = arith.constant 0 : index
      %get3A_615 = tpu.vector_load %arg11[%get3A_613, %get3A_614] {strides = array<i32>} : memref<256x64xf32, #tpu.memory_space<vmem>>, vector<1x16xf32>,
      %get3A_616 = vector.shape_cast %get3A_615 : vector<1x16xf32> to vector<16xf32>
      %get3A_617 = arith.index_cast %add3A_612 : i32 to index
      %get3A_618 = arith.constant 0 : index
      %get3A_619 = tpu.vector_load %arg12[%get3A_617, %get3A_618] {strides = array<i32>} : memref<256x64xf32, #tpu.memory_space<vmem>>, vector<1x16xf32>,
      %get3A_620 = vector.shape_cast %get3A_619 : vector<1x16xf32> to vector<16xf32>
      %get3A_621 = arith.index_cast %add3A_612 : i32 to index
      %get3A_622 = arith.constant 0 : index
      %get3A_623 = tpu.vector_load %arg13[%get3A_621, %get3A_622] {strides = array<i32>} : memref<256x64xf32, #tpu.memory_space<vmem>>, vector<1x16xf32>,
      %get3A_624 = vector.shape_cast %get3A_623 : vector<1x16xf32> to vector<16xf32>
      %mul3A_625 = arith.mulf %get3A_616, %get3A_620 : vector<16xf32>
      %sub3A_626 = arith.subf %mul3A_625, %get3A_624 : vector<16xf32>
      %get3A_627 = arith.index_cast %add3A_612 : i32 to index
      %get3A_628 = arith.constant 16 : index
      %get3A_629 = tpu.vector_load %arg11[%get3A_627, %get3A_628] {strides = array<i32>} : memref<256x64xf32, #tpu.memory_space<vmem>>, vector<1x16xf32>,
      %get3A_630 = vector.shape_cast %get3A_629 : vector<1x16xf32> to vector<16xf32>
      %get3A_631 = arith.index_cast %add3A_612 : i32 to index
      %get3A_632 = arith.constant 16 : index
      %get3A_633 = tpu.vector_load %arg12[%get3A_631, %get3A_632] {strides = array<i32>} : memref<256x64xf32, #tpu.memory_space<vmem>>, vector<1x16xf32>,
      %get3A_634 = vector.shape_cast %get3A_633 : vector<1x16xf32> to vector<16xf32>
      %get3A_635 = arith.index_cast %add3A_612 : i32 to index
      %get3A_636 = arith.constant 16 : index
      %get3A_637 = tpu.vector_load %arg13[%get3A_635, %get3A_636] {strides = array<i32>} : memref<256x64xf32, #tpu.memory_space<vmem>>, vector<1x16xf32>,
      %get3A_638 = vector.shape_cast %get3A_637 : vector<1x16xf32> to vector<16xf32>
      %mul3A_639 = arith.mulf %get3A_630, %get3A_634 : vector<16xf32>
      %sub3A_640 = arith.subf %mul3A_639, %get3A_638 : vector<16xf32>
      %add3A_641 = arith.addf %sub3A_626, %sub3A_640 : vector<16xf32>
      %get3A_642 = arith.index_cast %add3A_612 : i32 to index
      %get3A_643 = arith.constant 32 : index
      %get3A_644 = tpu.vector_load %arg11[%get3A_642, %get3A_643] {strides = array<i32>} : memref<256x64xf32, #tpu.memory_space<vmem>>, vector<1x16xf32>,
      %get3A_645 = vector.shape_cast %get3A_644 : vector<1x16xf32> to vector<16xf32>
      %get3A_646 = arith.index_cast %add3A_612 : i32 to index
      %get3A_647 = arith.constant 32 : index
      %get3A_648 = tpu.vector_load %arg12[%get3A_646, %get3A_647] {strides = array<i32>} : memref<256x64xf32, #tpu.memory_space<vmem>>, vector<1x16xf32>,
      %get3A_649 = vector.shape_cast %get3A_648 : vector<1x16xf32> to vector<16xf32>
      %get3A_650 = arith.index_cast %add3A_612 : i32 to index
      %get3A_651 = arith.constant 32 : index
      %get3A_652 = tpu.vector_load %arg13[%get3A_650, %get3A_651] {strides = array<i32>} : memref<256x64xf32, #tpu.memory_space<vmem>>, vector<1x16xf32>,
      %get3A_653 = vector.shape_cast %get3A_652 : vector<1x16xf32> to vector<16xf32>
      %mul3A_654 = arith.mulf %get3A_645, %get3A_649 : vector<16xf32>
      %sub3A_655 = arith.subf %mul3A_654, %get3A_653 : vector<16xf32>
      %add3A_656 = arith.addf %add3A_641, %sub3A_655 : vector<16xf32>
      %get3A_657 = arith.index_cast %add3A_612 : i32 to index
      %get3A_658 = arith.constant 48 : index
      %get3A_659 = tpu.vector_load %arg11[%get3A_657, %get3A_658] {strides = array<i32>} : memref<256x64xf32, #tpu.memory_space<vmem>>, vector<1x16xf32>,
      %get3A_660 = vector.shape_cast %get3A_659 : vector<1x16xf32> to vector<16xf32>
      %get3A_661 = arith.index_cast %add3A_612 : i32 to index
      %get3A_662 = arith.constant 48 : index
      %get3A_663 = tpu.vector_load %arg12[%get3A_661, %get3A_662] {strides = array<i32>} : memref<256x64xf32, #tpu.memory_space<vmem>>, vector<1x16xf32>,
      %get3A_664 = vector.shape_cast %get3A_663 : vector<1x16xf32> to vector<16xf32>
      %get3A_665 = arith.index_cast %add3A_612 : i32 to index
      %get3A_666 = arith.constant 48 : index
      %get3A_667 = tpu.vector_load %arg13[%get3A_665, %get3A_666] {strides = array<i32>} : memref<256x64xf32, #tpu.memory_space<vmem>>, vector<1x16xf32>,
      %get3A_668 = vector.shape_cast %get3A_667 : vector<1x16xf32> to vector<16xf32>
      %mul3A_669 = arith.mulf %get3A_660, %get3A_664 : vector<16xf32>
      %sub3A_670 = arith.subf %mul3A_669, %get3A_668 : vector<16xf32>
      %add3A_671 = arith.addf %add3A_656, %sub3A_670 : vector<16xf32>
      %mul3A_672 = arith.constant 16 : i32
      %mul3A_673 = arith.muli %scan3A_169, %mul3A_672 : i32
      %add3A_674 = arith.constant 8 : i32
      %add3A_675 = arith.addi %mul3A_673, %add3A_674 : i32
      %get3A_676 = arith.index_cast %add3A_675 : i32 to index
      %get3A_677 = arith.constant 0 : index
      %get3A_678 = tpu.vector_load %arg11[%get3A_676, %get3A_677] {strides = array<i32>} : memref<256x64xf32, #tpu.memory_space<vmem>>, vector<1x16xf32>,
      %get3A_679 = vector.shape_cast %get3A_678 : vector<1x16xf32> to vector<16xf32>
      %get3A_680 = arith.index_cast %add3A_675 : i32 to index
      %get3A_681 = arith.constant 0 : index
      %get3A_682 = tpu.vector_load %arg12[%get3A_680, %get3A_681] {strides = array<i32>} : memref<256x64xf32, #tpu.memory_space<vmem>>, vector<1x16xf32>,
      %get3A_683 = vector.shape_cast %get3A_682 : vector<1x16xf32> to vector<16xf32>
      %get3A_684 = arith.index_cast %add3A_675 : i32 to index
      %get3A_685 = arith.constant 0 : index
      %get3A_686 = tpu.vector_load %arg13[%get3A_684, %get3A_685] {strides = array<i32>} : memref<256x64xf32, #tpu.memory_space<vmem>>, vector<1x16xf32>,
      %get3A_687 = vector.shape_cast %get3A_686 : vector<1x16xf32> to vector<16xf32>
      %mul3A_688 = arith.mulf %get3A_679, %get3A_683 : vector<16xf32>
      %sub3A_689 = arith.subf %mul3A_688, %get3A_687 : vector<16xf32>
      %get3A_690 = arith.index_cast %add3A_675 : i32 to index
      %get3A_691 = arith.constant 16 : index
      %get3A_692 = tpu.vector_load %arg11[%get3A_690, %get3A_691] {strides = array<i32>} : memref<256x64xf32, #tpu.memory_space<vmem>>, vector<1x16xf32>,
      %get3A_693 = vector.shape_cast %get3A_692 : vector<1x16xf32> to vector<16xf32>
      %get3A_694 = arith.index_cast %add3A_675 : i32 to index
      %get3A_695 = arith.constant 16 : index
      %get3A_696 = tpu.vector_load %arg12[%get3A_694, %get3A_695] {strides = array<i32>} : memref<256x64xf32, #tpu.memory_space<vmem>>, vector<1x16xf32>,
      %get3A_697 = vector.shape_cast %get3A_696 : vector<1x16xf32> to vector<16xf32>
      %get3A_698 = arith.index_cast %add3A_675 : i32 to index
      %get3A_699 = arith.constant 16 : index
      %get3A_700 = tpu.vector_load %arg13[%get3A_698, %get3A_699] {strides = array<i32>} : memref<256x64xf32, #tpu.memory_space<vmem>>, vector<1x16xf32>,
      %get3A_701 = vector.shape_cast %get3A_700 : vector<1x16xf32> to vector<16xf32>
      %mul3A_702 = arith.mulf %get3A_693, %get3A_697 : vector<16xf32>
      %sub3A_703 = arith.subf %mul3A_702, %get3A_701 : vector<16xf32>
      %add3A_704 = arith.addf %sub3A_689, %sub3A_703 : vector<16xf32>
      %get3A_705 = arith.index_cast %add3A_675 : i32 to index
      %get3A_706 = arith.constant 32 : index
      %get3A_707 = tpu.vector_load %arg11[%get3A_705, %get3A_706] {strides = array<i32>} : memref<256x64xf32, #tpu.memory_space<vmem>>, vector<1x16xf32>,
      %get3A_708 = vector.shape_cast %get3A_707 : vector<1x16xf32> to vector<16xf32>
      %get3A_709 = arith.index_cast %add3A_675 : i32 to index
      %get3A_710 = arith.constant 32 : index
      %get3A_711 = tpu.vector_load %arg12[%get3A_709, %get3A_710] {strides = array<i32>} : memref<256x64xf32, #tpu.memory_space<vmem>>, vector<1x16xf32>,
      %get3A_712 = vector.shape_cast %get3A_711 : vector<1x16xf32> to vector<16xf32>
      %get3A_713 = arith.index_cast %add3A_675 : i32 to index
      %get3A_714 = arith.constant 32 : index
      %get3A_715 = tpu.vector_load %arg13[%get3A_713, %get3A_714] {strides = array<i32>} : memref<256x64xf32, #tpu.memory_space<vmem>>, vector<1x16xf32>,
      %get3A_716 = vector.shape_cast %get3A_715 : vector<1x16xf32> to vector<16xf32>
      %mul3A_717 = arith.mulf %get3A_708, %get3A_712 : vector<16xf32>
      %sub3A_718 = arith.subf %mul3A_717, %get3A_716 : vector<16xf32>
      %add3A_719 = arith.addf %add3A_704, %sub3A_718 : vector<16xf32>
      %get3A_720 = arith.index_cast %add3A_675 : i32 to index
      %get3A_721 = arith.constant 48 : index
      %get3A_722 = tpu.vector_load %arg11[%get3A_720, %get3A_721] {strides = array<i32>} : memref<256x64xf32, #tpu.memory_space<vmem>>, vector<1x16xf32>,
      %get3A_723 = vector.shape_cast %get3A_722 : vector<1x16xf32> to vector<16xf32>
      %get3A_724 = arith.index_cast %add3A_675 : i32 to index
      %get3A_725 = arith.constant 48 : index
      %get3A_726 = tpu.vector_load %arg12[%get3A_724, %get3A_725] {strides = array<i32>} : memref<256x64xf32, #tpu.memory_space<vmem>>, vector<1x16xf32>,
      %get3A_727 = vector.shape_cast %get3A_726 : vector<1x16xf32> to vector<16xf32>
      %get3A_728 = arith.index_cast %add3A_675 : i32 to index
      %get3A_729 = arith.constant 48 : index
      %get3A_730 = tpu.vector_load %arg13[%get3A_728, %get3A_729] {strides = array<i32>} : memref<256x64xf32, #tpu.memory_space<vmem>>, vector<1x16xf32>,
      %get3A_731 = vector.shape_cast %get3A_730 : vector<1x16xf32> to vector<16xf32>
      %mul3A_732 = arith.mulf %get3A_723, %get3A_727 : vector<16xf32>
      %sub3A_733 = arith.subf %mul3A_732, %get3A_731 : vector<16xf32>
      %add3A_734 = arith.addf %add3A_719, %sub3A_733 : vector<16xf32>
      %mul3A_735 = arith.constant 16 : i32
      %mul3A_736 = arith.muli %scan3A_169, %mul3A_735 : i32
      %add3A_737 = arith.constant 9 : i32
      %add3A_738 = arith.addi %mul3A_736, %add3A_737 : i32
      %get3A_739 = arith.index_cast %add3A_738 : i32 to index
      %get3A_740 = arith.constant 0 : index
      %get3A_741 = tpu.vector_load %arg11[%get3A_739, %get3A_740] {strides = array<i32>} : memref<256x64xf32, #tpu.memory_space<vmem>>, vector<1x16xf32>,
      %get3A_742 = vector.shape_cast %get3A_741 : vector<1x16xf32> to vector<16xf32>
      %get3A_743 = arith.index_cast %add3A_738 : i32 to index
      %get3A_744 = arith.constant 0 : index
      %get3A_745 = tpu.vector_load %arg12[%get3A_743, %get3A_744] {strides = array<i32>} : memref<256x64xf32, #tpu.memory_space<vmem>>, vector<1x16xf32>,
      %get3A_746 = vector.shape_cast %get3A_745 : vector<1x16xf32> to vector<16xf32>
      %get3A_747 = arith.index_cast %add3A_738 : i32 to index
      %get3A_748 = arith.constant 0 : index
      %get3A_749 = tpu.vector_load %arg13[%get3A_747, %get3A_748] {strides = array<i32>} : memref<256x64xf32, #tpu.memory_space<vmem>>, vector<1x16xf32>,
      %get3A_750 = vector.shape_cast %get3A_749 : vector<1x16xf32> to vector<16xf32>
      %mul3A_751 = arith.mulf %get3A_742, %get3A_746 : vector<16xf32>
      %sub3A_752 = arith.subf %mul3A_751, %get3A_750 : vector<16xf32>
      %get3A_753 = arith.index_cast %add3A_738 : i32 to index
      %get3A_754 = arith.constant 16 : index
      %get3A_755 = tpu.vector_load %arg11[%get3A_753, %get3A_754] {strides = array<i32>} : memref<256x64xf32, #tpu.memory_space<vmem>>, vector<1x16xf32>,
      %get3A_756 = vector.shape_cast %get3A_755 : vector<1x16xf32> to vector<16xf32>
      %get3A_757 = arith.index_cast %add3A_738 : i32 to index
      %get3A_758 = arith.constant 16 : index
      %get3A_759 = tpu.vector_load %arg12[%get3A_757, %get3A_758] {strides = array<i32>} : memref<256x64xf32, #tpu.memory_space<vmem>>, vector<1x16xf32>,
      %get3A_760 = vector.shape_cast %get3A_759 : vector<1x16xf32> to vector<16xf32>
      %get3A_761 = arith.index_cast %add3A_738 : i32 to index
      %get3A_762 = arith.constant 16 : index
      %get3A_763 = tpu.vector_load %arg13[%get3A_761, %get3A_762] {strides = array<i32>} : memref<256x64xf32, #tpu.memory_space<vmem>>, vector<1x16xf32>,
      %get3A_764 = vector.shape_cast %get3A_763 : vector<1x16xf32> to vector<16xf32>
      %mul3A_765 = arith.mulf %get3A_756, %get3A_760 : vector<16xf32>
      %sub3A_766 = arith.subf %mul3A_765, %get3A_764 : vector<16xf32>
      %add3A_767 = arith.addf %sub3A_752, %sub3A_766 : vector<16xf32>
      %get3A_768 = arith.index_cast %add3A_738 : i32 to index
      %get3A_769 = arith.constant 32 : index
      %get3A_770 = tpu.vector_load %arg11[%get3A_768, %get3A_769] {strides = array<i32>} : memref<256x64xf32, #tpu.memory_space<vmem>>, vector<1x16xf32>,
      %get3A_771 = vector.shape_cast %get3A_770 : vector<1x16xf32> to vector<16xf32>
      %get3A_772 = arith.index_cast %add3A_738 : i32 to index
      %get3A_773 = arith.constant 32 : index
      %get3A_774 = tpu.vector_load %arg12[%get3A_772, %get3A_773] {strides = array<i32>} : memref<256x64xf32, #tpu.memory_space<vmem>>, vector<1x16xf32>,
      %get3A_775 = vector.shape_cast %get3A_774 : vector<1x16xf32> to vector<16xf32>
      %get3A_776 = arith.index_cast %add3A_738 : i32 to index
      %get3A_777 = arith.constant 32 : index
      %get3A_778 = tpu.vector_load %arg13[%get3A_776, %get3A_777] {strides = array<i32>} : memref<256x64xf32, #tpu.memory_space<vmem>>, vector<1x16xf32>,
      %get3A_779 = vector.shape_cast %get3A_778 : vector<1x16xf32> to vector<16xf32>
      %mul3A_780 = arith.mulf %get3A_771, %get3A_775 : vector<16xf32>
      %sub3A_781 = arith.subf %mul3A_780, %get3A_779 : vector<16xf32>
      %add3A_782 = arith.addf %add3A_767, %sub3A_781 : vector<16xf32>
      %get3A_783 = arith.index_cast %add3A_738 : i32 to index
      %get3A_784 = arith.constant 48 : index
      %get3A_785 = tpu.vector_load %arg11[%get3A_783, %get3A_784] {strides = array<i32>} : memref<256x64xf32, #tpu.memory_space<vmem>>, vector<1x16xf32>,
      %get3A_786 = vector.shape_cast %get3A_785 : vector<1x16xf32> to vector<16xf32>
      %get3A_787 = arith.index_cast %add3A_738 : i32 to index
      %get3A_788 = arith.constant 48 : index
      %get3A_789 = tpu.vector_load %arg12[%get3A_787, %get3A_788] {strides = array<i32>} : memref<256x64xf32, #tpu.memory_space<vmem>>, vector<1x16xf32>,
      %get3A_790 = vector.shape_cast %get3A_789 : vector<1x16xf32> to vector<16xf32>
      %get3A_791 = arith.index_cast %add3A_738 : i32 to index
      %get3A_792 = arith.constant 48 : index
      %get3A_793 = tpu.vector_load %arg13[%get3A_791, %get3A_792] {strides = array<i32>} : memref<256x64xf32, #tpu.memory_space<vmem>>, vector<1x16xf32>,
      %get3A_794 = vector.shape_cast %get3A_793 : vector<1x16xf32> to vector<16xf32>
      %mul3A_795 = arith.mulf %get3A_786, %get3A_790 : vector<16xf32>
      %sub3A_796 = arith.subf %mul3A_795, %get3A_794 : vector<16xf32>
      %add3A_797 = arith.addf %add3A_782, %sub3A_796 : vector<16xf32>
      %mul3A_798 = arith.constant 16 : i32
      %mul3A_799 = arith.muli %scan3A_169, %mul3A_798 : i32
      %add3A_800 = arith.constant 10 : i32
      %add3A_801 = arith.addi %mul3A_799, %add3A_800 : i32
      %get3A_802 = arith.index_cast %add3A_801 : i32 to index
      %get3A_803 = arith.constant 0 : index
      %get3A_804 = tpu.vector_load %arg11[%get3A_802, %get3A_803] {strides = array<i32>} : memref<256x64xf32, #tpu.memory_space<vmem>>, vector<1x16xf32>,
      %get3A_805 = vector.shape_cast %get3A_804 : vector<1x16xf32> to vector<16xf32>
      %get3A_806 = arith.index_cast %add3A_801 : i32 to index
      %get3A_807 = arith.constant 0 : index
      %get3A_808 = tpu.vector_load %arg12[%get3A_806, %get3A_807] {strides = array<i32>} : memref<256x64xf32, #tpu.memory_space<vmem>>, vector<1x16xf32>,
      %get3A_809 = vector.shape_cast %get3A_808 : vector<1x16xf32> to vector<16xf32>
      %get3A_810 = arith.index_cast %add3A_801 : i32 to index
      %get3A_811 = arith.constant 0 : index
      %get3A_812 = tpu.vector_load %arg13[%get3A_810, %get3A_811] {strides = array<i32>} : memref<256x64xf32, #tpu.memory_space<vmem>>, vector<1x16xf32>,
      %get3A_813 = vector.shape_cast %get3A_812 : vector<1x16xf32> to vector<16xf32>
      %mul3A_814 = arith.mulf %get3A_805, %get3A_809 : vector<16xf32>
      %sub3A_815 = arith.subf %mul3A_814, %get3A_813 : vector<16xf32>
      %get3A_816 = arith.index_cast %add3A_801 : i32 to index
      %get3A_817 = arith.constant 16 : index
      %get3A_818 = tpu.vector_load %arg11[%get3A_816, %get3A_817] {strides = array<i32>} : memref<256x64xf32, #tpu.memory_space<vmem>>, vector<1x16xf32>,
      %get3A_819 = vector.shape_cast %get3A_818 : vector<1x16xf32> to vector<16xf32>
      %get3A_820 = arith.index_cast %add3A_801 : i32 to index
      %get3A_821 = arith.constant 16 : index
      %get3A_822 = tpu.vector_load %arg12[%get3A_820, %get3A_821] {strides = array<i32>} : memref<256x64xf32, #tpu.memory_space<vmem>>, vector<1x16xf32>,
      %get3A_823 = vector.shape_cast %get3A_822 : vector<1x16xf32> to vector<16xf32>
      %get3A_824 = arith.index_cast %add3A_801 : i32 to index
      %get3A_825 = arith.constant 16 : index
      %get3A_826 = tpu.vector_load %arg13[%get3A_824, %get3A_825] {strides = array<i32>} : memref<256x64xf32, #tpu.memory_space<vmem>>, vector<1x16xf32>,
      %get3A_827 = vector.shape_cast %get3A_826 : vector<1x16xf32> to vector<16xf32>
      %mul3A_828 = arith.mulf %get3A_819, %get3A_823 : vector<16xf32>
      %sub3A_829 = arith.subf %mul3A_828, %get3A_827 : vector<16xf32>
      %add3A_830 = arith.addf %sub3A_815, %sub3A_829 : vector<16xf32>
      %get3A_831 = arith.index_cast %add3A_801 : i32 to index
      %get3A_832 = arith.constant 32 : index
      %get3A_833 = tpu.vector_load %arg11[%get3A_831, %get3A_832] {strides = array<i32>} : memref<256x64xf32, #tpu.memory_space<vmem>>, vector<1x16xf32>,
      %get3A_834 = vector.shape_cast %get3A_833 : vector<1x16xf32> to vector<16xf32>
      %get3A_835 = arith.index_cast %add3A_801 : i32 to index
      %get3A_836 = arith.constant 32 : index
      %get3A_837 = tpu.vector_load %arg12[%get3A_835, %get3A_836] {strides = array<i32>} : memref<256x64xf32, #tpu.memory_space<vmem>>, vector<1x16xf32>,
      %get3A_838 = vector.shape_cast %get3A_837 : vector<1x16xf32> to vector<16xf32>
      %get3A_839 = arith.index_cast %add3A_801 : i32 to index
      %get3A_840 = arith.constant 32 : index
      %get3A_841 = tpu.vector_load %arg13[%get3A_839, %get3A_840] {strides = array<i32>} : memref<256x64xf32, #tpu.memory_space<vmem>>, vector<1x16xf32>,
      %get3A_842 = vector.shape_cast %get3A_841 : vector<1x16xf32> to vector<16xf32>
      %mul3A_843 = arith.mulf %get3A_834, %get3A_838 : vector<16xf32>
      %sub3A_844 = arith.subf %mul3A_843, %get3A_842 : vector<16xf32>
      %add3A_845 = arith.addf %add3A_830, %sub3A_844 : vector<16xf32>
      %get3A_846 = arith.index_cast %add3A_801 : i32 to index
      %get3A_847 = arith.constant 48 : index
      %get3A_848 = tpu.vector_load %arg11[%get3A_846, %get3A_847] {strides = array<i32>} : memref<256x64xf32, #tpu.memory_space<vmem>>, vector<1x16xf32>,
      %get3A_849 = vector.shape_cast %get3A_848 : vector<1x16xf32> to vector<16xf32>
      %get3A_850 = arith.index_cast %add3A_801 : i32 to index
      %get3A_851 = arith.constant 48 : index
      %get3A_852 = tpu.vector_load %arg12[%get3A_850, %get3A_851] {strides = array<i32>} : memref<256x64xf32, #tpu.memory_space<vmem>>, vector<1x16xf32>,
      %get3A_853 = vector.shape_cast %get3A_852 : vector<1x16xf32> to vector<16xf32>
      %get3A_854 = arith.index_cast %add3A_801 : i32 to index
      %get3A_855 = arith.constant 48 : index
      %get3A_856 = tpu.vector_load %arg13[%get3A_854, %get3A_855] {strides = array<i32>} : memref<256x64xf32, #tpu.memory_space<vmem>>, vector<1x16xf32>,
      %get3A_857 = vector.shape_cast %get3A_856 : vector<1x16xf32> to vector<16xf32>
      %mul3A_858 = arith.mulf %get3A_849, %get3A_853 : vector<16xf32>
      %sub3A_859 = arith.subf %mul3A_858, %get3A_857 : vector<16xf32>
      %add3A_860 = arith.addf %add3A_845, %sub3A_859 : vector<16xf32>
      %mul3A_861 = arith.constant 16 : i32
      %mul3A_862 = arith.muli %scan3A_169, %mul3A_861 : i32
      %add3A_863 = arith.constant 11 : i32
      %add3A_864 = arith.addi %mul3A_862, %add3A_863 : i32
      %get3A_865 = arith.index_cast %add3A_864 : i32 to index
      %get3A_866 = arith.constant 0 : index
      %get3A_867 = tpu.vector_load %arg11[%get3A_865, %get3A_866] {strides = array<i32>} : memref<256x64xf32, #tpu.memory_space<vmem>>, vector<1x16xf32>,
      %get3A_868 = vector.shape_cast %get3A_867 : vector<1x16xf32> to vector<16xf32>
      %get3A_869 = arith.index_cast %add3A_864 : i32 to index
      %get3A_870 = arith.constant 0 : index
      %get3A_871 = tpu.vector_load %arg12[%get3A_869, %get3A_870] {strides = array<i32>} : memref<256x64xf32, #tpu.memory_space<vmem>>, vector<1x16xf32>,
      %get3A_872 = vector.shape_cast %get3A_871 : vector<1x16xf32> to vector<16xf32>
      %get3A_873 = arith.index_cast %add3A_864 : i32 to index
      %get3A_874 = arith.constant 0 : index
      %get3A_875 = tpu.vector_load %arg13[%get3A_873, %get3A_874] {strides = array<i32>} : memref<256x64xf32, #tpu.memory_space<vmem>>, vector<1x16xf32>,
      %get3A_876 = vector.shape_cast %get3A_875 : vector<1x16xf32> to vector<16xf32>
      %mul3A_877 = arith.mulf %get3A_868, %get3A_872 : vector<16xf32>
      %sub3A_878 = arith.subf %mul3A_877, %get3A_876 : vector<16xf32>
      %get3A_879 = arith.index_cast %add3A_864 : i32 to index
      %get3A_880 = arith.constant 16 : index
      %get3A_881 = tpu.vector_load %arg11[%get3A_879, %get3A_880] {strides = array<i32>} : memref<256x64xf32, #tpu.memory_space<vmem>>, vector<1x16xf32>,
      %get3A_882 = vector.shape_cast %get3A_881 : vector<1x16xf32> to vector<16xf32>
      %get3A_883 = arith.index_cast %add3A_864 : i32 to index
      %get3A_884 = arith.constant 16 : index
      %get3A_885 = tpu.vector_load %arg12[%get3A_883, %get3A_884] {strides = array<i32>} : memref<256x64xf32, #tpu.memory_space<vmem>>, vector<1x16xf32>,
      %get3A_886 = vector.shape_cast %get3A_885 : vector<1x16xf32> to vector<16xf32>
      %get3A_887 = arith.index_cast %add3A_864 : i32 to index
      %get3A_888 = arith.constant 16 : index
      %get3A_889 = tpu.vector_load %arg13[%get3A_887, %get3A_888] {strides = array<i32>} : memref<256x64xf32, #tpu.memory_space<vmem>>, vector<1x16xf32>,
      %get3A_890 = vector.shape_cast %get3A_889 : vector<1x16xf32> to vector<16xf32>
      %mul3A_891 = arith.mulf %get3A_882, %get3A_886 : vector<16xf32>
      %sub3A_892 = arith.subf %mul3A_891, %get3A_890 : vector<16xf32>
      %add3A_893 = arith.addf %sub3A_878, %sub3A_892 : vector<16xf32>
      %get3A_894 = arith.index_cast %add3A_864 : i32 to index
      %get3A_895 = arith.constant 32 : index
      %get3A_896 = tpu.vector_load %arg11[%get3A_894, %get3A_895] {strides = array<i32>} : memref<256x64xf32, #tpu.memory_space<vmem>>, vector<1x16xf32>,
      %get3A_897 = vector.shape_cast %get3A_896 : vector<1x16xf32> to vector<16xf32>
      %get3A_898 = arith.index_cast %add3A_864 : i32 to index
      %get3A_899 = arith.constant 32 : index
      %get3A_900 = tpu.vector_load %arg12[%get3A_898, %get3A_899] {strides = array<i32>} : memref<256x64xf32, #tpu.memory_space<vmem>>, vector<1x16xf32>,
      %get3A_901 = vector.shape_cast %get3A_900 : vector<1x16xf32> to vector<16xf32>
      %get3A_902 = arith.index_cast %add3A_864 : i32 to index
      %get3A_903 = arith.constant 32 : index
      %get3A_904 = tpu.vector_load %arg13[%get3A_902, %get3A_903] {strides = array<i32>} : memref<256x64xf32, #tpu.memory_space<vmem>>, vector<1x16xf32>,
      %get3A_905 = vector.shape_cast %get3A_904 : vector<1x16xf32> to vector<16xf32>
      %mul3A_906 = arith.mulf %get3A_897, %get3A_901 : vector<16xf32>
      %sub3A_907 = arith.subf %mul3A_906, %get3A_905 : vector<16xf32>
      %add3A_908 = arith.addf %add3A_893, %sub3A_907 : vector<16xf32>
      %get3A_909 = arith.index_cast %add3A_864 : i32 to index
      %get3A_910 = arith.constant 48 : index
      %get3A_911 = tpu.vector_load %arg11[%get3A_909, %get3A_910] {strides = array<i32>} : memref<256x64xf32, #tpu.memory_space<vmem>>, vector<1x16xf32>,
      %get3A_912 = vector.shape_cast %get3A_911 : vector<1x16xf32> to vector<16xf32>
      %get3A_913 = arith.index_cast %add3A_864 : i32 to index
      %get3A_914 = arith.constant 48 : index
      %get3A_915 = tpu.vector_load %arg12[%get3A_913, %get3A_914] {strides = array<i32>} : memref<256x64xf32, #tpu.memory_space<vmem>>, vector<1x16xf32>,
      %get3A_916 = vector.shape_cast %get3A_915 : vector<1x16xf32> to vector<16xf32>
      %get3A_917 = arith.index_cast %add3A_864 : i32 to index
      %get3A_918 = arith.constant 48 : index
      %get3A_919 = tpu.vector_load %arg13[%get3A_917, %get3A_918] {strides = array<i32>} : memref<256x64xf32, #tpu.memory_space<vmem>>, vector<1x16xf32>,
      %get3A_920 = vector.shape_cast %get3A_919 : vector<1x16xf32> to vector<16xf32>
      %mul3A_921 = arith.mulf %get3A_912, %get3A_916 : vector<16xf32>
      %sub3A_922 = arith.subf %mul3A_921, %get3A_920 : vector<16xf32>
      %add3A_923 = arith.addf %add3A_908, %sub3A_922 : vector<16xf32>
      %mul3A_924 = arith.constant 16 : i32
      %mul3A_925 = arith.muli %scan3A_169, %mul3A_924 : i32
      %add3A_926 = arith.constant 12 : i32
      %add3A_927 = arith.addi %mul3A_925, %add3A_926 : i32
      %get3A_928 = arith.index_cast %add3A_927 : i32 to index
      %get3A_929 = arith.constant 0 : index
      %get3A_930 = tpu.vector_load %arg11[%get3A_928, %get3A_929] {strides = array<i32>} : memref<256x64xf32, #tpu.memory_space<vmem>>, vector<1x16xf32>,
      %get3A_931 = vector.shape_cast %get3A_930 : vector<1x16xf32> to vector<16xf32>
      %get3A_932 = arith.index_cast %add3A_927 : i32 to index
      %get3A_933 = arith.constant 0 : index
      %get3A_934 = tpu.vector_load %arg12[%get3A_932, %get3A_933] {strides = array<i32>} : memref<256x64xf32, #tpu.memory_space<vmem>>, vector<1x16xf32>,
      %get3A_935 = vector.shape_cast %get3A_934 : vector<1x16xf32> to vector<16xf32>
      %get3A_936 = arith.index_cast %add3A_927 : i32 to index
      %get3A_937 = arith.constant 0 : index
      %get3A_938 = tpu.vector_load %arg13[%get3A_936, %get3A_937] {strides = array<i32>} : memref<256x64xf32, #tpu.memory_space<vmem>>, vector<1x16xf32>,
      %get3A_939 = vector.shape_cast %get3A_938 : vector<1x16xf32> to vector<16xf32>
      %mul3A_940 = arith.mulf %get3A_931, %get3A_935 : vector<16xf32>
      %sub3A_941 = arith.subf %mul3A_940, %get3A_939 : vector<16xf32>
      %get3A_942 = arith.index_cast %add3A_927 : i32 to index
      %get3A_943 = arith.constant 16 : index
      %get3A_944 = tpu.vector_load %arg11[%get3A_942, %get3A_943] {strides = array<i32>} : memref<256x64xf32, #tpu.memory_space<vmem>>, vector<1x16xf32>,
      %get3A_945 = vector.shape_cast %get3A_944 : vector<1x16xf32> to vector<16xf32>
      %get3A_946 = arith.index_cast %add3A_927 : i32 to index
      %get3A_947 = arith.constant 16 : index
      %get3A_948 = tpu.vector_load %arg12[%get3A_946, %get3A_947] {strides = array<i32>} : memref<256x64xf32, #tpu.memory_space<vmem>>, vector<1x16xf32>,
      %get3A_949 = vector.shape_cast %get3A_948 : vector<1x16xf32> to vector<16xf32>
      %get3A_950 = arith.index_cast %add3A_927 : i32 to index
      %get3A_951 = arith.constant 16 : index
      %get3A_952 = tpu.vector_load %arg13[%get3A_950, %get3A_951] {strides = array<i32>} : memref<256x64xf32, #tpu.memory_space<vmem>>, vector<1x16xf32>,
      %get3A_953 = vector.shape_cast %get3A_952 : vector<1x16xf32> to vector<16xf32>
      %mul3A_954 = arith.mulf %get3A_945, %get3A_949 : vector<16xf32>
      %sub3A_955 = arith.subf %mul3A_954, %get3A_953 : vector<16xf32>
      %add3A_956 = arith.addf %sub3A_941, %sub3A_955 : vector<16xf32>
      %get3A_957 = arith.index_cast %add3A_927 : i32 to index
      %get3A_958 = arith.constant 32 : index
      %get3A_959 = tpu.vector_load %arg11[%get3A_957, %get3A_958] {strides = array<i32>} : memref<256x64xf32, #tpu.memory_space<vmem>>, vector<1x16xf32>,
      %get3A_960 = vector.shape_cast %get3A_959 : vector<1x16xf32> to vector<16xf32>
      %get3A_961 = arith.index_cast %add3A_927 : i32 to index
      %get3A_962 = arith.constant 32 : index
      %get3A_963 = tpu.vector_load %arg12[%get3A_961, %get3A_962] {strides = array<i32>} : memref<256x64xf32, #tpu.memory_space<vmem>>, vector<1x16xf32>,
      %get3A_964 = vector.shape_cast %get3A_963 : vector<1x16xf32> to vector<16xf32>
      %get3A_965 = arith.index_cast %add3A_927 : i32 to index
      %get3A_966 = arith.constant 32 : index
      %get3A_967 = tpu.vector_load %arg13[%get3A_965, %get3A_966] {strides = array<i32>} : memref<256x64xf32, #tpu.memory_space<vmem>>, vector<1x16xf32>,
      %get3A_968 = vector.shape_cast %get3A_967 : vector<1x16xf32> to vector<16xf32>
      %mul3A_969 = arith.mulf %get3A_960, %get3A_964 : vector<16xf32>
      %sub3A_970 = arith.subf %mul3A_969, %get3A_968 : vector<16xf32>
      %add3A_971 = arith.addf %add3A_956, %sub3A_970 : vector<16xf32>
      %get3A_972 = arith.index_cast %add3A_927 : i32 to index
      %get3A_973 = arith.constant 48 : index
      %get3A_974 = tpu.vector_load %arg11[%get3A_972, %get3A_973] {strides = array<i32>} : memref<256x64xf32, #tpu.memory_space<vmem>>, vector<1x16xf32>,
      %get3A_975 = vector.shape_cast %get3A_974 : vector<1x16xf32> to vector<16xf32>
      %get3A_976 = arith.index_cast %add3A_927 : i32 to index
      %get3A_977 = arith.constant 48 : index
      %get3A_978 = tpu.vector_load %arg12[%get3A_976, %get3A_977] {strides = array<i32>} : memref<256x64xf32, #tpu.memory_space<vmem>>, vector<1x16xf32>,
      %get3A_979 = vector.shape_cast %get3A_978 : vector<1x16xf32> to vector<16xf32>
      %get3A_980 = arith.index_cast %add3A_927 : i32 to index
      %get3A_981 = arith.constant 48 : index
      %get3A_982 = tpu.vector_load %arg13[%get3A_980, %get3A_981] {strides = array<i32>} : memref<256x64xf32, #tpu.memory_space<vmem>>, vector<1x16xf32>,
      %get3A_983 = vector.shape_cast %get3A_982 : vector<1x16xf32> to vector<16xf32>
      %mul3A_984 = arith.mulf %get3A_975, %get3A_979 : vector<16xf32>
      %sub3A_985 = arith.subf %mul3A_984, %get3A_983 : vector<16xf32>
      %add3A_986 = arith.addf %add3A_971, %sub3A_985 : vector<16xf32>
      %mul3A_987 = arith.constant 16 : i32
      %mul3A_988 = arith.muli %scan3A_169, %mul3A_987 : i32
      %add3A_989 = arith.constant 13 : i32
      %add3A_990 = arith.addi %mul3A_988, %add3A_989 : i32
      %get3A_991 = arith.index_cast %add3A_990 : i32 to index
      %get3A_992 = arith.constant 0 : index
      %get3A_993 = tpu.vector_load %arg11[%get3A_991, %get3A_992] {strides = array<i32>} : memref<256x64xf32, #tpu.memory_space<vmem>>, vector<1x16xf32>,
      %get3A_994 = vector.shape_cast %get3A_993 : vector<1x16xf32> to vector<16xf32>
      %get3A_995 = arith.index_cast %add3A_990 : i32 to index
      %get3A_996 = arith.constant 0 : index
      %get3A_997 = tpu.vector_load %arg12[%get3A_995, %get3A_996] {strides = array<i32>} : memref<256x64xf32, #tpu.memory_space<vmem>>, vector<1x16xf32>,
      %get3A_998 = vector.shape_cast %get3A_997 : vector<1x16xf32> to vector<16xf32>
      %get3A_999 = arith.index_cast %add3A_990 : i32 to index
      %get3A_1000 = arith.constant 0 : index
      %get3A_1001 = tpu.vector_load %arg13[%get3A_999, %get3A_1000] {strides = array<i32>} : memref<256x64xf32, #tpu.memory_space<vmem>>, vector<1x16xf32>,
      %get3A_1002 = vector.shape_cast %get3A_1001 : vector<1x16xf32> to vector<16xf32>
      %mul3A_1003 = arith.mulf %get3A_994, %get3A_998 : vector<16xf32>
      %sub3A_1004 = arith.subf %mul3A_1003, %get3A_1002 : vector<16xf32>
      %get3A_1005 = arith.index_cast %add3A_990 : i32 to index
      %get3A_1006 = arith.constant 16 : index
      %get3A_1007 = tpu.vector_load %arg11[%get3A_1005, %get3A_1006] {strides = array<i32>} : memref<256x64xf32, #tpu.memory_space<vmem>>, vector<1x16xf32>,
      %get3A_1008 = vector.shape_cast %get3A_1007 : vector<1x16xf32> to vector<16xf32>
      %get3A_1009 = arith.index_cast %add3A_990 : i32 to index
      %get3A_1010 = arith.constant 16 : index
      %get3A_1011 = tpu.vector_load %arg12[%get3A_1009, %get3A_1010] {strides = array<i32>} : memref<256x64xf32, #tpu.memory_space<vmem>>, vector<1x16xf32>,
      %get3A_1012 = vector.shape_cast %get3A_1011 : vector<1x16xf32> to vector<16xf32>
      %get3A_1013 = arith.index_cast %add3A_990 : i32 to index
      %get3A_1014 = arith.constant 16 : index
      %get3A_1015 = tpu.vector_load %arg13[%get3A_1013, %get3A_1014] {strides = array<i32>} : memref<256x64xf32, #tpu.memory_space<vmem>>, vector<1x16xf32>,
      %get3A_1016 = vector.shape_cast %get3A_1015 : vector<1x16xf32> to vector<16xf32>
      %mul3A_1017 = arith.mulf %get3A_1008, %get3A_1012 : vector<16xf32>
      %sub3A_1018 = arith.subf %mul3A_1017, %get3A_1016 : vector<16xf32>
      %add3A_1019 = arith.addf %sub3A_1004, %sub3A_1018 : vector<16xf32>
      %get3A_1020 = arith.index_cast %add3A_990 : i32 to index
      %get3A_1021 = arith.constant 32 : index
      %get3A_1022 = tpu.vector_load %arg11[%get3A_1020, %get3A_1021] {strides = array<i32>} : memref<256x64xf32, #tpu.memory_space<vmem>>, vector<1x16xf32>,
      %get3A_1023 = vector.shape_cast %get3A_1022 : vector<1x16xf32> to vector<16xf32>
      %get3A_1024 = arith.index_cast %add3A_990 : i32 to index
      %get3A_1025 = arith.constant 32 : index
      %get3A_1026 = tpu.vector_load %arg12[%get3A_1024, %get3A_1025] {strides = array<i32>} : memref<256x64xf32, #tpu.memory_space<vmem>>, vector<1x16xf32>,
      %get3A_1027 = vector.shape_cast %get3A_1026 : vector<1x16xf32> to vector<16xf32>
      %get3A_1028 = arith.index_cast %add3A_990 : i32 to index
      %get3A_1029 = arith.constant 32 : index
      %get3A_1030 = tpu.vector_load %arg13[%get3A_1028, %get3A_1029] {strides = array<i32>} : memref<256x64xf32, #tpu.memory_space<vmem>>, vector<1x16xf32>,
      %get3A_1031 = vector.shape_cast %get3A_1030 : vector<1x16xf32> to vector<16xf32>
      %mul3A_1032 = arith.mulf %get3A_1023, %get3A_1027 : vector<16xf32>
      %sub3A_1033 = arith.subf %mul3A_1032, %get3A_1031 : vector<16xf32>
      %add3A_1034 = arith.addf %add3A_1019, %sub3A_1033 : vector<16xf32>
      %get3A_1035 = arith.index_cast %add3A_990 : i32 to index
      %get3A_1036 = arith.constant 48 : index
      %get3A_1037 = tpu.vector_load %arg11[%get3A_1035, %get3A_1036] {strides = array<i32>} : memref<256x64xf32, #tpu.memory_space<vmem>>, vector<1x16xf32>,
      %get3A_1038 = vector.shape_cast %get3A_1037 : vector<1x16xf32> to vector<16xf32>
      %get3A_1039 = arith.index_cast %add3A_990 : i32 to index
      %get3A_1040 = arith.constant 48 : index
      %get3A_1041 = tpu.vector_load %arg12[%get3A_1039, %get3A_1040] {strides = array<i32>} : memref<256x64xf32, #tpu.memory_space<vmem>>, vector<1x16xf32>,
      %get3A_1042 = vector.shape_cast %get3A_1041 : vector<1x16xf32> to vector<16xf32>
      %get3A_1043 = arith.index_cast %add3A_990 : i32 to index
      %get3A_1044 = arith.constant 48 : index
      %get3A_1045 = tpu.vector_load %arg13[%get3A_1043, %get3A_1044] {strides = array<i32>} : memref<256x64xf32, #tpu.memory_space<vmem>>, vector<1x16xf32>,
      %get3A_1046 = vector.shape_cast %get3A_1045 : vector<1x16xf32> to vector<16xf32>
      %mul3A_1047 = arith.mulf %get3A_1038, %get3A_1042 : vector<16xf32>
      %sub3A_1048 = arith.subf %mul3A_1047, %get3A_1046 : vector<16xf32>
      %add3A_1049 = arith.addf %add3A_1034, %sub3A_1048 : vector<16xf32>
      %mul3A_1050 = arith.constant 16 : i32
      %mul3A_1051 = arith.muli %scan3A_169, %mul3A_1050 : i32
      %add3A_1052 = arith.constant 14 : i32
      %add3A_1053 = arith.addi %mul3A_1051, %add3A_1052 : i32
      %get3A_1054 = arith.index_cast %add3A_1053 : i32 to index
      %get3A_1055 = arith.constant 0 : index
      %get3A_1056 = tpu.vector_load %arg11[%get3A_1054, %get3A_1055] {strides = array<i32>} : memref<256x64xf32, #tpu.memory_space<vmem>>, vector<1x16xf32>,
      %get3A_1057 = vector.shape_cast %get3A_1056 : vector<1x16xf32> to vector<16xf32>
      %get3A_1058 = arith.index_cast %add3A_1053 : i32 to index
      %get3A_1059 = arith.constant 0 : index
      %get3A_1060 = tpu.vector_load %arg12[%get3A_1058, %get3A_1059] {strides = array<i32>} : memref<256x64xf32, #tpu.memory_space<vmem>>, vector<1x16xf32>,
      %get3A_1061 = vector.shape_cast %get3A_1060 : vector<1x16xf32> to vector<16xf32>
      %get3A_1062 = arith.index_cast %add3A_1053 : i32 to index
      %get3A_1063 = arith.constant 0 : index
      %get3A_1064 = tpu.vector_load %arg13[%get3A_1062, %get3A_1063] {strides = array<i32>} : memref<256x64xf32, #tpu.memory_space<vmem>>, vector<1x16xf32>,
      %get3A_1065 = vector.shape_cast %get3A_1064 : vector<1x16xf32> to vector<16xf32>
      %mul3A_1066 = arith.mulf %get3A_1057, %get3A_1061 : vector<16xf32>
      %sub3A_1067 = arith.subf %mul3A_1066, %get3A_1065 : vector<16xf32>
      %get3A_1068 = arith.index_cast %add3A_1053 : i32 to index
      %get3A_1069 = arith.constant 16 : index
      %get3A_1070 = tpu.vector_load %arg11[%get3A_1068, %get3A_1069] {strides = array<i32>} : memref<256x64xf32, #tpu.memory_space<vmem>>, vector<1x16xf32>,
      %get3A_1071 = vector.shape_cast %get3A_1070 : vector<1x16xf32> to vector<16xf32>
      %get3A_1072 = arith.index_cast %add3A_1053 : i32 to index
      %get3A_1073 = arith.constant 16 : index
      %get3A_1074 = tpu.vector_load %arg12[%get3A_1072, %get3A_1073] {strides = array<i32>} : memref<256x64xf32, #tpu.memory_space<vmem>>, vector<1x16xf32>,
      %get3A_1075 = vector.shape_cast %get3A_1074 : vector<1x16xf32> to vector<16xf32>
      %get3A_1076 = arith.index_cast %add3A_1053 : i32 to index
      %get3A_1077 = arith.constant 16 : index
      %get3A_1078 = tpu.vector_load %arg13[%get3A_1076, %get3A_1077] {strides = array<i32>} : memref<256x64xf32, #tpu.memory_space<vmem>>, vector<1x16xf32>,
      %get3A_1079 = vector.shape_cast %get3A_1078 : vector<1x16xf32> to vector<16xf32>
      %mul3A_1080 = arith.mulf %get3A_1071, %get3A_1075 : vector<16xf32>
      %sub3A_1081 = arith.subf %mul3A_1080, %get3A_1079 : vector<16xf32>
      %add3A_1082 = arith.addf %sub3A_1067, %sub3A_1081 : vector<16xf32>
      %get3A_1083 = arith.index_cast %add3A_1053 : i32 to index
      %get3A_1084 = arith.constant 32 : index
      %get3A_1085 = tpu.vector_load %arg11[%get3A_1083, %get3A_1084] {strides = array<i32>} : memref<256x64xf32, #tpu.memory_space<vmem>>, vector<1x16xf32>,
      %get3A_1086 = vector.shape_cast %get3A_1085 : vector<1x16xf32> to vector<16xf32>
      %get3A_1087 = arith.index_cast %add3A_1053 : i32 to index
      %get3A_1088 = arith.constant 32 : index
      %get3A_1089 = tpu.vector_load %arg12[%get3A_1087, %get3A_1088] {strides = array<i32>} : memref<256x64xf32, #tpu.memory_space<vmem>>, vector<1x16xf32>,
      %get3A_1090 = vector.shape_cast %get3A_1089 : vector<1x16xf32> to vector<16xf32>
      %get3A_1091 = arith.index_cast %add3A_1053 : i32 to index
      %get3A_1092 = arith.constant 32 : index
      %get3A_1093 = tpu.vector_load %arg13[%get3A_1091, %get3A_1092] {strides = array<i32>} : memref<256x64xf32, #tpu.memory_space<vmem>>, vector<1x16xf32>,
      %get3A_1094 = vector.shape_cast %get3A_1093 : vector<1x16xf32> to vector<16xf32>
      %mul3A_1095 = arith.mulf %get3A_1086, %get3A_1090 : vector<16xf32>
      %sub3A_1096 = arith.subf %mul3A_1095, %get3A_1094 : vector<16xf32>
      %add3A_1097 = arith.addf %add3A_1082, %sub3A_1096 : vector<16xf32>
      %get3A_1098 = arith.index_cast %add3A_1053 : i32 to index
      %get3A_1099 = arith.constant 48 : index
      %get3A_1100 = tpu.vector_load %arg11[%get3A_1098, %get3A_1099] {strides = array<i32>} : memref<256x64xf32, #tpu.memory_space<vmem>>, vector<1x16xf32>,
      %get3A_1101 = vector.shape_cast %get3A_1100 : vector<1x16xf32> to vector<16xf32>
      %get3A_1102 = arith.index_cast %add3A_1053 : i32 to index
      %get3A_1103 = arith.constant 48 : index
      %get3A_1104 = tpu.vector_load %arg12[%get3A_1102, %get3A_1103] {strides = array<i32>} : memref<256x64xf32, #tpu.memory_space<vmem>>, vector<1x16xf32>,
      %get3A_1105 = vector.shape_cast %get3A_1104 : vector<1x16xf32> to vector<16xf32>
      %get3A_1106 = arith.index_cast %add3A_1053 : i32 to index
      %get3A_1107 = arith.constant 48 : index
      %get3A_1108 = tpu.vector_load %arg13[%get3A_1106, %get3A_1107] {strides = array<i32>} : memref<256x64xf32, #tpu.memory_space<vmem>>, vector<1x16xf32>,
      %get3A_1109 = vector.shape_cast %get3A_1108 : vector<1x16xf32> to vector<16xf32>
      %mul3A_1110 = arith.mulf %get3A_1101, %get3A_1105 : vector<16xf32>
      %sub3A_1111 = arith.subf %mul3A_1110, %get3A_1109 : vector<16xf32>
      %add3A_1112 = arith.addf %add3A_1097, %sub3A_1111 : vector<16xf32>
      %mul3A_1113 = arith.constant 16 : i32
      %mul3A_1114 = arith.muli %scan3A_169, %mul3A_1113 : i32
      %add3A_1115 = arith.constant 15 : i32
      %add3A_1116 = arith.addi %mul3A_1114, %add3A_1115 : i32
      %get3A_1117 = arith.index_cast %add3A_1116 : i32 to index
      %get3A_1118 = arith.constant 0 : index
      %get3A_1119 = tpu.vector_load %arg11[%get3A_1117, %get3A_1118] {strides = array<i32>} : memref<256x64xf32, #tpu.memory_space<vmem>>, vector<1x16xf32>,
      %get3A_1120 = vector.shape_cast %get3A_1119 : vector<1x16xf32> to vector<16xf32>
      %get3A_1121 = arith.index_cast %add3A_1116 : i32 to index
      %get3A_1122 = arith.constant 0 : index
      %get3A_1123 = tpu.vector_load %arg12[%get3A_1121, %get3A_1122] {strides = array<i32>} : memref<256x64xf32, #tpu.memory_space<vmem>>, vector<1x16xf32>,
      %get3A_1124 = vector.shape_cast %get3A_1123 : vector<1x16xf32> to vector<16xf32>
      %get3A_1125 = arith.index_cast %add3A_1116 : i32 to index
      %get3A_1126 = arith.constant 0 : index
      %get3A_1127 = tpu.vector_load %arg13[%get3A_1125, %get3A_1126] {strides = array<i32>} : memref<256x64xf32, #tpu.memory_space<vmem>>, vector<1x16xf32>,
      %get3A_1128 = vector.shape_cast %get3A_1127 : vector<1x16xf32> to vector<16xf32>
      %mul3A_1129 = arith.mulf %get3A_1120, %get3A_1124 : vector<16xf32>
      %sub3A_1130 = arith.subf %mul3A_1129, %get3A_1128 : vector<16xf32>
      %get3A_1131 = arith.index_cast %add3A_1116 : i32 to index
      %get3A_1132 = arith.constant 16 : index
      %get3A_1133 = tpu.vector_load %arg11[%get3A_1131, %get3A_1132] {strides = array<i32>} : memref<256x64xf32, #tpu.memory_space<vmem>>, vector<1x16xf32>,
      %get3A_1134 = vector.shape_cast %get3A_1133 : vector<1x16xf32> to vector<16xf32>
      %get3A_1135 = arith.index_cast %add3A_1116 : i32 to index
      %get3A_1136 = arith.constant 16 : index
      %get3A_1137 = tpu.vector_load %arg12[%get3A_1135, %get3A_1136] {strides = array<i32>} : memref<256x64xf32, #tpu.memory_space<vmem>>, vector<1x16xf32>,
      %get3A_1138 = vector.shape_cast %get3A_1137 : vector<1x16xf32> to vector<16xf32>
      %get3A_1139 = arith.index_cast %add3A_1116 : i32 to index
      %get3A_1140 = arith.constant 16 : index
      %get3A_1141 = tpu.vector_load %arg13[%get3A_1139, %get3A_1140] {strides = array<i32>} : memref<256x64xf32, #tpu.memory_space<vmem>>, vector<1x16xf32>,
      %get3A_1142 = vector.shape_cast %get3A_1141 : vector<1x16xf32> to vector<16xf32>
      %mul3A_1143 = arith.mulf %get3A_1134, %get3A_1138 : vector<16xf32>
      %sub3A_1144 = arith.subf %mul3A_1143, %get3A_1142 : vector<16xf32>
      %add3A_1145 = arith.addf %sub3A_1130, %sub3A_1144 : vector<16xf32>
      %get3A_1146 = arith.index_cast %add3A_1116 : i32 to index
      %get3A_1147 = arith.constant 32 : index
      %get3A_1148 = tpu.vector_load %arg11[%get3A_1146, %get3A_1147] {strides = array<i32>} : memref<256x64xf32, #tpu.memory_space<vmem>>, vector<1x16xf32>,
      %get3A_1149 = vector.shape_cast %get3A_1148 : vector<1x16xf32> to vector<16xf32>
      %get3A_1150 = arith.index_cast %add3A_1116 : i32 to index
      %get3A_1151 = arith.constant 32 : index
      %get3A_1152 = tpu.vector_load %arg12[%get3A_1150, %get3A_1151] {strides = array<i32>} : memref<256x64xf32, #tpu.memory_space<vmem>>, vector<1x16xf32>,
      %get3A_1153 = vector.shape_cast %get3A_1152 : vector<1x16xf32> to vector<16xf32>
      %get3A_1154 = arith.index_cast %add3A_1116 : i32 to index
      %get3A_1155 = arith.constant 32 : index
      %get3A_1156 = tpu.vector_load %arg13[%get3A_1154, %get3A_1155] {strides = array<i32>} : memref<256x64xf32, #tpu.memory_space<vmem>>, vector<1x16xf32>,
      %get3A_1157 = vector.shape_cast %get3A_1156 : vector<1x16xf32> to vector<16xf32>
      %mul3A_1158 = arith.mulf %get3A_1149, %get3A_1153 : vector<16xf32>
      %sub3A_1159 = arith.subf %mul3A_1158, %get3A_1157 : vector<16xf32>
      %add3A_1160 = arith.addf %add3A_1145, %sub3A_1159 : vector<16xf32>
      %get3A_1161 = arith.index_cast %add3A_1116 : i32 to index
      %get3A_1162 = arith.constant 48 : index
      %get3A_1163 = tpu.vector_load %arg11[%get3A_1161, %get3A_1162] {strides = array<i32>} : memref<256x64xf32, #tpu.memory_space<vmem>>, vector<1x16xf32>,
      %get3A_1164 = vector.shape_cast %get3A_1163 : vector<1x16xf32> to vector<16xf32>
      %get3A_1165 = arith.index_cast %add3A_1116 : i32 to index
      %get3A_1166 = arith.constant 48 : index
      %get3A_1167 = tpu.vector_load %arg12[%get3A_1165, %get3A_1166] {strides = array<i32>} : memref<256x64xf32, #tpu.memory_space<vmem>>, vector<1x16xf32>,
      %get3A_1168 = vector.shape_cast %get3A_1167 : vector<1x16xf32> to vector<16xf32>
      %get3A_1169 = arith.index_cast %add3A_1116 : i32 to index
      %get3A_1170 = arith.constant 48 : index
      %get3A_1171 = tpu.vector_load %arg13[%get3A_1169, %get3A_1170] {strides = array<i32>} : memref<256x64xf32, #tpu.memory_space<vmem>>, vector<1x16xf32>,
      %get3A_1172 = vector.shape_cast %get3A_1171 : vector<1x16xf32> to vector<16xf32>
      %mul3A_1173 = arith.mulf %get3A_1164, %get3A_1168 : vector<16xf32>
      %sub3A_1174 = arith.subf %mul3A_1173, %get3A_1172 : vector<16xf32>
      %add3A_1175 = arith.addf %add3A_1160, %sub3A_1174 : vector<16xf32>
      %and3A = arith.constant 1 : i32
      %and3A_1176 = vector.broadcast %and3A : i32 to vector<16xi32>
      %and3A_1177 = arith.andi %iota3A, %and3A_1176 : vector<16xi32>
      %ne3A = arith.constant 0 : i32
      %ne3A_1178 = vector.broadcast %ne3A : i32 to vector<16xi32>
      %ne3A_1179 = arith.cmpi ne, %and3A_1177, %ne3A_1178 : vector<16xi32>
      %xor3A = arith.constant 1 : i32
      %xor3A_1180 = vector.broadcast %xor3A : i32 to vector<16xi32>
      %xor3A_1181 = arith.xori %iota3A, %xor3A_1180 : vector<16xi32>
      %select_n3A = arith.select %ne3A_1179, %add3A_293, %add3A_230 : vector<16xi1>, vector<16xf32>
      %select_n3A_1182 = arith.select %ne3A_1179, %add3A_230, %add3A_293 : vector<16xi1>, vector<16xf32>
      %broadcast_in_dim3A = vector.shape_cast %xor3A_1181 : vector<16xi32> to vector<16x1xi32>
      %gather3A = vector.shape_cast %broadcast_in_dim3A : vector<16x1xi32> to vector<16xi32>
      %gather3A_1183 = tpu.dynamic_gather %select_n3A_1182[%gather3A] in [0] : vector<16xf32>, vector<16xi32> -> vector<16xf32>
      %add3A_1184 = arith.addf %select_n3A, %gather3A_1183 : vector<16xf32>
      %select_n3A_1185 = arith.select %ne3A_1179, %add3A_419, %add3A_356 : vector<16xi1>, vector<16xf32>
      %select_n3A_1186 = arith.select %ne3A_1179, %add3A_356, %add3A_419 : vector<16xi1>, vector<16xf32>
      %broadcast_in_dim3A_1187 = vector.shape_cast %xor3A_1181 : vector<16xi32> to vector<16x1xi32>
      %gather3A_1188 = vector.shape_cast %broadcast_in_dim3A_1187 : vector<16x1xi32> to vector<16xi32>
      %gather3A_1189 = tpu.dynamic_gather %select_n3A_1186[%gather3A_1188] in [0] : vector<16xf32>, vector<16xi32> -> vector<16xf32>
      %add3A_1190 = arith.addf %select_n3A_1185, %gather3A_1189 : vector<16xf32>
      %select_n3A_1191 = arith.select %ne3A_1179, %add3A_545, %add3A_482 : vector<16xi1>, vector<16xf32>
      %select_n3A_1192 = arith.select %ne3A_1179, %add3A_482, %add3A_545 : vector<16xi1>, vector<16xf32>
      %broadcast_in_dim3A_1193 = vector.shape_cast %xor3A_1181 : vector<16xi32> to vector<16x1xi32>
      %gather3A_1194 = vector.shape_cast %broadcast_in_dim3A_1193 : vector<16x1xi32> to vector<16xi32>
      %gather3A_1195 = tpu.dynamic_gather %select_n3A_1192[%gather3A_1194] in [0] : vector<16xf32>, vector<16xi32> -> vector<16xf32>
      %add3A_1196 = arith.addf %select_n3A_1191, %gather3A_1195 : vector<16xf32>
      %select_n3A_1197 = arith.select %ne3A_1179, %add3A_671, %add3A_608 : vector<16xi1>, vector<16xf32>
      %select_n3A_1198 = arith.select %ne3A_1179, %add3A_608, %add3A_671 : vector<16xi1>, vector<16xf32>
      %broadcast_in_dim3A_1199 = vector.shape_cast %xor3A_1181 : vector<16xi32> to vector<16x1xi32>
      %gather3A_1200 = vector.shape_cast %broadcast_in_dim3A_1199 : vector<16x1xi32> to vector<16xi32>
      %gather3A_1201 = tpu.dynamic_gather %select_n3A_1198[%gather3A_1200] in [0] : vector<16xf32>, vector<16xi32> -> vector<16xf32>
      %add3A_1202 = arith.addf %select_n3A_1197, %gather3A_1201 : vector<16xf32>
      %select_n3A_1203 = arith.select %ne3A_1179, %add3A_797, %add3A_734 : vector<16xi1>, vector<16xf32>
      %select_n3A_1204 = arith.select %ne3A_1179, %add3A_734, %add3A_797 : vector<16xi1>, vector<16xf32>
      %broadcast_in_dim3A_1205 = vector.shape_cast %xor3A_1181 : vector<16xi32> to vector<16x1xi32>
      %gather3A_1206 = vector.shape_cast %broadcast_in_dim3A_1205 : vector<16x1xi32> to vector<16xi32>
      %gather3A_1207 = tpu.dynamic_gather %select_n3A_1204[%gather3A_1206] in [0] : vector<16xf32>, vector<16xi32> -> vector<16xf32>
      %add3A_1208 = arith.addf %select_n3A_1203, %gather3A_1207 : vector<16xf32>
      %select_n3A_1209 = arith.select %ne3A_1179, %add3A_923, %add3A_860 : vector<16xi1>, vector<16xf32>
      %select_n3A_1210 = arith.select %ne3A_1179, %add3A_860, %add3A_923 : vector<16xi1>, vector<16xf32>
      %broadcast_in_dim3A_1211 = vector.shape_cast %xor3A_1181 : vector<16xi32> to vector<16x1xi32>
      %gather3A_1212 = vector.shape_cast %broadcast_in_dim3A_1211 : vector<16x1xi32> to vector<16xi32>
      %gather3A_1213 = tpu.dynamic_gather %select_n3A_1210[%gather3A_1212] in [0] : vector<16xf32>, vector<16xi32> -> vector<16xf32>
      %add3A_1214 = arith.addf %select_n3A_1209, %gather3A_1213 : vector<16xf32>
      %select_n3A_1215 = arith.select %ne3A_1179, %add3A_1049, %add3A_986 : vector<16xi1>, vector<16xf32>
      %select_n3A_1216 = arith.select %ne3A_1179, %add3A_986, %add3A_1049 : vector<16xi1>, vector<16xf32>
      %broadcast_in_dim3A_1217 = vector.shape_cast %xor3A_1181 : vector<16xi32> to vector<16x1xi32>
      %gather3A_1218 = vector.shape_cast %broadcast_in_dim3A_1217 : vector<16x1xi32> to vector<16xi32>
      %gather3A_1219 = tpu.dynamic_gather %select_n3A_1216[%gather3A_1218] in [0] : vector<16xf32>, vector<16xi32> -> vector<16xf32>
      %add3A_1220 = arith.addf %select_n3A_1215, %gather3A_1219 : vector<16xf32>
      %select_n3A_1221 = arith.select %ne3A_1179, %add3A_1175, %add3A_1112 : vector<16xi1>, vector<16xf32>
      %select_n3A_1222 = arith.select %ne3A_1179, %add3A_1112, %add3A_1175 : vector<16xi1>, vector<16xf32>
      %broadcast_in_dim3A_1223 = vector.shape_cast %xor3A_1181 : vector<16xi32> to vector<16x1xi32>
      %gather3A_1224 = vector.shape_cast %broadcast_in_dim3A_1223 : vector<16x1xi32> to vector<16xi32>
      %gather3A_1225 = tpu.dynamic_gather %select_n3A_1222[%gather3A_1224] in [0] : vector<16xf32>, vector<16xi32> -> vector<16xf32>
      %add3A_1226 = arith.addf %select_n3A_1221, %gather3A_1225 : vector<16xf32>
      %and3A_1227 = arith.constant 2 : i32
      %and3A_1228 = vector.broadcast %and3A_1227 : i32 to vector<16xi32>
      %and3A_1229 = arith.andi %iota3A, %and3A_1228 : vector<16xi32>
      %ne3A_1230 = arith.constant 0 : i32
      %ne3A_1231 = vector.broadcast %ne3A_1230 : i32 to vector<16xi32>
      %ne3A_1232 = arith.cmpi ne, %and3A_1229, %ne3A_1231 : vector<16xi32>
      %xor3A_1233 = arith.constant 2 : i32
      %xor3A_1234 = vector.broadcast %xor3A_1233 : i32 to vector<16xi32>
      %xor3A_1235 = arith.xori %iota3A, %xor3A_1234 : vector<16xi32>
      %select_n3A_1236 = arith.select %ne3A_1232, %add3A_1190, %add3A_1184 : vector<16xi1>, vector<16xf32>
      %select_n3A_1237 = arith.select %ne3A_1232, %add3A_1184, %add3A_1190 : vector<16xi1>, vector<16xf32>
      %broadcast_in_dim3A_1238 = vector.shape_cast %xor3A_1235 : vector<16xi32> to vector<16x1xi32>
      %gather3A_1239 = vector.shape_cast %broadcast_in_dim3A_1238 : vector<16x1xi32> to vector<16xi32>
      %gather3A_1240 = tpu.dynamic_gather %select_n3A_1237[%gather3A_1239] in [0] : vector<16xf32>, vector<16xi32> -> vector<16xf32>
      %add3A_1241 = arith.addf %select_n3A_1236, %gather3A_1240 : vector<16xf32>
      %select_n3A_1242 = arith.select %ne3A_1232, %add3A_1202, %add3A_1196 : vector<16xi1>, vector<16xf32>
      %select_n3A_1243 = arith.select %ne3A_1232, %add3A_1196, %add3A_1202 : vector<16xi1>, vector<16xf32>
      %broadcast_in_dim3A_1244 = vector.shape_cast %xor3A_1235 : vector<16xi32> to vector<16x1xi32>
      %gather3A_1245 = vector.shape_cast %broadcast_in_dim3A_1244 : vector<16x1xi32> to vector<16xi32>
      %gather3A_1246 = tpu.dynamic_gather %select_n3A_1243[%gather3A_1245] in [0] : vector<16xf32>, vector<16xi32> -> vector<16xf32>
      %add3A_1247 = arith.addf %select_n3A_1242, %gather3A_1246 : vector<16xf32>
      %select_n3A_1248 = arith.select %ne3A_1232, %add3A_1214, %add3A_1208 : vector<16xi1>, vector<16xf32>
      %select_n3A_1249 = arith.select %ne3A_1232, %add3A_1208, %add3A_1214 : vector<16xi1>, vector<16xf32>
      %broadcast_in_dim3A_1250 = vector.shape_cast %xor3A_1235 : vector<16xi32> to vector<16x1xi32>
      %gather3A_1251 = vector.shape_cast %broadcast_in_dim3A_1250 : vector<16x1xi32> to vector<16xi32>
      %gather3A_1252 = tpu.dynamic_gather %select_n3A_1249[%gather3A_1251] in [0] : vector<16xf32>, vector<16xi32> -> vector<16xf32>
      %add3A_1253 = arith.addf %select_n3A_1248, %gather3A_1252 : vector<16xf32>
      %select_n3A_1254 = arith.select %ne3A_1232, %add3A_1226, %add3A_1220 : vector<16xi1>, vector<16xf32>
      %select_n3A_1255 = arith.select %ne3A_1232, %add3A_1220, %add3A_1226 : vector<16xi1>, vector<16xf32>
      %broadcast_in_dim3A_1256 = vector.shape_cast %xor3A_1235 : vector<16xi32> to vector<16x1xi32>
      %gather3A_1257 = vector.shape_cast %broadcast_in_dim3A_1256 : vector<16x1xi32> to vector<16xi32>
      %gather3A_1258 = tpu.dynamic_gather %select_n3A_1255[%gather3A_1257] in [0] : vector<16xf32>, vector<16xi32> -> vector<16xf32>
      %add3A_1259 = arith.addf %select_n3A_1254, %gather3A_1258 : vector<16xf32>
      %and3A_1260 = arith.constant 4 : i32
      %and3A_1261 = vector.broadcast %and3A_1260 : i32 to vector<16xi32>
      %and3A_1262 = arith.andi %iota3A, %and3A_1261 : vector<16xi32>
      %ne3A_1263 = arith.constant 0 : i32
      %ne3A_1264 = vector.broadcast %ne3A_1263 : i32 to vector<16xi32>
      %ne3A_1265 = arith.cmpi ne, %and3A_1262, %ne3A_1264 : vector<16xi32>
      %xor3A_1266 = arith.constant 4 : i32
      %xor3A_1267 = vector.broadcast %xor3A_1266 : i32 to vector<16xi32>
      %xor3A_1268 = arith.xori %iota3A, %xor3A_1267 : vector<16xi32>
      %select_n3A_1269 = arith.select %ne3A_1265, %add3A_1247, %add3A_1241 : vector<16xi1>, vector<16xf32>
      %select_n3A_1270 = arith.select %ne3A_1265, %add3A_1241, %add3A_1247 : vector<16xi1>, vector<16xf32>
      %broadcast_in_dim3A_1271 = vector.shape_cast %xor3A_1268 : vector<16xi32> to vector<16x1xi32>
      %gather3A_1272 = vector.shape_cast %broadcast_in_dim3A_1271 : vector<16x1xi32> to vector<16xi32>
      %gather3A_1273 = tpu.dynamic_gather %select_n3A_1270[%gather3A_1272] in [0] : vector<16xf32>, vector<16xi32> -> vector<16xf32>
      %add3A_1274 = arith.addf %select_n3A_1269, %gather3A_1273 : vector<16xf32>
      %select_n3A_1275 = arith.select %ne3A_1265, %add3A_1259, %add3A_1253 : vector<16xi1>, vector<16xf32>
      %select_n3A_1276 = arith.select %ne3A_1265, %add3A_1253, %add3A_1259 : vector<16xi1>, vector<16xf32>
      %broadcast_in_dim3A_1277 = vector.shape_cast %xor3A_1268 : vector<16xi32> to vector<16x1xi32>
      %gather3A_1278 = vector.shape_cast %broadcast_in_dim3A_1277 : vector<16x1xi32> to vector<16xi32>
      %gather3A_1279 = tpu.dynamic_gather %select_n3A_1276[%gather3A_1278] in [0] : vector<16xf32>, vector<16xi32> -> vector<16xf32>
      %add3A_1280 = arith.addf %select_n3A_1275, %gather3A_1279 : vector<16xf32>
      %and3A_1281 = arith.constant 8 : i32
      %and3A_1282 = vector.broadcast %and3A_1281 : i32 to vector<16xi32>
      %and3A_1283 = arith.andi %iota3A, %and3A_1282 : vector<16xi32>
      %ne3A_1284 = arith.constant 0 : i32
      %ne3A_1285 = vector.broadcast %ne3A_1284 : i32 to vector<16xi32>
      %ne3A_1286 = arith.cmpi ne, %and3A_1283, %ne3A_1285 : vector<16xi32>
      %xor3A_1287 = arith.constant 8 : i32
      %xor3A_1288 = vector.broadcast %xor3A_1287 : i32 to vector<16xi32>
      %xor3A_1289 = arith.xori %iota3A, %xor3A_1288 : vector<16xi32>
      %select_n3A_1290 = arith.select %ne3A_1286, %add3A_1280, %add3A_1274 : vector<16xi1>, vector<16xf32>
      %select_n3A_1291 = arith.select %ne3A_1286, %add3A_1274, %add3A_1280 : vector<16xi1>, vector<16xf32>
      %broadcast_in_dim3A_1292 = vector.shape_cast %xor3A_1289 : vector<16xi32> to vector<16x1xi32>
      %gather3A_1293 = vector.shape_cast %broadcast_in_dim3A_1292 : vector<16x1xi32> to vector<16xi32>
      %gather3A_1294 = tpu.dynamic_gather %select_n3A_1291[%gather3A_1293] in [0] : vector<16xf32>, vector<16xi32> -> vector<16xf32>
      %add3A_1295 = arith.addf %select_n3A_1290, %gather3A_1294 : vector<16xf32>
      %mul3A_1296 = arith.constant 16 : i32
      %mul3A_1297 = arith.muli %scan3A_169, %mul3A_1296 : i32
      %add3A_1298 = arith.constant 0 : i32
      %add3A_1299 = arith.addi %add3A_1298, %mul3A_1297 : i32
      %swap3A = arith.index_cast %add3A_1299 : i32 to index
      %swap3A_1300 = tpu.vector_load %arg14[%swap3A] {strides = array<i32>} : memref<512xf32, #tpu.memory_space<vmem>>, vector<16xf32>,
      %swap3A_1301 = vector.shape_cast %swap3A_1300 : vector<16xf32> to vector<16xf32>
      %swap3A_1302 = vector.shape_cast %add3A_1295 : vector<16xf32> to vector<16xf32>
      tpu.vector_store %arg14[%swap3A], %swap3A_1302 {strides = array<i32>} : memref<512xf32, #tpu.memory_space<vmem>>, vector<16xf32>,
    }
    %scan3A_84 = arith.constant 16 : i32
    %scan3A_85 = arith.constant 0 : i32
    %scan3A_86 = arith.constant 0 : i32
    %scan3A_87 = arith.constant 16 : i32
    %scan3A_88 = arith.addi %scan3A_86, %scan3A_87 : i32
    %scan3A_89 = arith.constant 1 : i32
    scf.for %scan3A_169 = %scan3A_86 to %scan3A_88 step %scan3A_89  : i32 {
      %mul3A_170 = arith.constant 16 : i32
      %mul3A_171 = arith.muli %scan3A_169, %mul3A_170 : i32
      %add3A_172 = arith.constant 256 : i32
      %add3A_173 = arith.addi %add3A_172, %mul3A_171 : i32
      %get3A = arith.index_cast %add3A_173 : i32 to index
      %get3A_174 = tpu.vector_load %arg8[%get3A] {strides = array<i32>} : memref<512xi32, #tpu.memory_space<vmem>>, vector<16xi32>,
      %get3A_175 = vector.shape_cast %get3A_174 : vector<16xi32> to vector<16xi32>
      %mul3A_176 = arith.constant 16 : i32
      %mul3A_177 = arith.muli %scan3A_169, %mul3A_176 : i32
      %add3A_178 = arith.constant 256 : i32
      %add3A_179 = arith.addi %add3A_178, %mul3A_177 : i32
      %get3A_180 = arith.index_cast %add3A_179 : i32 to index
      %get3A_181 = tpu.vector_load %arg10[%get3A_180] {strides = array<i32>} : memref<512xi32, #tpu.memory_space<vmem>>, vector<16xi32>,
      %get3A_182 = vector.shape_cast %get3A_181 : vector<16xi32> to vector<16xi32>
      %mul3A_183 = arith.constant 16 : i32
      %mul3A_184 = arith.muli %scan3A_169, %mul3A_183 : i32
      %add3A_185 = arith.constant 256 : i32
      %add3A_186 = arith.addi %add3A_185, %mul3A_184 : i32
      %get3A_187 = arith.index_cast %add3A_186 : i32 to index
      %get3A_188 = tpu.vector_load %arg9[%get3A_187] {strides = array<i32>} : memref<512xi32, #tpu.memory_space<vmem>>, vector<16xi32>,
      %get3A_189 = vector.shape_cast %get3A_188 : vector<16xi32> to vector<16xi32>
      %mul3A_190 = arith.constant 16 : i32
      %mul3A_191 = arith.muli %scan3A_169, %mul3A_190 : i32
      %add3A_192 = arith.constant 0 : i32
      %add3A_193 = arith.addi %mul3A_191, %add3A_192 : i32
      %slice3A = vector.extract_strided_slice %get3A_175 {offsets = [0], sizes = [1], strides = [1]} : vector<16xi32> to vector<1xi32>
      %squeeze3A = vector.extract %slice3A[0] : i32 from vector<1xi32>
      %dma_start3A = arith.constant 0 : i32
      %dma_start3A_194 = tpu.memref_slice %arg11[%add3A_193, %dma_start3A] : memref<256x64xf32, #tpu.memory_space<vmem>> -> memref<1x64xf32, #tpu.memory_space<vmem>>
      %dma_start3A_195 = arith.constant 0 : i32
      %dma_start3A_196 = tpu.memref_slice %arg5[%squeeze3A, %dma_start3A_195] : memref<1000000x64xf32, #tpu.memory_space<hbm>> -> memref<1x64xf32, #tpu.memory_space<hbm>>
      %dma_start3A_197 = arith.constant 0 : i32
      %dma_start3A_198 = tpu.memref_slice %arg11[%add3A_193, %dma_start3A_197] : memref<256x64xf32, #tpu.memory_space<vmem>> -> memref<1x64xf32, #tpu.memory_space<vmem>>
      %dma_start3A_199 = arith.constant 0 : i32
      %dma_start3A_200 = tpu.memref_slice %arg5[%squeeze3A, %dma_start3A_199] : memref<1000000x64xf32, #tpu.memory_space<hbm>> -> memref<1x64xf32, #tpu.memory_space<hbm>>
      tpu.enqueue_dma source(%dma_start3A_200 : memref<1x64xf32, #tpu.memory_space<hbm>>) target(%dma_start3A_198 : memref<1x64xf32, #tpu.memory_space<vmem>>) target_semaphore(%arg15 : memref<!tpu.dma_semaphore, #tpu.memory_space<semaphore_mem>>)
      %slice3A_201 = vector.extract_strided_slice %get3A_182 {offsets = [0], sizes = [1], strides = [1]} : vector<16xi32> to vector<1xi32>
      %squeeze3A_202 = vector.extract %slice3A_201[0] : i32 from vector<1xi32>
      %dma_start3A_203 = arith.constant 0 : i32
      %dma_start3A_204 = tpu.memref_slice %arg13[%add3A_193, %dma_start3A_203] : memref<256x64xf32, #tpu.memory_space<vmem>> -> memref<1x64xf32, #tpu.memory_space<vmem>>
      %dma_start3A_205 = arith.constant 0 : i32
      %dma_start3A_206 = tpu.memref_slice %arg5[%squeeze3A_202, %dma_start3A_205] : memref<1000000x64xf32, #tpu.memory_space<hbm>> -> memref<1x64xf32, #tpu.memory_space<hbm>>
      %dma_start3A_207 = arith.constant 0 : i32
      %dma_start3A_208 = tpu.memref_slice %arg13[%add3A_193, %dma_start3A_207] : memref<256x64xf32, #tpu.memory_space<vmem>> -> memref<1x64xf32, #tpu.memory_space<vmem>>
      %dma_start3A_209 = arith.constant 0 : i32
      %dma_start3A_210 = tpu.memref_slice %arg5[%squeeze3A_202, %dma_start3A_209] : memref<1000000x64xf32, #tpu.memory_space<hbm>> -> memref<1x64xf32, #tpu.memory_space<hbm>>
      tpu.enqueue_dma source(%dma_start3A_210 : memref<1x64xf32, #tpu.memory_space<hbm>>) target(%dma_start3A_208 : memref<1x64xf32, #tpu.memory_space<vmem>>) target_semaphore(%arg16 : memref<!tpu.dma_semaphore, #tpu.memory_space<semaphore_mem>>)
      %slice3A_211 = vector.extract_strided_slice %get3A_189 {offsets = [0], sizes = [1], strides = [1]} : vector<16xi32> to vector<1xi32>
      %squeeze3A_212 = vector.extract %slice3A_211[0] : i32 from vector<1xi32>
      %dma_start3A_213 = arith.constant 0 : i32
      %dma_start3A_214 = tpu.memref_slice %arg12[%add3A_193, %dma_start3A_213] : memref<256x64xf32, #tpu.memory_space<vmem>> -> memref<1x64xf32, #tpu.memory_space<vmem>>
      %dma_start3A_215 = arith.constant 0 : i32
      %dma_start3A_216 = tpu.memref_slice %arg6[%squeeze3A_212, %dma_start3A_215] : memref<1000x64xf32, #tpu.memory_space<hbm>> -> memref<1x64xf32, #tpu.memory_space<hbm>>
      %dma_start3A_217 = arith.constant 0 : i32
      %dma_start3A_218 = tpu.memref_slice %arg12[%add3A_193, %dma_start3A_217] : memref<256x64xf32, #tpu.memory_space<vmem>> -> memref<1x64xf32, #tpu.memory_space<vmem>>
      %dma_start3A_219 = arith.constant 0 : i32
      %dma_start3A_220 = tpu.memref_slice %arg6[%squeeze3A_212, %dma_start3A_219] : memref<1000x64xf32, #tpu.memory_space<hbm>> -> memref<1x64xf32, #tpu.memory_space<hbm>>
      tpu.enqueue_dma source(%dma_start3A_220 : memref<1x64xf32, #tpu.memory_space<hbm>>) target(%dma_start3A_218 : memref<1x64xf32, #tpu.memory_space<vmem>>) target_semaphore(%arg15 : memref<!tpu.dma_semaphore, #tpu.memory_space<semaphore_mem>>)
      %mul3A_221 = arith.constant 16 : i32
      %mul3A_222 = arith.muli %scan3A_169, %mul3A_221 : i32
      %add3A_223 = arith.constant 1 : i32
      %add3A_224 = arith.addi %mul3A_222, %add3A_223 : i32
      %slice3A_225 = vector.extract_strided_slice %get3A_175 {offsets = [1], sizes = [1], strides = [1]} : vector<16xi32> to vector<1xi32>
      %squeeze3A_226 = vector.extract %slice3A_225[0] : i32 from vector<1xi32>
      %dma_start3A_227 = arith.constant 0 : i32
      %dma_start3A_228 = tpu.memref_slice %arg11[%add3A_224, %dma_start3A_227] : memref<256x64xf32, #tpu.memory_space<vmem>> -> memref<1x64xf32, #tpu.memory_space<vmem>>
      %dma_start3A_229 = arith.constant 0 : i32
      %dma_start3A_230 = tpu.memref_slice %arg5[%squeeze3A_226, %dma_start3A_229] : memref<1000000x64xf32, #tpu.memory_space<hbm>> -> memref<1x64xf32, #tpu.memory_space<hbm>>
      %dma_start3A_231 = arith.constant 0 : i32
      %dma_start3A_232 = tpu.memref_slice %arg11[%add3A_224, %dma_start3A_231] : memref<256x64xf32, #tpu.memory_space<vmem>> -> memref<1x64xf32, #tpu.memory_space<vmem>>
      %dma_start3A_233 = arith.constant 0 : i32
      %dma_start3A_234 = tpu.memref_slice %arg5[%squeeze3A_226, %dma_start3A_233] : memref<1000000x64xf32, #tpu.memory_space<hbm>> -> memref<1x64xf32, #tpu.memory_space<hbm>>
      tpu.enqueue_dma source(%dma_start3A_234 : memref<1x64xf32, #tpu.memory_space<hbm>>) target(%dma_start3A_232 : memref<1x64xf32, #tpu.memory_space<vmem>>) target_semaphore(%arg16 : memref<!tpu.dma_semaphore, #tpu.memory_space<semaphore_mem>>)
      %slice3A_235 = vector.extract_strided_slice %get3A_182 {offsets = [1], sizes = [1], strides = [1]} : vector<16xi32> to vector<1xi32>
      %squeeze3A_236 = vector.extract %slice3A_235[0] : i32 from vector<1xi32>
      %dma_start3A_237 = arith.constant 0 : i32
      %dma_start3A_238 = tpu.memref_slice %arg13[%add3A_224, %dma_start3A_237] : memref<256x64xf32, #tpu.memory_space<vmem>> -> memref<1x64xf32, #tpu.memory_space<vmem>>
      %dma_start3A_239 = arith.constant 0 : i32
      %dma_start3A_240 = tpu.memref_slice %arg5[%squeeze3A_236, %dma_start3A_239] : memref<1000000x64xf32, #tpu.memory_space<hbm>> -> memref<1x64xf32, #tpu.memory_space<hbm>>
      %dma_start3A_241 = arith.constant 0 : i32
      %dma_start3A_242 = tpu.memref_slice %arg13[%add3A_224, %dma_start3A_241] : memref<256x64xf32, #tpu.memory_space<vmem>> -> memref<1x64xf32, #tpu.memory_space<vmem>>
      %dma_start3A_243 = arith.constant 0 : i32
      %dma_start3A_244 = tpu.memref_slice %arg5[%squeeze3A_236, %dma_start3A_243] : memref<1000000x64xf32, #tpu.memory_space<hbm>> -> memref<1x64xf32, #tpu.memory_space<hbm>>
      tpu.enqueue_dma source(%dma_start3A_244 : memref<1x64xf32, #tpu.memory_space<hbm>>) target(%dma_start3A_242 : memref<1x64xf32, #tpu.memory_space<vmem>>) target_semaphore(%arg15 : memref<!tpu.dma_semaphore, #tpu.memory_space<semaphore_mem>>)
      %slice3A_245 = vector.extract_strided_slice %get3A_189 {offsets = [1], sizes = [1], strides = [1]} : vector<16xi32> to vector<1xi32>
      %squeeze3A_246 = vector.extract %slice3A_245[0] : i32 from vector<1xi32>
      %dma_start3A_247 = arith.constant 0 : i32
      %dma_start3A_248 = tpu.memref_slice %arg12[%add3A_224, %dma_start3A_247] : memref<256x64xf32, #tpu.memory_space<vmem>> -> memref<1x64xf32, #tpu.memory_space<vmem>>
      %dma_start3A_249 = arith.constant 0 : i32
      %dma_start3A_250 = tpu.memref_slice %arg6[%squeeze3A_246, %dma_start3A_249] : memref<1000x64xf32, #tpu.memory_space<hbm>> -> memref<1x64xf32, #tpu.memory_space<hbm>>
      %dma_start3A_251 = arith.constant 0 : i32
      %dma_start3A_252 = tpu.memref_slice %arg12[%add3A_224, %dma_start3A_251] : memref<256x64xf32, #tpu.memory_space<vmem>> -> memref<1x64xf32, #tpu.memory_space<vmem>>
      %dma_start3A_253 = arith.constant 0 : i32
      %dma_start3A_254 = tpu.memref_slice %arg6[%squeeze3A_246, %dma_start3A_253] : memref<1000x64xf32, #tpu.memory_space<hbm>> -> memref<1x64xf32, #tpu.memory_space<hbm>>
      tpu.enqueue_dma source(%dma_start3A_254 : memref<1x64xf32, #tpu.memory_space<hbm>>) target(%dma_start3A_252 : memref<1x64xf32, #tpu.memory_space<vmem>>) target_semaphore(%arg16 : memref<!tpu.dma_semaphore, #tpu.memory_space<semaphore_mem>>)
      %mul3A_255 = arith.constant 16 : i32
      %mul3A_256 = arith.muli %scan3A_169, %mul3A_255 : i32
      %add3A_257 = arith.constant 2 : i32
      %add3A_258 = arith.addi %mul3A_256, %add3A_257 : i32
      %slice3A_259 = vector.extract_strided_slice %get3A_175 {offsets = [2], sizes = [1], strides = [1]} : vector<16xi32> to vector<1xi32>
      %squeeze3A_260 = vector.extract %slice3A_259[0] : i32 from vector<1xi32>
      %dma_start3A_261 = arith.constant 0 : i32
      %dma_start3A_262 = tpu.memref_slice %arg11[%add3A_258, %dma_start3A_261] : memref<256x64xf32, #tpu.memory_space<vmem>> -> memref<1x64xf32, #tpu.memory_space<vmem>>
      %dma_start3A_263 = arith.constant 0 : i32
      %dma_start3A_264 = tpu.memref_slice %arg5[%squeeze3A_260, %dma_start3A_263] : memref<1000000x64xf32, #tpu.memory_space<hbm>> -> memref<1x64xf32, #tpu.memory_space<hbm>>
      %dma_start3A_265 = arith.constant 0 : i32
      %dma_start3A_266 = tpu.memref_slice %arg11[%add3A_258, %dma_start3A_265] : memref<256x64xf32, #tpu.memory_space<vmem>> -> memref<1x64xf32, #tpu.memory_space<vmem>>
      %dma_start3A_267 = arith.constant 0 : i32
      %dma_start3A_268 = tpu.memref_slice %arg5[%squeeze3A_260, %dma_start3A_267] : memref<1000000x64xf32, #tpu.memory_space<hbm>> -> memref<1x64xf32, #tpu.memory_space<hbm>>
      tpu.enqueue_dma source(%dma_start3A_268 : memref<1x64xf32, #tpu.memory_space<hbm>>) target(%dma_start3A_266 : memref<1x64xf32, #tpu.memory_space<vmem>>) target_semaphore(%arg15 : memref<!tpu.dma_semaphore, #tpu.memory_space<semaphore_mem>>)
      %slice3A_269 = vector.extract_strided_slice %get3A_182 {offsets = [2], sizes = [1], strides = [1]} : vector<16xi32> to vector<1xi32>
      %squeeze3A_270 = vector.extract %slice3A_269[0] : i32 from vector<1xi32>
      %dma_start3A_271 = arith.constant 0 : i32
      %dma_start3A_272 = tpu.memref_slice %arg13[%add3A_258, %dma_start3A_271] : memref<256x64xf32, #tpu.memory_space<vmem>> -> memref<1x64xf32, #tpu.memory_space<vmem>>
      %dma_start3A_273 = arith.constant 0 : i32
      %dma_start3A_274 = tpu.memref_slice %arg5[%squeeze3A_270, %dma_start3A_273] : memref<1000000x64xf32, #tpu.memory_space<hbm>> -> memref<1x64xf32, #tpu.memory_space<hbm>>
      %dma_start3A_275 = arith.constant 0 : i32
      %dma_start3A_276 = tpu.memref_slice %arg13[%add3A_258, %dma_start3A_275] : memref<256x64xf32, #tpu.memory_space<vmem>> -> memref<1x64xf32, #tpu.memory_space<vmem>>
      %dma_start3A_277 = arith.constant 0 : i32
      %dma_start3A_278 = tpu.memref_slice %arg5[%squeeze3A_270, %dma_start3A_277] : memref<1000000x64xf32, #tpu.memory_space<hbm>> -> memref<1x64xf32, #tpu.memory_space<hbm>>
      tpu.enqueue_dma source(%dma_start3A_278 : memref<1x64xf32, #tpu.memory_space<hbm>>) target(%dma_start3A_276 : memref<1x64xf32, #tpu.memory_space<vmem>>) target_semaphore(%arg16 : memref<!tpu.dma_semaphore, #tpu.memory_space<semaphore_mem>>)
      %slice3A_279 = vector.extract_strided_slice %get3A_189 {offsets = [2], sizes = [1], strides = [1]} : vector<16xi32> to vector<1xi32>
      %squeeze3A_280 = vector.extract %slice3A_279[0] : i32 from vector<1xi32>
      %dma_start3A_281 = arith.constant 0 : i32
      %dma_start3A_282 = tpu.memref_slice %arg12[%add3A_258, %dma_start3A_281] : memref<256x64xf32, #tpu.memory_space<vmem>> -> memref<1x64xf32, #tpu.memory_space<vmem>>
      %dma_start3A_283 = arith.constant 0 : i32
      %dma_start3A_284 = tpu.memref_slice %arg6[%squeeze3A_280, %dma_start3A_283] : memref<1000x64xf32, #tpu.memory_space<hbm>> -> memref<1x64xf32, #tpu.memory_space<hbm>>
      %dma_start3A_285 = arith.constant 0 : i32
      %dma_start3A_286 = tpu.memref_slice %arg12[%add3A_258, %dma_start3A_285] : memref<256x64xf32, #tpu.memory_space<vmem>> -> memref<1x64xf32, #tpu.memory_space<vmem>>
      %dma_start3A_287 = arith.constant 0 : i32
      %dma_start3A_288 = tpu.memref_slice %arg6[%squeeze3A_280, %dma_start3A_287] : memref<1000x64xf32, #tpu.memory_space<hbm>> -> memref<1x64xf32, #tpu.memory_space<hbm>>
      tpu.enqueue_dma source(%dma_start3A_288 : memref<1x64xf32, #tpu.memory_space<hbm>>) target(%dma_start3A_286 : memref<1x64xf32, #tpu.memory_space<vmem>>) target_semaphore(%arg15 : memref<!tpu.dma_semaphore, #tpu.memory_space<semaphore_mem>>)
      %mul3A_289 = arith.constant 16 : i32
      %mul3A_290 = arith.muli %scan3A_169, %mul3A_289 : i32
      %add3A_291 = arith.constant 3 : i32
      %add3A_292 = arith.addi %mul3A_290, %add3A_291 : i32
      %slice3A_293 = vector.extract_strided_slice %get3A_175 {offsets = [3], sizes = [1], strides = [1]} : vector<16xi32> to vector<1xi32>
      %squeeze3A_294 = vector.extract %slice3A_293[0] : i32 from vector<1xi32>
      %dma_start3A_295 = arith.constant 0 : i32
      %dma_start3A_296 = tpu.memref_slice %arg11[%add3A_292, %dma_start3A_295] : memref<256x64xf32, #tpu.memory_space<vmem>> -> memref<1x64xf32, #tpu.memory_space<vmem>>
      %dma_start3A_297 = arith.constant 0 : i32
      %dma_start3A_298 = tpu.memref_slice %arg5[%squeeze3A_294, %dma_start3A_297] : memref<1000000x64xf32, #tpu.memory_space<hbm>> -> memref<1x64xf32, #tpu.memory_space<hbm>>
      %dma_start3A_299 = arith.constant 0 : i32
      %dma_start3A_300 = tpu.memref_slice %arg11[%add3A_292, %dma_start3A_299] : memref<256x64xf32, #tpu.memory_space<vmem>> -> memref<1x64xf32, #tpu.memory_space<vmem>>
      %dma_start3A_301 = arith.constant 0 : i32
      %dma_start3A_302 = tpu.memref_slice %arg5[%squeeze3A_294, %dma_start3A_301] : memref<1000000x64xf32, #tpu.memory_space<hbm>> -> memref<1x64xf32, #tpu.memory_space<hbm>>
      tpu.enqueue_dma source(%dma_start3A_302 : memref<1x64xf32, #tpu.memory_space<hbm>>) target(%dma_start3A_300 : memref<1x64xf32, #tpu.memory_space<vmem>>) target_semaphore(%arg16 : memref<!tpu.dma_semaphore, #tpu.memory_space<semaphore_mem>>)
      %slice3A_303 = vector.extract_strided_slice %get3A_182 {offsets = [3], sizes = [1], strides = [1]} : vector<16xi32> to vector<1xi32>
      %squeeze3A_304 = vector.extract %slice3A_303[0] : i32 from vector<1xi32>
      %dma_start3A_305 = arith.constant 0 : i32
      %dma_start3A_306 = tpu.memref_slice %arg13[%add3A_292, %dma_start3A_305] : memref<256x64xf32, #tpu.memory_space<vmem>> -> memref<1x64xf32, #tpu.memory_space<vmem>>
      %dma_start3A_307 = arith.constant 0 : i32
      %dma_start3A_308 = tpu.memref_slice %arg5[%squeeze3A_304, %dma_start3A_307] : memref<1000000x64xf32, #tpu.memory_space<hbm>> -> memref<1x64xf32, #tpu.memory_space<hbm>>
      %dma_start3A_309 = arith.constant 0 : i32
      %dma_start3A_310 = tpu.memref_slice %arg13[%add3A_292, %dma_start3A_309] : memref<256x64xf32, #tpu.memory_space<vmem>> -> memref<1x64xf32, #tpu.memory_space<vmem>>
      %dma_start3A_311 = arith.constant 0 : i32
      %dma_start3A_312 = tpu.memref_slice %arg5[%squeeze3A_304, %dma_start3A_311] : memref<1000000x64xf32, #tpu.memory_space<hbm>> -> memref<1x64xf32, #tpu.memory_space<hbm>>
      tpu.enqueue_dma source(%dma_start3A_312 : memref<1x64xf32, #tpu.memory_space<hbm>>) target(%dma_start3A_310 : memref<1x64xf32, #tpu.memory_space<vmem>>) target_semaphore(%arg15 : memref<!tpu.dma_semaphore, #tpu.memory_space<semaphore_mem>>)
      %slice3A_313 = vector.extract_strided_slice %get3A_189 {offsets = [3], sizes = [1], strides = [1]} : vector<16xi32> to vector<1xi32>
      %squeeze3A_314 = vector.extract %slice3A_313[0] : i32 from vector<1xi32>
      %dma_start3A_315 = arith.constant 0 : i32
      %dma_start3A_316 = tpu.memref_slice %arg12[%add3A_292, %dma_start3A_315] : memref<256x64xf32, #tpu.memory_space<vmem>> -> memref<1x64xf32, #tpu.memory_space<vmem>>
      %dma_start3A_317 = arith.constant 0 : i32
      %dma_start3A_318 = tpu.memref_slice %arg6[%squeeze3A_314, %dma_start3A_317] : memref<1000x64xf32, #tpu.memory_space<hbm>> -> memref<1x64xf32, #tpu.memory_space<hbm>>
      %dma_start3A_319 = arith.constant 0 : i32
      %dma_start3A_320 = tpu.memref_slice %arg12[%add3A_292, %dma_start3A_319] : memref<256x64xf32, #tpu.memory_space<vmem>> -> memref<1x64xf32, #tpu.memory_space<vmem>>
      %dma_start3A_321 = arith.constant 0 : i32
      %dma_start3A_322 = tpu.memref_slice %arg6[%squeeze3A_314, %dma_start3A_321] : memref<1000x64xf32, #tpu.memory_space<hbm>> -> memref<1x64xf32, #tpu.memory_space<hbm>>
      tpu.enqueue_dma source(%dma_start3A_322 : memref<1x64xf32, #tpu.memory_space<hbm>>) target(%dma_start3A_320 : memref<1x64xf32, #tpu.memory_space<vmem>>) target_semaphore(%arg16 : memref<!tpu.dma_semaphore, #tpu.memory_space<semaphore_mem>>)
      %mul3A_323 = arith.constant 16 : i32
      %mul3A_324 = arith.muli %scan3A_169, %mul3A_323 : i32
      %add3A_325 = arith.constant 4 : i32
      %add3A_326 = arith.addi %mul3A_324, %add3A_325 : i32
      %slice3A_327 = vector.extract_strided_slice %get3A_175 {offsets = [4], sizes = [1], strides = [1]} : vector<16xi32> to vector<1xi32>
      %squeeze3A_328 = vector.extract %slice3A_327[0] : i32 from vector<1xi32>
      %dma_start3A_329 = arith.constant 0 : i32
      %dma_start3A_330 = tpu.memref_slice %arg11[%add3A_326, %dma_start3A_329] : memref<256x64xf32, #tpu.memory_space<vmem>> -> memref<1x64xf32, #tpu.memory_space<vmem>>
      %dma_start3A_331 = arith.constant 0 : i32
      %dma_start3A_332 = tpu.memref_slice %arg5[%squeeze3A_328, %dma_start3A_331] : memref<1000000x64xf32, #tpu.memory_space<hbm>> -> memref<1x64xf32, #tpu.memory_space<hbm>>
      %dma_start3A_333 = arith.constant 0 : i32
      %dma_start3A_334 = tpu.memref_slice %arg11[%add3A_326, %dma_start3A_333] : memref<256x64xf32, #tpu.memory_space<vmem>> -> memref<1x64xf32, #tpu.memory_space<vmem>>
      %dma_start3A_335 = arith.constant 0 : i32
      %dma_start3A_336 = tpu.memref_slice %arg5[%squeeze3A_328, %dma_start3A_335] : memref<1000000x64xf32, #tpu.memory_space<hbm>> -> memref<1x64xf32, #tpu.memory_space<hbm>>
      tpu.enqueue_dma source(%dma_start3A_336 : memref<1x64xf32, #tpu.memory_space<hbm>>) target(%dma_start3A_334 : memref<1x64xf32, #tpu.memory_space<vmem>>) target_semaphore(%arg15 : memref<!tpu.dma_semaphore, #tpu.memory_space<semaphore_mem>>)
      %slice3A_337 = vector.extract_strided_slice %get3A_182 {offsets = [4], sizes = [1], strides = [1]} : vector<16xi32> to vector<1xi32>
      %squeeze3A_338 = vector.extract %slice3A_337[0] : i32 from vector<1xi32>
      %dma_start3A_339 = arith.constant 0 : i32
      %dma_start3A_340 = tpu.memref_slice %arg13[%add3A_326, %dma_start3A_339] : memref<256x64xf32, #tpu.memory_space<vmem>> -> memref<1x64xf32, #tpu.memory_space<vmem>>
      %dma_start3A_341 = arith.constant 0 : i32
      %dma_start3A_342 = tpu.memref_slice %arg5[%squeeze3A_338, %dma_start3A_341] : memref<1000000x64xf32, #tpu.memory_space<hbm>> -> memref<1x64xf32, #tpu.memory_space<hbm>>
      %dma_start3A_343 = arith.constant 0 : i32
      %dma_start3A_344 = tpu.memref_slice %arg13[%add3A_326, %dma_start3A_343] : memref<256x64xf32, #tpu.memory_space<vmem>> -> memref<1x64xf32, #tpu.memory_space<vmem>>
      %dma_start3A_345 = arith.constant 0 : i32
      %dma_start3A_346 = tpu.memref_slice %arg5[%squeeze3A_338, %dma_start3A_345] : memref<1000000x64xf32, #tpu.memory_space<hbm>> -> memref<1x64xf32, #tpu.memory_space<hbm>>
      tpu.enqueue_dma source(%dma_start3A_346 : memref<1x64xf32, #tpu.memory_space<hbm>>) target(%dma_start3A_344 : memref<1x64xf32, #tpu.memory_space<vmem>>) target_semaphore(%arg16 : memref<!tpu.dma_semaphore, #tpu.memory_space<semaphore_mem>>)
      %slice3A_347 = vector.extract_strided_slice %get3A_189 {offsets = [4], sizes = [1], strides = [1]} : vector<16xi32> to vector<1xi32>
      %squeeze3A_348 = vector.extract %slice3A_347[0] : i32 from vector<1xi32>
      %dma_start3A_349 = arith.constant 0 : i32
      %dma_start3A_350 = tpu.memref_slice %arg12[%add3A_326, %dma_start3A_349] : memref<256x64xf32, #tpu.memory_space<vmem>> -> memref<1x64xf32, #tpu.memory_space<vmem>>
      %dma_start3A_351 = arith.constant 0 : i32
      %dma_start3A_352 = tpu.memref_slice %arg6[%squeeze3A_348, %dma_start3A_351] : memref<1000x64xf32, #tpu.memory_space<hbm>> -> memref<1x64xf32, #tpu.memory_space<hbm>>
      %dma_start3A_353 = arith.constant 0 : i32
      %dma_start3A_354 = tpu.memref_slice %arg12[%add3A_326, %dma_start3A_353] : memref<256x64xf32, #tpu.memory_space<vmem>> -> memref<1x64xf32, #tpu.memory_space<vmem>>
      %dma_start3A_355 = arith.constant 0 : i32
      %dma_start3A_356 = tpu.memref_slice %arg6[%squeeze3A_348, %dma_start3A_355] : memref<1000x64xf32, #tpu.memory_space<hbm>> -> memref<1x64xf32, #tpu.memory_space<hbm>>
      tpu.enqueue_dma source(%dma_start3A_356 : memref<1x64xf32, #tpu.memory_space<hbm>>) target(%dma_start3A_354 : memref<1x64xf32, #tpu.memory_space<vmem>>) target_semaphore(%arg15 : memref<!tpu.dma_semaphore, #tpu.memory_space<semaphore_mem>>)
      %mul3A_357 = arith.constant 16 : i32
      %mul3A_358 = arith.muli %scan3A_169, %mul3A_357 : i32
      %add3A_359 = arith.constant 5 : i32
      %add3A_360 = arith.addi %mul3A_358, %add3A_359 : i32
      %slice3A_361 = vector.extract_strided_slice %get3A_175 {offsets = [5], sizes = [1], strides = [1]} : vector<16xi32> to vector<1xi32>
      %squeeze3A_362 = vector.extract %slice3A_361[0] : i32 from vector<1xi32>
      %dma_start3A_363 = arith.constant 0 : i32
      %dma_start3A_364 = tpu.memref_slice %arg11[%add3A_360, %dma_start3A_363] : memref<256x64xf32, #tpu.memory_space<vmem>> -> memref<1x64xf32, #tpu.memory_space<vmem>>
      %dma_start3A_365 = arith.constant 0 : i32
      %dma_start3A_366 = tpu.memref_slice %arg5[%squeeze3A_362, %dma_start3A_365] : memref<1000000x64xf32, #tpu.memory_space<hbm>> -> memref<1x64xf32, #tpu.memory_space<hbm>>
      %dma_start3A_367 = arith.constant 0 : i32
      %dma_start3A_368 = tpu.memref_slice %arg11[%add3A_360, %dma_start3A_367] : memref<256x64xf32, #tpu.memory_space<vmem>> -> memref<1x64xf32, #tpu.memory_space<vmem>>
      %dma_start3A_369 = arith.constant 0 : i32
      %dma_start3A_370 = tpu.memref_slice %arg5[%squeeze3A_362, %dma_start3A_369] : memref<1000000x64xf32, #tpu.memory_space<hbm>> -> memref<1x64xf32, #tpu.memory_space<hbm>>
      tpu.enqueue_dma source(%dma_start3A_370 : memref<1x64xf32, #tpu.memory_space<hbm>>) target(%dma_start3A_368 : memref<1x64xf32, #tpu.memory_space<vmem>>) target_semaphore(%arg16 : memref<!tpu.dma_semaphore, #tpu.memory_space<semaphore_mem>>)
      %slice3A_371 = vector.extract_strided_slice %get3A_182 {offsets = [5], sizes = [1], strides = [1]} : vector<16xi32> to vector<1xi32>
      %squeeze3A_372 = vector.extract %slice3A_371[0] : i32 from vector<1xi32>
      %dma_start3A_373 = arith.constant 0 : i32
      %dma_start3A_374 = tpu.memref_slice %arg13[%add3A_360, %dma_start3A_373] : memref<256x64xf32, #tpu.memory_space<vmem>> -> memref<1x64xf32, #tpu.memory_space<vmem>>
      %dma_start3A_375 = arith.constant 0 : i32
      %dma_start3A_376 = tpu.memref_slice %arg5[%squeeze3A_372, %dma_start3A_375] : memref<1000000x64xf32, #tpu.memory_space<hbm>> -> memref<1x64xf32, #tpu.memory_space<hbm>>
      %dma_start3A_377 = arith.constant 0 : i32
      %dma_start3A_378 = tpu.memref_slice %arg13[%add3A_360, %dma_start3A_377] : memref<256x64xf32, #tpu.memory_space<vmem>> -> memref<1x64xf32, #tpu.memory_space<vmem>>
      %dma_start3A_379 = arith.constant 0 : i32
      %dma_start3A_380 = tpu.memref_slice %arg5[%squeeze3A_372, %dma_start3A_379] : memref<1000000x64xf32, #tpu.memory_space<hbm>> -> memref<1x64xf32, #tpu.memory_space<hbm>>
      tpu.enqueue_dma source(%dma_start3A_380 : memref<1x64xf32, #tpu.memory_space<hbm>>) target(%dma_start3A_378 : memref<1x64xf32, #tpu.memory_space<vmem>>) target_semaphore(%arg15 : memref<!tpu.dma_semaphore, #tpu.memory_space<semaphore_mem>>)
      %slice3A_381 = vector.extract_strided_slice %get3A_189 {offsets = [5], sizes = [1], strides = [1]} : vector<16xi32> to vector<1xi32>
      %squeeze3A_382 = vector.extract %slice3A_381[0] : i32 from vector<1xi32>
      %dma_start3A_383 = arith.constant 0 : i32
      %dma_start3A_384 = tpu.memref_slice %arg12[%add3A_360, %dma_start3A_383] : memref<256x64xf32, #tpu.memory_space<vmem>> -> memref<1x64xf32, #tpu.memory_space<vmem>>
      %dma_start3A_385 = arith.constant 0 : i32
      %dma_start3A_386 = tpu.memref_slice %arg6[%squeeze3A_382, %dma_start3A_385] : memref<1000x64xf32, #tpu.memory_space<hbm>> -> memref<1x64xf32, #tpu.memory_space<hbm>>
      %dma_start3A_387 = arith.constant 0 : i32
      %dma_start3A_388 = tpu.memref_slice %arg12[%add3A_360, %dma_start3A_387] : memref<256x64xf32, #tpu.memory_space<vmem>> -> memref<1x64xf32, #tpu.memory_space<vmem>>
      %dma_start3A_389 = arith.constant 0 : i32
      %dma_start3A_390 = tpu.memref_slice %arg6[%squeeze3A_382, %dma_start3A_389] : memref<1000x64xf32, #tpu.memory_space<hbm>> -> memref<1x64xf32, #tpu.memory_space<hbm>>
      tpu.enqueue_dma source(%dma_start3A_390 : memref<1x64xf32, #tpu.memory_space<hbm>>) target(%dma_start3A_388 : memref<1x64xf32, #tpu.memory_space<vmem>>) target_semaphore(%arg16 : memref<!tpu.dma_semaphore, #tpu.memory_space<semaphore_mem>>)
      %mul3A_391 = arith.constant 16 : i32
      %mul3A_392 = arith.muli %scan3A_169, %mul3A_391 : i32
      %add3A_393 = arith.constant 6 : i32
      %add3A_394 = arith.addi %mul3A_392, %add3A_393 : i32
      %slice3A_395 = vector.extract_strided_slice %get3A_175 {offsets = [6], sizes = [1], strides = [1]} : vector<16xi32> to vector<1xi32>
      %squeeze3A_396 = vector.extract %slice3A_395[0] : i32 from vector<1xi32>
      %dma_start3A_397 = arith.constant 0 : i32
      %dma_start3A_398 = tpu.memref_slice %arg11[%add3A_394, %dma_start3A_397] : memref<256x64xf32, #tpu.memory_space<vmem>> -> memref<1x64xf32, #tpu.memory_space<vmem>>
      %dma_start3A_399 = arith.constant 0 : i32
      %dma_start3A_400 = tpu.memref_slice %arg5[%squeeze3A_396, %dma_start3A_399] : memref<1000000x64xf32, #tpu.memory_space<hbm>> -> memref<1x64xf32, #tpu.memory_space<hbm>>
      %dma_start3A_401 = arith.constant 0 : i32
      %dma_start3A_402 = tpu.memref_slice %arg11[%add3A_394, %dma_start3A_401] : memref<256x64xf32, #tpu.memory_space<vmem>> -> memref<1x64xf32, #tpu.memory_space<vmem>>
      %dma_start3A_403 = arith.constant 0 : i32
      %dma_start3A_404 = tpu.memref_slice %arg5[%squeeze3A_396, %dma_start3A_403] : memref<1000000x64xf32, #tpu.memory_space<hbm>> -> memref<1x64xf32, #tpu.memory_space<hbm>>
      tpu.enqueue_dma source(%dma_start3A_404 : memref<1x64xf32, #tpu.memory_space<hbm>>) target(%dma_start3A_402 : memref<1x64xf32, #tpu.memory_space<vmem>>) target_semaphore(%arg15 : memref<!tpu.dma_semaphore, #tpu.memory_space<semaphore_mem>>)
      %slice3A_405 = vector.extract_strided_slice %get3A_182 {offsets = [6], sizes = [1], strides = [1]} : vector<16xi32> to vector<1xi32>
      %squeeze3A_406 = vector.extract %slice3A_405[0] : i32 from vector<1xi32>
      %dma_start3A_407 = arith.constant 0 : i32
      %dma_start3A_408 = tpu.memref_slice %arg13[%add3A_394, %dma_start3A_407] : memref<256x64xf32, #tpu.memory_space<vmem>> -> memref<1x64xf32, #tpu.memory_space<vmem>>
      %dma_start3A_409 = arith.constant 0 : i32
      %dma_start3A_410 = tpu.memref_slice %arg5[%squeeze3A_406, %dma_start3A_409] : memref<1000000x64xf32, #tpu.memory_space<hbm>> -> memref<1x64xf32, #tpu.memory_space<hbm>>
      %dma_start3A_411 = arith.constant 0 : i32
      %dma_start3A_412 = tpu.memref_slice %arg13[%add3A_394, %dma_start3A_411] : memref<256x64xf32, #tpu.memory_space<vmem>> -> memref<1x64xf32, #tpu.memory_space<vmem>>
      %dma_start3A_413 = arith.constant 0 : i32
      %dma_start3A_414 = tpu.memref_slice %arg5[%squeeze3A_406, %dma_start3A_413] : memref<1000000x64xf32, #tpu.memory_space<hbm>> -> memref<1x64xf32, #tpu.memory_space<hbm>>
      tpu.enqueue_dma source(%dma_start3A_414 : memref<1x64xf32, #tpu.memory_space<hbm>>) target(%dma_start3A_412 : memref<1x64xf32, #tpu.memory_space<vmem>>) target_semaphore(%arg16 : memref<!tpu.dma_semaphore, #tpu.memory_space<semaphore_mem>>)
      %slice3A_415 = vector.extract_strided_slice %get3A_189 {offsets = [6], sizes = [1], strides = [1]} : vector<16xi32> to vector<1xi32>
      %squeeze3A_416 = vector.extract %slice3A_415[0] : i32 from vector<1xi32>
      %dma_start3A_417 = arith.constant 0 : i32
      %dma_start3A_418 = tpu.memref_slice %arg12[%add3A_394, %dma_start3A_417] : memref<256x64xf32, #tpu.memory_space<vmem>> -> memref<1x64xf32, #tpu.memory_space<vmem>>
      %dma_start3A_419 = arith.constant 0 : i32
      %dma_start3A_420 = tpu.memref_slice %arg6[%squeeze3A_416, %dma_start3A_419] : memref<1000x64xf32, #tpu.memory_space<hbm>> -> memref<1x64xf32, #tpu.memory_space<hbm>>
      %dma_start3A_421 = arith.constant 0 : i32
      %dma_start3A_422 = tpu.memref_slice %arg12[%add3A_394, %dma_start3A_421] : memref<256x64xf32, #tpu.memory_space<vmem>> -> memref<1x64xf32, #tpu.memory_space<vmem>>
      %dma_start3A_423 = arith.constant 0 : i32
      %dma_start3A_424 = tpu.memref_slice %arg6[%squeeze3A_416, %dma_start3A_423] : memref<1000x64xf32, #tpu.memory_space<hbm>> -> memref<1x64xf32, #tpu.memory_space<hbm>>
      tpu.enqueue_dma source(%dma_start3A_424 : memref<1x64xf32, #tpu.memory_space<hbm>>) target(%dma_start3A_422 : memref<1x64xf32, #tpu.memory_space<vmem>>) target_semaphore(%arg15 : memref<!tpu.dma_semaphore, #tpu.memory_space<semaphore_mem>>)
      %mul3A_425 = arith.constant 16 : i32
      %mul3A_426 = arith.muli %scan3A_169, %mul3A_425 : i32
      %add3A_427 = arith.constant 7 : i32
      %add3A_428 = arith.addi %mul3A_426, %add3A_427 : i32
      %slice3A_429 = vector.extract_strided_slice %get3A_175 {offsets = [7], sizes = [1], strides = [1]} : vector<16xi32> to vector<1xi32>
      %squeeze3A_430 = vector.extract %slice3A_429[0] : i32 from vector<1xi32>
      %dma_start3A_431 = arith.constant 0 : i32
      %dma_start3A_432 = tpu.memref_slice %arg11[%add3A_428, %dma_start3A_431] : memref<256x64xf32, #tpu.memory_space<vmem>> -> memref<1x64xf32, #tpu.memory_space<vmem>>
      %dma_start3A_433 = arith.constant 0 : i32
      %dma_start3A_434 = tpu.memref_slice %arg5[%squeeze3A_430, %dma_start3A_433] : memref<1000000x64xf32, #tpu.memory_space<hbm>> -> memref<1x64xf32, #tpu.memory_space<hbm>>
      %dma_start3A_435 = arith.constant 0 : i32
      %dma_start3A_436 = tpu.memref_slice %arg11[%add3A_428, %dma_start3A_435] : memref<256x64xf32, #tpu.memory_space<vmem>> -> memref<1x64xf32, #tpu.memory_space<vmem>>
      %dma_start3A_437 = arith.constant 0 : i32
      %dma_start3A_438 = tpu.memref_slice %arg5[%squeeze3A_430, %dma_start3A_437] : memref<1000000x64xf32, #tpu.memory_space<hbm>> -> memref<1x64xf32, #tpu.memory_space<hbm>>
      tpu.enqueue_dma source(%dma_start3A_438 : memref<1x64xf32, #tpu.memory_space<hbm>>) target(%dma_start3A_436 : memref<1x64xf32, #tpu.memory_space<vmem>>) target_semaphore(%arg16 : memref<!tpu.dma_semaphore, #tpu.memory_space<semaphore_mem>>)
      %slice3A_439 = vector.extract_strided_slice %get3A_182 {offsets = [7], sizes = [1], strides = [1]} : vector<16xi32> to vector<1xi32>
      %squeeze3A_440 = vector.extract %slice3A_439[0] : i32 from vector<1xi32>
      %dma_start3A_441 = arith.constant 0 : i32
      %dma_start3A_442 = tpu.memref_slice %arg13[%add3A_428, %dma_start3A_441] : memref<256x64xf32, #tpu.memory_space<vmem>> -> memref<1x64xf32, #tpu.memory_space<vmem>>
      %dma_start3A_443 = arith.constant 0 : i32
      %dma_start3A_444 = tpu.memref_slice %arg5[%squeeze3A_440, %dma_start3A_443] : memref<1000000x64xf32, #tpu.memory_space<hbm>> -> memref<1x64xf32, #tpu.memory_space<hbm>>
      %dma_start3A_445 = arith.constant 0 : i32
      %dma_start3A_446 = tpu.memref_slice %arg13[%add3A_428, %dma_start3A_445] : memref<256x64xf32, #tpu.memory_space<vmem>> -> memref<1x64xf32, #tpu.memory_space<vmem>>
      %dma_start3A_447 = arith.constant 0 : i32
      %dma_start3A_448 = tpu.memref_slice %arg5[%squeeze3A_440, %dma_start3A_447] : memref<1000000x64xf32, #tpu.memory_space<hbm>> -> memref<1x64xf32, #tpu.memory_space<hbm>>
      tpu.enqueue_dma source(%dma_start3A_448 : memref<1x64xf32, #tpu.memory_space<hbm>>) target(%dma_start3A_446 : memref<1x64xf32, #tpu.memory_space<vmem>>) target_semaphore(%arg15 : memref<!tpu.dma_semaphore, #tpu.memory_space<semaphore_mem>>)
      %slice3A_449 = vector.extract_strided_slice %get3A_189 {offsets = [7], sizes = [1], strides = [1]} : vector<16xi32> to vector<1xi32>
      %squeeze3A_450 = vector.extract %slice3A_449[0] : i32 from vector<1xi32>
      %dma_start3A_451 = arith.constant 0 : i32
      %dma_start3A_452 = tpu.memref_slice %arg12[%add3A_428, %dma_start3A_451] : memref<256x64xf32, #tpu.memory_space<vmem>> -> memref<1x64xf32, #tpu.memory_space<vmem>>
      %dma_start3A_453 = arith.constant 0 : i32
      %dma_start3A_454 = tpu.memref_slice %arg6[%squeeze3A_450, %dma_start3A_453] : memref<1000x64xf32, #tpu.memory_space<hbm>> -> memref<1x64xf32, #tpu.memory_space<hbm>>
      %dma_start3A_455 = arith.constant 0 : i32
      %dma_start3A_456 = tpu.memref_slice %arg12[%add3A_428, %dma_start3A_455] : memref<256x64xf32, #tpu.memory_space<vmem>> -> memref<1x64xf32, #tpu.memory_space<vmem>>
      %dma_start3A_457 = arith.constant 0 : i32
      %dma_start3A_458 = tpu.memref_slice %arg6[%squeeze3A_450, %dma_start3A_457] : memref<1000x64xf32, #tpu.memory_space<hbm>> -> memref<1x64xf32, #tpu.memory_space<hbm>>
      tpu.enqueue_dma source(%dma_start3A_458 : memref<1x64xf32, #tpu.memory_space<hbm>>) target(%dma_start3A_456 : memref<1x64xf32, #tpu.memory_space<vmem>>) target_semaphore(%arg16 : memref<!tpu.dma_semaphore, #tpu.memory_space<semaphore_mem>>)
      %mul3A_459 = arith.constant 16 : i32
      %mul3A_460 = arith.muli %scan3A_169, %mul3A_459 : i32
      %add3A_461 = arith.constant 8 : i32
      %add3A_462 = arith.addi %mul3A_460, %add3A_461 : i32
      %slice3A_463 = vector.extract_strided_slice %get3A_175 {offsets = [8], sizes = [1], strides = [1]} : vector<16xi32> to vector<1xi32>
      %squeeze3A_464 = vector.extract %slice3A_463[0] : i32 from vector<1xi32>
      %dma_start3A_465 = arith.constant 0 : i32
      %dma_start3A_466 = tpu.memref_slice %arg11[%add3A_462, %dma_start3A_465] : memref<256x64xf32, #tpu.memory_space<vmem>> -> memref<1x64xf32, #tpu.memory_space<vmem>>
      %dma_start3A_467 = arith.constant 0 : i32
      %dma_start3A_468 = tpu.memref_slice %arg5[%squeeze3A_464, %dma_start3A_467] : memref<1000000x64xf32, #tpu.memory_space<hbm>> -> memref<1x64xf32, #tpu.memory_space<hbm>>
      %dma_start3A_469 = arith.constant 0 : i32
      %dma_start3A_470 = tpu.memref_slice %arg11[%add3A_462, %dma_start3A_469] : memref<256x64xf32, #tpu.memory_space<vmem>> -> memref<1x64xf32, #tpu.memory_space<vmem>>
      %dma_start3A_471 = arith.constant 0 : i32
      %dma_start3A_472 = tpu.memref_slice %arg5[%squeeze3A_464, %dma_start3A_471] : memref<1000000x64xf32, #tpu.memory_space<hbm>> -> memref<1x64xf32, #tpu.memory_space<hbm>>
      tpu.enqueue_dma source(%dma_start3A_472 : memref<1x64xf32, #tpu.memory_space<hbm>>) target(%dma_start3A_470 : memref<1x64xf32, #tpu.memory_space<vmem>>) target_semaphore(%arg15 : memref<!tpu.dma_semaphore, #tpu.memory_space<semaphore_mem>>)
      %slice3A_473 = vector.extract_strided_slice %get3A_182 {offsets = [8], sizes = [1], strides = [1]} : vector<16xi32> to vector<1xi32>
      %squeeze3A_474 = vector.extract %slice3A_473[0] : i32 from vector<1xi32>
      %dma_start3A_475 = arith.constant 0 : i32
      %dma_start3A_476 = tpu.memref_slice %arg13[%add3A_462, %dma_start3A_475] : memref<256x64xf32, #tpu.memory_space<vmem>> -> memref<1x64xf32, #tpu.memory_space<vmem>>
      %dma_start3A_477 = arith.constant 0 : i32
      %dma_start3A_478 = tpu.memref_slice %arg5[%squeeze3A_474, %dma_start3A_477] : memref<1000000x64xf32, #tpu.memory_space<hbm>> -> memref<1x64xf32, #tpu.memory_space<hbm>>
      %dma_start3A_479 = arith.constant 0 : i32
      %dma_start3A_480 = tpu.memref_slice %arg13[%add3A_462, %dma_start3A_479] : memref<256x64xf32, #tpu.memory_space<vmem>> -> memref<1x64xf32, #tpu.memory_space<vmem>>
      %dma_start3A_481 = arith.constant 0 : i32
      %dma_start3A_482 = tpu.memref_slice %arg5[%squeeze3A_474, %dma_start3A_481] : memref<1000000x64xf32, #tpu.memory_space<hbm>> -> memref<1x64xf32, #tpu.memory_space<hbm>>
      tpu.enqueue_dma source(%dma_start3A_482 : memref<1x64xf32, #tpu.memory_space<hbm>>) target(%dma_start3A_480 : memref<1x64xf32, #tpu.memory_space<vmem>>) target_semaphore(%arg16 : memref<!tpu.dma_semaphore, #tpu.memory_space<semaphore_mem>>)
      %slice3A_483 = vector.extract_strided_slice %get3A_189 {offsets = [8], sizes = [1], strides = [1]} : vector<16xi32> to vector<1xi32>
      %squeeze3A_484 = vector.extract %slice3A_483[0] : i32 from vector<1xi32>
      %dma_start3A_485 = arith.constant 0 : i32
      %dma_start3A_486 = tpu.memref_slice %arg12[%add3A_462, %dma_start3A_485] : memref<256x64xf32, #tpu.memory_space<vmem>> -> memref<1x64xf32, #tpu.memory_space<vmem>>
      %dma_start3A_487 = arith.constant 0 : i32
      %dma_start3A_488 = tpu.memref_slice %arg6[%squeeze3A_484, %dma_start3A_487] : memref<1000x64xf32, #tpu.memory_space<hbm>> -> memref<1x64xf32, #tpu.memory_space<hbm>>
      %dma_start3A_489 = arith.constant 0 : i32
      %dma_start3A_490 = tpu.memref_slice %arg12[%add3A_462, %dma_start3A_489] : memref<256x64xf32, #tpu.memory_space<vmem>> -> memref<1x64xf32, #tpu.memory_space<vmem>>
      %dma_start3A_491 = arith.constant 0 : i32
      %dma_start3A_492 = tpu.memref_slice %arg6[%squeeze3A_484, %dma_start3A_491] : memref<1000x64xf32, #tpu.memory_space<hbm>> -> memref<1x64xf32, #tpu.memory_space<hbm>>
      tpu.enqueue_dma source(%dma_start3A_492 : memref<1x64xf32, #tpu.memory_space<hbm>>) target(%dma_start3A_490 : memref<1x64xf32, #tpu.memory_space<vmem>>) target_semaphore(%arg15 : memref<!tpu.dma_semaphore, #tpu.memory_space<semaphore_mem>>)
      %mul3A_493 = arith.constant 16 : i32
      %mul3A_494 = arith.muli %scan3A_169, %mul3A_493 : i32
      %add3A_495 = arith.constant 9 : i32
      %add3A_496 = arith.addi %mul3A_494, %add3A_495 : i32
      %slice3A_497 = vector.extract_strided_slice %get3A_175 {offsets = [9], sizes = [1], strides = [1]} : vector<16xi32> to vector<1xi32>
      %squeeze3A_498 = vector.extract %slice3A_497[0] : i32 from vector<1xi32>
      %dma_start3A_499 = arith.constant 0 : i32
      %dma_start3A_500 = tpu.memref_slice %arg11[%add3A_496, %dma_start3A_499] : memref<256x64xf32, #tpu.memory_space<vmem>> -> memref<1x64xf32, #tpu.memory_space<vmem>>
      %dma_start3A_501 = arith.constant 0 : i32
      %dma_start3A_502 = tpu.memref_slice %arg5[%squeeze3A_498, %dma_start3A_501] : memref<1000000x64xf32, #tpu.memory_space<hbm>> -> memref<1x64xf32, #tpu.memory_space<hbm>>
      %dma_start3A_503 = arith.constant 0 : i32
      %dma_start3A_504 = tpu.memref_slice %arg11[%add3A_496, %dma_start3A_503] : memref<256x64xf32, #tpu.memory_space<vmem>> -> memref<1x64xf32, #tpu.memory_space<vmem>>
      %dma_start3A_505 = arith.constant 0 : i32
      %dma_start3A_506 = tpu.memref_slice %arg5[%squeeze3A_498, %dma_start3A_505] : memref<1000000x64xf32, #tpu.memory_space<hbm>> -> memref<1x64xf32, #tpu.memory_space<hbm>>
      tpu.enqueue_dma source(%dma_start3A_506 : memref<1x64xf32, #tpu.memory_space<hbm>>) target(%dma_start3A_504 : memref<1x64xf32, #tpu.memory_space<vmem>>) target_semaphore(%arg16 : memref<!tpu.dma_semaphore, #tpu.memory_space<semaphore_mem>>)
      %slice3A_507 = vector.extract_strided_slice %get3A_182 {offsets = [9], sizes = [1], strides = [1]} : vector<16xi32> to vector<1xi32>
      %squeeze3A_508 = vector.extract %slice3A_507[0] : i32 from vector<1xi32>
      %dma_start3A_509 = arith.constant 0 : i32
      %dma_start3A_510 = tpu.memref_slice %arg13[%add3A_496, %dma_start3A_509] : memref<256x64xf32, #tpu.memory_space<vmem>> -> memref<1x64xf32, #tpu.memory_space<vmem>>
      %dma_start3A_511 = arith.constant 0 : i32
      %dma_start3A_512 = tpu.memref_slice %arg5[%squeeze3A_508, %dma_start3A_511] : memref<1000000x64xf32, #tpu.memory_space<hbm>> -> memref<1x64xf32, #tpu.memory_space<hbm>>
      %dma_start3A_513 = arith.constant 0 : i32
      %dma_start3A_514 = tpu.memref_slice %arg13[%add3A_496, %dma_start3A_513] : memref<256x64xf32, #tpu.memory_space<vmem>> -> memref<1x64xf32, #tpu.memory_space<vmem>>
      %dma_start3A_515 = arith.constant 0 : i32
      %dma_start3A_516 = tpu.memref_slice %arg5[%squeeze3A_508, %dma_start3A_515] : memref<1000000x64xf32, #tpu.memory_space<hbm>> -> memref<1x64xf32, #tpu.memory_space<hbm>>
      tpu.enqueue_dma source(%dma_start3A_516 : memref<1x64xf32, #tpu.memory_space<hbm>>) target(%dma_start3A_514 : memref<1x64xf32, #tpu.memory_space<vmem>>) target_semaphore(%arg15 : memref<!tpu.dma_semaphore, #tpu.memory_space<semaphore_mem>>)
      %slice3A_517 = vector.extract_strided_slice %get3A_189 {offsets = [9], sizes = [1], strides = [1]} : vector<16xi32> to vector<1xi32>
      %squeeze3A_518 = vector.extract %slice3A_517[0] : i32 from vector<1xi32>
      %dma_start3A_519 = arith.constant 0 : i32
      %dma_start3A_520 = tpu.memref_slice %arg12[%add3A_496, %dma_start3A_519] : memref<256x64xf32, #tpu.memory_space<vmem>> -> memref<1x64xf32, #tpu.memory_space<vmem>>
      %dma_start3A_521 = arith.constant 0 : i32
      %dma_start3A_522 = tpu.memref_slice %arg6[%squeeze3A_518, %dma_start3A_521] : memref<1000x64xf32, #tpu.memory_space<hbm>> -> memref<1x64xf32, #tpu.memory_space<hbm>>
      %dma_start3A_523 = arith.constant 0 : i32
      %dma_start3A_524 = tpu.memref_slice %arg12[%add3A_496, %dma_start3A_523] : memref<256x64xf32, #tpu.memory_space<vmem>> -> memref<1x64xf32, #tpu.memory_space<vmem>>
      %dma_start3A_525 = arith.constant 0 : i32
      %dma_start3A_526 = tpu.memref_slice %arg6[%squeeze3A_518, %dma_start3A_525] : memref<1000x64xf32, #tpu.memory_space<hbm>> -> memref<1x64xf32, #tpu.memory_space<hbm>>
      tpu.enqueue_dma source(%dma_start3A_526 : memref<1x64xf32, #tpu.memory_space<hbm>>) target(%dma_start3A_524 : memref<1x64xf32, #tpu.memory_space<vmem>>) target_semaphore(%arg16 : memref<!tpu.dma_semaphore, #tpu.memory_space<semaphore_mem>>)
      %mul3A_527 = arith.constant 16 : i32
      %mul3A_528 = arith.muli %scan3A_169, %mul3A_527 : i32
      %add3A_529 = arith.constant 10 : i32
      %add3A_530 = arith.addi %mul3A_528, %add3A_529 : i32
      %slice3A_531 = vector.extract_strided_slice %get3A_175 {offsets = [10], sizes = [1], strides = [1]} : vector<16xi32> to vector<1xi32>
      %squeeze3A_532 = vector.extract %slice3A_531[0] : i32 from vector<1xi32>
      %dma_start3A_533 = arith.constant 0 : i32
      %dma_start3A_534 = tpu.memref_slice %arg11[%add3A_530, %dma_start3A_533] : memref<256x64xf32, #tpu.memory_space<vmem>> -> memref<1x64xf32, #tpu.memory_space<vmem>>
      %dma_start3A_535 = arith.constant 0 : i32
      %dma_start3A_536 = tpu.memref_slice %arg5[%squeeze3A_532, %dma_start3A_535] : memref<1000000x64xf32, #tpu.memory_space<hbm>> -> memref<1x64xf32, #tpu.memory_space<hbm>>
      %dma_start3A_537 = arith.constant 0 : i32
      %dma_start3A_538 = tpu.memref_slice %arg11[%add3A_530, %dma_start3A_537] : memref<256x64xf32, #tpu.memory_space<vmem>> -> memref<1x64xf32, #tpu.memory_space<vmem>>
      %dma_start3A_539 = arith.constant 0 : i32
      %dma_start3A_540 = tpu.memref_slice %arg5[%squeeze3A_532, %dma_start3A_539] : memref<1000000x64xf32, #tpu.memory_space<hbm>> -> memref<1x64xf32, #tpu.memory_space<hbm>>
      tpu.enqueue_dma source(%dma_start3A_540 : memref<1x64xf32, #tpu.memory_space<hbm>>) target(%dma_start3A_538 : memref<1x64xf32, #tpu.memory_space<vmem>>) target_semaphore(%arg15 : memref<!tpu.dma_semaphore, #tpu.memory_space<semaphore_mem>>)
      %slice3A_541 = vector.extract_strided_slice %get3A_182 {offsets = [10], sizes = [1], strides = [1]} : vector<16xi32> to vector<1xi32>
      %squeeze3A_542 = vector.extract %slice3A_541[0] : i32 from vector<1xi32>
      %dma_start3A_543 = arith.constant 0 : i32
      %dma_start3A_544 = tpu.memref_slice %arg13[%add3A_530, %dma_start3A_543] : memref<256x64xf32, #tpu.memory_space<vmem>> -> memref<1x64xf32, #tpu.memory_space<vmem>>
      %dma_start3A_545 = arith.constant 0 : i32
      %dma_start3A_546 = tpu.memref_slice %arg5[%squeeze3A_542, %dma_start3A_545] : memref<1000000x64xf32, #tpu.memory_space<hbm>> -> memref<1x64xf32, #tpu.memory_space<hbm>>
      %dma_start3A_547 = arith.constant 0 : i32
      %dma_start3A_548 = tpu.memref_slice %arg13[%add3A_530, %dma_start3A_547] : memref<256x64xf32, #tpu.memory_space<vmem>> -> memref<1x64xf32, #tpu.memory_space<vmem>>
      %dma_start3A_549 = arith.constant 0 : i32
      %dma_start3A_550 = tpu.memref_slice %arg5[%squeeze3A_542, %dma_start3A_549] : memref<1000000x64xf32, #tpu.memory_space<hbm>> -> memref<1x64xf32, #tpu.memory_space<hbm>>
      tpu.enqueue_dma source(%dma_start3A_550 : memref<1x64xf32, #tpu.memory_space<hbm>>) target(%dma_start3A_548 : memref<1x64xf32, #tpu.memory_space<vmem>>) target_semaphore(%arg16 : memref<!tpu.dma_semaphore, #tpu.memory_space<semaphore_mem>>)
      %slice3A_551 = vector.extract_strided_slice %get3A_189 {offsets = [10], sizes = [1], strides = [1]} : vector<16xi32> to vector<1xi32>
      %squeeze3A_552 = vector.extract %slice3A_551[0] : i32 from vector<1xi32>
      %dma_start3A_553 = arith.constant 0 : i32
      %dma_start3A_554 = tpu.memref_slice %arg12[%add3A_530, %dma_start3A_553] : memref<256x64xf32, #tpu.memory_space<vmem>> -> memref<1x64xf32, #tpu.memory_space<vmem>>
      %dma_start3A_555 = arith.constant 0 : i32
      %dma_start3A_556 = tpu.memref_slice %arg6[%squeeze3A_552, %dma_start3A_555] : memref<1000x64xf32, #tpu.memory_space<hbm>> -> memref<1x64xf32, #tpu.memory_space<hbm>>
      %dma_start3A_557 = arith.constant 0 : i32
      %dma_start3A_558 = tpu.memref_slice %arg12[%add3A_530, %dma_start3A_557] : memref<256x64xf32, #tpu.memory_space<vmem>> -> memref<1x64xf32, #tpu.memory_space<vmem>>
      %dma_start3A_559 = arith.constant 0 : i32
      %dma_start3A_560 = tpu.memref_slice %arg6[%squeeze3A_552, %dma_start3A_559] : memref<1000x64xf32, #tpu.memory_space<hbm>> -> memref<1x64xf32, #tpu.memory_space<hbm>>
      tpu.enqueue_dma source(%dma_start3A_560 : memref<1x64xf32, #tpu.memory_space<hbm>>) target(%dma_start3A_558 : memref<1x64xf32, #tpu.memory_space<vmem>>) target_semaphore(%arg15 : memref<!tpu.dma_semaphore, #tpu.memory_space<semaphore_mem>>)
      %mul3A_561 = arith.constant 16 : i32
      %mul3A_562 = arith.muli %scan3A_169, %mul3A_561 : i32
      %add3A_563 = arith.constant 11 : i32
      %add3A_564 = arith.addi %mul3A_562, %add3A_563 : i32
      %slice3A_565 = vector.extract_strided_slice %get3A_175 {offsets = [11], sizes = [1], strides = [1]} : vector<16xi32> to vector<1xi32>
      %squeeze3A_566 = vector.extract %slice3A_565[0] : i32 from vector<1xi32>
      %dma_start3A_567 = arith.constant 0 : i32
      %dma_start3A_568 = tpu.memref_slice %arg11[%add3A_564, %dma_start3A_567] : memref<256x64xf32, #tpu.memory_space<vmem>> -> memref<1x64xf32, #tpu.memory_space<vmem>>
      %dma_start3A_569 = arith.constant 0 : i32
      %dma_start3A_570 = tpu.memref_slice %arg5[%squeeze3A_566, %dma_start3A_569] : memref<1000000x64xf32, #tpu.memory_space<hbm>> -> memref<1x64xf32, #tpu.memory_space<hbm>>
      %dma_start3A_571 = arith.constant 0 : i32
      %dma_start3A_572 = tpu.memref_slice %arg11[%add3A_564, %dma_start3A_571] : memref<256x64xf32, #tpu.memory_space<vmem>> -> memref<1x64xf32, #tpu.memory_space<vmem>>
      %dma_start3A_573 = arith.constant 0 : i32
      %dma_start3A_574 = tpu.memref_slice %arg5[%squeeze3A_566, %dma_start3A_573] : memref<1000000x64xf32, #tpu.memory_space<hbm>> -> memref<1x64xf32, #tpu.memory_space<hbm>>
      tpu.enqueue_dma source(%dma_start3A_574 : memref<1x64xf32, #tpu.memory_space<hbm>>) target(%dma_start3A_572 : memref<1x64xf32, #tpu.memory_space<vmem>>) target_semaphore(%arg16 : memref<!tpu.dma_semaphore, #tpu.memory_space<semaphore_mem>>)
      %slice3A_575 = vector.extract_strided_slice %get3A_182 {offsets = [11], sizes = [1], strides = [1]} : vector<16xi32> to vector<1xi32>
      %squeeze3A_576 = vector.extract %slice3A_575[0] : i32 from vector<1xi32>
      %dma_start3A_577 = arith.constant 0 : i32
      %dma_start3A_578 = tpu.memref_slice %arg13[%add3A_564, %dma_start3A_577] : memref<256x64xf32, #tpu.memory_space<vmem>> -> memref<1x64xf32, #tpu.memory_space<vmem>>
      %dma_start3A_579 = arith.constant 0 : i32
      %dma_start3A_580 = tpu.memref_slice %arg5[%squeeze3A_576, %dma_start3A_579] : memref<1000000x64xf32, #tpu.memory_space<hbm>> -> memref<1x64xf32, #tpu.memory_space<hbm>>
      %dma_start3A_581 = arith.constant 0 : i32
      %dma_start3A_582 = tpu.memref_slice %arg13[%add3A_564, %dma_start3A_581] : memref<256x64xf32, #tpu.memory_space<vmem>> -> memref<1x64xf32, #tpu.memory_space<vmem>>
      %dma_start3A_583 = arith.constant 0 : i32
      %dma_start3A_584 = tpu.memref_slice %arg5[%squeeze3A_576, %dma_start3A_583] : memref<1000000x64xf32, #tpu.memory_space<hbm>> -> memref<1x64xf32, #tpu.memory_space<hbm>>
      tpu.enqueue_dma source(%dma_start3A_584 : memref<1x64xf32, #tpu.memory_space<hbm>>) target(%dma_start3A_582 : memref<1x64xf32, #tpu.memory_space<vmem>>) target_semaphore(%arg15 : memref<!tpu.dma_semaphore, #tpu.memory_space<semaphore_mem>>)
      %slice3A_585 = vector.extract_strided_slice %get3A_189 {offsets = [11], sizes = [1], strides = [1]} : vector<16xi32> to vector<1xi32>
      %squeeze3A_586 = vector.extract %slice3A_585[0] : i32 from vector<1xi32>
      %dma_start3A_587 = arith.constant 0 : i32
      %dma_start3A_588 = tpu.memref_slice %arg12[%add3A_564, %dma_start3A_587] : memref<256x64xf32, #tpu.memory_space<vmem>> -> memref<1x64xf32, #tpu.memory_space<vmem>>
      %dma_start3A_589 = arith.constant 0 : i32
      %dma_start3A_590 = tpu.memref_slice %arg6[%squeeze3A_586, %dma_start3A_589] : memref<1000x64xf32, #tpu.memory_space<hbm>> -> memref<1x64xf32, #tpu.memory_space<hbm>>
      %dma_start3A_591 = arith.constant 0 : i32
      %dma_start3A_592 = tpu.memref_slice %arg12[%add3A_564, %dma_start3A_591] : memref<256x64xf32, #tpu.memory_space<vmem>> -> memref<1x64xf32, #tpu.memory_space<vmem>>
      %dma_start3A_593 = arith.constant 0 : i32
      %dma_start3A_594 = tpu.memref_slice %arg6[%squeeze3A_586, %dma_start3A_593] : memref<1000x64xf32, #tpu.memory_space<hbm>> -> memref<1x64xf32, #tpu.memory_space<hbm>>
      tpu.enqueue_dma source(%dma_start3A_594 : memref<1x64xf32, #tpu.memory_space<hbm>>) target(%dma_start3A_592 : memref<1x64xf32, #tpu.memory_space<vmem>>) target_semaphore(%arg16 : memref<!tpu.dma_semaphore, #tpu.memory_space<semaphore_mem>>)
      %mul3A_595 = arith.constant 16 : i32
      %mul3A_596 = arith.muli %scan3A_169, %mul3A_595 : i32
      %add3A_597 = arith.constant 12 : i32
      %add3A_598 = arith.addi %mul3A_596, %add3A_597 : i32
      %slice3A_599 = vector.extract_strided_slice %get3A_175 {offsets = [12], sizes = [1], strides = [1]} : vector<16xi32> to vector<1xi32>
      %squeeze3A_600 = vector.extract %slice3A_599[0] : i32 from vector<1xi32>
      %dma_start3A_601 = arith.constant 0 : i32
      %dma_start3A_602 = tpu.memref_slice %arg11[%add3A_598, %dma_start3A_601] : memref<256x64xf32, #tpu.memory_space<vmem>> -> memref<1x64xf32, #tpu.memory_space<vmem>>
      %dma_start3A_603 = arith.constant 0 : i32
      %dma_start3A_604 = tpu.memref_slice %arg5[%squeeze3A_600, %dma_start3A_603] : memref<1000000x64xf32, #tpu.memory_space<hbm>> -> memref<1x64xf32, #tpu.memory_space<hbm>>
      %dma_start3A_605 = arith.constant 0 : i32
      %dma_start3A_606 = tpu.memref_slice %arg11[%add3A_598, %dma_start3A_605] : memref<256x64xf32, #tpu.memory_space<vmem>> -> memref<1x64xf32, #tpu.memory_space<vmem>>
      %dma_start3A_607 = arith.constant 0 : i32
      %dma_start3A_608 = tpu.memref_slice %arg5[%squeeze3A_600, %dma_start3A_607] : memref<1000000x64xf32, #tpu.memory_space<hbm>> -> memref<1x64xf32, #tpu.memory_space<hbm>>
      tpu.enqueue_dma source(%dma_start3A_608 : memref<1x64xf32, #tpu.memory_space<hbm>>) target(%dma_start3A_606 : memref<1x64xf32, #tpu.memory_space<vmem>>) target_semaphore(%arg15 : memref<!tpu.dma_semaphore, #tpu.memory_space<semaphore_mem>>)
      %slice3A_609 = vector.extract_strided_slice %get3A_182 {offsets = [12], sizes = [1], strides = [1]} : vector<16xi32> to vector<1xi32>
      %squeeze3A_610 = vector.extract %slice3A_609[0] : i32 from vector<1xi32>
      %dma_start3A_611 = arith.constant 0 : i32
      %dma_start3A_612 = tpu.memref_slice %arg13[%add3A_598, %dma_start3A_611] : memref<256x64xf32, #tpu.memory_space<vmem>> -> memref<1x64xf32, #tpu.memory_space<vmem>>
      %dma_start3A_613 = arith.constant 0 : i32
      %dma_start3A_614 = tpu.memref_slice %arg5[%squeeze3A_610, %dma_start3A_613] : memref<1000000x64xf32, #tpu.memory_space<hbm>> -> memref<1x64xf32, #tpu.memory_space<hbm>>
      %dma_start3A_615 = arith.constant 0 : i32
      %dma_start3A_616 = tpu.memref_slice %arg13[%add3A_598, %dma_start3A_615] : memref<256x64xf32, #tpu.memory_space<vmem>> -> memref<1x64xf32, #tpu.memory_space<vmem>>
      %dma_start3A_617 = arith.constant 0 : i32
      %dma_start3A_618 = tpu.memref_slice %arg5[%squeeze3A_610, %dma_start3A_617] : memref<1000000x64xf32, #tpu.memory_space<hbm>> -> memref<1x64xf32, #tpu.memory_space<hbm>>
      tpu.enqueue_dma source(%dma_start3A_618 : memref<1x64xf32, #tpu.memory_space<hbm>>) target(%dma_start3A_616 : memref<1x64xf32, #tpu.memory_space<vmem>>) target_semaphore(%arg16 : memref<!tpu.dma_semaphore, #tpu.memory_space<semaphore_mem>>)
      %slice3A_619 = vector.extract_strided_slice %get3A_189 {offsets = [12], sizes = [1], strides = [1]} : vector<16xi32> to vector<1xi32>
      %squeeze3A_620 = vector.extract %slice3A_619[0] : i32 from vector<1xi32>
      %dma_start3A_621 = arith.constant 0 : i32
      %dma_start3A_622 = tpu.memref_slice %arg12[%add3A_598, %dma_start3A_621] : memref<256x64xf32, #tpu.memory_space<vmem>> -> memref<1x64xf32, #tpu.memory_space<vmem>>
      %dma_start3A_623 = arith.constant 0 : i32
      %dma_start3A_624 = tpu.memref_slice %arg6[%squeeze3A_620, %dma_start3A_623] : memref<1000x64xf32, #tpu.memory_space<hbm>> -> memref<1x64xf32, #tpu.memory_space<hbm>>
      %dma_start3A_625 = arith.constant 0 : i32
      %dma_start3A_626 = tpu.memref_slice %arg12[%add3A_598, %dma_start3A_625] : memref<256x64xf32, #tpu.memory_space<vmem>> -> memref<1x64xf32, #tpu.memory_space<vmem>>
      %dma_start3A_627 = arith.constant 0 : i32
      %dma_start3A_628 = tpu.memref_slice %arg6[%squeeze3A_620, %dma_start3A_627] : memref<1000x64xf32, #tpu.memory_space<hbm>> -> memref<1x64xf32, #tpu.memory_space<hbm>>
      tpu.enqueue_dma source(%dma_start3A_628 : memref<1x64xf32, #tpu.memory_space<hbm>>) target(%dma_start3A_626 : memref<1x64xf32, #tpu.memory_space<vmem>>) target_semaphore(%arg15 : memref<!tpu.dma_semaphore, #tpu.memory_space<semaphore_mem>>)
      %mul3A_629 = arith.constant 16 : i32
      %mul3A_630 = arith.muli %scan3A_169, %mul3A_629 : i32
      %add3A_631 = arith.constant 13 : i32
      %add3A_632 = arith.addi %mul3A_630, %add3A_631 : i32
      %slice3A_633 = vector.extract_strided_slice %get3A_175 {offsets = [13], sizes = [1], strides = [1]} : vector<16xi32> to vector<1xi32>
      %squeeze3A_634 = vector.extract %slice3A_633[0] : i32 from vector<1xi32>
      %dma_start3A_635 = arith.constant 0 : i32
      %dma_start3A_636 = tpu.memref_slice %arg11[%add3A_632, %dma_start3A_635] : memref<256x64xf32, #tpu.memory_space<vmem>> -> memref<1x64xf32, #tpu.memory_space<vmem>>
      %dma_start3A_637 = arith.constant 0 : i32
      %dma_start3A_638 = tpu.memref_slice %arg5[%squeeze3A_634, %dma_start3A_637] : memref<1000000x64xf32, #tpu.memory_space<hbm>> -> memref<1x64xf32, #tpu.memory_space<hbm>>
      %dma_start3A_639 = arith.constant 0 : i32
      %dma_start3A_640 = tpu.memref_slice %arg11[%add3A_632, %dma_start3A_639] : memref<256x64xf32, #tpu.memory_space<vmem>> -> memref<1x64xf32, #tpu.memory_space<vmem>>
      %dma_start3A_641 = arith.constant 0 : i32
      %dma_start3A_642 = tpu.memref_slice %arg5[%squeeze3A_634, %dma_start3A_641] : memref<1000000x64xf32, #tpu.memory_space<hbm>> -> memref<1x64xf32, #tpu.memory_space<hbm>>
      tpu.enqueue_dma source(%dma_start3A_642 : memref<1x64xf32, #tpu.memory_space<hbm>>) target(%dma_start3A_640 : memref<1x64xf32, #tpu.memory_space<vmem>>) target_semaphore(%arg16 : memref<!tpu.dma_semaphore, #tpu.memory_space<semaphore_mem>>)
      %slice3A_643 = vector.extract_strided_slice %get3A_182 {offsets = [13], sizes = [1], strides = [1]} : vector<16xi32> to vector<1xi32>
      %squeeze3A_644 = vector.extract %slice3A_643[0] : i32 from vector<1xi32>
      %dma_start3A_645 = arith.constant 0 : i32
      %dma_start3A_646 = tpu.memref_slice %arg13[%add3A_632, %dma_start3A_645] : memref<256x64xf32, #tpu.memory_space<vmem>> -> memref<1x64xf32, #tpu.memory_space<vmem>>
      %dma_start3A_647 = arith.constant 0 : i32
      %dma_start3A_648 = tpu.memref_slice %arg5[%squeeze3A_644, %dma_start3A_647] : memref<1000000x64xf32, #tpu.memory_space<hbm>> -> memref<1x64xf32, #tpu.memory_space<hbm>>
      %dma_start3A_649 = arith.constant 0 : i32
      %dma_start3A_650 = tpu.memref_slice %arg13[%add3A_632, %dma_start3A_649] : memref<256x64xf32, #tpu.memory_space<vmem>> -> memref<1x64xf32, #tpu.memory_space<vmem>>
      %dma_start3A_651 = arith.constant 0 : i32
      %dma_start3A_652 = tpu.memref_slice %arg5[%squeeze3A_644, %dma_start3A_651] : memref<1000000x64xf32, #tpu.memory_space<hbm>> -> memref<1x64xf32, #tpu.memory_space<hbm>>
      tpu.enqueue_dma source(%dma_start3A_652 : memref<1x64xf32, #tpu.memory_space<hbm>>) target(%dma_start3A_650 : memref<1x64xf32, #tpu.memory_space<vmem>>) target_semaphore(%arg15 : memref<!tpu.dma_semaphore, #tpu.memory_space<semaphore_mem>>)
      %slice3A_653 = vector.extract_strided_slice %get3A_189 {offsets = [13], sizes = [1], strides = [1]} : vector<16xi32> to vector<1xi32>
      %squeeze3A_654 = vector.extract %slice3A_653[0] : i32 from vector<1xi32>
      %dma_start3A_655 = arith.constant 0 : i32
      %dma_start3A_656 = tpu.memref_slice %arg12[%add3A_632, %dma_start3A_655] : memref<256x64xf32, #tpu.memory_space<vmem>> -> memref<1x64xf32, #tpu.memory_space<vmem>>
      %dma_start3A_657 = arith.constant 0 : i32
      %dma_start3A_658 = tpu.memref_slice %arg6[%squeeze3A_654, %dma_start3A_657] : memref<1000x64xf32, #tpu.memory_space<hbm>> -> memref<1x64xf32, #tpu.memory_space<hbm>>
      %dma_start3A_659 = arith.constant 0 : i32
      %dma_start3A_660 = tpu.memref_slice %arg12[%add3A_632, %dma_start3A_659] : memref<256x64xf32, #tpu.memory_space<vmem>> -> memref<1x64xf32, #tpu.memory_space<vmem>>
      %dma_start3A_661 = arith.constant 0 : i32
      %dma_start3A_662 = tpu.memref_slice %arg6[%squeeze3A_654, %dma_start3A_661] : memref<1000x64xf32, #tpu.memory_space<hbm>> -> memref<1x64xf32, #tpu.memory_space<hbm>>
      tpu.enqueue_dma source(%dma_start3A_662 : memref<1x64xf32, #tpu.memory_space<hbm>>) target(%dma_start3A_660 : memref<1x64xf32, #tpu.memory_space<vmem>>) target_semaphore(%arg16 : memref<!tpu.dma_semaphore, #tpu.memory_space<semaphore_mem>>)
      %mul3A_663 = arith.constant 16 : i32
      %mul3A_664 = arith.muli %scan3A_169, %mul3A_663 : i32
      %add3A_665 = arith.constant 14 : i32
      %add3A_666 = arith.addi %mul3A_664, %add3A_665 : i32
      %slice3A_667 = vector.extract_strided_slice %get3A_175 {offsets = [14], sizes = [1], strides = [1]} : vector<16xi32> to vector<1xi32>
      %squeeze3A_668 = vector.extract %slice3A_667[0] : i32 from vector<1xi32>
      %dma_start3A_669 = arith.constant 0 : i32
      %dma_start3A_670 = tpu.memref_slice %arg11[%add3A_666, %dma_start3A_669] : memref<256x64xf32, #tpu.memory_space<vmem>> -> memref<1x64xf32, #tpu.memory_space<vmem>>
      %dma_start3A_671 = arith.constant 0 : i32
      %dma_start3A_672 = tpu.memref_slice %arg5[%squeeze3A_668, %dma_start3A_671] : memref<1000000x64xf32, #tpu.memory_space<hbm>> -> memref<1x64xf32, #tpu.memory_space<hbm>>
      %dma_start3A_673 = arith.constant 0 : i32
      %dma_start3A_674 = tpu.memref_slice %arg11[%add3A_666, %dma_start3A_673] : memref<256x64xf32, #tpu.memory_space<vmem>> -> memref<1x64xf32, #tpu.memory_space<vmem>>
      %dma_start3A_675 = arith.constant 0 : i32
      %dma_start3A_676 = tpu.memref_slice %arg5[%squeeze3A_668, %dma_start3A_675] : memref<1000000x64xf32, #tpu.memory_space<hbm>> -> memref<1x64xf32, #tpu.memory_space<hbm>>
      tpu.enqueue_dma source(%dma_start3A_676 : memref<1x64xf32, #tpu.memory_space<hbm>>) target(%dma_start3A_674 : memref<1x64xf32, #tpu.memory_space<vmem>>) target_semaphore(%arg15 : memref<!tpu.dma_semaphore, #tpu.memory_space<semaphore_mem>>)
      %slice3A_677 = vector.extract_strided_slice %get3A_182 {offsets = [14], sizes = [1], strides = [1]} : vector<16xi32> to vector<1xi32>
      %squeeze3A_678 = vector.extract %slice3A_677[0] : i32 from vector<1xi32>
      %dma_start3A_679 = arith.constant 0 : i32
      %dma_start3A_680 = tpu.memref_slice %arg13[%add3A_666, %dma_start3A_679] : memref<256x64xf32, #tpu.memory_space<vmem>> -> memref<1x64xf32, #tpu.memory_space<vmem>>
      %dma_start3A_681 = arith.constant 0 : i32
      %dma_start3A_682 = tpu.memref_slice %arg5[%squeeze3A_678, %dma_start3A_681] : memref<1000000x64xf32, #tpu.memory_space<hbm>> -> memref<1x64xf32, #tpu.memory_space<hbm>>
      %dma_start3A_683 = arith.constant 0 : i32
      %dma_start3A_684 = tpu.memref_slice %arg13[%add3A_666, %dma_start3A_683] : memref<256x64xf32, #tpu.memory_space<vmem>> -> memref<1x64xf32, #tpu.memory_space<vmem>>
      %dma_start3A_685 = arith.constant 0 : i32
      %dma_start3A_686 = tpu.memref_slice %arg5[%squeeze3A_678, %dma_start3A_685] : memref<1000000x64xf32, #tpu.memory_space<hbm>> -> memref<1x64xf32, #tpu.memory_space<hbm>>
      tpu.enqueue_dma source(%dma_start3A_686 : memref<1x64xf32, #tpu.memory_space<hbm>>) target(%dma_start3A_684 : memref<1x64xf32, #tpu.memory_space<vmem>>) target_semaphore(%arg16 : memref<!tpu.dma_semaphore, #tpu.memory_space<semaphore_mem>>)
      %slice3A_687 = vector.extract_strided_slice %get3A_189 {offsets = [14], sizes = [1], strides = [1]} : vector<16xi32> to vector<1xi32>
      %squeeze3A_688 = vector.extract %slice3A_687[0] : i32 from vector<1xi32>
      %dma_start3A_689 = arith.constant 0 : i32
      %dma_start3A_690 = tpu.memref_slice %arg12[%add3A_666, %dma_start3A_689] : memref<256x64xf32, #tpu.memory_space<vmem>> -> memref<1x64xf32, #tpu.memory_space<vmem>>
      %dma_start3A_691 = arith.constant 0 : i32
      %dma_start3A_692 = tpu.memref_slice %arg6[%squeeze3A_688, %dma_start3A_691] : memref<1000x64xf32, #tpu.memory_space<hbm>> -> memref<1x64xf32, #tpu.memory_space<hbm>>
      %dma_start3A_693 = arith.constant 0 : i32
      %dma_start3A_694 = tpu.memref_slice %arg12[%add3A_666, %dma_start3A_693] : memref<256x64xf32, #tpu.memory_space<vmem>> -> memref<1x64xf32, #tpu.memory_space<vmem>>
      %dma_start3A_695 = arith.constant 0 : i32
      %dma_start3A_696 = tpu.memref_slice %arg6[%squeeze3A_688, %dma_start3A_695] : memref<1000x64xf32, #tpu.memory_space<hbm>> -> memref<1x64xf32, #tpu.memory_space<hbm>>
      tpu.enqueue_dma source(%dma_start3A_696 : memref<1x64xf32, #tpu.memory_space<hbm>>) target(%dma_start3A_694 : memref<1x64xf32, #tpu.memory_space<vmem>>) target_semaphore(%arg15 : memref<!tpu.dma_semaphore, #tpu.memory_space<semaphore_mem>>)
      %mul3A_697 = arith.constant 16 : i32
      %mul3A_698 = arith.muli %scan3A_169, %mul3A_697 : i32
      %add3A_699 = arith.constant 15 : i32
      %add3A_700 = arith.addi %mul3A_698, %add3A_699 : i32
      %slice3A_701 = vector.extract_strided_slice %get3A_175 {offsets = [15], sizes = [1], strides = [1]} : vector<16xi32> to vector<1xi32>
      %squeeze3A_702 = vector.extract %slice3A_701[0] : i32 from vector<1xi32>
      %dma_start3A_703 = arith.constant 0 : i32
      %dma_start3A_704 = tpu.memref_slice %arg11[%add3A_700, %dma_start3A_703] : memref<256x64xf32, #tpu.memory_space<vmem>> -> memref<1x64xf32, #tpu.memory_space<vmem>>
      %dma_start3A_705 = arith.constant 0 : i32
      %dma_start3A_706 = tpu.memref_slice %arg5[%squeeze3A_702, %dma_start3A_705] : memref<1000000x64xf32, #tpu.memory_space<hbm>> -> memref<1x64xf32, #tpu.memory_space<hbm>>
      %dma_start3A_707 = arith.constant 0 : i32
      %dma_start3A_708 = tpu.memref_slice %arg11[%add3A_700, %dma_start3A_707] : memref<256x64xf32, #tpu.memory_space<vmem>> -> memref<1x64xf32, #tpu.memory_space<vmem>>
      %dma_start3A_709 = arith.constant 0 : i32
      %dma_start3A_710 = tpu.memref_slice %arg5[%squeeze3A_702, %dma_start3A_709] : memref<1000000x64xf32, #tpu.memory_space<hbm>> -> memref<1x64xf32, #tpu.memory_space<hbm>>
      tpu.enqueue_dma source(%dma_start3A_710 : memref<1x64xf32, #tpu.memory_space<hbm>>) target(%dma_start3A_708 : memref<1x64xf32, #tpu.memory_space<vmem>>) target_semaphore(%arg16 : memref<!tpu.dma_semaphore, #tpu.memory_space<semaphore_mem>>)
      %slice3A_711 = vector.extract_strided_slice %get3A_182 {offsets = [15], sizes = [1], strides = [1]} : vector<16xi32> to vector<1xi32>
      %squeeze3A_712 = vector.extract %slice3A_711[0] : i32 from vector<1xi32>
      %dma_start3A_713 = arith.constant 0 : i32
      %dma_start3A_714 = tpu.memref_slice %arg13[%add3A_700, %dma_start3A_713] : memref<256x64xf32, #tpu.memory_space<vmem>> -> memref<1x64xf32, #tpu.memory_space<vmem>>
      %dma_start3A_715 = arith.constant 0 : i32
      %dma_start3A_716 = tpu.memref_slice %arg5[%squeeze3A_712, %dma_start3A_715] : memref<1000000x64xf32, #tpu.memory_space<hbm>> -> memref<1x64xf32, #tpu.memory_space<hbm>>
      %dma_start3A_717 = arith.constant 0 : i32
      %dma_start3A_718 = tpu.memref_slice %arg13[%add3A_700, %dma_start3A_717] : memref<256x64xf32, #tpu.memory_space<vmem>> -> memref<1x64xf32, #tpu.memory_space<vmem>>
      %dma_start3A_719 = arith.constant 0 : i32
      %dma_start3A_720 = tpu.memref_slice %arg5[%squeeze3A_712, %dma_start3A_719] : memref<1000000x64xf32, #tpu.memory_space<hbm>> -> memref<1x64xf32, #tpu.memory_space<hbm>>
      tpu.enqueue_dma source(%dma_start3A_720 : memref<1x64xf32, #tpu.memory_space<hbm>>) target(%dma_start3A_718 : memref<1x64xf32, #tpu.memory_space<vmem>>) target_semaphore(%arg15 : memref<!tpu.dma_semaphore, #tpu.memory_space<semaphore_mem>>)
      %slice3A_721 = vector.extract_strided_slice %get3A_189 {offsets = [15], sizes = [1], strides = [1]} : vector<16xi32> to vector<1xi32>
      %squeeze3A_722 = vector.extract %slice3A_721[0] : i32 from vector<1xi32>
      %dma_start3A_723 = arith.constant 0 : i32
      %dma_start3A_724 = tpu.memref_slice %arg12[%add3A_700, %dma_start3A_723] : memref<256x64xf32, #tpu.memory_space<vmem>> -> memref<1x64xf32, #tpu.memory_space<vmem>>
      %dma_start3A_725 = arith.constant 0 : i32
      %dma_start3A_726 = tpu.memref_slice %arg6[%squeeze3A_722, %dma_start3A_725] : memref<1000x64xf32, #tpu.memory_space<hbm>> -> memref<1x64xf32, #tpu.memory_space<hbm>>
      %dma_start3A_727 = arith.constant 0 : i32
      %dma_start3A_728 = tpu.memref_slice %arg12[%add3A_700, %dma_start3A_727] : memref<256x64xf32, #tpu.memory_space<vmem>> -> memref<1x64xf32, #tpu.memory_space<vmem>>
      %dma_start3A_729 = arith.constant 0 : i32
      %dma_start3A_730 = tpu.memref_slice %arg6[%squeeze3A_722, %dma_start3A_729] : memref<1000x64xf32, #tpu.memory_space<hbm>> -> memref<1x64xf32, #tpu.memory_space<hbm>>
      tpu.enqueue_dma source(%dma_start3A_730 : memref<1x64xf32, #tpu.memory_space<hbm>>) target(%dma_start3A_728 : memref<1x64xf32, #tpu.memory_space<vmem>>) target_semaphore(%arg16 : memref<!tpu.dma_semaphore, #tpu.memory_space<semaphore_mem>>)
    }
    %scan3A_90 = arith.constant 16 : i32
    %dma_wait3A_91 = arith.constant 0 : i32
    %dma_wait3A_92 = arith.constant 0 : i32
    %dma_wait3A_93 = tpu.memref_slice %arg11[%dma_wait3A_91, %dma_wait3A_92] : memref<256x64xf32, #tpu.memory_space<vmem>> -> memref<128x64xf32, #tpu.memory_space<vmem>>
    %dma_wait3A_94 = arith.constant 0 : i32
    %dma_wait3A_95 = arith.constant 0 : i32
    %dma_wait3A_96 = tpu.memref_slice %arg5[%dma_wait3A_94, %dma_wait3A_95] : memref<1000000x64xf32, #tpu.memory_space<hbm>> -> memref<128x64xf32, #tpu.memory_space<hbm>>
    %dma_wait3A_97 = arith.constant 0 : i32
    %dma_wait3A_98 = arith.constant 0 : i32
    %dma_wait3A_99 = tpu.memref_slice %arg11[%dma_wait3A_97, %dma_wait3A_98] : memref<256x64xf32, #tpu.memory_space<vmem>> -> memref<128x64xf32, #tpu.memory_space<vmem>>
    %dma_wait3A_100 = arith.constant 0 : i32
    %dma_wait3A_101 = arith.constant 0 : i32
    %dma_wait3A_102 = tpu.memref_slice %arg5[%dma_wait3A_100, %dma_wait3A_101] : memref<1000000x64xf32, #tpu.memory_space<hbm>> -> memref<128x64xf32, #tpu.memory_space<hbm>>
    tpu.wait_dma2 semaphore(%arg15 : memref<!tpu.dma_semaphore, #tpu.memory_space<semaphore_mem>>) src(%dma_wait3A_102 : memref<128x64xf32, #tpu.memory_space<hbm>>) dst(%dma_wait3A_99 : memref<128x64xf32, #tpu.memory_space<vmem>>)
    %dma_wait3A_103 = arith.constant 0 : i32
    %dma_wait3A_104 = arith.constant 0 : i32
    %dma_wait3A_105 = tpu.memref_slice %arg13[%dma_wait3A_103, %dma_wait3A_104] : memref<256x64xf32, #tpu.memory_space<vmem>> -> memref<128x64xf32, #tpu.memory_space<vmem>>
    %dma_wait3A_106 = arith.constant 0 : i32
    %dma_wait3A_107 = arith.constant 0 : i32
    %dma_wait3A_108 = tpu.memref_slice %arg5[%dma_wait3A_106, %dma_wait3A_107] : memref<1000000x64xf32, #tpu.memory_space<hbm>> -> memref<128x64xf32, #tpu.memory_space<hbm>>
    %dma_wait3A_109 = arith.constant 0 : i32
    %dma_wait3A_110 = arith.constant 0 : i32
    %dma_wait3A_111 = tpu.memref_slice %arg13[%dma_wait3A_109, %dma_wait3A_110] : memref<256x64xf32, #tpu.memory_space<vmem>> -> memref<128x64xf32, #tpu.memory_space<vmem>>
    %dma_wait3A_112 = arith.constant 0 : i32
    %dma_wait3A_113 = arith.constant 0 : i32
    %dma_wait3A_114 = tpu.memref_slice %arg5[%dma_wait3A_112, %dma_wait3A_113] : memref<1000000x64xf32, #tpu.memory_space<hbm>> -> memref<128x64xf32, #tpu.memory_space<hbm>>
    tpu.wait_dma2 semaphore(%arg15 : memref<!tpu.dma_semaphore, #tpu.memory_space<semaphore_mem>>) src(%dma_wait3A_114 : memref<128x64xf32, #tpu.memory_space<hbm>>) dst(%dma_wait3A_111 : memref<128x64xf32, #tpu.memory_space<vmem>>)
    %dma_wait3A_115 = arith.constant 0 : i32
    %dma_wait3A_116 = arith.constant 0 : i32
    %dma_wait3A_117 = tpu.memref_slice %arg12[%dma_wait3A_115, %dma_wait3A_116] : memref<256x64xf32, #tpu.memory_space<vmem>> -> memref<128x64xf32, #tpu.memory_space<vmem>>
    %dma_wait3A_118 = arith.constant 0 : i32
    %dma_wait3A_119 = arith.constant 0 : i32
    %dma_wait3A_120 = tpu.memref_slice %arg6[%dma_wait3A_118, %dma_wait3A_119] : memref<1000x64xf32, #tpu.memory_space<hbm>> -> memref<128x64xf32, #tpu.memory_space<hbm>>
    %dma_wait3A_121 = arith.constant 0 : i32
    %dma_wait3A_122 = arith.constant 0 : i32
    %dma_wait3A_123 = tpu.memref_slice %arg12[%dma_wait3A_121, %dma_wait3A_122] : memref<256x64xf32, #tpu.memory_space<vmem>> -> memref<128x64xf32, #tpu.memory_space<vmem>>
    %dma_wait3A_124 = arith.constant 0 : i32
    %dma_wait3A_125 = arith.constant 0 : i32
    %dma_wait3A_126 = tpu.memref_slice %arg6[%dma_wait3A_124, %dma_wait3A_125] : memref<1000x64xf32, #tpu.memory_space<hbm>> -> memref<128x64xf32, #tpu.memory_space<hbm>>
    tpu.wait_dma2 semaphore(%arg15 : memref<!tpu.dma_semaphore, #tpu.memory_space<semaphore_mem>>) src(%dma_wait3A_126 : memref<128x64xf32, #tpu.memory_space<hbm>>) dst(%dma_wait3A_123 : memref<128x64xf32, #tpu.memory_space<vmem>>)
    %dma_wait3A_127 = arith.constant 0 : i32
    %dma_wait3A_128 = arith.constant 0 : i32
    %dma_wait3A_129 = tpu.memref_slice %arg11[%dma_wait3A_127, %dma_wait3A_128] : memref<256x64xf32, #tpu.memory_space<vmem>> -> memref<128x64xf32, #tpu.memory_space<vmem>>
    %dma_wait3A_130 = arith.constant 0 : i32
    %dma_wait3A_131 = arith.constant 0 : i32
    %dma_wait3A_132 = tpu.memref_slice %arg5[%dma_wait3A_130, %dma_wait3A_131] : memref<1000000x64xf32, #tpu.memory_space<hbm>> -> memref<128x64xf32, #tpu.memory_space<hbm>>
    %dma_wait3A_133 = arith.constant 0 : i32
    %dma_wait3A_134 = arith.constant 0 : i32
    %dma_wait3A_135 = tpu.memref_slice %arg11[%dma_wait3A_133, %dma_wait3A_134] : memref<256x64xf32, #tpu.memory_space<vmem>> -> memref<128x64xf32, #tpu.memory_space<vmem>>
    %dma_wait3A_136 = arith.constant 0 : i32
    %dma_wait3A_137 = arith.constant 0 : i32
    %dma_wait3A_138 = tpu.memref_slice %arg5[%dma_wait3A_136, %dma_wait3A_137] : memref<1000000x64xf32, #tpu.memory_space<hbm>> -> memref<128x64xf32, #tpu.memory_space<hbm>>
    tpu.wait_dma2 semaphore(%arg16 : memref<!tpu.dma_semaphore, #tpu.memory_space<semaphore_mem>>) src(%dma_wait3A_138 : memref<128x64xf32, #tpu.memory_space<hbm>>) dst(%dma_wait3A_135 : memref<128x64xf32, #tpu.memory_space<vmem>>)
    %dma_wait3A_139 = arith.constant 0 : i32
    %dma_wait3A_140 = arith.constant 0 : i32
    %dma_wait3A_141 = tpu.memref_slice %arg13[%dma_wait3A_139, %dma_wait3A_140] : memref<256x64xf32, #tpu.memory_space<vmem>> -> memref<128x64xf32, #tpu.memory_space<vmem>>
    %dma_wait3A_142 = arith.constant 0 : i32
    %dma_wait3A_143 = arith.constant 0 : i32
    %dma_wait3A_144 = tpu.memref_slice %arg5[%dma_wait3A_142, %dma_wait3A_143] : memref<1000000x64xf32, #tpu.memory_space<hbm>> -> memref<128x64xf32, #tpu.memory_space<hbm>>
    %dma_wait3A_145 = arith.constant 0 : i32
    %dma_wait3A_146 = arith.constant 0 : i32
    %dma_wait3A_147 = tpu.memref_slice %arg13[%dma_wait3A_145, %dma_wait3A_146] : memref<256x64xf32, #tpu.memory_space<vmem>> -> memref<128x64xf32, #tpu.memory_space<vmem>>
    %dma_wait3A_148 = arith.constant 0 : i32
    %dma_wait3A_149 = arith.constant 0 : i32
    %dma_wait3A_150 = tpu.memref_slice %arg5[%dma_wait3A_148, %dma_wait3A_149] : memref<1000000x64xf32, #tpu.memory_space<hbm>> -> memref<128x64xf32, #tpu.memory_space<hbm>>
    tpu.wait_dma2 semaphore(%arg16 : memref<!tpu.dma_semaphore, #tpu.memory_space<semaphore_mem>>) src(%dma_wait3A_150 : memref<128x64xf32, #tpu.memory_space<hbm>>) dst(%dma_wait3A_147 : memref<128x64xf32, #tpu.memory_space<vmem>>)
    %dma_wait3A_151 = arith.constant 0 : i32
    %dma_wait3A_152 = arith.constant 0 : i32
    %dma_wait3A_153 = tpu.memref_slice %arg12[%dma_wait3A_151, %dma_wait3A_152] : memref<256x64xf32, #tpu.memory_space<vmem>> -> memref<128x64xf32, #tpu.memory_space<vmem>>
    %dma_wait3A_154 = arith.constant 0 : i32
    %dma_wait3A_155 = arith.constant 0 : i32
    %dma_wait3A_156 = tpu.memref_slice %arg6[%dma_wait3A_154, %dma_wait3A_155] : memref<1000x64xf32, #tpu.memory_space<hbm>> -> memref<128x64xf32, #tpu.memory_space<hbm>>
    %dma_wait3A_157 = arith.constant 0 : i32
    %dma_wait3A_158 = arith.constant 0 : i32
    %dma_wait3A_159 = tpu.memref_slice %arg12[%dma_wait3A_157, %dma_wait3A_158] : memref<256x64xf32, #tpu.memory_space<vmem>> -> memref<128x64xf32, #tpu.memory_space<vmem>>
    %dma_wait3A_160 = arith.constant 0 : i32
    %dma_wait3A_161 = arith.constant 0 : i32
    %dma_wait3A_162 = tpu.memref_slice %arg6[%dma_wait3A_160, %dma_wait3A_161] : memref<1000x64xf32, #tpu.memory_space<hbm>> -> memref<128x64xf32, #tpu.memory_space<hbm>>
    tpu.wait_dma2 semaphore(%arg16 : memref<!tpu.dma_semaphore, #tpu.memory_space<semaphore_mem>>) src(%dma_wait3A_162 : memref<128x64xf32, #tpu.memory_space<hbm>>) dst(%dma_wait3A_159 : memref<128x64xf32, #tpu.memory_space<vmem>>)
    %scan3A_163 = arith.constant 0 : i32
    %scan3A_164 = arith.constant 0 : i32
    %scan3A_165 = arith.constant 16 : i32
    %scan3A_166 = arith.addi %scan3A_164, %scan3A_165 : i32
    %scan3A_167 = arith.constant 1 : i32
    scf.for %scan3A_169 = %scan3A_164 to %scan3A_166 step %scan3A_167  : i32 {
      %iota3A = tpu.iota {dimensions = array<i32: 0>} : vector<16xi32>
      %mul3A_170 = arith.constant 16 : i32
      %mul3A_171 = arith.muli %scan3A_169, %mul3A_170 : i32
      %add3A_172 = arith.constant 0 : i32
      %add3A_173 = arith.addi %mul3A_171, %add3A_172 : i32
      %get3A = arith.index_cast %add3A_173 : i32 to index
      %get3A_174 = arith.constant 0 : index
      %get3A_175 = tpu.vector_load %arg11[%get3A, %get3A_174] {strides = array<i32>} : memref<256x64xf32, #tpu.memory_space<vmem>>, vector<1x16xf32>,
      %get3A_176 = vector.shape_cast %get3A_175 : vector<1x16xf32> to vector<16xf32>
      %get3A_177 = arith.index_cast %add3A_173 : i32 to index
      %get3A_178 = arith.constant 0 : index
      %get3A_179 = tpu.vector_load %arg12[%get3A_177, %get3A_178] {strides = array<i32>} : memref<256x64xf32, #tpu.memory_space<vmem>>, vector<1x16xf32>,
      %get3A_180 = vector.shape_cast %get3A_179 : vector<1x16xf32> to vector<16xf32>
      %get3A_181 = arith.index_cast %add3A_173 : i32 to index
      %get3A_182 = arith.constant 0 : index
      %get3A_183 = tpu.vector_load %arg13[%get3A_181, %get3A_182] {strides = array<i32>} : memref<256x64xf32, #tpu.memory_space<vmem>>, vector<1x16xf32>,
      %get3A_184 = vector.shape_cast %get3A_183 : vector<1x16xf32> to vector<16xf32>
      %mul3A_185 = arith.mulf %get3A_176, %get3A_180 : vector<16xf32>
      %sub3A = arith.subf %mul3A_185, %get3A_184 : vector<16xf32>
      %get3A_186 = arith.index_cast %add3A_173 : i32 to index
      %get3A_187 = arith.constant 16 : index
      %get3A_188 = tpu.vector_load %arg11[%get3A_186, %get3A_187] {strides = array<i32>} : memref<256x64xf32, #tpu.memory_space<vmem>>, vector<1x16xf32>,
      %get3A_189 = vector.shape_cast %get3A_188 : vector<1x16xf32> to vector<16xf32>
      %get3A_190 = arith.index_cast %add3A_173 : i32 to index
      %get3A_191 = arith.constant 16 : index
      %get3A_192 = tpu.vector_load %arg12[%get3A_190, %get3A_191] {strides = array<i32>} : memref<256x64xf32, #tpu.memory_space<vmem>>, vector<1x16xf32>,
      %get3A_193 = vector.shape_cast %get3A_192 : vector<1x16xf32> to vector<16xf32>
      %get3A_194 = arith.index_cast %add3A_173 : i32 to index
      %get3A_195 = arith.constant 16 : index
      %get3A_196 = tpu.vector_load %arg13[%get3A_194, %get3A_195] {strides = array<i32>} : memref<256x64xf32, #tpu.memory_space<vmem>>, vector<1x16xf32>,
      %get3A_197 = vector.shape_cast %get3A_196 : vector<1x16xf32> to vector<16xf32>
      %mul3A_198 = arith.mulf %get3A_189, %get3A_193 : vector<16xf32>
      %sub3A_199 = arith.subf %mul3A_198, %get3A_197 : vector<16xf32>
      %add3A_200 = arith.addf %sub3A, %sub3A_199 : vector<16xf32>
      %get3A_201 = arith.index_cast %add3A_173 : i32 to index
      %get3A_202 = arith.constant 32 : index
      %get3A_203 = tpu.vector_load %arg11[%get3A_201, %get3A_202] {strides = array<i32>} : memref<256x64xf32, #tpu.memory_space<vmem>>, vector<1x16xf32>,
      %get3A_204 = vector.shape_cast %get3A_203 : vector<1x16xf32> to vector<16xf32>
      %get3A_205 = arith.index_cast %add3A_173 : i32 to index
      %get3A_206 = arith.constant 32 : index
      %get3A_207 = tpu.vector_load %arg12[%get3A_205, %get3A_206] {strides = array<i32>} : memref<256x64xf32, #tpu.memory_space<vmem>>, vector<1x16xf32>,
      %get3A_208 = vector.shape_cast %get3A_207 : vector<1x16xf32> to vector<16xf32>
      %get3A_209 = arith.index_cast %add3A_173 : i32 to index
      %get3A_210 = arith.constant 32 : index
      %get3A_211 = tpu.vector_load %arg13[%get3A_209, %get3A_210] {strides = array<i32>} : memref<256x64xf32, #tpu.memory_space<vmem>>, vector<1x16xf32>,
      %get3A_212 = vector.shape_cast %get3A_211 : vector<1x16xf32> to vector<16xf32>
      %mul3A_213 = arith.mulf %get3A_204, %get3A_208 : vector<16xf32>
      %sub3A_214 = arith.subf %mul3A_213, %get3A_212 : vector<16xf32>
      %add3A_215 = arith.addf %add3A_200, %sub3A_214 : vector<16xf32>
      %get3A_216 = arith.index_cast %add3A_173 : i32 to index
      %get3A_217 = arith.constant 48 : index
      %get3A_218 = tpu.vector_load %arg11[%get3A_216, %get3A_217] {strides = array<i32>} : memref<256x64xf32, #tpu.memory_space<vmem>>, vector<1x16xf32>,
      %get3A_219 = vector.shape_cast %get3A_218 : vector<1x16xf32> to vector<16xf32>
      %get3A_220 = arith.index_cast %add3A_173 : i32 to index
      %get3A_221 = arith.constant 48 : index
      %get3A_222 = tpu.vector_load %arg12[%get3A_220, %get3A_221] {strides = array<i32>} : memref<256x64xf32, #tpu.memory_space<vmem>>, vector<1x16xf32>,
      %get3A_223 = vector.shape_cast %get3A_222 : vector<1x16xf32> to vector<16xf32>
      %get3A_224 = arith.index_cast %add3A_173 : i32 to index
      %get3A_225 = arith.constant 48 : index
      %get3A_226 = tpu.vector_load %arg13[%get3A_224, %get3A_225] {strides = array<i32>} : memref<256x64xf32, #tpu.memory_space<vmem>>, vector<1x16xf32>,
      %get3A_227 = vector.shape_cast %get3A_226 : vector<1x16xf32> to vector<16xf32>
      %mul3A_228 = arith.mulf %get3A_219, %get3A_223 : vector<16xf32>
      %sub3A_229 = arith.subf %mul3A_228, %get3A_227 : vector<16xf32>
      %add3A_230 = arith.addf %add3A_215, %sub3A_229 : vector<16xf32>
      %mul3A_231 = arith.constant 16 : i32
      %mul3A_232 = arith.muli %scan3A_169, %mul3A_231 : i32
      %add3A_233 = arith.constant 1 : i32
      %add3A_234 = arith.addi %mul3A_232, %add3A_233 : i32
      %get3A_235 = arith.index_cast %add3A_234 : i32 to index
      %get3A_236 = arith.constant 0 : index
      %get3A_237 = tpu.vector_load %arg11[%get3A_235, %get3A_236] {strides = array<i32>} : memref<256x64xf32, #tpu.memory_space<vmem>>, vector<1x16xf32>,
      %get3A_238 = vector.shape_cast %get3A_237 : vector<1x16xf32> to vector<16xf32>
      %get3A_239 = arith.index_cast %add3A_234 : i32 to index
      %get3A_240 = arith.constant 0 : index
      %get3A_241 = tpu.vector_load %arg12[%get3A_239, %get3A_240] {strides = array<i32>} : memref<256x64xf32, #tpu.memory_space<vmem>>, vector<1x16xf32>,
      %get3A_242 = vector.shape_cast %get3A_241 : vector<1x16xf32> to vector<16xf32>
      %get3A_243 = arith.index_cast %add3A_234 : i32 to index
      %get3A_244 = arith.constant 0 : index
      %get3A_245 = tpu.vector_load %arg13[%get3A_243, %get3A_244] {strides = array<i32>} : memref<256x64xf32, #tpu.memory_space<vmem>>, vector<1x16xf32>,
      %get3A_246 = vector.shape_cast %get3A_245 : vector<1x16xf32> to vector<16xf32>
      %mul3A_247 = arith.mulf %get3A_238, %get3A_242 : vector<16xf32>
      %sub3A_248 = arith.subf %mul3A_247, %get3A_246 : vector<16xf32>
      %get3A_249 = arith.index_cast %add3A_234 : i32 to index
      %get3A_250 = arith.constant 16 : index
      %get3A_251 = tpu.vector_load %arg11[%get3A_249, %get3A_250] {strides = array<i32>} : memref<256x64xf32, #tpu.memory_space<vmem>>, vector<1x16xf32>,
      %get3A_252 = vector.shape_cast %get3A_251 : vector<1x16xf32> to vector<16xf32>
      %get3A_253 = arith.index_cast %add3A_234 : i32 to index
      %get3A_254 = arith.constant 16 : index
      %get3A_255 = tpu.vector_load %arg12[%get3A_253, %get3A_254] {strides = array<i32>} : memref<256x64xf32, #tpu.memory_space<vmem>>, vector<1x16xf32>,
      %get3A_256 = vector.shape_cast %get3A_255 : vector<1x16xf32> to vector<16xf32>
      %get3A_257 = arith.index_cast %add3A_234 : i32 to index
      %get3A_258 = arith.constant 16 : index
      %get3A_259 = tpu.vector_load %arg13[%get3A_257, %get3A_258] {strides = array<i32>} : memref<256x64xf32, #tpu.memory_space<vmem>>, vector<1x16xf32>,
      %get3A_260 = vector.shape_cast %get3A_259 : vector<1x16xf32> to vector<16xf32>
      %mul3A_261 = arith.mulf %get3A_252, %get3A_256 : vector<16xf32>
      %sub3A_262 = arith.subf %mul3A_261, %get3A_260 : vector<16xf32>
      %add3A_263 = arith.addf %sub3A_248, %sub3A_262 : vector<16xf32>
      %get3A_264 = arith.index_cast %add3A_234 : i32 to index
      %get3A_265 = arith.constant 32 : index
      %get3A_266 = tpu.vector_load %arg11[%get3A_264, %get3A_265] {strides = array<i32>} : memref<256x64xf32, #tpu.memory_space<vmem>>, vector<1x16xf32>,
      %get3A_267 = vector.shape_cast %get3A_266 : vector<1x16xf32> to vector<16xf32>
      %get3A_268 = arith.index_cast %add3A_234 : i32 to index
      %get3A_269 = arith.constant 32 : index
      %get3A_270 = tpu.vector_load %arg12[%get3A_268, %get3A_269] {strides = array<i32>} : memref<256x64xf32, #tpu.memory_space<vmem>>, vector<1x16xf32>,
      %get3A_271 = vector.shape_cast %get3A_270 : vector<1x16xf32> to vector<16xf32>
      %get3A_272 = arith.index_cast %add3A_234 : i32 to index
      %get3A_273 = arith.constant 32 : index
      %get3A_274 = tpu.vector_load %arg13[%get3A_272, %get3A_273] {strides = array<i32>} : memref<256x64xf32, #tpu.memory_space<vmem>>, vector<1x16xf32>,
      %get3A_275 = vector.shape_cast %get3A_274 : vector<1x16xf32> to vector<16xf32>
      %mul3A_276 = arith.mulf %get3A_267, %get3A_271 : vector<16xf32>
      %sub3A_277 = arith.subf %mul3A_276, %get3A_275 : vector<16xf32>
      %add3A_278 = arith.addf %add3A_263, %sub3A_277 : vector<16xf32>
      %get3A_279 = arith.index_cast %add3A_234 : i32 to index
      %get3A_280 = arith.constant 48 : index
      %get3A_281 = tpu.vector_load %arg11[%get3A_279, %get3A_280] {strides = array<i32>} : memref<256x64xf32, #tpu.memory_space<vmem>>, vector<1x16xf32>,
      %get3A_282 = vector.shape_cast %get3A_281 : vector<1x16xf32> to vector<16xf32>
      %get3A_283 = arith.index_cast %add3A_234 : i32 to index
      %get3A_284 = arith.constant 48 : index
      %get3A_285 = tpu.vector_load %arg12[%get3A_283, %get3A_284] {strides = array<i32>} : memref<256x64xf32, #tpu.memory_space<vmem>>, vector<1x16xf32>,
      %get3A_286 = vector.shape_cast %get3A_285 : vector<1x16xf32> to vector<16xf32>
      %get3A_287 = arith.index_cast %add3A_234 : i32 to index
      %get3A_288 = arith.constant 48 : index
      %get3A_289 = tpu.vector_load %arg13[%get3A_287, %get3A_288] {strides = array<i32>} : memref<256x64xf32, #tpu.memory_space<vmem>>, vector<1x16xf32>,
      %get3A_290 = vector.shape_cast %get3A_289 : vector<1x16xf32> to vector<16xf32>
      %mul3A_291 = arith.mulf %get3A_282, %get3A_286 : vector<16xf32>
      %sub3A_292 = arith.subf %mul3A_291, %get3A_290 : vector<16xf32>
      %add3A_293 = arith.addf %add3A_278, %sub3A_292 : vector<16xf32>
      %mul3A_294 = arith.constant 16 : i32
      %mul3A_295 = arith.muli %scan3A_169, %mul3A_294 : i32
      %add3A_296 = arith.constant 2 : i32
      %add3A_297 = arith.addi %mul3A_295, %add3A_296 : i32
      %get3A_298 = arith.index_cast %add3A_297 : i32 to index
      %get3A_299 = arith.constant 0 : index
      %get3A_300 = tpu.vector_load %arg11[%get3A_298, %get3A_299] {strides = array<i32>} : memref<256x64xf32, #tpu.memory_space<vmem>>, vector<1x16xf32>,
      %get3A_301 = vector.shape_cast %get3A_300 : vector<1x16xf32> to vector<16xf32>
      %get3A_302 = arith.index_cast %add3A_297 : i32 to index
      %get3A_303 = arith.constant 0 : index
      %get3A_304 = tpu.vector_load %arg12[%get3A_302, %get3A_303] {strides = array<i32>} : memref<256x64xf32, #tpu.memory_space<vmem>>, vector<1x16xf32>,
      %get3A_305 = vector.shape_cast %get3A_304 : vector<1x16xf32> to vector<16xf32>
      %get3A_306 = arith.index_cast %add3A_297 : i32 to index
      %get3A_307 = arith.constant 0 : index
      %get3A_308 = tpu.vector_load %arg13[%get3A_306, %get3A_307] {strides = array<i32>} : memref<256x64xf32, #tpu.memory_space<vmem>>, vector<1x16xf32>,
      %get3A_309 = vector.shape_cast %get3A_308 : vector<1x16xf32> to vector<16xf32>
      %mul3A_310 = arith.mulf %get3A_301, %get3A_305 : vector<16xf32>
      %sub3A_311 = arith.subf %mul3A_310, %get3A_309 : vector<16xf32>
      %get3A_312 = arith.index_cast %add3A_297 : i32 to index
      %get3A_313 = arith.constant 16 : index
      %get3A_314 = tpu.vector_load %arg11[%get3A_312, %get3A_313] {strides = array<i32>} : memref<256x64xf32, #tpu.memory_space<vmem>>, vector<1x16xf32>,
      %get3A_315 = vector.shape_cast %get3A_314 : vector<1x16xf32> to vector<16xf32>
      %get3A_316 = arith.index_cast %add3A_297 : i32 to index
      %get3A_317 = arith.constant 16 : index
      %get3A_318 = tpu.vector_load %arg12[%get3A_316, %get3A_317] {strides = array<i32>} : memref<256x64xf32, #tpu.memory_space<vmem>>, vector<1x16xf32>,
      %get3A_319 = vector.shape_cast %get3A_318 : vector<1x16xf32> to vector<16xf32>
      %get3A_320 = arith.index_cast %add3A_297 : i32 to index
      %get3A_321 = arith.constant 16 : index
      %get3A_322 = tpu.vector_load %arg13[%get3A_320, %get3A_321] {strides = array<i32>} : memref<256x64xf32, #tpu.memory_space<vmem>>, vector<1x16xf32>,
      %get3A_323 = vector.shape_cast %get3A_322 : vector<1x16xf32> to vector<16xf32>
      %mul3A_324 = arith.mulf %get3A_315, %get3A_319 : vector<16xf32>
      %sub3A_325 = arith.subf %mul3A_324, %get3A_323 : vector<16xf32>
      %add3A_326 = arith.addf %sub3A_311, %sub3A_325 : vector<16xf32>
      %get3A_327 = arith.index_cast %add3A_297 : i32 to index
      %get3A_328 = arith.constant 32 : index
      %get3A_329 = tpu.vector_load %arg11[%get3A_327, %get3A_328] {strides = array<i32>} : memref<256x64xf32, #tpu.memory_space<vmem>>, vector<1x16xf32>,
      %get3A_330 = vector.shape_cast %get3A_329 : vector<1x16xf32> to vector<16xf32>
      %get3A_331 = arith.index_cast %add3A_297 : i32 to index
      %get3A_332 = arith.constant 32 : index
      %get3A_333 = tpu.vector_load %arg12[%get3A_331, %get3A_332] {strides = array<i32>} : memref<256x64xf32, #tpu.memory_space<vmem>>, vector<1x16xf32>,
      %get3A_334 = vector.shape_cast %get3A_333 : vector<1x16xf32> to vector<16xf32>
      %get3A_335 = arith.index_cast %add3A_297 : i32 to index
      %get3A_336 = arith.constant 32 : index
      %get3A_337 = tpu.vector_load %arg13[%get3A_335, %get3A_336] {strides = array<i32>} : memref<256x64xf32, #tpu.memory_space<vmem>>, vector<1x16xf32>,
      %get3A_338 = vector.shape_cast %get3A_337 : vector<1x16xf32> to vector<16xf32>
      %mul3A_339 = arith.mulf %get3A_330, %get3A_334 : vector<16xf32>
      %sub3A_340 = arith.subf %mul3A_339, %get3A_338 : vector<16xf32>
      %add3A_341 = arith.addf %add3A_326, %sub3A_340 : vector<16xf32>
      %get3A_342 = arith.index_cast %add3A_297 : i32 to index
      %get3A_343 = arith.constant 48 : index
      %get3A_344 = tpu.vector_load %arg11[%get3A_342, %get3A_343] {strides = array<i32>} : memref<256x64xf32, #tpu.memory_space<vmem>>, vector<1x16xf32>,
      %get3A_345 = vector.shape_cast %get3A_344 : vector<1x16xf32> to vector<16xf32>
      %get3A_346 = arith.index_cast %add3A_297 : i32 to index
      %get3A_347 = arith.constant 48 : index
      %get3A_348 = tpu.vector_load %arg12[%get3A_346, %get3A_347] {strides = array<i32>} : memref<256x64xf32, #tpu.memory_space<vmem>>, vector<1x16xf32>,
      %get3A_349 = vector.shape_cast %get3A_348 : vector<1x16xf32> to vector<16xf32>
      %get3A_350 = arith.index_cast %add3A_297 : i32 to index
      %get3A_351 = arith.constant 48 : index
      %get3A_352 = tpu.vector_load %arg13[%get3A_350, %get3A_351] {strides = array<i32>} : memref<256x64xf32, #tpu.memory_space<vmem>>, vector<1x16xf32>,
      %get3A_353 = vector.shape_cast %get3A_352 : vector<1x16xf32> to vector<16xf32>
      %mul3A_354 = arith.mulf %get3A_345, %get3A_349 : vector<16xf32>
      %sub3A_355 = arith.subf %mul3A_354, %get3A_353 : vector<16xf32>
      %add3A_356 = arith.addf %add3A_341, %sub3A_355 : vector<16xf32>
      %mul3A_357 = arith.constant 16 : i32
      %mul3A_358 = arith.muli %scan3A_169, %mul3A_357 : i32
      %add3A_359 = arith.constant 3 : i32
      %add3A_360 = arith.addi %mul3A_358, %add3A_359 : i32
      %get3A_361 = arith.index_cast %add3A_360 : i32 to index
      %get3A_362 = arith.constant 0 : index
      %get3A_363 = tpu.vector_load %arg11[%get3A_361, %get3A_362] {strides = array<i32>} : memref<256x64xf32, #tpu.memory_space<vmem>>, vector<1x16xf32>,
      %get3A_364 = vector.shape_cast %get3A_363 : vector<1x16xf32> to vector<16xf32>
      %get3A_365 = arith.index_cast %add3A_360 : i32 to index
      %get3A_366 = arith.constant 0 : index
      %get3A_367 = tpu.vector_load %arg12[%get3A_365, %get3A_366] {strides = array<i32>} : memref<256x64xf32, #tpu.memory_space<vmem>>, vector<1x16xf32>,
      %get3A_368 = vector.shape_cast %get3A_367 : vector<1x16xf32> to vector<16xf32>
      %get3A_369 = arith.index_cast %add3A_360 : i32 to index
      %get3A_370 = arith.constant 0 : index
      %get3A_371 = tpu.vector_load %arg13[%get3A_369, %get3A_370] {strides = array<i32>} : memref<256x64xf32, #tpu.memory_space<vmem>>, vector<1x16xf32>,
      %get3A_372 = vector.shape_cast %get3A_371 : vector<1x16xf32> to vector<16xf32>
      %mul3A_373 = arith.mulf %get3A_364, %get3A_368 : vector<16xf32>
      %sub3A_374 = arith.subf %mul3A_373, %get3A_372 : vector<16xf32>
      %get3A_375 = arith.index_cast %add3A_360 : i32 to index
      %get3A_376 = arith.constant 16 : index
      %get3A_377 = tpu.vector_load %arg11[%get3A_375, %get3A_376] {strides = array<i32>} : memref<256x64xf32, #tpu.memory_space<vmem>>, vector<1x16xf32>,
      %get3A_378 = vector.shape_cast %get3A_377 : vector<1x16xf32> to vector<16xf32>
      %get3A_379 = arith.index_cast %add3A_360 : i32 to index
      %get3A_380 = arith.constant 16 : index
      %get3A_381 = tpu.vector_load %arg12[%get3A_379, %get3A_380] {strides = array<i32>} : memref<256x64xf32, #tpu.memory_space<vmem>>, vector<1x16xf32>,
      %get3A_382 = vector.shape_cast %get3A_381 : vector<1x16xf32> to vector<16xf32>
      %get3A_383 = arith.index_cast %add3A_360 : i32 to index
      %get3A_384 = arith.constant 16 : index
      %get3A_385 = tpu.vector_load %arg13[%get3A_383, %get3A_384] {strides = array<i32>} : memref<256x64xf32, #tpu.memory_space<vmem>>, vector<1x16xf32>,
      %get3A_386 = vector.shape_cast %get3A_385 : vector<1x16xf32> to vector<16xf32>
      %mul3A_387 = arith.mulf %get3A_378, %get3A_382 : vector<16xf32>
      %sub3A_388 = arith.subf %mul3A_387, %get3A_386 : vector<16xf32>
      %add3A_389 = arith.addf %sub3A_374, %sub3A_388 : vector<16xf32>
      %get3A_390 = arith.index_cast %add3A_360 : i32 to index
      %get3A_391 = arith.constant 32 : index
      %get3A_392 = tpu.vector_load %arg11[%get3A_390, %get3A_391] {strides = array<i32>} : memref<256x64xf32, #tpu.memory_space<vmem>>, vector<1x16xf32>,
      %get3A_393 = vector.shape_cast %get3A_392 : vector<1x16xf32> to vector<16xf32>
      %get3A_394 = arith.index_cast %add3A_360 : i32 to index
      %get3A_395 = arith.constant 32 : index
      %get3A_396 = tpu.vector_load %arg12[%get3A_394, %get3A_395] {strides = array<i32>} : memref<256x64xf32, #tpu.memory_space<vmem>>, vector<1x16xf32>,
      %get3A_397 = vector.shape_cast %get3A_396 : vector<1x16xf32> to vector<16xf32>
      %get3A_398 = arith.index_cast %add3A_360 : i32 to index
      %get3A_399 = arith.constant 32 : index
      %get3A_400 = tpu.vector_load %arg13[%get3A_398, %get3A_399] {strides = array<i32>} : memref<256x64xf32, #tpu.memory_space<vmem>>, vector<1x16xf32>,
      %get3A_401 = vector.shape_cast %get3A_400 : vector<1x16xf32> to vector<16xf32>
      %mul3A_402 = arith.mulf %get3A_393, %get3A_397 : vector<16xf32>
      %sub3A_403 = arith.subf %mul3A_402, %get3A_401 : vector<16xf32>
      %add3A_404 = arith.addf %add3A_389, %sub3A_403 : vector<16xf32>
      %get3A_405 = arith.index_cast %add3A_360 : i32 to index
      %get3A_406 = arith.constant 48 : index
      %get3A_407 = tpu.vector_load %arg11[%get3A_405, %get3A_406] {strides = array<i32>} : memref<256x64xf32, #tpu.memory_space<vmem>>, vector<1x16xf32>,
      %get3A_408 = vector.shape_cast %get3A_407 : vector<1x16xf32> to vector<16xf32>
      %get3A_409 = arith.index_cast %add3A_360 : i32 to index
      %get3A_410 = arith.constant 48 : index
      %get3A_411 = tpu.vector_load %arg12[%get3A_409, %get3A_410] {strides = array<i32>} : memref<256x64xf32, #tpu.memory_space<vmem>>, vector<1x16xf32>,
      %get3A_412 = vector.shape_cast %get3A_411 : vector<1x16xf32> to vector<16xf32>
      %get3A_413 = arith.index_cast %add3A_360 : i32 to index
      %get3A_414 = arith.constant 48 : index
      %get3A_415 = tpu.vector_load %arg13[%get3A_413, %get3A_414] {strides = array<i32>} : memref<256x64xf32, #tpu.memory_space<vmem>>, vector<1x16xf32>,
      %get3A_416 = vector.shape_cast %get3A_415 : vector<1x16xf32> to vector<16xf32>
      %mul3A_417 = arith.mulf %get3A_408, %get3A_412 : vector<16xf32>
      %sub3A_418 = arith.subf %mul3A_417, %get3A_416 : vector<16xf32>
      %add3A_419 = arith.addf %add3A_404, %sub3A_418 : vector<16xf32>
      %mul3A_420 = arith.constant 16 : i32
      %mul3A_421 = arith.muli %scan3A_169, %mul3A_420 : i32
      %add3A_422 = arith.constant 4 : i32
      %add3A_423 = arith.addi %mul3A_421, %add3A_422 : i32
      %get3A_424 = arith.index_cast %add3A_423 : i32 to index
      %get3A_425 = arith.constant 0 : index
      %get3A_426 = tpu.vector_load %arg11[%get3A_424, %get3A_425] {strides = array<i32>} : memref<256x64xf32, #tpu.memory_space<vmem>>, vector<1x16xf32>,
      %get3A_427 = vector.shape_cast %get3A_426 : vector<1x16xf32> to vector<16xf32>
      %get3A_428 = arith.index_cast %add3A_423 : i32 to index
      %get3A_429 = arith.constant 0 : index
      %get3A_430 = tpu.vector_load %arg12[%get3A_428, %get3A_429] {strides = array<i32>} : memref<256x64xf32, #tpu.memory_space<vmem>>, vector<1x16xf32>,
      %get3A_431 = vector.shape_cast %get3A_430 : vector<1x16xf32> to vector<16xf32>
      %get3A_432 = arith.index_cast %add3A_423 : i32 to index
      %get3A_433 = arith.constant 0 : index
      %get3A_434 = tpu.vector_load %arg13[%get3A_432, %get3A_433] {strides = array<i32>} : memref<256x64xf32, #tpu.memory_space<vmem>>, vector<1x16xf32>,
      %get3A_435 = vector.shape_cast %get3A_434 : vector<1x16xf32> to vector<16xf32>
      %mul3A_436 = arith.mulf %get3A_427, %get3A_431 : vector<16xf32>
      %sub3A_437 = arith.subf %mul3A_436, %get3A_435 : vector<16xf32>
      %get3A_438 = arith.index_cast %add3A_423 : i32 to index
      %get3A_439 = arith.constant 16 : index
      %get3A_440 = tpu.vector_load %arg11[%get3A_438, %get3A_439] {strides = array<i32>} : memref<256x64xf32, #tpu.memory_space<vmem>>, vector<1x16xf32>,
      %get3A_441 = vector.shape_cast %get3A_440 : vector<1x16xf32> to vector<16xf32>
      %get3A_442 = arith.index_cast %add3A_423 : i32 to index
      %get3A_443 = arith.constant 16 : index
      %get3A_444 = tpu.vector_load %arg12[%get3A_442, %get3A_443] {strides = array<i32>} : memref<256x64xf32, #tpu.memory_space<vmem>>, vector<1x16xf32>,
      %get3A_445 = vector.shape_cast %get3A_444 : vector<1x16xf32> to vector<16xf32>
      %get3A_446 = arith.index_cast %add3A_423 : i32 to index
      %get3A_447 = arith.constant 16 : index
      %get3A_448 = tpu.vector_load %arg13[%get3A_446, %get3A_447] {strides = array<i32>} : memref<256x64xf32, #tpu.memory_space<vmem>>, vector<1x16xf32>,
      %get3A_449 = vector.shape_cast %get3A_448 : vector<1x16xf32> to vector<16xf32>
      %mul3A_450 = arith.mulf %get3A_441, %get3A_445 : vector<16xf32>
      %sub3A_451 = arith.subf %mul3A_450, %get3A_449 : vector<16xf32>
      %add3A_452 = arith.addf %sub3A_437, %sub3A_451 : vector<16xf32>
      %get3A_453 = arith.index_cast %add3A_423 : i32 to index
      %get3A_454 = arith.constant 32 : index
      %get3A_455 = tpu.vector_load %arg11[%get3A_453, %get3A_454] {strides = array<i32>} : memref<256x64xf32, #tpu.memory_space<vmem>>, vector<1x16xf32>,
      %get3A_456 = vector.shape_cast %get3A_455 : vector<1x16xf32> to vector<16xf32>
      %get3A_457 = arith.index_cast %add3A_423 : i32 to index
      %get3A_458 = arith.constant 32 : index
      %get3A_459 = tpu.vector_load %arg12[%get3A_457, %get3A_458] {strides = array<i32>} : memref<256x64xf32, #tpu.memory_space<vmem>>, vector<1x16xf32>,
      %get3A_460 = vector.shape_cast %get3A_459 : vector<1x16xf32> to vector<16xf32>
      %get3A_461 = arith.index_cast %add3A_423 : i32 to index
      %get3A_462 = arith.constant 32 : index
      %get3A_463 = tpu.vector_load %arg13[%get3A_461, %get3A_462] {strides = array<i32>} : memref<256x64xf32, #tpu.memory_space<vmem>>, vector<1x16xf32>,
      %get3A_464 = vector.shape_cast %get3A_463 : vector<1x16xf32> to vector<16xf32>
      %mul3A_465 = arith.mulf %get3A_456, %get3A_460 : vector<16xf32>
      %sub3A_466 = arith.subf %mul3A_465, %get3A_464 : vector<16xf32>
      %add3A_467 = arith.addf %add3A_452, %sub3A_466 : vector<16xf32>
      %get3A_468 = arith.index_cast %add3A_423 : i32 to index
      %get3A_469 = arith.constant 48 : index
      %get3A_470 = tpu.vector_load %arg11[%get3A_468, %get3A_469] {strides = array<i32>} : memref<256x64xf32, #tpu.memory_space<vmem>>, vector<1x16xf32>,
      %get3A_471 = vector.shape_cast %get3A_470 : vector<1x16xf32> to vector<16xf32>
      %get3A_472 = arith.index_cast %add3A_423 : i32 to index
      %get3A_473 = arith.constant 48 : index
      %get3A_474 = tpu.vector_load %arg12[%get3A_472, %get3A_473] {strides = array<i32>} : memref<256x64xf32, #tpu.memory_space<vmem>>, vector<1x16xf32>,
      %get3A_475 = vector.shape_cast %get3A_474 : vector<1x16xf32> to vector<16xf32>
      %get3A_476 = arith.index_cast %add3A_423 : i32 to index
      %get3A_477 = arith.constant 48 : index
      %get3A_478 = tpu.vector_load %arg13[%get3A_476, %get3A_477] {strides = array<i32>} : memref<256x64xf32, #tpu.memory_space<vmem>>, vector<1x16xf32>,
      %get3A_479 = vector.shape_cast %get3A_478 : vector<1x16xf32> to vector<16xf32>
      %mul3A_480 = arith.mulf %get3A_471, %get3A_475 : vector<16xf32>
      %sub3A_481 = arith.subf %mul3A_480, %get3A_479 : vector<16xf32>
      %add3A_482 = arith.addf %add3A_467, %sub3A_481 : vector<16xf32>
      %mul3A_483 = arith.constant 16 : i32
      %mul3A_484 = arith.muli %scan3A_169, %mul3A_483 : i32
      %add3A_485 = arith.constant 5 : i32
      %add3A_486 = arith.addi %mul3A_484, %add3A_485 : i32
      %get3A_487 = arith.index_cast %add3A_486 : i32 to index
      %get3A_488 = arith.constant 0 : index
      %get3A_489 = tpu.vector_load %arg11[%get3A_487, %get3A_488] {strides = array<i32>} : memref<256x64xf32, #tpu.memory_space<vmem>>, vector<1x16xf32>,
      %get3A_490 = vector.shape_cast %get3A_489 : vector<1x16xf32> to vector<16xf32>
      %get3A_491 = arith.index_cast %add3A_486 : i32 to index
      %get3A_492 = arith.constant 0 : index
      %get3A_493 = tpu.vector_load %arg12[%get3A_491, %get3A_492] {strides = array<i32>} : memref<256x64xf32, #tpu.memory_space<vmem>>, vector<1x16xf32>,
      %get3A_494 = vector.shape_cast %get3A_493 : vector<1x16xf32> to vector<16xf32>
      %get3A_495 = arith.index_cast %add3A_486 : i32 to index
      %get3A_496 = arith.constant 0 : index
      %get3A_497 = tpu.vector_load %arg13[%get3A_495, %get3A_496] {strides = array<i32>} : memref<256x64xf32, #tpu.memory_space<vmem>>, vector<1x16xf32>,
      %get3A_498 = vector.shape_cast %get3A_497 : vector<1x16xf32> to vector<16xf32>
      %mul3A_499 = arith.mulf %get3A_490, %get3A_494 : vector<16xf32>
      %sub3A_500 = arith.subf %mul3A_499, %get3A_498 : vector<16xf32>
      %get3A_501 = arith.index_cast %add3A_486 : i32 to index
      %get3A_502 = arith.constant 16 : index
      %get3A_503 = tpu.vector_load %arg11[%get3A_501, %get3A_502] {strides = array<i32>} : memref<256x64xf32, #tpu.memory_space<vmem>>, vector<1x16xf32>,
      %get3A_504 = vector.shape_cast %get3A_503 : vector<1x16xf32> to vector<16xf32>
      %get3A_505 = arith.index_cast %add3A_486 : i32 to index
      %get3A_506 = arith.constant 16 : index
      %get3A_507 = tpu.vector_load %arg12[%get3A_505, %get3A_506] {strides = array<i32>} : memref<256x64xf32, #tpu.memory_space<vmem>>, vector<1x16xf32>,
      %get3A_508 = vector.shape_cast %get3A_507 : vector<1x16xf32> to vector<16xf32>
      %get3A_509 = arith.index_cast %add3A_486 : i32 to index
      %get3A_510 = arith.constant 16 : index
      %get3A_511 = tpu.vector_load %arg13[%get3A_509, %get3A_510] {strides = array<i32>} : memref<256x64xf32, #tpu.memory_space<vmem>>, vector<1x16xf32>,
      %get3A_512 = vector.shape_cast %get3A_511 : vector<1x16xf32> to vector<16xf32>
      %mul3A_513 = arith.mulf %get3A_504, %get3A_508 : vector<16xf32>
      %sub3A_514 = arith.subf %mul3A_513, %get3A_512 : vector<16xf32>
      %add3A_515 = arith.addf %sub3A_500, %sub3A_514 : vector<16xf32>
      %get3A_516 = arith.index_cast %add3A_486 : i32 to index
      %get3A_517 = arith.constant 32 : index
      %get3A_518 = tpu.vector_load %arg11[%get3A_516, %get3A_517] {strides = array<i32>} : memref<256x64xf32, #tpu.memory_space<vmem>>, vector<1x16xf32>,
      %get3A_519 = vector.shape_cast %get3A_518 : vector<1x16xf32> to vector<16xf32>
      %get3A_520 = arith.index_cast %add3A_486 : i32 to index
      %get3A_521 = arith.constant 32 : index
      %get3A_522 = tpu.vector_load %arg12[%get3A_520, %get3A_521] {strides = array<i32>} : memref<256x64xf32, #tpu.memory_space<vmem>>, vector<1x16xf32>,
      %get3A_523 = vector.shape_cast %get3A_522 : vector<1x16xf32> to vector<16xf32>
      %get3A_524 = arith.index_cast %add3A_486 : i32 to index
      %get3A_525 = arith.constant 32 : index
      %get3A_526 = tpu.vector_load %arg13[%get3A_524, %get3A_525] {strides = array<i32>} : memref<256x64xf32, #tpu.memory_space<vmem>>, vector<1x16xf32>,
      %get3A_527 = vector.shape_cast %get3A_526 : vector<1x16xf32> to vector<16xf32>
      %mul3A_528 = arith.mulf %get3A_519, %get3A_523 : vector<16xf32>
      %sub3A_529 = arith.subf %mul3A_528, %get3A_527 : vector<16xf32>
      %add3A_530 = arith.addf %add3A_515, %sub3A_529 : vector<16xf32>
      %get3A_531 = arith.index_cast %add3A_486 : i32 to index
      %get3A_532 = arith.constant 48 : index
      %get3A_533 = tpu.vector_load %arg11[%get3A_531, %get3A_532] {strides = array<i32>} : memref<256x64xf32, #tpu.memory_space<vmem>>, vector<1x16xf32>,
      %get3A_534 = vector.shape_cast %get3A_533 : vector<1x16xf32> to vector<16xf32>
      %get3A_535 = arith.index_cast %add3A_486 : i32 to index
      %get3A_536 = arith.constant 48 : index
      %get3A_537 = tpu.vector_load %arg12[%get3A_535, %get3A_536] {strides = array<i32>} : memref<256x64xf32, #tpu.memory_space<vmem>>, vector<1x16xf32>,
      %get3A_538 = vector.shape_cast %get3A_537 : vector<1x16xf32> to vector<16xf32>
      %get3A_539 = arith.index_cast %add3A_486 : i32 to index
      %get3A_540 = arith.constant 48 : index
      %get3A_541 = tpu.vector_load %arg13[%get3A_539, %get3A_540] {strides = array<i32>} : memref<256x64xf32, #tpu.memory_space<vmem>>, vector<1x16xf32>,
      %get3A_542 = vector.shape_cast %get3A_541 : vector<1x16xf32> to vector<16xf32>
      %mul3A_543 = arith.mulf %get3A_534, %get3A_538 : vector<16xf32>
      %sub3A_544 = arith.subf %mul3A_543, %get3A_542 : vector<16xf32>
      %add3A_545 = arith.addf %add3A_530, %sub3A_544 : vector<16xf32>
      %mul3A_546 = arith.constant 16 : i32
      %mul3A_547 = arith.muli %scan3A_169, %mul3A_546 : i32
      %add3A_548 = arith.constant 6 : i32
      %add3A_549 = arith.addi %mul3A_547, %add3A_548 : i32
      %get3A_550 = arith.index_cast %add3A_549 : i32 to index
      %get3A_551 = arith.constant 0 : index
      %get3A_552 = tpu.vector_load %arg11[%get3A_550, %get3A_551] {strides = array<i32>} : memref<256x64xf32, #tpu.memory_space<vmem>>, vector<1x16xf32>,
      %get3A_553 = vector.shape_cast %get3A_552 : vector<1x16xf32> to vector<16xf32>
      %get3A_554 = arith.index_cast %add3A_549 : i32 to index
      %get3A_555 = arith.constant 0 : index
      %get3A_556 = tpu.vector_load %arg12[%get3A_554, %get3A_555] {strides = array<i32>} : memref<256x64xf32, #tpu.memory_space<vmem>>, vector<1x16xf32>,
      %get3A_557 = vector.shape_cast %get3A_556 : vector<1x16xf32> to vector<16xf32>
      %get3A_558 = arith.index_cast %add3A_549 : i32 to index
      %get3A_559 = arith.constant 0 : index
      %get3A_560 = tpu.vector_load %arg13[%get3A_558, %get3A_559] {strides = array<i32>} : memref<256x64xf32, #tpu.memory_space<vmem>>, vector<1x16xf32>,
      %get3A_561 = vector.shape_cast %get3A_560 : vector<1x16xf32> to vector<16xf32>
      %mul3A_562 = arith.mulf %get3A_553, %get3A_557 : vector<16xf32>
      %sub3A_563 = arith.subf %mul3A_562, %get3A_561 : vector<16xf32>
      %get3A_564 = arith.index_cast %add3A_549 : i32 to index
      %get3A_565 = arith.constant 16 : index
      %get3A_566 = tpu.vector_load %arg11[%get3A_564, %get3A_565] {strides = array<i32>} : memref<256x64xf32, #tpu.memory_space<vmem>>, vector<1x16xf32>,
      %get3A_567 = vector.shape_cast %get3A_566 : vector<1x16xf32> to vector<16xf32>
      %get3A_568 = arith.index_cast %add3A_549 : i32 to index
      %get3A_569 = arith.constant 16 : index
      %get3A_570 = tpu.vector_load %arg12[%get3A_568, %get3A_569] {strides = array<i32>} : memref<256x64xf32, #tpu.memory_space<vmem>>, vector<1x16xf32>,
      %get3A_571 = vector.shape_cast %get3A_570 : vector<1x16xf32> to vector<16xf32>
      %get3A_572 = arith.index_cast %add3A_549 : i32 to index
      %get3A_573 = arith.constant 16 : index
      %get3A_574 = tpu.vector_load %arg13[%get3A_572, %get3A_573] {strides = array<i32>} : memref<256x64xf32, #tpu.memory_space<vmem>>, vector<1x16xf32>,
      %get3A_575 = vector.shape_cast %get3A_574 : vector<1x16xf32> to vector<16xf32>
      %mul3A_576 = arith.mulf %get3A_567, %get3A_571 : vector<16xf32>
      %sub3A_577 = arith.subf %mul3A_576, %get3A_575 : vector<16xf32>
      %add3A_578 = arith.addf %sub3A_563, %sub3A_577 : vector<16xf32>
      %get3A_579 = arith.index_cast %add3A_549 : i32 to index
      %get3A_580 = arith.constant 32 : index
      %get3A_581 = tpu.vector_load %arg11[%get3A_579, %get3A_580] {strides = array<i32>} : memref<256x64xf32, #tpu.memory_space<vmem>>, vector<1x16xf32>,
      %get3A_582 = vector.shape_cast %get3A_581 : vector<1x16xf32> to vector<16xf32>
      %get3A_583 = arith.index_cast %add3A_549 : i32 to index
      %get3A_584 = arith.constant 32 : index
      %get3A_585 = tpu.vector_load %arg12[%get3A_583, %get3A_584] {strides = array<i32>} : memref<256x64xf32, #tpu.memory_space<vmem>>, vector<1x16xf32>,
      %get3A_586 = vector.shape_cast %get3A_585 : vector<1x16xf32> to vector<16xf32>
      %get3A_587 = arith.index_cast %add3A_549 : i32 to index
      %get3A_588 = arith.constant 32 : index
      %get3A_589 = tpu.vector_load %arg13[%get3A_587, %get3A_588] {strides = array<i32>} : memref<256x64xf32, #tpu.memory_space<vmem>>, vector<1x16xf32>,
      %get3A_590 = vector.shape_cast %get3A_589 : vector<1x16xf32> to vector<16xf32>
      %mul3A_591 = arith.mulf %get3A_582, %get3A_586 : vector<16xf32>
      %sub3A_592 = arith.subf %mul3A_591, %get3A_590 : vector<16xf32>
      %add3A_593 = arith.addf %add3A_578, %sub3A_592 : vector<16xf32>
      %get3A_594 = arith.index_cast %add3A_549 : i32 to index
      %get3A_595 = arith.constant 48 : index
      %get3A_596 = tpu.vector_load %arg11[%get3A_594, %get3A_595] {strides = array<i32>} : memref<256x64xf32, #tpu.memory_space<vmem>>, vector<1x16xf32>,
      %get3A_597 = vector.shape_cast %get3A_596 : vector<1x16xf32> to vector<16xf32>
      %get3A_598 = arith.index_cast %add3A_549 : i32 to index
      %get3A_599 = arith.constant 48 : index
      %get3A_600 = tpu.vector_load %arg12[%get3A_598, %get3A_599] {strides = array<i32>} : memref<256x64xf32, #tpu.memory_space<vmem>>, vector<1x16xf32>,
      %get3A_601 = vector.shape_cast %get3A_600 : vector<1x16xf32> to vector<16xf32>
      %get3A_602 = arith.index_cast %add3A_549 : i32 to index
      %get3A_603 = arith.constant 48 : index
      %get3A_604 = tpu.vector_load %arg13[%get3A_602, %get3A_603] {strides = array<i32>} : memref<256x64xf32, #tpu.memory_space<vmem>>, vector<1x16xf32>,
      %get3A_605 = vector.shape_cast %get3A_604 : vector<1x16xf32> to vector<16xf32>
      %mul3A_606 = arith.mulf %get3A_597, %get3A_601 : vector<16xf32>
      %sub3A_607 = arith.subf %mul3A_606, %get3A_605 : vector<16xf32>
      %add3A_608 = arith.addf %add3A_593, %sub3A_607 : vector<16xf32>
      %mul3A_609 = arith.constant 16 : i32
      %mul3A_610 = arith.muli %scan3A_169, %mul3A_609 : i32
      %add3A_611 = arith.constant 7 : i32
      %add3A_612 = arith.addi %mul3A_610, %add3A_611 : i32
      %get3A_613 = arith.index_cast %add3A_612 : i32 to index
      %get3A_614 = arith.constant 0 : index
      %get3A_615 = tpu.vector_load %arg11[%get3A_613, %get3A_614] {strides = array<i32>} : memref<256x64xf32, #tpu.memory_space<vmem>>, vector<1x16xf32>,
      %get3A_616 = vector.shape_cast %get3A_615 : vector<1x16xf32> to vector<16xf32>
      %get3A_617 = arith.index_cast %add3A_612 : i32 to index
      %get3A_618 = arith.constant 0 : index
      %get3A_619 = tpu.vector_load %arg12[%get3A_617, %get3A_618] {strides = array<i32>} : memref<256x64xf32, #tpu.memory_space<vmem>>, vector<1x16xf32>,
      %get3A_620 = vector.shape_cast %get3A_619 : vector<1x16xf32> to vector<16xf32>
      %get3A_621 = arith.index_cast %add3A_612 : i32 to index
      %get3A_622 = arith.constant 0 : index
      %get3A_623 = tpu.vector_load %arg13[%get3A_621, %get3A_622] {strides = array<i32>} : memref<256x64xf32, #tpu.memory_space<vmem>>, vector<1x16xf32>,
      %get3A_624 = vector.shape_cast %get3A_623 : vector<1x16xf32> to vector<16xf32>
      %mul3A_625 = arith.mulf %get3A_616, %get3A_620 : vector<16xf32>
      %sub3A_626 = arith.subf %mul3A_625, %get3A_624 : vector<16xf32>
      %get3A_627 = arith.index_cast %add3A_612 : i32 to index
      %get3A_628 = arith.constant 16 : index
      %get3A_629 = tpu.vector_load %arg11[%get3A_627, %get3A_628] {strides = array<i32>} : memref<256x64xf32, #tpu.memory_space<vmem>>, vector<1x16xf32>,
      %get3A_630 = vector.shape_cast %get3A_629 : vector<1x16xf32> to vector<16xf32>
      %get3A_631 = arith.index_cast %add3A_612 : i32 to index
      %get3A_632 = arith.constant 16 : index
      %get3A_633 = tpu.vector_load %arg12[%get3A_631, %get3A_632] {strides = array<i32>} : memref<256x64xf32, #tpu.memory_space<vmem>>, vector<1x16xf32>,
      %get3A_634 = vector.shape_cast %get3A_633 : vector<1x16xf32> to vector<16xf32>
      %get3A_635 = arith.index_cast %add3A_612 : i32 to index
      %get3A_636 = arith.constant 16 : index
      %get3A_637 = tpu.vector_load %arg13[%get3A_635, %get3A_636] {strides = array<i32>} : memref<256x64xf32, #tpu.memory_space<vmem>>, vector<1x16xf32>,
      %get3A_638 = vector.shape_cast %get3A_637 : vector<1x16xf32> to vector<16xf32>
      %mul3A_639 = arith.mulf %get3A_630, %get3A_634 : vector<16xf32>
      %sub3A_640 = arith.subf %mul3A_639, %get3A_638 : vector<16xf32>
      %add3A_641 = arith.addf %sub3A_626, %sub3A_640 : vector<16xf32>
      %get3A_642 = arith.index_cast %add3A_612 : i32 to index
      %get3A_643 = arith.constant 32 : index
      %get3A_644 = tpu.vector_load %arg11[%get3A_642, %get3A_643] {strides = array<i32>} : memref<256x64xf32, #tpu.memory_space<vmem>>, vector<1x16xf32>,
      %get3A_645 = vector.shape_cast %get3A_644 : vector<1x16xf32> to vector<16xf32>
      %get3A_646 = arith.index_cast %add3A_612 : i32 to index
      %get3A_647 = arith.constant 32 : index
      %get3A_648 = tpu.vector_load %arg12[%get3A_646, %get3A_647] {strides = array<i32>} : memref<256x64xf32, #tpu.memory_space<vmem>>, vector<1x16xf32>,
      %get3A_649 = vector.shape_cast %get3A_648 : vector<1x16xf32> to vector<16xf32>
      %get3A_650 = arith.index_cast %add3A_612 : i32 to index
      %get3A_651 = arith.constant 32 : index
      %get3A_652 = tpu.vector_load %arg13[%get3A_650, %get3A_651] {strides = array<i32>} : memref<256x64xf32, #tpu.memory_space<vmem>>, vector<1x16xf32>,
      %get3A_653 = vector.shape_cast %get3A_652 : vector<1x16xf32> to vector<16xf32>
      %mul3A_654 = arith.mulf %get3A_645, %get3A_649 : vector<16xf32>
      %sub3A_655 = arith.subf %mul3A_654, %get3A_653 : vector<16xf32>
      %add3A_656 = arith.addf %add3A_641, %sub3A_655 : vector<16xf32>
      %get3A_657 = arith.index_cast %add3A_612 : i32 to index
      %get3A_658 = arith.constant 48 : index
      %get3A_659 = tpu.vector_load %arg11[%get3A_657, %get3A_658] {strides = array<i32>} : memref<256x64xf32, #tpu.memory_space<vmem>>, vector<1x16xf32>,
      %get3A_660 = vector.shape_cast %get3A_659 : vector<1x16xf32> to vector<16xf32>
      %get3A_661 = arith.index_cast %add3A_612 : i32 to index
      %get3A_662 = arith.constant 48 : index
      %get3A_663 = tpu.vector_load %arg12[%get3A_661, %get3A_662] {strides = array<i32>} : memref<256x64xf32, #tpu.memory_space<vmem>>, vector<1x16xf32>,
      %get3A_664 = vector.shape_cast %get3A_663 : vector<1x16xf32> to vector<16xf32>
      %get3A_665 = arith.index_cast %add3A_612 : i32 to index
      %get3A_666 = arith.constant 48 : index
      %get3A_667 = tpu.vector_load %arg13[%get3A_665, %get3A_666] {strides = array<i32>} : memref<256x64xf32, #tpu.memory_space<vmem>>, vector<1x16xf32>,
      %get3A_668 = vector.shape_cast %get3A_667 : vector<1x16xf32> to vector<16xf32>
      %mul3A_669 = arith.mulf %get3A_660, %get3A_664 : vector<16xf32>
      %sub3A_670 = arith.subf %mul3A_669, %get3A_668 : vector<16xf32>
      %add3A_671 = arith.addf %add3A_656, %sub3A_670 : vector<16xf32>
      %mul3A_672 = arith.constant 16 : i32
      %mul3A_673 = arith.muli %scan3A_169, %mul3A_672 : i32
      %add3A_674 = arith.constant 8 : i32
      %add3A_675 = arith.addi %mul3A_673, %add3A_674 : i32
      %get3A_676 = arith.index_cast %add3A_675 : i32 to index
      %get3A_677 = arith.constant 0 : index
      %get3A_678 = tpu.vector_load %arg11[%get3A_676, %get3A_677] {strides = array<i32>} : memref<256x64xf32, #tpu.memory_space<vmem>>, vector<1x16xf32>,
      %get3A_679 = vector.shape_cast %get3A_678 : vector<1x16xf32> to vector<16xf32>
      %get3A_680 = arith.index_cast %add3A_675 : i32 to index
      %get3A_681 = arith.constant 0 : index
      %get3A_682 = tpu.vector_load %arg12[%get3A_680, %get3A_681] {strides = array<i32>} : memref<256x64xf32, #tpu.memory_space<vmem>>, vector<1x16xf32>,
      %get3A_683 = vector.shape_cast %get3A_682 : vector<1x16xf32> to vector<16xf32>
      %get3A_684 = arith.index_cast %add3A_675 : i32 to index
      %get3A_685 = arith.constant 0 : index
      %get3A_686 = tpu.vector_load %arg13[%get3A_684, %get3A_685] {strides = array<i32>} : memref<256x64xf32, #tpu.memory_space<vmem>>, vector<1x16xf32>,
      %get3A_687 = vector.shape_cast %get3A_686 : vector<1x16xf32> to vector<16xf32>
      %mul3A_688 = arith.mulf %get3A_679, %get3A_683 : vector<16xf32>
      %sub3A_689 = arith.subf %mul3A_688, %get3A_687 : vector<16xf32>
      %get3A_690 = arith.index_cast %add3A_675 : i32 to index
      %get3A_691 = arith.constant 16 : index
      %get3A_692 = tpu.vector_load %arg11[%get3A_690, %get3A_691] {strides = array<i32>} : memref<256x64xf32, #tpu.memory_space<vmem>>, vector<1x16xf32>,
      %get3A_693 = vector.shape_cast %get3A_692 : vector<1x16xf32> to vector<16xf32>
      %get3A_694 = arith.index_cast %add3A_675 : i32 to index
      %get3A_695 = arith.constant 16 : index
      %get3A_696 = tpu.vector_load %arg12[%get3A_694, %get3A_695] {strides = array<i32>} : memref<256x64xf32, #tpu.memory_space<vmem>>, vector<1x16xf32>,
      %get3A_697 = vector.shape_cast %get3A_696 : vector<1x16xf32> to vector<16xf32>
      %get3A_698 = arith.index_cast %add3A_675 : i32 to index
      %get3A_699 = arith.constant 16 : index
      %get3A_700 = tpu.vector_load %arg13[%get3A_698, %get3A_699] {strides = array<i32>} : memref<256x64xf32, #tpu.memory_space<vmem>>, vector<1x16xf32>,
      %get3A_701 = vector.shape_cast %get3A_700 : vector<1x16xf32> to vector<16xf32>
      %mul3A_702 = arith.mulf %get3A_693, %get3A_697 : vector<16xf32>
      %sub3A_703 = arith.subf %mul3A_702, %get3A_701 : vector<16xf32>
      %add3A_704 = arith.addf %sub3A_689, %sub3A_703 : vector<16xf32>
      %get3A_705 = arith.index_cast %add3A_675 : i32 to index
      %get3A_706 = arith.constant 32 : index
      %get3A_707 = tpu.vector_load %arg11[%get3A_705, %get3A_706] {strides = array<i32>} : memref<256x64xf32, #tpu.memory_space<vmem>>, vector<1x16xf32>,
      %get3A_708 = vector.shape_cast %get3A_707 : vector<1x16xf32> to vector<16xf32>
      %get3A_709 = arith.index_cast %add3A_675 : i32 to index
      %get3A_710 = arith.constant 32 : index
      %get3A_711 = tpu.vector_load %arg12[%get3A_709, %get3A_710] {strides = array<i32>} : memref<256x64xf32, #tpu.memory_space<vmem>>, vector<1x16xf32>,
      %get3A_712 = vector.shape_cast %get3A_711 : vector<1x16xf32> to vector<16xf32>
      %get3A_713 = arith.index_cast %add3A_675 : i32 to index
      %get3A_714 = arith.constant 32 : index
      %get3A_715 = tpu.vector_load %arg13[%get3A_713, %get3A_714] {strides = array<i32>} : memref<256x64xf32, #tpu.memory_space<vmem>>, vector<1x16xf32>,
      %get3A_716 = vector.shape_cast %get3A_715 : vector<1x16xf32> to vector<16xf32>
      %mul3A_717 = arith.mulf %get3A_708, %get3A_712 : vector<16xf32>
      %sub3A_718 = arith.subf %mul3A_717, %get3A_716 : vector<16xf32>
      %add3A_719 = arith.addf %add3A_704, %sub3A_718 : vector<16xf32>
      %get3A_720 = arith.index_cast %add3A_675 : i32 to index
      %get3A_721 = arith.constant 48 : index
      %get3A_722 = tpu.vector_load %arg11[%get3A_720, %get3A_721] {strides = array<i32>} : memref<256x64xf32, #tpu.memory_space<vmem>>, vector<1x16xf32>,
      %get3A_723 = vector.shape_cast %get3A_722 : vector<1x16xf32> to vector<16xf32>
      %get3A_724 = arith.index_cast %add3A_675 : i32 to index
      %get3A_725 = arith.constant 48 : index
      %get3A_726 = tpu.vector_load %arg12[%get3A_724, %get3A_725] {strides = array<i32>} : memref<256x64xf32, #tpu.memory_space<vmem>>, vector<1x16xf32>,
      %get3A_727 = vector.shape_cast %get3A_726 : vector<1x16xf32> to vector<16xf32>
      %get3A_728 = arith.index_cast %add3A_675 : i32 to index
      %get3A_729 = arith.constant 48 : index
      %get3A_730 = tpu.vector_load %arg13[%get3A_728, %get3A_729] {strides = array<i32>} : memref<256x64xf32, #tpu.memory_space<vmem>>, vector<1x16xf32>,
      %get3A_731 = vector.shape_cast %get3A_730 : vector<1x16xf32> to vector<16xf32>
      %mul3A_732 = arith.mulf %get3A_723, %get3A_727 : vector<16xf32>
      %sub3A_733 = arith.subf %mul3A_732, %get3A_731 : vector<16xf32>
      %add3A_734 = arith.addf %add3A_719, %sub3A_733 : vector<16xf32>
      %mul3A_735 = arith.constant 16 : i32
      %mul3A_736 = arith.muli %scan3A_169, %mul3A_735 : i32
      %add3A_737 = arith.constant 9 : i32
      %add3A_738 = arith.addi %mul3A_736, %add3A_737 : i32
      %get3A_739 = arith.index_cast %add3A_738 : i32 to index
      %get3A_740 = arith.constant 0 : index
      %get3A_741 = tpu.vector_load %arg11[%get3A_739, %get3A_740] {strides = array<i32>} : memref<256x64xf32, #tpu.memory_space<vmem>>, vector<1x16xf32>,
      %get3A_742 = vector.shape_cast %get3A_741 : vector<1x16xf32> to vector<16xf32>
      %get3A_743 = arith.index_cast %add3A_738 : i32 to index
      %get3A_744 = arith.constant 0 : index
      %get3A_745 = tpu.vector_load %arg12[%get3A_743, %get3A_744] {strides = array<i32>} : memref<256x64xf32, #tpu.memory_space<vmem>>, vector<1x16xf32>,
      %get3A_746 = vector.shape_cast %get3A_745 : vector<1x16xf32> to vector<16xf32>
      %get3A_747 = arith.index_cast %add3A_738 : i32 to index
      %get3A_748 = arith.constant 0 : index
      %get3A_749 = tpu.vector_load %arg13[%get3A_747, %get3A_748] {strides = array<i32>} : memref<256x64xf32, #tpu.memory_space<vmem>>, vector<1x16xf32>,
      %get3A_750 = vector.shape_cast %get3A_749 : vector<1x16xf32> to vector<16xf32>
      %mul3A_751 = arith.mulf %get3A_742, %get3A_746 : vector<16xf32>
      %sub3A_752 = arith.subf %mul3A_751, %get3A_750 : vector<16xf32>
      %get3A_753 = arith.index_cast %add3A_738 : i32 to index
      %get3A_754 = arith.constant 16 : index
      %get3A_755 = tpu.vector_load %arg11[%get3A_753, %get3A_754] {strides = array<i32>} : memref<256x64xf32, #tpu.memory_space<vmem>>, vector<1x16xf32>,
      %get3A_756 = vector.shape_cast %get3A_755 : vector<1x16xf32> to vector<16xf32>
      %get3A_757 = arith.index_cast %add3A_738 : i32 to index
      %get3A_758 = arith.constant 16 : index
      %get3A_759 = tpu.vector_load %arg12[%get3A_757, %get3A_758] {strides = array<i32>} : memref<256x64xf32, #tpu.memory_space<vmem>>, vector<1x16xf32>,
      %get3A_760 = vector.shape_cast %get3A_759 : vector<1x16xf32> to vector<16xf32>
      %get3A_761 = arith.index_cast %add3A_738 : i32 to index
      %get3A_762 = arith.constant 16 : index
      %get3A_763 = tpu.vector_load %arg13[%get3A_761, %get3A_762] {strides = array<i32>} : memref<256x64xf32, #tpu.memory_space<vmem>>, vector<1x16xf32>,
      %get3A_764 = vector.shape_cast %get3A_763 : vector<1x16xf32> to vector<16xf32>
      %mul3A_765 = arith.mulf %get3A_756, %get3A_760 : vector<16xf32>
      %sub3A_766 = arith.subf %mul3A_765, %get3A_764 : vector<16xf32>
      %add3A_767 = arith.addf %sub3A_752, %sub3A_766 : vector<16xf32>
      %get3A_768 = arith.index_cast %add3A_738 : i32 to index
      %get3A_769 = arith.constant 32 : index
      %get3A_770 = tpu.vector_load %arg11[%get3A_768, %get3A_769] {strides = array<i32>} : memref<256x64xf32, #tpu.memory_space<vmem>>, vector<1x16xf32>,
      %get3A_771 = vector.shape_cast %get3A_770 : vector<1x16xf32> to vector<16xf32>
      %get3A_772 = arith.index_cast %add3A_738 : i32 to index
      %get3A_773 = arith.constant 32 : index
      %get3A_774 = tpu.vector_load %arg12[%get3A_772, %get3A_773] {strides = array<i32>} : memref<256x64xf32, #tpu.memory_space<vmem>>, vector<1x16xf32>,
      %get3A_775 = vector.shape_cast %get3A_774 : vector<1x16xf32> to vector<16xf32>
      %get3A_776 = arith.index_cast %add3A_738 : i32 to index
      %get3A_777 = arith.constant 32 : index
      %get3A_778 = tpu.vector_load %arg13[%get3A_776, %get3A_777] {strides = array<i32>} : memref<256x64xf32, #tpu.memory_space<vmem>>, vector<1x16xf32>,
      %get3A_779 = vector.shape_cast %get3A_778 : vector<1x16xf32> to vector<16xf32>
      %mul3A_780 = arith.mulf %get3A_771, %get3A_775 : vector<16xf32>
      %sub3A_781 = arith.subf %mul3A_780, %get3A_779 : vector<16xf32>
      %add3A_782 = arith.addf %add3A_767, %sub3A_781 : vector<16xf32>
      %get3A_783 = arith.index_cast %add3A_738 : i32 to index
      %get3A_784 = arith.constant 48 : index
      %get3A_785 = tpu.vector_load %arg11[%get3A_783, %get3A_784] {strides = array<i32>} : memref<256x64xf32, #tpu.memory_space<vmem>>, vector<1x16xf32>,
      %get3A_786 = vector.shape_cast %get3A_785 : vector<1x16xf32> to vector<16xf32>
      %get3A_787 = arith.index_cast %add3A_738 : i32 to index
      %get3A_788 = arith.constant 48 : index
      %get3A_789 = tpu.vector_load %arg12[%get3A_787, %get3A_788] {strides = array<i32>} : memref<256x64xf32, #tpu.memory_space<vmem>>, vector<1x16xf32>,
      %get3A_790 = vector.shape_cast %get3A_789 : vector<1x16xf32> to vector<16xf32>
      %get3A_791 = arith.index_cast %add3A_738 : i32 to index
      %get3A_792 = arith.constant 48 : index
      %get3A_793 = tpu.vector_load %arg13[%get3A_791, %get3A_792] {strides = array<i32>} : memref<256x64xf32, #tpu.memory_space<vmem>>, vector<1x16xf32>,
      %get3A_794 = vector.shape_cast %get3A_793 : vector<1x16xf32> to vector<16xf32>
      %mul3A_795 = arith.mulf %get3A_786, %get3A_790 : vector<16xf32>
      %sub3A_796 = arith.subf %mul3A_795, %get3A_794 : vector<16xf32>
      %add3A_797 = arith.addf %add3A_782, %sub3A_796 : vector<16xf32>
      %mul3A_798 = arith.constant 16 : i32
      %mul3A_799 = arith.muli %scan3A_169, %mul3A_798 : i32
      %add3A_800 = arith.constant 10 : i32
      %add3A_801 = arith.addi %mul3A_799, %add3A_800 : i32
      %get3A_802 = arith.index_cast %add3A_801 : i32 to index
      %get3A_803 = arith.constant 0 : index
      %get3A_804 = tpu.vector_load %arg11[%get3A_802, %get3A_803] {strides = array<i32>} : memref<256x64xf32, #tpu.memory_space<vmem>>, vector<1x16xf32>,
      %get3A_805 = vector.shape_cast %get3A_804 : vector<1x16xf32> to vector<16xf32>
      %get3A_806 = arith.index_cast %add3A_801 : i32 to index
      %get3A_807 = arith.constant 0 : index
      %get3A_808 = tpu.vector_load %arg12[%get3A_806, %get3A_807] {strides = array<i32>} : memref<256x64xf32, #tpu.memory_space<vmem>>, vector<1x16xf32>,
      %get3A_809 = vector.shape_cast %get3A_808 : vector<1x16xf32> to vector<16xf32>
      %get3A_810 = arith.index_cast %add3A_801 : i32 to index
      %get3A_811 = arith.constant 0 : index
      %get3A_812 = tpu.vector_load %arg13[%get3A_810, %get3A_811] {strides = array<i32>} : memref<256x64xf32, #tpu.memory_space<vmem>>, vector<1x16xf32>,
      %get3A_813 = vector.shape_cast %get3A_812 : vector<1x16xf32> to vector<16xf32>
      %mul3A_814 = arith.mulf %get3A_805, %get3A_809 : vector<16xf32>
      %sub3A_815 = arith.subf %mul3A_814, %get3A_813 : vector<16xf32>
      %get3A_816 = arith.index_cast %add3A_801 : i32 to index
      %get3A_817 = arith.constant 16 : index
      %get3A_818 = tpu.vector_load %arg11[%get3A_816, %get3A_817] {strides = array<i32>} : memref<256x64xf32, #tpu.memory_space<vmem>>, vector<1x16xf32>,
      %get3A_819 = vector.shape_cast %get3A_818 : vector<1x16xf32> to vector<16xf32>
      %get3A_820 = arith.index_cast %add3A_801 : i32 to index
      %get3A_821 = arith.constant 16 : index
      %get3A_822 = tpu.vector_load %arg12[%get3A_820, %get3A_821] {strides = array<i32>} : memref<256x64xf32, #tpu.memory_space<vmem>>, vector<1x16xf32>,
      %get3A_823 = vector.shape_cast %get3A_822 : vector<1x16xf32> to vector<16xf32>
      %get3A_824 = arith.index_cast %add3A_801 : i32 to index
      %get3A_825 = arith.constant 16 : index
      %get3A_826 = tpu.vector_load %arg13[%get3A_824, %get3A_825] {strides = array<i32>} : memref<256x64xf32, #tpu.memory_space<vmem>>, vector<1x16xf32>,
      %get3A_827 = vector.shape_cast %get3A_826 : vector<1x16xf32> to vector<16xf32>
      %mul3A_828 = arith.mulf %get3A_819, %get3A_823 : vector<16xf32>
      %sub3A_829 = arith.subf %mul3A_828, %get3A_827 : vector<16xf32>
      %add3A_830 = arith.addf %sub3A_815, %sub3A_829 : vector<16xf32>
      %get3A_831 = arith.index_cast %add3A_801 : i32 to index
      %get3A_832 = arith.constant 32 : index
      %get3A_833 = tpu.vector_load %arg11[%get3A_831, %get3A_832] {strides = array<i32>} : memref<256x64xf32, #tpu.memory_space<vmem>>, vector<1x16xf32>,
      %get3A_834 = vector.shape_cast %get3A_833 : vector<1x16xf32> to vector<16xf32>
      %get3A_835 = arith.index_cast %add3A_801 : i32 to index
      %get3A_836 = arith.constant 32 : index
      %get3A_837 = tpu.vector_load %arg12[%get3A_835, %get3A_836] {strides = array<i32>} : memref<256x64xf32, #tpu.memory_space<vmem>>, vector<1x16xf32>,
      %get3A_838 = vector.shape_cast %get3A_837 : vector<1x16xf32> to vector<16xf32>
      %get3A_839 = arith.index_cast %add3A_801 : i32 to index
      %get3A_840 = arith.constant 32 : index
      %get3A_841 = tpu.vector_load %arg13[%get3A_839, %get3A_840] {strides = array<i32>} : memref<256x64xf32, #tpu.memory_space<vmem>>, vector<1x16xf32>,
      %get3A_842 = vector.shape_cast %get3A_841 : vector<1x16xf32> to vector<16xf32>
      %mul3A_843 = arith.mulf %get3A_834, %get3A_838 : vector<16xf32>
      %sub3A_844 = arith.subf %mul3A_843, %get3A_842 : vector<16xf32>
      %add3A_845 = arith.addf %add3A_830, %sub3A_844 : vector<16xf32>
      %get3A_846 = arith.index_cast %add3A_801 : i32 to index
      %get3A_847 = arith.constant 48 : index
      %get3A_848 = tpu.vector_load %arg11[%get3A_846, %get3A_847] {strides = array<i32>} : memref<256x64xf32, #tpu.memory_space<vmem>>, vector<1x16xf32>,
      %get3A_849 = vector.shape_cast %get3A_848 : vector<1x16xf32> to vector<16xf32>
      %get3A_850 = arith.index_cast %add3A_801 : i32 to index
      %get3A_851 = arith.constant 48 : index
      %get3A_852 = tpu.vector_load %arg12[%get3A_850, %get3A_851] {strides = array<i32>} : memref<256x64xf32, #tpu.memory_space<vmem>>, vector<1x16xf32>,
      %get3A_853 = vector.shape_cast %get3A_852 : vector<1x16xf32> to vector<16xf32>
      %get3A_854 = arith.index_cast %add3A_801 : i32 to index
      %get3A_855 = arith.constant 48 : index
      %get3A_856 = tpu.vector_load %arg13[%get3A_854, %get3A_855] {strides = array<i32>} : memref<256x64xf32, #tpu.memory_space<vmem>>, vector<1x16xf32>,
      %get3A_857 = vector.shape_cast %get3A_856 : vector<1x16xf32> to vector<16xf32>
      %mul3A_858 = arith.mulf %get3A_849, %get3A_853 : vector<16xf32>
      %sub3A_859 = arith.subf %mul3A_858, %get3A_857 : vector<16xf32>
      %add3A_860 = arith.addf %add3A_845, %sub3A_859 : vector<16xf32>
      %mul3A_861 = arith.constant 16 : i32
      %mul3A_862 = arith.muli %scan3A_169, %mul3A_861 : i32
      %add3A_863 = arith.constant 11 : i32
      %add3A_864 = arith.addi %mul3A_862, %add3A_863 : i32
      %get3A_865 = arith.index_cast %add3A_864 : i32 to index
      %get3A_866 = arith.constant 0 : index
      %get3A_867 = tpu.vector_load %arg11[%get3A_865, %get3A_866] {strides = array<i32>} : memref<256x64xf32, #tpu.memory_space<vmem>>, vector<1x16xf32>,
      %get3A_868 = vector.shape_cast %get3A_867 : vector<1x16xf32> to vector<16xf32>
      %get3A_869 = arith.index_cast %add3A_864 : i32 to index
      %get3A_870 = arith.constant 0 : index
      %get3A_871 = tpu.vector_load %arg12[%get3A_869, %get3A_870] {strides = array<i32>} : memref<256x64xf32, #tpu.memory_space<vmem>>, vector<1x16xf32>,
      %get3A_872 = vector.shape_cast %get3A_871 : vector<1x16xf32> to vector<16xf32>
      %get3A_873 = arith.index_cast %add3A_864 : i32 to index
      %get3A_874 = arith.constant 0 : index
      %get3A_875 = tpu.vector_load %arg13[%get3A_873, %get3A_874] {strides = array<i32>} : memref<256x64xf32, #tpu.memory_space<vmem>>, vector<1x16xf32>,
      %get3A_876 = vector.shape_cast %get3A_875 : vector<1x16xf32> to vector<16xf32>
      %mul3A_877 = arith.mulf %get3A_868, %get3A_872 : vector<16xf32>
      %sub3A_878 = arith.subf %mul3A_877, %get3A_876 : vector<16xf32>
      %get3A_879 = arith.index_cast %add3A_864 : i32 to index
      %get3A_880 = arith.constant 16 : index
      %get3A_881 = tpu.vector_load %arg11[%get3A_879, %get3A_880] {strides = array<i32>} : memref<256x64xf32, #tpu.memory_space<vmem>>, vector<1x16xf32>,
      %get3A_882 = vector.shape_cast %get3A_881 : vector<1x16xf32> to vector<16xf32>
      %get3A_883 = arith.index_cast %add3A_864 : i32 to index
      %get3A_884 = arith.constant 16 : index
      %get3A_885 = tpu.vector_load %arg12[%get3A_883, %get3A_884] {strides = array<i32>} : memref<256x64xf32, #tpu.memory_space<vmem>>, vector<1x16xf32>,
      %get3A_886 = vector.shape_cast %get3A_885 : vector<1x16xf32> to vector<16xf32>
      %get3A_887 = arith.index_cast %add3A_864 : i32 to index
      %get3A_888 = arith.constant 16 : index
      %get3A_889 = tpu.vector_load %arg13[%get3A_887, %get3A_888] {strides = array<i32>} : memref<256x64xf32, #tpu.memory_space<vmem>>, vector<1x16xf32>,
      %get3A_890 = vector.shape_cast %get3A_889 : vector<1x16xf32> to vector<16xf32>
      %mul3A_891 = arith.mulf %get3A_882, %get3A_886 : vector<16xf32>
      %sub3A_892 = arith.subf %mul3A_891, %get3A_890 : vector<16xf32>
      %add3A_893 = arith.addf %sub3A_878, %sub3A_892 : vector<16xf32>
      %get3A_894 = arith.index_cast %add3A_864 : i32 to index
      %get3A_895 = arith.constant 32 : index
      %get3A_896 = tpu.vector_load %arg11[%get3A_894, %get3A_895] {strides = array<i32>} : memref<256x64xf32, #tpu.memory_space<vmem>>, vector<1x16xf32>,
      %get3A_897 = vector.shape_cast %get3A_896 : vector<1x16xf32> to vector<16xf32>
      %get3A_898 = arith.index_cast %add3A_864 : i32 to index
      %get3A_899 = arith.constant 32 : index
      %get3A_900 = tpu.vector_load %arg12[%get3A_898, %get3A_899] {strides = array<i32>} : memref<256x64xf32, #tpu.memory_space<vmem>>, vector<1x16xf32>,
      %get3A_901 = vector.shape_cast %get3A_900 : vector<1x16xf32> to vector<16xf32>
      %get3A_902 = arith.index_cast %add3A_864 : i32 to index
      %get3A_903 = arith.constant 32 : index
      %get3A_904 = tpu.vector_load %arg13[%get3A_902, %get3A_903] {strides = array<i32>} : memref<256x64xf32, #tpu.memory_space<vmem>>, vector<1x16xf32>,
      %get3A_905 = vector.shape_cast %get3A_904 : vector<1x16xf32> to vector<16xf32>
      %mul3A_906 = arith.mulf %get3A_897, %get3A_901 : vector<16xf32>
      %sub3A_907 = arith.subf %mul3A_906, %get3A_905 : vector<16xf32>
      %add3A_908 = arith.addf %add3A_893, %sub3A_907 : vector<16xf32>
      %get3A_909 = arith.index_cast %add3A_864 : i32 to index
      %get3A_910 = arith.constant 48 : index
      %get3A_911 = tpu.vector_load %arg11[%get3A_909, %get3A_910] {strides = array<i32>} : memref<256x64xf32, #tpu.memory_space<vmem>>, vector<1x16xf32>,
      %get3A_912 = vector.shape_cast %get3A_911 : vector<1x16xf32> to vector<16xf32>
      %get3A_913 = arith.index_cast %add3A_864 : i32 to index
      %get3A_914 = arith.constant 48 : index
      %get3A_915 = tpu.vector_load %arg12[%get3A_913, %get3A_914] {strides = array<i32>} : memref<256x64xf32, #tpu.memory_space<vmem>>, vector<1x16xf32>,
      %get3A_916 = vector.shape_cast %get3A_915 : vector<1x16xf32> to vector<16xf32>
      %get3A_917 = arith.index_cast %add3A_864 : i32 to index
      %get3A_918 = arith.constant 48 : index
      %get3A_919 = tpu.vector_load %arg13[%get3A_917, %get3A_918] {strides = array<i32>} : memref<256x64xf32, #tpu.memory_space<vmem>>, vector<1x16xf32>,
      %get3A_920 = vector.shape_cast %get3A_919 : vector<1x16xf32> to vector<16xf32>
      %mul3A_921 = arith.mulf %get3A_912, %get3A_916 : vector<16xf32>
      %sub3A_922 = arith.subf %mul3A_921, %get3A_920 : vector<16xf32>
      %add3A_923 = arith.addf %add3A_908, %sub3A_922 : vector<16xf32>
      %mul3A_924 = arith.constant 16 : i32
      %mul3A_925 = arith.muli %scan3A_169, %mul3A_924 : i32
      %add3A_926 = arith.constant 12 : i32
      %add3A_927 = arith.addi %mul3A_925, %add3A_926 : i32
      %get3A_928 = arith.index_cast %add3A_927 : i32 to index
      %get3A_929 = arith.constant 0 : index
      %get3A_930 = tpu.vector_load %arg11[%get3A_928, %get3A_929] {strides = array<i32>} : memref<256x64xf32, #tpu.memory_space<vmem>>, vector<1x16xf32>,
      %get3A_931 = vector.shape_cast %get3A_930 : vector<1x16xf32> to vector<16xf32>
      %get3A_932 = arith.index_cast %add3A_927 : i32 to index
      %get3A_933 = arith.constant 0 : index
      %get3A_934 = tpu.vector_load %arg12[%get3A_932, %get3A_933] {strides = array<i32>} : memref<256x64xf32, #tpu.memory_space<vmem>>, vector<1x16xf32>,
      %get3A_935 = vector.shape_cast %get3A_934 : vector<1x16xf32> to vector<16xf32>
      %get3A_936 = arith.index_cast %add3A_927 : i32 to index
      %get3A_937 = arith.constant 0 : index
      %get3A_938 = tpu.vector_load %arg13[%get3A_936, %get3A_937] {strides = array<i32>} : memref<256x64xf32, #tpu.memory_space<vmem>>, vector<1x16xf32>,
      %get3A_939 = vector.shape_cast %get3A_938 : vector<1x16xf32> to vector<16xf32>
      %mul3A_940 = arith.mulf %get3A_931, %get3A_935 : vector<16xf32>
      %sub3A_941 = arith.subf %mul3A_940, %get3A_939 : vector<16xf32>
      %get3A_942 = arith.index_cast %add3A_927 : i32 to index
      %get3A_943 = arith.constant 16 : index
      %get3A_944 = tpu.vector_load %arg11[%get3A_942, %get3A_943] {strides = array<i32>} : memref<256x64xf32, #tpu.memory_space<vmem>>, vector<1x16xf32>,
      %get3A_945 = vector.shape_cast %get3A_944 : vector<1x16xf32> to vector<16xf32>
      %get3A_946 = arith.index_cast %add3A_927 : i32 to index
      %get3A_947 = arith.constant 16 : index
      %get3A_948 = tpu.vector_load %arg12[%get3A_946, %get3A_947] {strides = array<i32>} : memref<256x64xf32, #tpu.memory_space<vmem>>, vector<1x16xf32>,
      %get3A_949 = vector.shape_cast %get3A_948 : vector<1x16xf32> to vector<16xf32>
      %get3A_950 = arith.index_cast %add3A_927 : i32 to index
      %get3A_951 = arith.constant 16 : index
      %get3A_952 = tpu.vector_load %arg13[%get3A_950, %get3A_951] {strides = array<i32>} : memref<256x64xf32, #tpu.memory_space<vmem>>, vector<1x16xf32>,
      %get3A_953 = vector.shape_cast %get3A_952 : vector<1x16xf32> to vector<16xf32>
      %mul3A_954 = arith.mulf %get3A_945, %get3A_949 : vector<16xf32>
      %sub3A_955 = arith.subf %mul3A_954, %get3A_953 : vector<16xf32>
      %add3A_956 = arith.addf %sub3A_941, %sub3A_955 : vector<16xf32>
      %get3A_957 = arith.index_cast %add3A_927 : i32 to index
      %get3A_958 = arith.constant 32 : index
      %get3A_959 = tpu.vector_load %arg11[%get3A_957, %get3A_958] {strides = array<i32>} : memref<256x64xf32, #tpu.memory_space<vmem>>, vector<1x16xf32>,
      %get3A_960 = vector.shape_cast %get3A_959 : vector<1x16xf32> to vector<16xf32>
      %get3A_961 = arith.index_cast %add3A_927 : i32 to index
      %get3A_962 = arith.constant 32 : index
      %get3A_963 = tpu.vector_load %arg12[%get3A_961, %get3A_962] {strides = array<i32>} : memref<256x64xf32, #tpu.memory_space<vmem>>, vector<1x16xf32>,
      %get3A_964 = vector.shape_cast %get3A_963 : vector<1x16xf32> to vector<16xf32>
      %get3A_965 = arith.index_cast %add3A_927 : i32 to index
      %get3A_966 = arith.constant 32 : index
      %get3A_967 = tpu.vector_load %arg13[%get3A_965, %get3A_966] {strides = array<i32>} : memref<256x64xf32, #tpu.memory_space<vmem>>, vector<1x16xf32>,
      %get3A_968 = vector.shape_cast %get3A_967 : vector<1x16xf32> to vector<16xf32>
      %mul3A_969 = arith.mulf %get3A_960, %get3A_964 : vector<16xf32>
      %sub3A_970 = arith.subf %mul3A_969, %get3A_968 : vector<16xf32>
      %add3A_971 = arith.addf %add3A_956, %sub3A_970 : vector<16xf32>
      %get3A_972 = arith.index_cast %add3A_927 : i32 to index
      %get3A_973 = arith.constant 48 : index
      %get3A_974 = tpu.vector_load %arg11[%get3A_972, %get3A_973] {strides = array<i32>} : memref<256x64xf32, #tpu.memory_space<vmem>>, vector<1x16xf32>,
      %get3A_975 = vector.shape_cast %get3A_974 : vector<1x16xf32> to vector<16xf32>
      %get3A_976 = arith.index_cast %add3A_927 : i32 to index
      %get3A_977 = arith.constant 48 : index
      %get3A_978 = tpu.vector_load %arg12[%get3A_976, %get3A_977] {strides = array<i32>} : memref<256x64xf32, #tpu.memory_space<vmem>>, vector<1x16xf32>,
      %get3A_979 = vector.shape_cast %get3A_978 : vector<1x16xf32> to vector<16xf32>
      %get3A_980 = arith.index_cast %add3A_927 : i32 to index
      %get3A_981 = arith.constant 48 : index
      %get3A_982 = tpu.vector_load %arg13[%get3A_980, %get3A_981] {strides = array<i32>} : memref<256x64xf32, #tpu.memory_space<vmem>>, vector<1x16xf32>,
      %get3A_983 = vector.shape_cast %get3A_982 : vector<1x16xf32> to vector<16xf32>
      %mul3A_984 = arith.mulf %get3A_975, %get3A_979 : vector<16xf32>
      %sub3A_985 = arith.subf %mul3A_984, %get3A_983 : vector<16xf32>
      %add3A_986 = arith.addf %add3A_971, %sub3A_985 : vector<16xf32>
      %mul3A_987 = arith.constant 16 : i32
      %mul3A_988 = arith.muli %scan3A_169, %mul3A_987 : i32
      %add3A_989 = arith.constant 13 : i32
      %add3A_990 = arith.addi %mul3A_988, %add3A_989 : i32
      %get3A_991 = arith.index_cast %add3A_990 : i32 to index
      %get3A_992 = arith.constant 0 : index
      %get3A_993 = tpu.vector_load %arg11[%get3A_991, %get3A_992] {strides = array<i32>} : memref<256x64xf32, #tpu.memory_space<vmem>>, vector<1x16xf32>,
      %get3A_994 = vector.shape_cast %get3A_993 : vector<1x16xf32> to vector<16xf32>
      %get3A_995 = arith.index_cast %add3A_990 : i32 to index
      %get3A_996 = arith.constant 0 : index
      %get3A_997 = tpu.vector_load %arg12[%get3A_995, %get3A_996] {strides = array<i32>} : memref<256x64xf32, #tpu.memory_space<vmem>>, vector<1x16xf32>,
      %get3A_998 = vector.shape_cast %get3A_997 : vector<1x16xf32> to vector<16xf32>
      %get3A_999 = arith.index_cast %add3A_990 : i32 to index
      %get3A_1000 = arith.constant 0 : index
      %get3A_1001 = tpu.vector_load %arg13[%get3A_999, %get3A_1000] {strides = array<i32>} : memref<256x64xf32, #tpu.memory_space<vmem>>, vector<1x16xf32>,
      %get3A_1002 = vector.shape_cast %get3A_1001 : vector<1x16xf32> to vector<16xf32>
      %mul3A_1003 = arith.mulf %get3A_994, %get3A_998 : vector<16xf32>
      %sub3A_1004 = arith.subf %mul3A_1003, %get3A_1002 : vector<16xf32>
      %get3A_1005 = arith.index_cast %add3A_990 : i32 to index
      %get3A_1006 = arith.constant 16 : index
      %get3A_1007 = tpu.vector_load %arg11[%get3A_1005, %get3A_1006] {strides = array<i32>} : memref<256x64xf32, #tpu.memory_space<vmem>>, vector<1x16xf32>,
      %get3A_1008 = vector.shape_cast %get3A_1007 : vector<1x16xf32> to vector<16xf32>
      %get3A_1009 = arith.index_cast %add3A_990 : i32 to index
      %get3A_1010 = arith.constant 16 : index
      %get3A_1011 = tpu.vector_load %arg12[%get3A_1009, %get3A_1010] {strides = array<i32>} : memref<256x64xf32, #tpu.memory_space<vmem>>, vector<1x16xf32>,
      %get3A_1012 = vector.shape_cast %get3A_1011 : vector<1x16xf32> to vector<16xf32>
      %get3A_1013 = arith.index_cast %add3A_990 : i32 to index
      %get3A_1014 = arith.constant 16 : index
      %get3A_1015 = tpu.vector_load %arg13[%get3A_1013, %get3A_1014] {strides = array<i32>} : memref<256x64xf32, #tpu.memory_space<vmem>>, vector<1x16xf32>,
      %get3A_1016 = vector.shape_cast %get3A_1015 : vector<1x16xf32> to vector<16xf32>
      %mul3A_1017 = arith.mulf %get3A_1008, %get3A_1012 : vector<16xf32>
      %sub3A_1018 = arith.subf %mul3A_1017, %get3A_1016 : vector<16xf32>
      %add3A_1019 = arith.addf %sub3A_1004, %sub3A_1018 : vector<16xf32>
      %get3A_1020 = arith.index_cast %add3A_990 : i32 to index
      %get3A_1021 = arith.constant 32 : index
      %get3A_1022 = tpu.vector_load %arg11[%get3A_1020, %get3A_1021] {strides = array<i32>} : memref<256x64xf32, #tpu.memory_space<vmem>>, vector<1x16xf32>,
      %get3A_1023 = vector.shape_cast %get3A_1022 : vector<1x16xf32> to vector<16xf32>
      %get3A_1024 = arith.index_cast %add3A_990 : i32 to index
      %get3A_1025 = arith.constant 32 : index
      %get3A_1026 = tpu.vector_load %arg12[%get3A_1024, %get3A_1025] {strides = array<i32>} : memref<256x64xf32, #tpu.memory_space<vmem>>, vector<1x16xf32>,
      %get3A_1027 = vector.shape_cast %get3A_1026 : vector<1x16xf32> to vector<16xf32>
      %get3A_1028 = arith.index_cast %add3A_990 : i32 to index
      %get3A_1029 = arith.constant 32 : index
      %get3A_1030 = tpu.vector_load %arg13[%get3A_1028, %get3A_1029] {strides = array<i32>} : memref<256x64xf32, #tpu.memory_space<vmem>>, vector<1x16xf32>,
      %get3A_1031 = vector.shape_cast %get3A_1030 : vector<1x16xf32> to vector<16xf32>
      %mul3A_1032 = arith.mulf %get3A_1023, %get3A_1027 : vector<16xf32>
      %sub3A_1033 = arith.subf %mul3A_1032, %get3A_1031 : vector<16xf32>
      %add3A_1034 = arith.addf %add3A_1019, %sub3A_1033 : vector<16xf32>
      %get3A_1035 = arith.index_cast %add3A_990 : i32 to index
      %get3A_1036 = arith.constant 48 : index
      %get3A_1037 = tpu.vector_load %arg11[%get3A_1035, %get3A_1036] {strides = array<i32>} : memref<256x64xf32, #tpu.memory_space<vmem>>, vector<1x16xf32>,
      %get3A_1038 = vector.shape_cast %get3A_1037 : vector<1x16xf32> to vector<16xf32>
      %get3A_1039 = arith.index_cast %add3A_990 : i32 to index
      %get3A_1040 = arith.constant 48 : index
      %get3A_1041 = tpu.vector_load %arg12[%get3A_1039, %get3A_1040] {strides = array<i32>} : memref<256x64xf32, #tpu.memory_space<vmem>>, vector<1x16xf32>,
      %get3A_1042 = vector.shape_cast %get3A_1041 : vector<1x16xf32> to vector<16xf32>
      %get3A_1043 = arith.index_cast %add3A_990 : i32 to index
      %get3A_1044 = arith.constant 48 : index
      %get3A_1045 = tpu.vector_load %arg13[%get3A_1043, %get3A_1044] {strides = array<i32>} : memref<256x64xf32, #tpu.memory_space<vmem>>, vector<1x16xf32>,
      %get3A_1046 = vector.shape_cast %get3A_1045 : vector<1x16xf32> to vector<16xf32>
      %mul3A_1047 = arith.mulf %get3A_1038, %get3A_1042 : vector<16xf32>
      %sub3A_1048 = arith.subf %mul3A_1047, %get3A_1046 : vector<16xf32>
      %add3A_1049 = arith.addf %add3A_1034, %sub3A_1048 : vector<16xf32>
      %mul3A_1050 = arith.constant 16 : i32
      %mul3A_1051 = arith.muli %scan3A_169, %mul3A_1050 : i32
      %add3A_1052 = arith.constant 14 : i32
      %add3A_1053 = arith.addi %mul3A_1051, %add3A_1052 : i32
      %get3A_1054 = arith.index_cast %add3A_1053 : i32 to index
      %get3A_1055 = arith.constant 0 : index
      %get3A_1056 = tpu.vector_load %arg11[%get3A_1054, %get3A_1055] {strides = array<i32>} : memref<256x64xf32, #tpu.memory_space<vmem>>, vector<1x16xf32>,
      %get3A_1057 = vector.shape_cast %get3A_1056 : vector<1x16xf32> to vector<16xf32>
      %get3A_1058 = arith.index_cast %add3A_1053 : i32 to index
      %get3A_1059 = arith.constant 0 : index
      %get3A_1060 = tpu.vector_load %arg12[%get3A_1058, %get3A_1059] {strides = array<i32>} : memref<256x64xf32, #tpu.memory_space<vmem>>, vector<1x16xf32>,
      %get3A_1061 = vector.shape_cast %get3A_1060 : vector<1x16xf32> to vector<16xf32>
      %get3A_1062 = arith.index_cast %add3A_1053 : i32 to index
      %get3A_1063 = arith.constant 0 : index
      %get3A_1064 = tpu.vector_load %arg13[%get3A_1062, %get3A_1063] {strides = array<i32>} : memref<256x64xf32, #tpu.memory_space<vmem>>, vector<1x16xf32>,
      %get3A_1065 = vector.shape_cast %get3A_1064 : vector<1x16xf32> to vector<16xf32>
      %mul3A_1066 = arith.mulf %get3A_1057, %get3A_1061 : vector<16xf32>
      %sub3A_1067 = arith.subf %mul3A_1066, %get3A_1065 : vector<16xf32>
      %get3A_1068 = arith.index_cast %add3A_1053 : i32 to index
      %get3A_1069 = arith.constant 16 : index
      %get3A_1070 = tpu.vector_load %arg11[%get3A_1068, %get3A_1069] {strides = array<i32>} : memref<256x64xf32, #tpu.memory_space<vmem>>, vector<1x16xf32>,
      %get3A_1071 = vector.shape_cast %get3A_1070 : vector<1x16xf32> to vector<16xf32>
      %get3A_1072 = arith.index_cast %add3A_1053 : i32 to index
      %get3A_1073 = arith.constant 16 : index
      %get3A_1074 = tpu.vector_load %arg12[%get3A_1072, %get3A_1073] {strides = array<i32>} : memref<256x64xf32, #tpu.memory_space<vmem>>, vector<1x16xf32>,
      %get3A_1075 = vector.shape_cast %get3A_1074 : vector<1x16xf32> to vector<16xf32>
      %get3A_1076 = arith.index_cast %add3A_1053 : i32 to index
      %get3A_1077 = arith.constant 16 : index
      %get3A_1078 = tpu.vector_load %arg13[%get3A_1076, %get3A_1077] {strides = array<i32>} : memref<256x64xf32, #tpu.memory_space<vmem>>, vector<1x16xf32>,
      %get3A_1079 = vector.shape_cast %get3A_1078 : vector<1x16xf32> to vector<16xf32>
      %mul3A_1080 = arith.mulf %get3A_1071, %get3A_1075 : vector<16xf32>
      %sub3A_1081 = arith.subf %mul3A_1080, %get3A_1079 : vector<16xf32>
      %add3A_1082 = arith.addf %sub3A_1067, %sub3A_1081 : vector<16xf32>
      %get3A_1083 = arith.index_cast %add3A_1053 : i32 to index
      %get3A_1084 = arith.constant 32 : index
      %get3A_1085 = tpu.vector_load %arg11[%get3A_1083, %get3A_1084] {strides = array<i32>} : memref<256x64xf32, #tpu.memory_space<vmem>>, vector<1x16xf32>,
      %get3A_1086 = vector.shape_cast %get3A_1085 : vector<1x16xf32> to vector<16xf32>
      %get3A_1087 = arith.index_cast %add3A_1053 : i32 to index
      %get3A_1088 = arith.constant 32 : index
      %get3A_1089 = tpu.vector_load %arg12[%get3A_1087, %get3A_1088] {strides = array<i32>} : memref<256x64xf32, #tpu.memory_space<vmem>>, vector<1x16xf32>,
      %get3A_1090 = vector.shape_cast %get3A_1089 : vector<1x16xf32> to vector<16xf32>
      %get3A_1091 = arith.index_cast %add3A_1053 : i32 to index
      %get3A_1092 = arith.constant 32 : index
      %get3A_1093 = tpu.vector_load %arg13[%get3A_1091, %get3A_1092] {strides = array<i32>} : memref<256x64xf32, #tpu.memory_space<vmem>>, vector<1x16xf32>,
      %get3A_1094 = vector.shape_cast %get3A_1093 : vector<1x16xf32> to vector<16xf32>
      %mul3A_1095 = arith.mulf %get3A_1086, %get3A_1090 : vector<16xf32>
      %sub3A_1096 = arith.subf %mul3A_1095, %get3A_1094 : vector<16xf32>
      %add3A_1097 = arith.addf %add3A_1082, %sub3A_1096 : vector<16xf32>
      %get3A_1098 = arith.index_cast %add3A_1053 : i32 to index
      %get3A_1099 = arith.constant 48 : index
      %get3A_1100 = tpu.vector_load %arg11[%get3A_1098, %get3A_1099] {strides = array<i32>} : memref<256x64xf32, #tpu.memory_space<vmem>>, vector<1x16xf32>,
      %get3A_1101 = vector.shape_cast %get3A_1100 : vector<1x16xf32> to vector<16xf32>
      %get3A_1102 = arith.index_cast %add3A_1053 : i32 to index
      %get3A_1103 = arith.constant 48 : index
      %get3A_1104 = tpu.vector_load %arg12[%get3A_1102, %get3A_1103] {strides = array<i32>} : memref<256x64xf32, #tpu.memory_space<vmem>>, vector<1x16xf32>,
      %get3A_1105 = vector.shape_cast %get3A_1104 : vector<1x16xf32> to vector<16xf32>
      %get3A_1106 = arith.index_cast %add3A_1053 : i32 to index
      %get3A_1107 = arith.constant 48 : index
      %get3A_1108 = tpu.vector_load %arg13[%get3A_1106, %get3A_1107] {strides = array<i32>} : memref<256x64xf32, #tpu.memory_space<vmem>>, vector<1x16xf32>,
      %get3A_1109 = vector.shape_cast %get3A_1108 : vector<1x16xf32> to vector<16xf32>
      %mul3A_1110 = arith.mulf %get3A_1101, %get3A_1105 : vector<16xf32>
      %sub3A_1111 = arith.subf %mul3A_1110, %get3A_1109 : vector<16xf32>
      %add3A_1112 = arith.addf %add3A_1097, %sub3A_1111 : vector<16xf32>
      %mul3A_1113 = arith.constant 16 : i32
      %mul3A_1114 = arith.muli %scan3A_169, %mul3A_1113 : i32
      %add3A_1115 = arith.constant 15 : i32
      %add3A_1116 = arith.addi %mul3A_1114, %add3A_1115 : i32
      %get3A_1117 = arith.index_cast %add3A_1116 : i32 to index
      %get3A_1118 = arith.constant 0 : index
      %get3A_1119 = tpu.vector_load %arg11[%get3A_1117, %get3A_1118] {strides = array<i32>} : memref<256x64xf32, #tpu.memory_space<vmem>>, vector<1x16xf32>,
      %get3A_1120 = vector.shape_cast %get3A_1119 : vector<1x16xf32> to vector<16xf32>
      %get3A_1121 = arith.index_cast %add3A_1116 : i32 to index
      %get3A_1122 = arith.constant 0 : index
      %get3A_1123 = tpu.vector_load %arg12[%get3A_1121, %get3A_1122] {strides = array<i32>} : memref<256x64xf32, #tpu.memory_space<vmem>>, vector<1x16xf32>,
      %get3A_1124 = vector.shape_cast %get3A_1123 : vector<1x16xf32> to vector<16xf32>
      %get3A_1125 = arith.index_cast %add3A_1116 : i32 to index
      %get3A_1126 = arith.constant 0 : index
      %get3A_1127 = tpu.vector_load %arg13[%get3A_1125, %get3A_1126] {strides = array<i32>} : memref<256x64xf32, #tpu.memory_space<vmem>>, vector<1x16xf32>,
      %get3A_1128 = vector.shape_cast %get3A_1127 : vector<1x16xf32> to vector<16xf32>
      %mul3A_1129 = arith.mulf %get3A_1120, %get3A_1124 : vector<16xf32>
      %sub3A_1130 = arith.subf %mul3A_1129, %get3A_1128 : vector<16xf32>
      %get3A_1131 = arith.index_cast %add3A_1116 : i32 to index
      %get3A_1132 = arith.constant 16 : index
      %get3A_1133 = tpu.vector_load %arg11[%get3A_1131, %get3A_1132] {strides = array<i32>} : memref<256x64xf32, #tpu.memory_space<vmem>>, vector<1x16xf32>,
      %get3A_1134 = vector.shape_cast %get3A_1133 : vector<1x16xf32> to vector<16xf32>
      %get3A_1135 = arith.index_cast %add3A_1116 : i32 to index
      %get3A_1136 = arith.constant 16 : index
      %get3A_1137 = tpu.vector_load %arg12[%get3A_1135, %get3A_1136] {strides = array<i32>} : memref<256x64xf32, #tpu.memory_space<vmem>>, vector<1x16xf32>,
      %get3A_1138 = vector.shape_cast %get3A_1137 : vector<1x16xf32> to vector<16xf32>
      %get3A_1139 = arith.index_cast %add3A_1116 : i32 to index
      %get3A_1140 = arith.constant 16 : index
      %get3A_1141 = tpu.vector_load %arg13[%get3A_1139, %get3A_1140] {strides = array<i32>} : memref<256x64xf32, #tpu.memory_space<vmem>>, vector<1x16xf32>,
      %get3A_1142 = vector.shape_cast %get3A_1141 : vector<1x16xf32> to vector<16xf32>
      %mul3A_1143 = arith.mulf %get3A_1134, %get3A_1138 : vector<16xf32>
      %sub3A_1144 = arith.subf %mul3A_1143, %get3A_1142 : vector<16xf32>
      %add3A_1145 = arith.addf %sub3A_1130, %sub3A_1144 : vector<16xf32>
      %get3A_1146 = arith.index_cast %add3A_1116 : i32 to index
      %get3A_1147 = arith.constant 32 : index
      %get3A_1148 = tpu.vector_load %arg11[%get3A_1146, %get3A_1147] {strides = array<i32>} : memref<256x64xf32, #tpu.memory_space<vmem>>, vector<1x16xf32>,
      %get3A_1149 = vector.shape_cast %get3A_1148 : vector<1x16xf32> to vector<16xf32>
      %get3A_1150 = arith.index_cast %add3A_1116 : i32 to index
      %get3A_1151 = arith.constant 32 : index
      %get3A_1152 = tpu.vector_load %arg12[%get3A_1150, %get3A_1151] {strides = array<i32>} : memref<256x64xf32, #tpu.memory_space<vmem>>, vector<1x16xf32>,
      %get3A_1153 = vector.shape_cast %get3A_1152 : vector<1x16xf32> to vector<16xf32>
      %get3A_1154 = arith.index_cast %add3A_1116 : i32 to index
      %get3A_1155 = arith.constant 32 : index
      %get3A_1156 = tpu.vector_load %arg13[%get3A_1154, %get3A_1155] {strides = array<i32>} : memref<256x64xf32, #tpu.memory_space<vmem>>, vector<1x16xf32>,
      %get3A_1157 = vector.shape_cast %get3A_1156 : vector<1x16xf32> to vector<16xf32>
      %mul3A_1158 = arith.mulf %get3A_1149, %get3A_1153 : vector<16xf32>
      %sub3A_1159 = arith.subf %mul3A_1158, %get3A_1157 : vector<16xf32>
      %add3A_1160 = arith.addf %add3A_1145, %sub3A_1159 : vector<16xf32>
      %get3A_1161 = arith.index_cast %add3A_1116 : i32 to index
      %get3A_1162 = arith.constant 48 : index
      %get3A_1163 = tpu.vector_load %arg11[%get3A_1161, %get3A_1162] {strides = array<i32>} : memref<256x64xf32, #tpu.memory_space<vmem>>, vector<1x16xf32>,
      %get3A_1164 = vector.shape_cast %get3A_1163 : vector<1x16xf32> to vector<16xf32>
      %get3A_1165 = arith.index_cast %add3A_1116 : i32 to index
      %get3A_1166 = arith.constant 48 : index
      %get3A_1167 = tpu.vector_load %arg12[%get3A_1165, %get3A_1166] {strides = array<i32>} : memref<256x64xf32, #tpu.memory_space<vmem>>, vector<1x16xf32>,
      %get3A_1168 = vector.shape_cast %get3A_1167 : vector<1x16xf32> to vector<16xf32>
      %get3A_1169 = arith.index_cast %add3A_1116 : i32 to index
      %get3A_1170 = arith.constant 48 : index
      %get3A_1171 = tpu.vector_load %arg13[%get3A_1169, %get3A_1170] {strides = array<i32>} : memref<256x64xf32, #tpu.memory_space<vmem>>, vector<1x16xf32>,
      %get3A_1172 = vector.shape_cast %get3A_1171 : vector<1x16xf32> to vector<16xf32>
      %mul3A_1173 = arith.mulf %get3A_1164, %get3A_1168 : vector<16xf32>
      %sub3A_1174 = arith.subf %mul3A_1173, %get3A_1172 : vector<16xf32>
      %add3A_1175 = arith.addf %add3A_1160, %sub3A_1174 : vector<16xf32>
      %and3A = arith.constant 1 : i32
      %and3A_1176 = vector.broadcast %and3A : i32 to vector<16xi32>
      %and3A_1177 = arith.andi %iota3A, %and3A_1176 : vector<16xi32>
      %ne3A = arith.constant 0 : i32
      %ne3A_1178 = vector.broadcast %ne3A : i32 to vector<16xi32>
      %ne3A_1179 = arith.cmpi ne, %and3A_1177, %ne3A_1178 : vector<16xi32>
      %xor3A = arith.constant 1 : i32
      %xor3A_1180 = vector.broadcast %xor3A : i32 to vector<16xi32>
      %xor3A_1181 = arith.xori %iota3A, %xor3A_1180 : vector<16xi32>
      %select_n3A = arith.select %ne3A_1179, %add3A_293, %add3A_230 : vector<16xi1>, vector<16xf32>
      %select_n3A_1182 = arith.select %ne3A_1179, %add3A_230, %add3A_293 : vector<16xi1>, vector<16xf32>
      %broadcast_in_dim3A = vector.shape_cast %xor3A_1181 : vector<16xi32> to vector<16x1xi32>
      %gather3A = vector.shape_cast %broadcast_in_dim3A : vector<16x1xi32> to vector<16xi32>
      %gather3A_1183 = tpu.dynamic_gather %select_n3A_1182[%gather3A] in [0] : vector<16xf32>, vector<16xi32> -> vector<16xf32>
      %add3A_1184 = arith.addf %select_n3A, %gather3A_1183 : vector<16xf32>
      %select_n3A_1185 = arith.select %ne3A_1179, %add3A_419, %add3A_356 : vector<16xi1>, vector<16xf32>
      %select_n3A_1186 = arith.select %ne3A_1179, %add3A_356, %add3A_419 : vector<16xi1>, vector<16xf32>
      %broadcast_in_dim3A_1187 = vector.shape_cast %xor3A_1181 : vector<16xi32> to vector<16x1xi32>
      %gather3A_1188 = vector.shape_cast %broadcast_in_dim3A_1187 : vector<16x1xi32> to vector<16xi32>
      %gather3A_1189 = tpu.dynamic_gather %select_n3A_1186[%gather3A_1188] in [0] : vector<16xf32>, vector<16xi32> -> vector<16xf32>
      %add3A_1190 = arith.addf %select_n3A_1185, %gather3A_1189 : vector<16xf32>
      %select_n3A_1191 = arith.select %ne3A_1179, %add3A_545, %add3A_482 : vector<16xi1>, vector<16xf32>
      %select_n3A_1192 = arith.select %ne3A_1179, %add3A_482, %add3A_545 : vector<16xi1>, vector<16xf32>
      %broadcast_in_dim3A_1193 = vector.shape_cast %xor3A_1181 : vector<16xi32> to vector<16x1xi32>
      %gather3A_1194 = vector.shape_cast %broadcast_in_dim3A_1193 : vector<16x1xi32> to vector<16xi32>
      %gather3A_1195 = tpu.dynamic_gather %select_n3A_1192[%gather3A_1194] in [0] : vector<16xf32>, vector<16xi32> -> vector<16xf32>
      %add3A_1196 = arith.addf %select_n3A_1191, %gather3A_1195 : vector<16xf32>
      %select_n3A_1197 = arith.select %ne3A_1179, %add3A_671, %add3A_608 : vector<16xi1>, vector<16xf32>
      %select_n3A_1198 = arith.select %ne3A_1179, %add3A_608, %add3A_671 : vector<16xi1>, vector<16xf32>
      %broadcast_in_dim3A_1199 = vector.shape_cast %xor3A_1181 : vector<16xi32> to vector<16x1xi32>
      %gather3A_1200 = vector.shape_cast %broadcast_in_dim3A_1199 : vector<16x1xi32> to vector<16xi32>
      %gather3A_1201 = tpu.dynamic_gather %select_n3A_1198[%gather3A_1200] in [0] : vector<16xf32>, vector<16xi32> -> vector<16xf32>
      %add3A_1202 = arith.addf %select_n3A_1197, %gather3A_1201 : vector<16xf32>
      %select_n3A_1203 = arith.select %ne3A_1179, %add3A_797, %add3A_734 : vector<16xi1>, vector<16xf32>
      %select_n3A_1204 = arith.select %ne3A_1179, %add3A_734, %add3A_797 : vector<16xi1>, vector<16xf32>
      %broadcast_in_dim3A_1205 = vector.shape_cast %xor3A_1181 : vector<16xi32> to vector<16x1xi32>
      %gather3A_1206 = vector.shape_cast %broadcast_in_dim3A_1205 : vector<16x1xi32> to vector<16xi32>
      %gather3A_1207 = tpu.dynamic_gather %select_n3A_1204[%gather3A_1206] in [0] : vector<16xf32>, vector<16xi32> -> vector<16xf32>
      %add3A_1208 = arith.addf %select_n3A_1203, %gather3A_1207 : vector<16xf32>
      %select_n3A_1209 = arith.select %ne3A_1179, %add3A_923, %add3A_860 : vector<16xi1>, vector<16xf32>
      %select_n3A_1210 = arith.select %ne3A_1179, %add3A_860, %add3A_923 : vector<16xi1>, vector<16xf32>
      %broadcast_in_dim3A_1211 = vector.shape_cast %xor3A_1181 : vector<16xi32> to vector<16x1xi32>
      %gather3A_1212 = vector.shape_cast %broadcast_in_dim3A_1211 : vector<16x1xi32> to vector<16xi32>
      %gather3A_1213 = tpu.dynamic_gather %select_n3A_1210[%gather3A_1212] in [0] : vector<16xf32>, vector<16xi32> -> vector<16xf32>
      %add3A_1214 = arith.addf %select_n3A_1209, %gather3A_1213 : vector<16xf32>
      %select_n3A_1215 = arith.select %ne3A_1179, %add3A_1049, %add3A_986 : vector<16xi1>, vector<16xf32>
      %select_n3A_1216 = arith.select %ne3A_1179, %add3A_986, %add3A_1049 : vector<16xi1>, vector<16xf32>
      %broadcast_in_dim3A_1217 = vector.shape_cast %xor3A_1181 : vector<16xi32> to vector<16x1xi32>
      %gather3A_1218 = vector.shape_cast %broadcast_in_dim3A_1217 : vector<16x1xi32> to vector<16xi32>
      %gather3A_1219 = tpu.dynamic_gather %select_n3A_1216[%gather3A_1218] in [0] : vector<16xf32>, vector<16xi32> -> vector<16xf32>
      %add3A_1220 = arith.addf %select_n3A_1215, %gather3A_1219 : vector<16xf32>
      %select_n3A_1221 = arith.select %ne3A_1179, %add3A_1175, %add3A_1112 : vector<16xi1>, vector<16xf32>
      %select_n3A_1222 = arith.select %ne3A_1179, %add3A_1112, %add3A_1175 : vector<16xi1>, vector<16xf32>
      %broadcast_in_dim3A_1223 = vector.shape_cast %xor3A_1181 : vector<16xi32> to vector<16x1xi32>
      %gather3A_1224 = vector.shape_cast %broadcast_in_dim3A_1223 : vector<16x1xi32> to vector<16xi32>
      %gather3A_1225 = tpu.dynamic_gather %select_n3A_1222[%gather3A_1224] in [0] : vector<16xf32>, vector<16xi32> -> vector<16xf32>
      %add3A_1226 = arith.addf %select_n3A_1221, %gather3A_1225 : vector<16xf32>
      %and3A_1227 = arith.constant 2 : i32
      %and3A_1228 = vector.broadcast %and3A_1227 : i32 to vector<16xi32>
      %and3A_1229 = arith.andi %iota3A, %and3A_1228 : vector<16xi32>
      %ne3A_1230 = arith.constant 0 : i32
      %ne3A_1231 = vector.broadcast %ne3A_1230 : i32 to vector<16xi32>
      %ne3A_1232 = arith.cmpi ne, %and3A_1229, %ne3A_1231 : vector<16xi32>
      %xor3A_1233 = arith.constant 2 : i32
      %xor3A_1234 = vector.broadcast %xor3A_1233 : i32 to vector<16xi32>
      %xor3A_1235 = arith.xori %iota3A, %xor3A_1234 : vector<16xi32>
      %select_n3A_1236 = arith.select %ne3A_1232, %add3A_1190, %add3A_1184 : vector<16xi1>, vector<16xf32>
      %select_n3A_1237 = arith.select %ne3A_1232, %add3A_1184, %add3A_1190 : vector<16xi1>, vector<16xf32>
      %broadcast_in_dim3A_1238 = vector.shape_cast %xor3A_1235 : vector<16xi32> to vector<16x1xi32>
      %gather3A_1239 = vector.shape_cast %broadcast_in_dim3A_1238 : vector<16x1xi32> to vector<16xi32>
      %gather3A_1240 = tpu.dynamic_gather %select_n3A_1237[%gather3A_1239] in [0] : vector<16xf32>, vector<16xi32> -> vector<16xf32>
      %add3A_1241 = arith.addf %select_n3A_1236, %gather3A_1240 : vector<16xf32>
      %select_n3A_1242 = arith.select %ne3A_1232, %add3A_1202, %add3A_1196 : vector<16xi1>, vector<16xf32>
      %select_n3A_1243 = arith.select %ne3A_1232, %add3A_1196, %add3A_1202 : vector<16xi1>, vector<16xf32>
      %broadcast_in_dim3A_1244 = vector.shape_cast %xor3A_1235 : vector<16xi32> to vector<16x1xi32>
      %gather3A_1245 = vector.shape_cast %broadcast_in_dim3A_1244 : vector<16x1xi32> to vector<16xi32>
      %gather3A_1246 = tpu.dynamic_gather %select_n3A_1243[%gather3A_1245] in [0] : vector<16xf32>, vector<16xi32> -> vector<16xf32>
      %add3A_1247 = arith.addf %select_n3A_1242, %gather3A_1246 : vector<16xf32>
      %select_n3A_1248 = arith.select %ne3A_1232, %add3A_1214, %add3A_1208 : vector<16xi1>, vector<16xf32>
      %select_n3A_1249 = arith.select %ne3A_1232, %add3A_1208, %add3A_1214 : vector<16xi1>, vector<16xf32>
      %broadcast_in_dim3A_1250 = vector.shape_cast %xor3A_1235 : vector<16xi32> to vector<16x1xi32>
      %gather3A_1251 = vector.shape_cast %broadcast_in_dim3A_1250 : vector<16x1xi32> to vector<16xi32>
      %gather3A_1252 = tpu.dynamic_gather %select_n3A_1249[%gather3A_1251] in [0] : vector<16xf32>, vector<16xi32> -> vector<16xf32>
      %add3A_1253 = arith.addf %select_n3A_1248, %gather3A_1252 : vector<16xf32>
      %select_n3A_1254 = arith.select %ne3A_1232, %add3A_1226, %add3A_1220 : vector<16xi1>, vector<16xf32>
      %select_n3A_1255 = arith.select %ne3A_1232, %add3A_1220, %add3A_1226 : vector<16xi1>, vector<16xf32>
      %broadcast_in_dim3A_1256 = vector.shape_cast %xor3A_1235 : vector<16xi32> to vector<16x1xi32>
      %gather3A_1257 = vector.shape_cast %broadcast_in_dim3A_1256 : vector<16x1xi32> to vector<16xi32>
      %gather3A_1258 = tpu.dynamic_gather %select_n3A_1255[%gather3A_1257] in [0] : vector<16xf32>, vector<16xi32> -> vector<16xf32>
      %add3A_1259 = arith.addf %select_n3A_1254, %gather3A_1258 : vector<16xf32>
      %and3A_1260 = arith.constant 4 : i32
      %and3A_1261 = vector.broadcast %and3A_1260 : i32 to vector<16xi32>
      %and3A_1262 = arith.andi %iota3A, %and3A_1261 : vector<16xi32>
      %ne3A_1263 = arith.constant 0 : i32
      %ne3A_1264 = vector.broadcast %ne3A_1263 : i32 to vector<16xi32>
      %ne3A_1265 = arith.cmpi ne, %and3A_1262, %ne3A_1264 : vector<16xi32>
      %xor3A_1266 = arith.constant 4 : i32
      %xor3A_1267 = vector.broadcast %xor3A_1266 : i32 to vector<16xi32>
      %xor3A_1268 = arith.xori %iota3A, %xor3A_1267 : vector<16xi32>
      %select_n3A_1269 = arith.select %ne3A_1265, %add3A_1247, %add3A_1241 : vector<16xi1>, vector<16xf32>
      %select_n3A_1270 = arith.select %ne3A_1265, %add3A_1241, %add3A_1247 : vector<16xi1>, vector<16xf32>
      %broadcast_in_dim3A_1271 = vector.shape_cast %xor3A_1268 : vector<16xi32> to vector<16x1xi32>
      %gather3A_1272 = vector.shape_cast %broadcast_in_dim3A_1271 : vector<16x1xi32> to vector<16xi32>
      %gather3A_1273 = tpu.dynamic_gather %select_n3A_1270[%gather3A_1272] in [0] : vector<16xf32>, vector<16xi32> -> vector<16xf32>
      %add3A_1274 = arith.addf %select_n3A_1269, %gather3A_1273 : vector<16xf32>
      %select_n3A_1275 = arith.select %ne3A_1265, %add3A_1259, %add3A_1253 : vector<16xi1>, vector<16xf32>
      %select_n3A_1276 = arith.select %ne3A_1265, %add3A_1253, %add3A_1259 : vector<16xi1>, vector<16xf32>
      %broadcast_in_dim3A_1277 = vector.shape_cast %xor3A_1268 : vector<16xi32> to vector<16x1xi32>
      %gather3A_1278 = vector.shape_cast %broadcast_in_dim3A_1277 : vector<16x1xi32> to vector<16xi32>
      %gather3A_1279 = tpu.dynamic_gather %select_n3A_1276[%gather3A_1278] in [0] : vector<16xf32>, vector<16xi32> -> vector<16xf32>
      %add3A_1280 = arith.addf %select_n3A_1275, %gather3A_1279 : vector<16xf32>
      %and3A_1281 = arith.constant 8 : i32
      %and3A_1282 = vector.broadcast %and3A_1281 : i32 to vector<16xi32>
      %and3A_1283 = arith.andi %iota3A, %and3A_1282 : vector<16xi32>
      %ne3A_1284 = arith.constant 0 : i32
      %ne3A_1285 = vector.broadcast %ne3A_1284 : i32 to vector<16xi32>
      %ne3A_1286 = arith.cmpi ne, %and3A_1283, %ne3A_1285 : vector<16xi32>
      %xor3A_1287 = arith.constant 8 : i32
      %xor3A_1288 = vector.broadcast %xor3A_1287 : i32 to vector<16xi32>
      %xor3A_1289 = arith.xori %iota3A, %xor3A_1288 : vector<16xi32>
      %select_n3A_1290 = arith.select %ne3A_1286, %add3A_1280, %add3A_1274 : vector<16xi1>, vector<16xf32>
      %select_n3A_1291 = arith.select %ne3A_1286, %add3A_1274, %add3A_1280 : vector<16xi1>, vector<16xf32>
      %broadcast_in_dim3A_1292 = vector.shape_cast %xor3A_1289 : vector<16xi32> to vector<16x1xi32>
      %gather3A_1293 = vector.shape_cast %broadcast_in_dim3A_1292 : vector<16x1xi32> to vector<16xi32>
      %gather3A_1294 = tpu.dynamic_gather %select_n3A_1291[%gather3A_1293] in [0] : vector<16xf32>, vector<16xi32> -> vector<16xf32>
      %add3A_1295 = arith.addf %select_n3A_1290, %gather3A_1294 : vector<16xf32>
      %mul3A_1296 = arith.constant 16 : i32
      %mul3A_1297 = arith.muli %scan3A_169, %mul3A_1296 : i32
      %add3A_1298 = arith.constant 256 : i32
      %add3A_1299 = arith.addi %add3A_1298, %mul3A_1297 : i32
      %swap3A = arith.index_cast %add3A_1299 : i32 to index
      %swap3A_1300 = tpu.vector_load %arg14[%swap3A] {strides = array<i32>} : memref<512xf32, #tpu.memory_space<vmem>>, vector<16xf32>,
      %swap3A_1301 = vector.shape_cast %swap3A_1300 : vector<16xf32> to vector<16xf32>
      %swap3A_1302 = vector.shape_cast %add3A_1295 : vector<16xf32> to vector<16xf32>
      tpu.vector_store %arg14[%swap3A], %swap3A_1302 {strides = array<i32>} : memref<512xf32, #tpu.memory_space<vmem>>, vector<16xf32>,
    }
    %scan3A_168 = arith.constant 16 : i32
    "tpu.region"() ({
      %run_scoped3A = tpu.sem_alloc : memref<!tpu.dma_semaphore, #tpu.memory_space<semaphore_mem>>
      %dma_start3A = tpu.memref_slice %arg7[%mul3A_2] : memref<16384xf32, #tpu.memory_space<hbm>> -> memref<512xf32, #tpu.memory_space<hbm>>
      %dma_start3A_169 = tpu.memref_slice %arg7[%mul3A_2] : memref<16384xf32, #tpu.memory_space<hbm>> -> memref<512xf32, #tpu.memory_space<hbm>>
      tpu.enqueue_dma source(%arg14 : memref<512xf32, #tpu.memory_space<vmem>>) target(%dma_start3A_169 : memref<512xf32, #tpu.memory_space<hbm>>) target_semaphore(%run_scoped3A : memref<!tpu.dma_semaphore, #tpu.memory_space<semaphore_mem>>)
      %dma_wait3A_170 = tpu.memref_slice %arg7[%mul3A_2] : memref<16384xf32, #tpu.memory_space<hbm>> -> memref<512xf32, #tpu.memory_space<hbm>>
      %dma_wait3A_171 = tpu.memref_slice %arg7[%mul3A_2] : memref<16384xf32, #tpu.memory_space<hbm>> -> memref<512xf32, #tpu.memory_space<hbm>>
      tpu.wait_dma2 semaphore(%run_scoped3A : memref<!tpu.dma_semaphore, #tpu.memory_space<semaphore_mem>>) src(%arg14 : memref<512xf32, #tpu.memory_space<vmem>>) dst(%dma_wait3A_171 : memref<512xf32, #tpu.memory_space<hbm>>)
      tpu.yield
    }) : () -> ()
    return
  }
}

</mosaic_0001>

<sc_bundles>
// kernel: kernel.3.cloned.1.call-start
scs
__scs_entry_jumppad:
0x0: {  	(pc) =	sbr.rel $0x88, $3  }
0x1: {  	(tag) =	ssettag $0x0;
	lr =	simm.s32 $0x1  }
0x2: {  	[smem:$0x3F9C] =	sst lr;
	_ =	strace $0xD0000000  }
0x3: {  	_ = 	snop  }
0x4: {  	_ = 	snop  }
0x5: {  	_ = 	snop  }
0x6: {  	_ = 	snop  }
0x7: {  	_ = 	snop  }
__scs_overlays_trampoline_lowered:
0x8: {  	[smem:$0x3FAB] =	sst s0  }
0x9: {  	[smem:$0x3FAC] =	sst s1  }
0xa: {  	[smem:$0x3FAD] =	sst s2  }
0xb: {  	[smem:$0x3FAE] =	sst s3  }
0xc: {  	[smem:$0x3FAF] =	sst s4  }
0xd: {  	[smem:$0x3FB0] =	sst s5  }
0xe: {  	[smem:$0x3FB1] =	sst s6  }
0xf: {  	[smem:$0x3FB2] =	sst s7  }
0x10: {  	[smem:$0x3FB3] =	sst s8  }
0x11: {  	[smem:$0x3FB4] =	sst s9;
	s0 =	simm.s32 @!p0 $0x0  }
0x12: {  	s1 =	sld [smem:$0x3F9A];
	s0 =	simm.s32 @p0 $0x1  }
0x13: {  	[smem:$0x3FB5] =	sst s0;
	s0 =	simm.s32 @!p1 $0x0  }
0x14: {  	s2 =	sld [smem:$0x3F99];
	s0 =	simm.s32 @p1 $0x1  }
0x15: {  	[smem:$0x3FB6] =	sst s0;
	s0 =	simm.s32 @!p2 $0x0  }
0x16: {  	s3 =	sld [smem:$0x3FDB];
	s0 =	simm.s32 @p2 $0x1  }
0x17: {  	s4 =	simm.s32 $0x1BF5;
	[smem:$0x3FB8] =	sst s0  }
0x18: {  	s0 =	sld [smem:$0x3F9B];
	_ =	swait.ge [sflag:s4], $0x0  }
0x19: {  	s7 =	sld [smem:$0x3F9C]  }
0x1a: {  	s8 =	sadd.s32 $0xFFFFE003, lr  }
0x1b: {  	s9 =	sadd.s32 $0xFFFFFEF7, lr;
	s5 =	simm.s32 $0xFFFFFFFF;
	p2 =	slt.u32 s8, $0xFFFFF086  }
0x1c: {  	p1 =	slt.u32 s9, $0xF7A;
	s5 =	simm.s32 @!p2 $0x0  }
0x1d: {  	s5 =	simm.s32 @p1 $0x1;
	p0 =	seq.s32 s7, s2  }
0x1e: {  	s7 =	smul.u32 @!p0 $0xF7A, s2;
	p2 =	seq.s32 @!p0 s5, $0x0  }
0x1f: {  	s9 =	smul.u32 $0xF7A, s1;
	s8 =	simm.s32 @!p0 $0x1BF5;
	p2 =	por !p2, p0  }
0x20: {  	[sflag:s8] =	ssyncset.s32 @!p0 $0xFFFFF086;
	s6 =	sadd.s32 @!p0 s3, s7;
	s7 =	simm.s32 @!p0 $0x108  }
0x21: {  	s3 =	sadd.s32 s3, s9;
	s6 =	sadd.s32 @!p0 $0x88, s6;
	s7 =	simm.s32 @p2 $0x1082  }
0x22: {  	[simem:s7], [sflag:s8] =	dma.local @!p0 [hbm:s6], $0xF7A  }
0x23: {  	s9 =	sor.u32 $0xD0000000, s2;
	s6 =	simm.s32 $0x108;
	_ =	swait.ge @!p0 [sflag:s8], $0x0  }
0x24: {  	s3 =	sadd.s32 $0x88, s3;
	s6 =	simm.s32 @!p1 $0x1082;
	[sflag:s4] =	ssyncset.s32 $0xFFFFF086  }
0x25: {  	[simem:s6], [sflag:s4] =	dma.local [hbm:s3], $0xF7A  }
0x26: {  	[smem:$0x3F9C] =	sst s1;
	(tag) =	ssettag s2;
	_ =	strace s9  }
0x27: {  	s1 =	sld [smem:$0x3FAC]  }
0x28: {  	s2 =	sld [smem:$0x3FAD]  }
0x29: {  	s4 =	sld [smem:$0x3FAF]  }
0x2a: {  	p0 =	seq.s32 s5, $0x0;
	s5 =	sld [smem:$0x3FB0]  }
0x2b: {  	s6 =	sld [smem:$0x3FB1]  }
0x2c: {  	s7 =	sld [smem:$0x3FB2]  }
0x2d: {  	s3 =	simm.s32 $0x108;
	s8 =	sld [smem:$0x3FB3]  }
0x2e: {  	s3 =	simm.s32 @!p0 $0x1082;
	s9 =	sld [smem:$0x3FB4]  }
0x2f: {  	lr =	sadd.s32 s0, s3;
	s0 =	sld [smem:$0x3FAB]  }
0x30: {  	s3 =	sld [smem:$0x3FAE]  }
0x31: {  	[smem:$0x3FB7] =	sst s10  }
0x32: {  	s10 =	sld [smem:$0x3FB5];
	_ =	sdelay $0x3  }
0x33: {  	p0 =	seq.s32 s10, $0x1;
	s10 =	sld [smem:$0x3FB7];
	_ =	sdelay $0x3  }
0x34: {  	[smem:$0x3FB7] =	sst s10  }
0x35: {  	s10 =	sld [smem:$0x3FB6];
	_ =	sdelay $0x3  }
0x36: {  	p1 =	seq.s32 s10, $0x1;
	s10 =	sld [smem:$0x3FB7];
	_ =	sdelay $0x3  }
0x37: {  	[smem:$0x3FB7] =	sst s10  }
0x38: {  	s10 =	sld [smem:$0x3FB8]  }
0x39: {  	_ = 	snop;
	(pc) =	sbr.ind lr, $3  }
0x3a: {  	_ = 	snop  }
0x3b: {  	_ = 	snop  }
0x3c: {  	p2 =	seq.s32 s10, $0x1;
	s10 =	sld [smem:$0x3FB7]  }
0x3d: {  	_ =	shalt  }
0x3e: {  	_ =	shalt  }
0x3f: {  	_ =	shalt  }
0x40: {  	_ =	shalt  }
0x41: {  	_ =	shalt  }
0x42: {  	_ =	shalt  }
0x43: {  	_ =	shalt  }
0x44: {  	_ =	shalt  }
0x45: {  	_ =	shalt  }
0x46: {  	_ =	shalt  }
0x47: {  	_ =	shalt  }
0x48: {  	_ =	shalt  }
0x49: {  	_ =	shalt  }
0x4a: {  	_ =	shalt  }
0x4b: {  	_ =	shalt  }
0x4c: {  	_ =	shalt  }
0x4d: {  	_ =	shalt  }
0x4e: {  	_ =	shalt  }
0x4f: {  	_ =	shalt  }
0x50: {  	_ =	shalt  }
0x51: {  	_ =	shalt  }
0x52: {  	_ =	shalt  }
0x53: {  	_ =	shalt  }
0x54: {  	_ =	shalt  }
0x55: {  	_ =	shalt  }
0x56: {  	_ =	shalt  }
0x57: {  	_ =	shalt  }
0x58: {  	_ =	shalt  }
0x59: {  	_ =	shalt  }
0x5a: {  	_ =	shalt  }
0x5b: {  	_ =	shalt  }
0x5c: {  	_ =	shalt  }
0x5d: {  	_ =	shalt  }
0x5e: {  	_ =	shalt  }
0x5f: {  	_ =	shalt  }
0x60: {  	_ =	shalt  }
0x61: {  	_ =	shalt  }
0x62: {  	_ =	shalt  }
0x63: {  	_ =	shalt  }
0x64: {  	_ =	shalt  }
0x65: {  	_ =	shalt  }
0x66: {  	_ =	shalt  }
0x67: {  	_ =	shalt  }
0x68: {  	_ =	shalt  }
0x69: {  	_ =	shalt  }
0x6a: {  	_ =	shalt  }
0x6b: {  	_ =	shalt  }
0x6c: {  	_ =	shalt  }
0x6d: {  	_ =	shalt  }
0x6e: {  	_ =	shalt  }
0x6f: {  	_ =	shalt  }
0x70: {  	_ =	shalt  }
0x71: {  	_ =	shalt  }
0x72: {  	_ =	shalt  }
0x73: {  	_ =	shalt  }
0x74: {  	_ =	shalt  }
0x75: {  	_ =	shalt  }
0x76: {  	_ =	shalt  }
0x77: {  	_ =	shalt  }
0x78: {  	_ =	shalt  }
0x79: {  	_ =	shalt  }
0x7a: {  	_ =	shalt  }
0x7b: {  	_ =	shalt  }
0x7c: {  	_ =	shalt  }
0x7d: {  	_ =	shalt  }
0x7e: {  	_ =	shalt  }
0x7f: {  	_ =	shalt  }
0x80: {  	_ =	shalt  }
0x81: {  	_ =	shalt  }
0x82: {  	_ =	shalt  }
0x83: {  	_ =	shalt  }
0x84: {  	_ =	shalt  }
0x85: {  	_ =	shalt  }
0x86: {  	_ =	shalt  }
0x87: {  	_ =	shalt  }
.Lfunc_end0:
.L_simem_size_0:
called_computation_lowered:
.L_overlay_start_0:
0x88: {  	s2 =	sld [smem:$0x3FD9]  }
0x89: {  	s3 =	sld [smem:$0x3FFE];
	_ =	sdelay $0x1  }
0x8a: {  	s1 =	srdreg.scid  }
0x8b: {  	s0 =	sand.u32 $0x1, s1  }
0x8c: {  	s17 =	sshll.u32 s0, $0xA;
	s2 =	sadd.s32 s3, s2  }
0x8d: {  	s2 =	sadd.s32 s2, s17  }
0x8e: {  	[smem:$0x3FC3] =	sst s2  }
0x8f: {  	_ = 	snop  }
0x90: {  	s2 =	sld [smem:$0x3FC9]  }
0x91: {  	s18 =	sld [smem:$0x3FC8]  }
0x92: {  	s4 =	sld [smem:$0x3FC7]  }
0x93: {  	s5 =	sld [smem:$0x3FD0];
	(tm) =	ssettm $0x1  }
0x94: {  	s6 =	sld [smem:$0x3FFB];
	_ =	sdelay $0x3  }
0x95: {  	_ =	strace s6  }
0x96: {  	s6 =	sld [smem:$0x3FFC];
	_ =	sdelay $0x3  }
0x97: {  	_ =	strace s6  }
0x98: {  	s6 =	sld [smem:$0x3FFD];
	_ =	sdelay $0x3  }
0x99: {  	_ =	strace s6  }
0x9a: {  	_ =	strace $0x8FFFFFFF  }
0x9b: {  	s19 =	sld [smem:$0x3FDB];
	_ =	sdelay $0x1  }
0x9c: {  	s7 =	simm.s32 $_scs_section_size  }
0x9d: {  	s8 =	simm.s32 $_size__tile_overlayer_lowered;
	s9 =	simm.s32 $_tile_overlayer_lowered  }
0x9e: {  	s22 =	simm.s32 $0x1BFF;
	s21 =	sshll.u32 s9, $0x1;
	s6 =	sadd.s32 s7, s19  }
0x9f: {  	s10 =	simm.s32 $0x0;
	s20 =	sshll.u32 s8, $0x1;
	s8 =	sadd.s32 s21, s6  }
0xa0: {  	[timem:s10], [sflag:s22] =	dma.local [hbm:s8], s20  }
0xa1: {  	_ =	swait.ge [sflag:s22], s20  }
0xa2: {  	s7 =	ssub.s32 $0x0, s20;
	[sflag:s22] =	ssyncset.done $0x0  }
0xa3: {  	[sflag:s22] =	ssyncadd.s32 s7;
	_ =	sdelay $0x1  }
0xa4: {  	s23 =	simm.s32 $0x1B8B  }
0xa5: {  	_ =	swait.ge [sflag:s23], $0x1  }
0xa6: {  	[sflag:s23] =	ssyncset.done $0x0  }
0xa7: {  	s25 =	simm.s32 $0x1B8E;
	s24 =	sld [smem:$0x3FFE];
	[sflag:s23] =	ssyncadd.s32 $0xFFFFFFFF  }
0xa8: {  	s26 =	simm.s32 $execute0_lowered;
	[smem:$0x3FD2] =	sst s25  }
0xa9: {  	s8 =	sshll.u32 s26, $0x1;
	_ =	strace $0x80000046;
	[dreg:$0x1] =	wrdreg $0xFFFFFFFF  }
0xaa: {  	s28 =	simm.s32 $_size_execute0_lowered;
	s6 =	sadd.s32 s6, s8;
	[dreg:$0x0] =	wrdreg $0x0  }
0xab: {  	s8 =	sshll.u32 s28, $0x1;
	[dreg:$0x2] =	wrdreg s6  }
0xac: {  	[dreg:$0x3] =	wrdreg s8  }
0xad: {  	[dreg:$0x4] =	wrdreg $0xC0  }
0xae: {  	_ =	task [dreg:s10], $0x5FFFF  }
0xaf: {  	[dreg:$0x1] =	wrdreg $0xFFFFFFFF  }
0xb0: {  	[dreg:$0x0] =	wrdreg $0x60  }
0xb1: {  	[dreg:$0x2] =	wrdreg s2  }
0xb2: {  	[dreg:$0x3] =	wrdreg s18  }
0xb3: {  	[dreg:$0x4] =	wrdreg s4  }
0xb4: {  	[dreg:$0x5] =	wrdreg s24  }
0xb5: {  	[dreg:$0x6] =	wrdreg s5  }
0xb6: {  	[dreg:$0x7] =	wrdreg $0x9  }
0xb7: {  	_ =	task.clear_ibuf [dreg:s10], $0x8FFFF;
	_ =	strace $0x90000046  }
0xb8: {  	s29 =	simm.s32 $0x9;
	_ =	strace $0x80000048  }
0xb9: {  	_ =	swait.ge [sflag:s29], $0x1  }
0xba: {  	[sflag:s29] =	ssyncadd.s32 $0xFFFFFFFF  }
0xbb: {  	_ =	strace $0x90000048  }
0xbc: {  	_ =	sfence  }
0xbd: {  	s30 =	sld [smem:$0x0];
	_ =	sdelay $0x2  }
0xbe: {  	s31 =	sshll.u32 s1, $0xD;
	s1 =	sshrl.u32 s1, $0x2  }
0xbf: {  	s3 =	sand.u32 $0x4000, s31;
	s1 =	sadd.s32 s1, s30  }
0xc0: {  	s0 =	sor.u32 s3, s0;
	s1 =	sshll.u32 s1, $0x11  }
0xc1: {  	s0 =	sor.u32 s1, s0  }
0xc2: {  	s0 =	sadd.s32 $0x8F2B, s0  }
0xc3: {  	[sflag:s0] =	ssyncadd.remote.s32 $0x1  }
0xc4: {  	_ =	sfence.sel $0xFFFF  }
0xc5: {  	[dreg:$0x0] =	wrdreg $0xFFFFFFFF;
	(pc) =	sbr.abs _section_cstart, $3  }
0xc6: {  	[dreg:$0x1] =	wrdreg $0xFFFFFFFF  }
0xc7: {  	_ =	task.clear_ibuf [dreg:s10], $0x2FFFF;
	_ =	strace $0x9FFFFFFF  }
0xc8: {  	(tm) =	ssettm $0x7FFFFFFF  }
0xc9: {  	_ =	shalt  }
tec
execute0_lowered:
.L_overlay_start_1:
0x0: {  	(tag) =	ssettag $0x1  }
0x1: {  	vm0 =	vcmask $0xB08;
	vm1 =	vcmask $0x300  }
0x2: {  	v0 =	vimm.s32 $0xEFCDAB89;
	v1 =	vimm.s32 $0x67452301;
	v2 =	vimm.s32 $0xDCFE98BA  }
0x3: {  	v58 =	vimm.s32 $0x54761032;
	v3 =	vimm.s32 $0xBA98FEDC;
	v4 =	vimm.s32 $0x32107654  }
0x4: {  	vm2 =	vcmask $0x700;
	v59 =	vimm.s32 $0xFEDCBA98;
	v60 =	vimm.s32 $0x76543210  }
0x5: {  	vm0 =	vmor vm1, vm0;
	vm1 =	vcmask $0x1310;
	v0 =	vunpack.c.l.s4.s8 v0  }
0x6: {  	v1 =	vunpack.c.l.s4.s8 v1;
	v57 =	vunpack.c.l.s4.s8 v2;
	v2 =	vunpack.c.l.s4.s8 v58  }
0x7: {  	v3 =	vunpack.c.l.s4.s8 v3;
	vm0 =	vmor vm0, vm1;
	vm1 =	vcmask $0x1B18  }
0x8: {  	s0 =	rddreg [dreg:$0x0];
	vm0 =	vmor vm0, vm1;
	vm1 =	vcmask $0x2320;
	v0 =	vunpack.c.0.s8.s32 v0  }
0x9: {  	s2 =	rddreg [dreg:$0x1];
	v1 =	vunpack.c.0.s8.s32 v1;
	vm0 =	vmor vm0, vm1;
	vm1 =	vcmask $0x2B28  }
0xa: {  	s5 =	rddreg [dreg:$0x2];
	v4 =	vunpack.c.l.s4.s8 v4;
	v2 =	vunpack.c.0.s8.s32 v2;
	vm0 =	vmor vm0, vm1  }
0xb: {  	s4 =	rddreg [dreg:$0x3];
	s3 =	srdreg.scid;
	vm1 =	vcmask $0x3330;
	v0 =	vcombine.low v1, v0;
	v1 =	vunpack.c.0.s8.s32 v57  }
0xc: {  	s6 =	rddreg [dreg:$0x4];
	s8 =	stileid.u32;
	s3 =	sand.u32 $0x1, s3;
	v3 =	vunpack.c.0.s8.s32 v3;
	v4 =	vunpack.c.0.s8.s32 v4;
	vm0 =	vmor vm0, vm1  }
0xd: {  	s1 =	simm.s32 $0x0;
	s8 =	sshll.u32 s8, $0x7;
	s9 =	sshll.u32 s3, $0x6;
	vm1 =	vcmask $0x3B38;
	v1 =	vcombine.low v2, v1;
	v2 =	vunpack.c.l.s4.s8 v59  }
0xe: {  	[smem:$0x7FF] =	sst s1;
	s8 =	sor.u32 s9, s8;
	v3 =	vcombine.low v4, v3;
	v4 =	vunpack.c.l.s4.s8 v60;
	vm0 =	vmor vm0, vm1  }
0xf: {  	_ =	strace $0x80000047;
	s7 =	ssub.s32 $0x2, s3;
	s0 =	sadd.s32 s0, s8;
	vm1 =	vcmask $0x1710;
	v15 =	vand.u32 $0xF, v0;
	v61 =	vunpack.c.0.s8.s32 v2  }
0x10: {  	s3 =	sadd.s32 $0x4400, s4;
	s28 =	sadd.s32 s2, s8;
	[smem:$0x7F9] =	sst s0;
	v62 =	vunpack.c.0.s8.s32 v4;
	vm1 =	vmor vm2, vm1;
	vm2 =	vcmask $0x2720  }
0x11: {  	s10 =	sshrl.u32 s7, $0x1;
	s29 =	sadd.s32 s5, s8;
	[smem:$0x7FA] =	sst s28;
	v7 =	vand.u32 $0xF, v3;
	[tilespmem:$0x1FFC0] =	vst v15;
	vm1 =	vmor vm1, vm2;
	v0 =	vand.u32 $0xF, v61  }
0x12: {  	s7 =	ssub.s32 s7, s10;
	s30 =	sadd.s32 s6, s8;
	[smem:$0x7FB] =	sst s29;
	[tilespmem:$0x1FFE0] =	vst v7;
	vm2 =	vcmask $0x3730;
	v12 =	vand.u32 $0xF, v1;
	v63 =	vcombine.low v0, v62  }
0x13: {  	vm3 =	vcmask $0xF00;
	s4 =	sadd.s32 $0x400, s4;
	[smem:$0x7FC] =	sst s30;
	s31 =	smax.u32 s7, $0x1;
	vm1 =	vmor vm1, vm2;
	vm2 =	vcmask $0x2F20;
	[tilespmem:$0x1FFD0] =	vst v12  }
0x14: {  	s6 =	simm.s32 $0x3;
	s2 =	simm.s32 $0x0;
	[smem:$0x7FD] =	sst s31;
	vm2 =	vmor vm3, vm2;
	vm3 =	vmmov $0xff;
	[tilespmem:$0x1FFF0] =	vst v63  }
.LBB2_1:
0x15: {  	s0 =	sld [smem:$0x7F9];
	_ =	sdelay $0x1  }
0x16: {  	[smem:$0x7F8] =	sst s2  }
0x17: {  	[tilespmem:s1], [sflag:$0x3] =	stream.linear.gather [hbm4b:s0+s1], $0x200, $0x38;
	[tilespmem:$0x18800] =	vst v63  }
0x18: {  	_ =	swait.ge [sflag:s6], $0x200  }
0x19: {  	s29 =	sld [smem:$0x7FA]  }
0x1a: {  	[sflag:s6] =	ssyncset.done $0x0  }
0x1b: {  	s26 =	simm.s32 $0x200;
	[sflag:s6] =	ssyncadd.s32 $0xFFFFFE00  }
0x1c: {  	[tilespmem:s26], [sflag:$0x3] =	stream.linear.gather [hbm4b:s29+s1], $0x200, $0x38;
	[tilespmem:$0x18800] =	vst v63  }
0x1d: {  	_ =	swait.ge [sflag:s6], $0x200  }
0x1e: {  	s5 =	sld [smem:$0x7FB]  }
0x1f: {  	[sflag:s6] =	ssyncset.done $0x0  }
0x20: {  	s30 =	simm.s32 $0x400;
	[sflag:s6] =	ssyncadd.s32 $0xFFFFFE00  }
0x21: {  	[tilespmem:s30], [sflag:$0x3] =	stream.linear.gather [hbm4b:s5+s1], $0x200, $0x38;
	[tilespmem:$0x18800] =	vst v63  }
0x22: {  	_ =	swait.ge [sflag:s6], $0x200  }
0x23: {  	[sflag:s6] =	ssyncset.done $0x0  }
0x24: {  	[sflag:s6] =	ssyncadd.s32 $0xFFFFFE00  }
0x25: {  	v0 =	vld [tilespmem:s1+$0x0]  }
0x26: {  	v1 =	vld [tilespmem:s30+$0x0]  }
0x27: {  	v2 =	vld [tilespmem:s26+$0x0];
	_ =	sdelay $0x2  }
0x28: {  	v6 =	vshll.u32 v0, $0x4  }
0x29: {  	v5 =	vshll.u32 v1, $0x4;
	(v2sf) =	vpush v6, $0x0  }
0x2a: {  	v4 =	vshll.u32 v2, $0x4;
	(v2sf) =	vpush v5, $0x0  }
0x2b: {  	(v2sf) =	vpush v4, $0x0;
	_ =	sdelay $0x1  }
0x2c: {  	(v2sf) =	vpush v6, $0x1;
	_ =	sdelay $0x1  }
0x2d: {  	(v2sf) =	vpush v5, $0x1;
	_ =	sdelay $0x1  }
0x2e: {  	(v2sf) =	vpush v4, $0x1;
	_ =	sdelay $0x1  }
0x2f: {  	s16 =	simm.s32 $0x2000;
	(v2sf) =	vpush v6, $0x2  }
0x30: {  	s15 =	simm.s32 $0x0;
	s14 =	simm.s32 $0x410;
	s24 =	simm.s32 $0x210  }
0x31: {  	s31 =	simm.s32 $0x8600;
	s7 =	simm.s32 $0x10780;
	s17 =	simm.s32 $0x600  }
0x32: {  	s8 =	simm.s32 $0x10600;
	s2 =	simm.s32 $0xA00;
	s10 =	simm.s32 $0x8680  }
0x33: {  	s11 =	simm.s32 $0x780;
	s21 =	simm.s32 $0x680;
	s23 =	simm.s32 $0x10680  }
0x34: {  	s28 =	simm.s32 $0x10C80;
	s0 =	simm.s32 $0xA80;
	s9 =	spop (v2sf)  }
0x35: {  	s5 =	simm.s32 $0x980;
	(v2sf) =	vpush v5, $0x2;
	s9 =	sand.u32 $0x1FFFFFF0, s9;
	s12 =	spop (v2sf)  }
0x36: {  	s6 =	simm.s32 $0x8A80;
	s9 =	sadd.s32 s3, s9;
	s19 =	spop (v2sf)  }
0x37: {  	(v2sf) =	vpush v4, $0x2;
	[tilespmem:s17], [sflag:$0x1] =	stream.linear.gather [hbm4b:s9+s1], $0x80, $0x38;
	[tilespmem:$0x18800] =	vst v63  }
0x38: {  	s18 =	sand.u32 $0x1FFFFFF0, s12;
	(v2sf) =	vpush v6, $0x3;
	s12 =	sand.u32 $0x1FFFFFF0, s19;
	s13 =	spop (v2sf)  }
0x39: {  	s9 =	sadd.s32 s3, s18;
	s18 =	simm.s32 $0x10700;
	s20 =	sand.u32 $0x1FFFFFF0, s13  }
0x3a: {  	(v2sf) =	vpush v5, $0x3;
	s12 =	sadd.s32 s4, s12;
	s22 =	spop (v2sf);
	s13 =	simm.s32 $0x700  }
0x3b: {  	[tilespmem:s8], [sflag:$0x2] =	stream.linear.gather [hbm4b:s9+s1], $0x80, $0x38;
	[tilespmem:$0x18800] =	vst v63  }
0x3c: {  	(v2sf) =	vpush v4, $0x3;
	s8 =	simm.s32 $0x8780;
	s9 =	sadd.s32 s3, s20;
	s26 =	spop (v2sf)  }
0x3d: {  	[tilespmem:s31], [sflag:$0x1] =	stream.linear.gather [hbm4b:s12+s1], $0x80, $0x38;
	[tilespmem:$0x18800] =	vst v63  }
0x3e: {  	(v2sf) =	vpush v6, $0x4;
	s25 =	sand.u32 $0x1FFFFFF0, s22;
	s29 =	spop (v2sf);
	s12 =	sand.u32 $0x1FFFFFF0, s26  }
0x3f: {  	[tilespmem:s21], [sflag:$0x2] =	stream.linear.gather [hbm4b:s9+s1], $0x80, $0x38;
	[tilespmem:$0x18800] =	vst v63  }
0x40: {  	(v2sf) =	vpush v5, $0x4;
	s31 =	sand.u32 $0x1FFFFFF0, s29;
	s26 =	simm.s32 $0x10800;
	s9 =	sadd.s32 s3, s25  }
0x41: {  	[tilespmem:s23], [sflag:$0x1] =	stream.linear.gather [hbm4b:s9+s1], $0x80, $0x38;
	[tilespmem:$0x18800] =	vst v63  }
0x42: {  	s30 =	sadd.s32 s4, s12;
	s12 =	sadd.s32 s3, s31;
	s31 =	simm.s32 $0x8800  }
0x43: {  	[tilespmem:s10], [sflag:$0x2] =	stream.linear.gather [hbm4b:s30+s1], $0x80, $0x38;
	[tilespmem:$0x18800] =	vst v63  }
0x44: {  	s21 =	simm.s32 $0x8700;
	s9 =	simm.s32 $0x10880;
	s17 =	spop (v2sf)  }
0x45: {  	[tilespmem:s13], [sflag:$0x1] =	stream.linear.gather [hbm4b:s12+s1], $0x80, $0x38;
	[tilespmem:$0x18800] =	vst v63  }
0x46: {  	(v2sf) =	vpush v4, $0x4;
	s13 =	simm.s32 $0x10D80;
	s10 =	sand.u32 $0x1FFFFFF0, s17;
	s19 =	spop (v2sf)  }
0x47: {  	(v2sf) =	vpush v6, $0x5;
	s10 =	sadd.s32 s3, s10;
	s12 =	sand.u32 $0x1FFFFFF0, s19;
	s20 =	spop (v2sf)  }
0x48: {  	(v2sf) =	vpush v5, $0x5;
	[tilespmem:s18], [sflag:$0x2] =	stream.linear.gather [hbm4b:s10+s1], $0x80, $0x38;
	[tilespmem:$0x18800] =	vst v63  }
0x49: {  	s22 =	sadd.s32 s4, s12;
	s23 =	sand.u32 $0x1FFFFFF0, s20;
	s25 =	spop (v2sf)  }
0x4a: {  	(v2sf) =	vpush v4, $0x5;
	[tilespmem:s21], [sflag:$0x1] =	stream.linear.gather [hbm4b:s22+s1], $0x80, $0x38;
	[tilespmem:$0x18800] =	vst v63  }
0x4b: {  	s12 =	sadd.s32 s3, s23;
	(v2sf) =	vpush v6, $0x6;
	s10 =	sand.u32 $0x1FFFFFF0, s25;
	s29 =	spop (v2sf)  }
0x4c: {  	[tilespmem:s11], [sflag:$0x2] =	stream.linear.gather [hbm4b:s12+s1], $0x80, $0x38;
	[tilespmem:$0x18800] =	vst v63  }
0x4d: {  	s10 =	sadd.s32 s3, s10;
	s30 =	spop (v2sf);
	(v2sf) =	vpush v5, $0x6;
	s12 =	sand.u32 $0x1FFFFFF0, s29  }
0x4e: {  	[tilespmem:s7], [sflag:$0x1] =	stream.linear.gather [hbm4b:s10+s1], $0x80, $0x38;
	[tilespmem:$0x18800] =	vst v63  }
0x4f: {  	s17 =	sand.u32 $0x1FFFFFF0, s30;
	s19 =	spop (v2sf);
	(v2sf) =	vpush v4, $0x6;
	s12 =	sadd.s32 s4, s12  }
0x50: {  	[tilespmem:s8], [sflag:$0x2] =	stream.linear.gather [hbm4b:s12+s1], $0x80, $0x38;
	[tilespmem:$0x18800] =	vst v63  }
0x51: {  	s18 =	simm.s32 $0x800;
	s12 =	sadd.s32 s3, s17;
	s8 =	sand.u32 $0x1FFFFFF0, s19  }
0x52: {  	[tilespmem:s18], [sflag:$0x1] =	stream.linear.gather [hbm4b:s12+s1], $0x80, $0x38;
	[tilespmem:$0x18800] =	vst v63  }
0x53: {  	s22 =	simm.s32 $0x10900;
	(v2sf) =	vpush v6, $0x7;
	s7 =	simm.s32 $0xB00;
	s8 =	sadd.s32 s3, s8  }
0x54: {  	[tilespmem:s26], [sflag:$0x2] =	stream.linear.gather [hbm4b:s8+s1], $0x80, $0x38;
	[tilespmem:$0x18800] =	vst v63  }
0x55: {  	s18 =	simm.s32 $0x900;
	s20 =	spop (v2sf);
	s26 =	simm.s32 $0x880  }
0x56: {  	s8 =	simm.s32 $0x10B00;
	s12 =	sand.u32 $0x1FFFFFF0, s20;
	s21 =	spop (v2sf)  }
0x57: {  	(v2sf) =	vpush v5, $0x7;
	s23 =	sadd.s32 s4, s12;
	s25 =	sand.u32 $0x1FFFFFF0, s21;
	s29 =	spop (v2sf)  }
0x58: {  	(v2sf) =	vpush v4, $0x7;
	[tilespmem:s31], [sflag:$0x1] =	stream.linear.gather [hbm4b:s23+s1], $0x80, $0x38;
	[tilespmem:$0x18800] =	vst v63  }
0x59: {  	s12 =	sadd.s32 s3, s25;
	s10 =	sand.u32 $0x1FFFFFF0, s29;
	s30 =	spop (v2sf)  }
0x5a: {  	(v2sf) =	vpush v6, $0x8;
	s29 =	simm.s32 $0x10980;
	s10 =	sadd.s32 s3, s10;
	s31 =	spop (v2sf)  }
0x5b: {  	[tilespmem:s26], [sflag:$0x2] =	stream.linear.gather [hbm4b:s12+s1], $0x80, $0x38;
	[tilespmem:$0x18800] =	vst v63  }
0x5c: {  	s12 =	sand.u32 $0x1FFFFFF0, s30;
	s17 =	sand.u32 $0x1FFFFFF0, s31;
	s19 =	spop (v2sf)  }
0x5d: {  	(v2sf) =	vpush v5, $0x8;
	[tilespmem:s9], [sflag:$0x1] =	stream.linear.gather [hbm4b:s10+s1], $0x80, $0x38;
	[tilespmem:$0x18800] =	vst v63  }
0x5e: {  	s12 =	sadd.s32 s4, s12;
	s20 =	spop (v2sf);
	s10 =	simm.s32 $0x8880  }
0x5f: {  	(v2sf) =	vpush v4, $0x8;
	[tilespmem:s10], [sflag:$0x2] =	stream.linear.gather [hbm4b:s12+s1], $0x80, $0x38;
	[tilespmem:$0x18800] =	vst v63  }
0x60: {  	s9 =	simm.s32 $0x10A80;
	s12 =	sadd.s32 s3, s17;
	s10 =	sand.u32 $0x1FFFFFF0, s19  }
0x61: {  	(v2sf) =	vpush v6, $0x9;
	[tilespmem:s18], [sflag:$0x1] =	stream.linear.gather [hbm4b:s12+s1], $0x80, $0x38;
	[tilespmem:$0x18800] =	vst v63  }
0x62: {  	s21 =	spop (v2sf);
	s10 =	sadd.s32 s3, s10;
	s12 =	sand.u32 $0x1FFFFFF0, s20  }
0x63: {  	(v2sf) =	vpush v5, $0x9;
	[tilespmem:s22], [sflag:$0x2] =	stream.linear.gather [hbm4b:s10+s1], $0x80, $0x38;
	[tilespmem:$0x18800] =	vst v63  }
0x64: {  	s25 =	sand.u32 $0x1FFFFFF0, s21;
	s23 =	sadd.s32 s4, s12;
	s22 =	simm.s32 $0x8900  }
0x65: {  	[tilespmem:s22], [sflag:$0x1] =	stream.linear.gather [hbm4b:s23+s1], $0x80, $0x38;
	[tilespmem:$0x18800] =	vst v63  }
0x66: {  	s17 =	simm.s32 $0x8980;
	s20 =	simm.s32 $0x8A00;
	s26 =	spop (v2sf)  }
0x67: {  	s12 =	sadd.s32 s3, s25;
	s10 =	simm.s32 $0x10A00;
	(v2sf) =	vpush v4, $0x9;
	s30 =	spop (v2sf)  }
0x68: {  	(v2sf) =	vpush v6, $0xA;
	[tilespmem:s5], [sflag:$0x2] =	stream.linear.gather [hbm4b:s12+s1], $0x80, $0x38;
	[tilespmem:$0x18800] =	vst v63  }
0x69: {  	s11 =	sand.u32 $0x1FFFFFF0, s26;
	s12 =	sand.u32 $0x1FFFFFF0, s30;
	s31 =	spop (v2sf)  }
0x6a: {  	s11 =	sadd.s32 s3, s11;
	(v2sf) =	vpush v5, $0xA;
	s18 =	sadd.s32 s4, s12;
	s19 =	sand.u32 $0x1FFFFFF0, s31  }
0x6b: {  	[tilespmem:s29], [sflag:$0x1] =	stream.linear.gather [hbm4b:s11+s1], $0x80, $0x38;
	[tilespmem:$0x18800] =	vst v63  }
0x6c: {  	(v2sf) =	vpush v4, $0xA;
	s21 =	spop (v2sf);
	s12 =	sadd.s32 s3, s19;
	s19 =	simm.s32 $0x10  }
0x6d: {  	(v2sf) =	vpush v6, $0xB;
	[tilespmem:s17], [sflag:$0x2] =	stream.linear.gather [hbm4b:s18+s1], $0x80, $0x38;
	[tilespmem:$0x18800] =	vst v63  }
0x6e: {  	s22 =	sand.u32 $0x1FFFFFF0, s21;
	s23 =	spop (v2sf);
	s18 =	simm.s32 $0xC80  }
0x6f: {  	(v2sf) =	vpush v5, $0xB;
	[tilespmem:s2], [sflag:$0x1] =	stream.linear.gather [hbm4b:s12+s1], $0x80, $0x38;
	[tilespmem:$0x18800] =	vst v63  }
0x70: {  	s11 =	sand.u32 $0x1FFFFFF0, s23;
	s25 =	spop (v2sf);
	(v2sf) =	vpush v4, $0xB;
	s2 =	sadd.s32 s3, s22  }
0x71: {  	[tilespmem:s10], [sflag:$0x2] =	stream.linear.gather [hbm4b:s2+s1], $0x80, $0x38;
	[tilespmem:$0x18800] =	vst v63  }
0x72: {  	s26 =	sadd.s32 s4, s11;
	s29 =	sand.u32 $0x1FFFFFF0, s25;
	s30 =	spop (v2sf);
	(v2sf) =	vpush v6, $0xC  }
0x73: {  	[tilespmem:s20], [sflag:$0x1] =	stream.linear.gather [hbm4b:s26+s1], $0x80, $0x38;
	[tilespmem:$0x18800] =	vst v63  }
0x74: {  	s23 =	simm.s32 $0x8B00;
	s25 =	simm.s32 $0x8D00;
	s31 =	sadd.s32 s3, s29  }
0x75: {  	[tilespmem:s0], [sflag:$0x2] =	stream.linear.gather [hbm4b:s31+s1], $0x80, $0x38;
	[tilespmem:$0x18800] =	vst v63  }
0x76: {  	s29 =	simm.s32 $0xB80;
	s2 =	sand.u32 $0x1FFFFFF0, s30;
	s10 =	spop (v2sf)  }
0x77: {  	s2 =	sadd.s32 s3, s2;
	s5 =	sand.u32 $0x1FFFFFF0, s10;
	s11 =	spop (v2sf)  }
0x78: {  	(v2sf) =	vpush v5, $0xC;
	[tilespmem:s9], [sflag:$0x1] =	stream.linear.gather [hbm4b:s2+s1], $0x80, $0x38;
	[tilespmem:$0x18800] =	vst v63  }
0x79: {  	s0 =	simm.s32 $0x10C00;
	s12 =	sadd.s32 s4, s5;
	s20 =	spop (v2sf)  }
0x7a: {  	(v2sf) =	vpush v4, $0xC;
	[tilespmem:s6], [sflag:$0x2] =	stream.linear.gather [hbm4b:s12+s1], $0x80, $0x38;
	[tilespmem:$0x18800] =	vst v63  }
0x7b: {  	s31 =	simm.s32 $0x10B80;
	s17 =	sand.u32 $0x1FFFFFF0, s11;
	s21 =	spop (v2sf)  }
0x7c: {  	s5 =	sadd.s32 s3, s17;
	s6 =	sand.u32 $0x1FFFFFF0, s20;
	s22 =	spop (v2sf)  }
0x7d: {  	(v2sf) =	vpush v6, $0xD;
	[tilespmem:s7], [sflag:$0x1] =	stream.linear.gather [hbm4b:s5+s1], $0x80, $0x38;
	[tilespmem:$0x18800] =	vst v63  }
0x7e: {  	s2 =	simm.s32 $0x8B80;
	s6 =	sadd.s32 s3, s6;
	s30 =	spop (v2sf)  }
0x7f: {  	(v2sf) =	vpush v5, $0xD;
	s5 =	simm.s32 $0xC00;
	s7 =	sand.u32 $0x1FFFFFF0, s21;
	s9 =	spop (v2sf)  }
0x80: {  	[tilespmem:s8], [sflag:$0x2] =	stream.linear.gather [hbm4b:s6+s1], $0x80, $0x38;
	[tilespmem:$0x18800] =	vst v63  }
0x81: {  	s26 =	sand.u32 $0x1FFFFFF0, s22;
	s7 =	sadd.s32 s4, s7;
	s10 =	spop (v2sf)  }
0x82: {  	[tilespmem:s23], [sflag:$0x1] =	stream.linear.gather [hbm4b:s7+s1], $0x80, $0x38;
	[tilespmem:$0x18800] =	vst v63  }
0x83: {  	s8 =	sadd.s32 s3, s26;
	s12 =	sand.u32 $0x1FFFFFF0, s10;
	s7 =	sand.u32 $0x1FFFFFF0, s30  }
0x84: {  	[tilespmem:s29], [sflag:$0x2] =	stream.linear.gather [hbm4b:s8+s1], $0x80, $0x38;
	[tilespmem:$0x18800] =	vst v63  }
0x85: {  	s10 =	simm.s32 $0x10D00;
	s7 =	sadd.s32 s3, s7;
	s8 =	sand.u32 $0x1FFFFFF0, s9  }
0x86: {  	[tilespmem:s31], [sflag:$0x1] =	stream.linear.gather [hbm4b:s7+s1], $0x80, $0x38;
	[tilespmem:$0x18800] =	vst v63  }
0x87: {  	s20 =	sadd.s32 s3, s12;
	s11 =	sadd.s32 s4, s8;
	s17 =	spop (v2sf)  }
0x88: {  	[tilespmem:s2], [sflag:$0x2] =	stream.linear.gather [hbm4b:s11+s1], $0x80, $0x38;
	[tilespmem:$0x18800] =	vst v63  }
0x89: {  	(v2sf) =	vpush v4, $0xD;
	s29 =	simm.s32 $0x8C00;
	s9 =	simm.s32 $0xD00;
	s22 =	spop (v2sf)  }
0x8a: {  	(v2sf) =	vpush v6, $0xE;
	[tilespmem:s5], [sflag:$0x1] =	stream.linear.gather [hbm4b:s20+s1], $0x80, $0x38;
	[tilespmem:$0x18800] =	vst v63  }
0x8b: {  	s8 =	simm.s32 $0xD80;
	s21 =	sand.u32 $0x1FFFFFF0, s17;
	(v2sf) =	vpush v5, $0xE;
	s26 =	sand.u32 $0x1FFFFFF0, s22  }
0x8c: {  	s23 =	sadd.s32 s3, s21;
	(v2sf) =	vpush v4, $0xE;
	s30 =	sadd.s32 s4, s26;
	s31 =	spop (v2sf)  }
0x8d: {  	(v2sf) =	vpush v6, $0xF;
	[tilespmem:s0], [sflag:$0x2] =	stream.linear.gather [hbm4b:s23+s1], $0x80, $0x38;
	[tilespmem:$0x18800] =	vst v63  }
0x8e: {  	s26 =	simm.s32 $0x8C80;
	(v2sf) =	vpush v5, $0xF;
	s0 =	sand.u32 $0x1FFFFFF0, s31;
	s2 =	spop (v2sf)  }
0x8f: {  	(v2sf) =	vpush v4, $0xF;
	[tilespmem:s29], [sflag:$0x1] =	stream.linear.gather [hbm4b:s30+s1], $0x80, $0x38;
	[tilespmem:$0x18800] =	vst v63  }
.LBB2_2:
0x90: {  	_ =	sdelay $0x3  }
0x91: {  	s0 =	sadd.s32 s3, s0;
	s2 =	sand.u32 $0x1FFFFFF0, s2  }
0x92: {  	[tilespmem:s18], [sflag:$0x2] =	stream.linear.gather [hbm4b:s0+s1], $0x80, $0x38;
	[tilespmem:$0x18800] =	vst v63  }
0x93: {  	s11 =	sadd.s32 s3, s2  }
0x94: {  	[tilespmem:s28], [sflag:$0x1] =	stream.linear.gather [hbm4b:s11+s1], $0x80, $0x38;
	[tilespmem:$0x18800] =	vst v63  }
0x95: {  	s5 =	spop (v2sf)  }
0x96: {  	s12 =	sand.u32 $0x1FFFFFF0, s5;
	s17 =	spop (v2sf)  }
0x97: {  	s18 =	sadd.s32 s4, s12;
	s20 =	sand.u32 $0x1FFFFFF0, s17;
	s21 =	spop (v2sf)  }
0x98: {  	[tilespmem:s26], [sflag:$0x2] =	stream.linear.gather [hbm4b:s18+s1], $0x80, $0x38;
	[tilespmem:$0x18800] =	vst v63  }
0x99: {  	s6 =	smov.u32 s16;
	s22 =	sadd.s32 s3, s20;
	s23 =	sand.u32 $0x1FFFFFF0, s21  }
0x9a: {  	s26 =	spop (v2sf);
	s20 =	sadd.s32 $0x8D80, s15;
	s15 =	sshra.s32 s6, $0x2  }
0x9b: {  	s29 =	sadd.s32 s3, s23;
	s30 =	sand.u32 $0x1FFFFFF0, s26;
	s31 =	spop (v2sf)  }
0x9c: {  	s23 =	sadd.s32 $0x980, s15;
	s26 =	sadd.s32 $0xA80, s15;
	s2 =	sadd.s32 $0x10800, s15  }
0x9d: {  	[tilespmem:s9], [sflag:$0x1] =	stream.linear.gather [hbm4b:s22+s1], $0x80, $0x38;
	[tilespmem:$0x18800] =	vst v63  }
0x9e: {  	s6 =	sadd.s32 $0xB00, s15;
	s7 =	sadd.s32 s4, s30;
	[dreg:$0x1e] =	wrdreg s23  }
0x9f: {  	[tilespmem:s10], [sflag:$0x2] =	stream.linear.gather [hbm4b:s29+s1], $0x80, $0x38;
	[tilespmem:$0x18800] =	vst v63  }
0xa0: {  	s9 =	sand.u32 $0x1FFFFFF0, s31;
	[dreg:$0x14] =	wrdreg s26;
	s10 =	spop (v2sf)  }
0xa1: {  	[tilespmem:s25], [sflag:$0x1] =	stream.linear.gather [hbm4b:s7+s1], $0x80, $0x38;
	[tilespmem:$0x18800] =	vst v63  }
0xa2: {  	s11 =	sadd.s32 s3, s9;
	s12 =	sand.u32 $0x1FFFFFF0, s10;
	s17 =	spop (v2sf)  }
0xa3: {  	[tilespmem:s8], [sflag:$0x2] =	stream.linear.gather [hbm4b:s11+s1], $0x80, $0x38;
	[tilespmem:$0x18800] =	vst v63  }
0xa4: {  	[smem:$0x7EC] =	sst s2;
	s18 =	sadd.s32 s3, s12;
	s5 =	sand.u32 $0x1FFFFFF0, s17  }
0xa5: {  	[tilespmem:s13], [sflag:$0x1] =	stream.linear.gather [hbm4b:s18+s1], $0x80, $0x38;
	[tilespmem:$0x18800] =	vst v63  }
0xa6: {  	s22 =	sadd.s32 $0x10780, s15;
	[dreg:$0xe] =	wrdreg s6;
	s21 =	sadd.s32 s4, s5  }
0xa7: {  	[tilespmem:s20], [sflag:$0x2] =	stream.linear.gather [hbm4b:s21+s1], $0x80, $0x38;
	[tilespmem:$0x18800] =	vst v63  }
0xa8: {  	s31 =	sadd.s32 $0x8A80, s15;
	[smem:$0x7EB] =	sst s22;
	v0 =	vld [tilespmem:s19+$0x0]  }
0xa9: {  	s26 =	sadd.s32 $0x8880, s15;
	[dreg:$0x10] =	wrdreg s31;
	v1 =	vld [tilespmem:s14+$0x0]  }
0xaa: {  	p0 =	sne.s32 s16, $0x1E000;
	s22 =	sadd.s32 $0x10980, s15;
	[smem:$0x7F0] =	sst s26;
	v2 =	vld [tilespmem:s24+$0x0]  }
0xab: {  	s16 =	sadd.s32 $0x2000, s16;
	s31 =	sadd.s32 $0x10C00, s15;
	[smem:$0x7F4] =	sst s22  }
0xac: {  	s28 =	sadd.s32 $0x600, s15;
	s26 =	sadd.s32 $0x900, s15;
	[dreg:$0x6] =	wrdreg s31  }
0xad: {  	s0 =	sadd.s32 $0x10700, s15;
	s29 =	sadd.s32 $0x10880, s15;
	[smem:$0x7F1] =	sst s26;
	v6 =	vshll.u32 v0, $0x4  }
0xae: {  	s30 =	sadd.s32 $0x10600, s15;
	[smem:$0x7EF] =	sst s29;
	s10 =	sadd.s32 $0x10A80, s15;
	v5 =	vshll.u32 v1, $0x4;
	(v2sf) =	vpush v6, $0x0  }
0xaf: {  	s6 =	sadd.s32 $0x800, s15;
	s29 =	sadd.s32 $0x8900, s15;
	[dreg:$0x18] =	wrdreg s10;
	v4 =	vshll.u32 v2, $0x4;
	(v2sf) =	vpush v5, $0x0  }
0xb0: {  	s23 =	sadd.s32 $0x680, s15;
	s25 =	sadd.s32 $0xA00, s15;
	[smem:$0x7F3] =	sst s29;
	(v2sf) =	vpush v4, $0x0  }
0xb1: {  	s2 =	smov.u32 s16;
	s7 =	sadd.s32 $0x10900, s15;
	[dreg:$0x1a] =	wrdreg s25  }
0xb2: {  	s16 =	sadd.s32 $0xC80, s15;
	s17 =	sadd.s32 $0x8A00, s15;
	[smem:$0x7F2] =	sst s7  }
0xb3: {  	s9 =	sadd.s32 $0x8780, s15;
	s10 =	sadd.s32 $0xC00, s15;
	[dreg:$0x1c] =	wrdreg s17;
	(v2sf) =	vpush v6, $0x1  }
0xb4: {  	s22 =	sadd.s32 $0x8700, s15;
	s5 =	sadd.s32 $0x8800, s15;
	[dreg:$0x8] =	wrdreg s10  }
0xb5: {  	s31 =	sadd.s32 $0x10680, s15;
	s25 =	sadd.s32 $0x8980, s15;
	[smem:$0x7ED] =	sst s5  }
0xb6: {  	s26 =	sadd.s32 $0x8C80, s15;
	s7 =	sadd.s32 $0x8B80, s15;
	[smem:$0x7F5] =	sst s25;
	(v2sf) =	vpush v5, $0x1  }
0xb7: {  	s12 =	sadd.s32 $0x8680, s15;
	s17 =	sadd.s32 $0xB80, s15;
	[dreg:$0xc] =	wrdreg s7  }
0xb8: {  	s10 =	sadd.s32 $0x10D00, s15;
	s8 =	sadd.s32 $0x10B00, s15;
	[dreg:$0x16] =	wrdreg s17;
	(v2sf) =	vpush v4, $0x1  }
0xb9: {  	s11 =	sadd.s32 $0x780, s15;
	[dreg:$0xa] =	wrdreg s8;
	s13 =	sadd.s32 $0x10A00, s15  }
0xba: {  	s25 =	sadd.s32 $0x8D00, s15;
	s18 =	sadd.s32 $0x880, s15;
	[smem:$0x7F6] =	sst s13;
	(v2sf) =	vpush v6, $0x2  }
0xbb: {  	s5 =	sadd.s32 $0xD00, s15;
	s8 =	sadd.s32 $0xD80, s15;
	[smem:$0x7EE] =	sst s18  }
0xbc: {  	s13 =	sadd.s32 $0x10D80, s15;
	s18 =	sadd.s32 $0x10B80, s15;
	s21 =	sadd.s32 $0x8600, s15;
	(v2sf) =	vpush v5, $0x2  }
0xbd: {  	s20 =	sadd.s32 $0x700, s15;
	[dreg:$0x12] =	wrdreg s18;
	s29 =	spop (v2sf)  }
0xbe: {  	s14 =	sadd.s32 $0x10, s14;
	(v2sf) =	vpush v4, $0x2;
	s17 =	sand.u32 $0x1FFFFFF0, s29;
	s29 =	spop (v2sf)  }
0xbf: {  	s24 =	sadd.s32 $0x10, s24;
	s17 =	sadd.s32 s3, s17;
	s7 =	spop (v2sf)  }
0xc0: {  	(v2sf) =	vpush v6, $0x3;
	[tilespmem:s28], [sflag:$0x1] =	stream.linear.gather [hbm4b:s17+s1], $0x80, $0x38;
	[tilespmem:$0x18800] =	vst v63  }
0xc1: {  	s19 =	sadd.s32 $0x10, s19;
	s29 =	sand.u32 $0x1FFFFFF0, s29;
	s17 =	sand.u32 $0x1FFFFFF0, s7  }
0xc2: {  	s28 =	sadd.s32 $0x10C80, s15;
	s7 =	spop (v2sf);
	s29 =	sadd.s32 s3, s29  }
0xc3: {  	(v2sf) =	vpush v5, $0x3;
	s18 =	sand.u32 $0x1FFFFFF0, s7;
	s7 =	sadd.s32 $0x8B00, s15;
	s17 =	sadd.s32 s4, s17  }
0xc4: {  	[tilespmem:s30], [sflag:$0x2] =	stream.linear.gather [hbm4b:s29+s1], $0x80, $0x38;
	[tilespmem:$0x18800] =	vst v63  }
0xc5: {  	(v2sf) =	vpush v4, $0x3;
	[smem:$0x7F7] =	sst s7;
	s30 =	sadd.s32 $0x8C00, s15;
	s7 =	spop (v2sf)  }
0xc6: {  	[tilespmem:s21], [sflag:$0x1] =	stream.linear.gather [hbm4b:s17+s1], $0x80, $0x38;
	[tilespmem:$0x18800] =	vst v63  }
0xc7: {  	(v2sf) =	vpush v6, $0x4;
	s29 =	sand.u32 $0x1FFFFFF0, s7;
	s7 =	spop (v2sf);
	s21 =	sadd.s32 s3, s18  }
0xc8: {  	(v2sf) =	vpush v5, $0x4;
	[tilespmem:s23], [sflag:$0x2] =	stream.linear.gather [hbm4b:s21+s1], $0x80, $0x38;
	[tilespmem:$0x18800] =	vst v63  }
0xc9: {  	s23 =	sadd.s32 s3, s29;
	s29 =	sand.u32 $0x1FFFFFF0, s7;
	s7 =	spop (v2sf)  }
0xca: {  	(v2sf) =	vpush v4, $0x4;
	[tilespmem:s31], [sflag:$0x1] =	stream.linear.gather [hbm4b:s23+s1], $0x80, $0x38;
	[tilespmem:$0x18800] =	vst v63  }
0xcb: {  	s18 =	sadd.s32 s4, s29;
	s21 =	sand.u32 $0x1FFFFFF0, s7;
	s23 =	spop (v2sf)  }
0xcc: {  	[tilespmem:s12], [sflag:$0x2] =	stream.linear.gather [hbm4b:s18+s1], $0x80, $0x38;
	[tilespmem:$0x18800] =	vst v63  }
0xcd: {  	s29 =	sadd.s32 s3, s21;
	s31 =	sand.u32 $0x1FFFFFF0, s23;
	s7 =	spop (v2sf)  }
0xce: {  	(v2sf) =	vpush v6, $0x5;
	[tilespmem:s20], [sflag:$0x1] =	stream.linear.gather [hbm4b:s29+s1], $0x80, $0x38;
	[tilespmem:$0x18800] =	vst v63  }
0xcf: {  	s17 =	sadd.s32 s3, s31;
	s18 =	sand.u32 $0x1FFFFFF0, s7;
	s20 =	spop (v2sf)  }
0xd0: {  	(v2sf) =	vpush v5, $0x5;
	[tilespmem:s0], [sflag:$0x2] =	stream.linear.gather [hbm4b:s17+s1], $0x80, $0x38;
	[tilespmem:$0x18800] =	vst v63  }
0xd1: {  	s21 =	sadd.s32 s4, s18;
	s18 =	smov.u32 s16;
	s16 =	smov.u32 s2  }
0xd2: {  	s23 =	sand.u32 $0x1FFFFFF0, s20;
	s29 =	spop (v2sf);
	s20 =	sld [smem:$0x7EB]  }
0xd3: {  	(v2sf) =	vpush v4, $0x5;
	[tilespmem:s22], [sflag:$0x1] =	stream.linear.gather [hbm4b:s21+s1], $0x80, $0x38;
	[tilespmem:$0x18800] =	vst v63  }
0xd4: {  	s31 =	sadd.s32 s3, s23;
	s2 =	sand.u32 $0x1FFFFFF0, s29;
	s7 =	spop (v2sf)  }
0xd5: {  	(v2sf) =	vpush v6, $0x6;
	[tilespmem:s11], [sflag:$0x2] =	stream.linear.gather [hbm4b:s31+s1], $0x80, $0x38;
	[tilespmem:$0x18800] =	vst v63  }
0xd6: {  	(v2sf) =	vpush v5, $0x6;
	s12 =	sand.u32 $0x1FFFFFF0, s7;
	s17 =	spop (v2sf);
	s11 =	sadd.s32 s3, s2  }
0xd7: {  	s21 =	sadd.s32 s4, s12;
	s22 =	sand.u32 $0x1FFFFFF0, s17;
	s23 =	spop (v2sf)  }
0xd8: {  	(v2sf) =	vpush v4, $0x6;
	[tilespmem:s20], [sflag:$0x1] =	stream.linear.gather [hbm4b:s11+s1], $0x80, $0x38;
	[tilespmem:$0x18800] =	vst v63  }
0xd9: {  	s17 =	sld [smem:$0x7EC];
	s29 =	sadd.s32 s3, s22;
	s2 =	spop (v2sf)  }
0xda: {  	[tilespmem:s9], [sflag:$0x2] =	stream.linear.gather [hbm4b:s21+s1], $0x80, $0x38;
	[tilespmem:$0x18800] =	vst v63  }
0xdb: {  	(v2sf) =	vpush v6, $0x7;
	s31 =	sand.u32 $0x1FFFFFF0, s23;
	s23 =	sld [smem:$0x7ED];
	s11 =	sand.u32 $0x1FFFFFF0, s2  }
0xdc: {  	[tilespmem:s6], [sflag:$0x1] =	stream.linear.gather [hbm4b:s29+s1], $0x80, $0x38;
	[tilespmem:$0x18800] =	vst v63  }
0xdd: {  	s7 =	sadd.s32 s3, s31;
	(v2sf) =	vpush v5, $0x7;
	s12 =	spop (v2sf);
	s20 =	sadd.s32 s4, s11  }
0xde: {  	[tilespmem:s17], [sflag:$0x2] =	stream.linear.gather [hbm4b:s7+s1], $0x80, $0x38;
	[tilespmem:$0x18800] =	vst v63  }
0xdf: {  	s11 =	sld [smem:$0x7EE];
	s21 =	sand.u32 $0x1FFFFFF0, s12;
	s22 =	spop (v2sf)  }
0xe0: {  	[tilespmem:s23], [sflag:$0x1] =	stream.linear.gather [hbm4b:s20+s1], $0x80, $0x38;
	[tilespmem:$0x18800] =	vst v63  }
0xe1: {  	s9 =	smov.u32 s5;
	(v2sf) =	vpush v4, $0x7;
	s29 =	sadd.s32 s3, s21;
	s31 =	sand.u32 $0x1FFFFFF0, s22  }
0xe2: {  	s21 =	sld [smem:$0x7EF];
	s5 =	spop (v2sf);
	s12 =	sadd.s32 s3, s31  }
0xe3: {  	(v2sf) =	vpush v6, $0x8;
	[tilespmem:s11], [sflag:$0x2] =	stream.linear.gather [hbm4b:s29+s1], $0x80, $0x38;
	[tilespmem:$0x18800] =	vst v63  }
0xe4: {  	s31 =	sld [smem:$0x7F0];
	s17 =	sand.u32 $0x1FFFFFF0, s5;
	s20 =	spop (v2sf)  }
0xe5: {  	(v2sf) =	vpush v5, $0x8;
	s11 =	sld [smem:$0x7F1];
	s23 =	sand.u32 $0x1FFFFFF0, s20;
	s29 =	spop (v2sf)  }
0xe6: {  	[tilespmem:s21], [sflag:$0x1] =	stream.linear.gather [hbm4b:s12+s1], $0x80, $0x38;
	[tilespmem:$0x18800] =	vst v63  }
0xe7: {  	s22 =	sadd.s32 s4, s17;
	s2 =	sadd.s32 s3, s23;
	s7 =	spop (v2sf)  }
0xe8: {  	(v2sf) =	vpush v4, $0x8;
	s5 =	sand.u32 $0x1FFFFFF0, s29;
	s21 =	sld [smem:$0x7F2];
	s17 =	sand.u32 $0x1FFFFFF0, s7  }
0xe9: {  	(v2sf) =	vpush v6, $0x9;
	[tilespmem:s31], [sflag:$0x2] =	stream.linear.gather [hbm4b:s22+s1], $0x80, $0x38;
	[tilespmem:$0x18800] =	vst v63  }
0xea: {  	(v2sf) =	vpush v5, $0x9;
	s12 =	sadd.s32 s3, s5;
	s20 =	spop (v2sf);
	s22 =	sadd.s32 s4, s17  }
0xeb: {  	[tilespmem:s11], [sflag:$0x1] =	stream.linear.gather [hbm4b:s2+s1], $0x80, $0x38;
	[tilespmem:$0x18800] =	vst v63  }
0xec: {  	(v2sf) =	vpush v4, $0x9;
	s23 =	sand.u32 $0x1FFFFFF0, s20;
	s31 =	sld [smem:$0x7F3];
	s29 =	spop (v2sf)  }
0xed: {  	[tilespmem:s21], [sflag:$0x2] =	stream.linear.gather [hbm4b:s12+s1], $0x80, $0x38;
	[tilespmem:$0x18800] =	vst v63  }
0xee: {  	s2 =	sadd.s32 s3, s23;
	s11 =	rddreg [dreg:$0x1e];
	s5 =	sand.u32 $0x1FFFFFF0, s29  }
0xef: {  	[tilespmem:s31], [sflag:$0x1] =	stream.linear.gather [hbm4b:s22+s1], $0x80, $0x38;
	[tilespmem:$0x18800] =	vst v63  }
0xf0: {  	(v2sf) =	vpush v6, $0xA;
	s7 =	spop (v2sf);
	s12 =	sadd.s32 s3, s5;
	s21 =	sld [smem:$0x7F4]  }
0xf1: {  	(v2sf) =	vpush v5, $0xA;
	[tilespmem:s11], [sflag:$0x2] =	stream.linear.gather [hbm4b:s2+s1], $0x80, $0x38;
	[tilespmem:$0x18800] =	vst v63  }
0xf2: {  	s17 =	sand.u32 $0x1FFFFFF0, s7;
	s31 =	sld [smem:$0x7F5];
	s20 =	spop (v2sf)  }
0xf3: {  	[tilespmem:s21], [sflag:$0x1] =	stream.linear.gather [hbm4b:s12+s1], $0x80, $0x38;
	[tilespmem:$0x18800] =	vst v63  }
0xf4: {  	s22 =	sadd.s32 s4, s17;
	s23 =	sand.u32 $0x1FFFFFF0, s20;
	s29 =	spop (v2sf)  }
0xf5: {  	(v2sf) =	vpush v4, $0xA;
	s11 =	rddreg [dreg:$0x1a];
	s2 =	sadd.s32 s3, s23;
	s5 =	sand.u32 $0x1FFFFFF0, s29  }
0xf6: {  	[tilespmem:s31], [sflag:$0x2] =	stream.linear.gather [hbm4b:s22+s1], $0x80, $0x38;
	[tilespmem:$0x18800] =	vst v63  }
0xf7: {  	(v2sf) =	vpush v6, $0xB;
	s21 =	sld [smem:$0x7F6];
	s7 =	spop (v2sf);
	s12 =	sadd.s32 s3, s5  }
0xf8: {  	s17 =	sand.u32 $0x1FFFFFF0, s7;
	s20 =	spop (v2sf);
	s31 =	rddreg [dreg:$0x1c]  }
0xf9: {  	(v2sf) =	vpush v5, $0xB;
	s22 =	sadd.s32 s4, s17;
	s23 =	sand.u32 $0x1FFFFFF0, s20;
	s29 =	spop (v2sf)  }
0xfa: {  	[tilespmem:s11], [sflag:$0x1] =	stream.linear.gather [hbm4b:s2+s1], $0x80, $0x38;
	[tilespmem:$0x18800] =	vst v63  }
0xfb: {  	s2 =	sadd.s32 s3, s23;
	s5 =	sand.u32 $0x1FFFFFF0, s29;
	s7 =	spop (v2sf)  }
0xfc: {  	[tilespmem:s21], [sflag:$0x2] =	stream.linear.gather [hbm4b:s12+s1], $0x80, $0x38;
	[tilespmem:$0x18800] =	vst v63  }
0xfd: {  	(v2sf) =	vpush v4, $0xB;
	s11 =	rddreg [dreg:$0x14];
	s17 =	sand.u32 $0x1FFFFFF0, s7;
	s12 =	sadd.s32 s3, s5  }
0xfe: {  	[tilespmem:s31], [sflag:$0x1] =	stream.linear.gather [hbm4b:s22+s1], $0x80, $0x38;
	[tilespmem:$0x18800] =	vst v63  }
0xff: {  	(v2sf) =	vpush v6, $0xC;
	s21 =	rddreg [dreg:$0x18];
	s20 =	spop (v2sf);
	s22 =	sadd.s32 s4, s17  }
0x100: {  	s23 =	sand.u32 $0x1FFFFFF0, s20;
	s31 =	rddreg [dreg:$0x10];
	s29 =	spop (v2sf)  }
0x101: {  	[tilespmem:s11], [sflag:$0x2] =	stream.linear.gather [hbm4b:s2+s1], $0x80, $0x38;
	[tilespmem:$0x18800] =	vst v63  }
0x102: {  	s2 =	sadd.s32 s3, s23;
	s5 =	sand.u32 $0x1FFFFFF0, s29;
	s11 =	rddreg [dreg:$0xe]  }
0x103: {  	(v2sf) =	vpush v5, $0xC;
	[tilespmem:s21], [sflag:$0x1] =	stream.linear.gather [hbm4b:s12+s1], $0x80, $0x38;
	[tilespmem:$0x18800] =	vst v63  }
0x104: {  	s12 =	sadd.s32 s3, s5;
	s21 =	rddreg [dreg:$0xa];
	s7 =	spop (v2sf)  }
0x105: {  	(v2sf) =	vpush v4, $0xC;
	[tilespmem:s31], [sflag:$0x2] =	stream.linear.gather [hbm4b:s22+s1], $0x80, $0x38;
	[tilespmem:$0x18800] =	vst v63  }
0x106: {  	(v2sf) =	vpush v6, $0xD;
	s17 =	sand.u32 $0x1FFFFFF0, s7;
	s31 =	sld [smem:$0x7F7];
	s20 =	spop (v2sf)  }
0x107: {  	[tilespmem:s11], [sflag:$0x1] =	stream.linear.gather [hbm4b:s2+s1], $0x80, $0x38;
	[tilespmem:$0x18800] =	vst v63  }
0x108: {  	(v2sf) =	vpush v5, $0xD;
	s22 =	sadd.s32 s4, s17;
	s23 =	sand.u32 $0x1FFFFFF0, s20;
	s29 =	spop (v2sf)  }
0x109: {  	[tilespmem:s21], [sflag:$0x2] =	stream.linear.gather [hbm4b:s12+s1], $0x80, $0x38;
	[tilespmem:$0x18800] =	vst v63  }
0x10a: {  	s6 =	sadd.s32 s3, s23;
	s7 =	sand.u32 $0x1FFFFFF0, s29;
	s12 =	rddreg [dreg:$0x16]  }
0x10b: {  	[tilespmem:s31], [sflag:$0x1] =	stream.linear.gather [hbm4b:s22+s1], $0x80, $0x38;
	[tilespmem:$0x18800] =	vst v63  }
0x10c: {  	s11 =	spop (v2sf);
	s17 =	sadd.s32 s3, s7;
	s7 =	rddreg [dreg:$0xc]  }
0x10d: {  	[tilespmem:s12], [sflag:$0x2] =	stream.linear.gather [hbm4b:s6+s1], $0x80, $0x38;
	[tilespmem:$0x18800] =	vst v63  }
0x10e: {  	s20 =	sand.u32 $0x1FFFFFF0, s11;
	s21 =	spop (v2sf);
	s22 =	rddreg [dreg:$0x12]  }
0x10f: {  	[tilespmem:s22], [sflag:$0x1] =	stream.linear.gather [hbm4b:s17+s1], $0x80, $0x38;
	[tilespmem:$0x18800] =	vst v63  }
0x110: {  	s23 =	sadd.s32 s4, s20;
	s29 =	sand.u32 $0x1FFFFFF0, s21;
	s20 =	rddreg [dreg:$0x8]  }
0x111: {  	[tilespmem:s7], [sflag:$0x2] =	stream.linear.gather [hbm4b:s23+s1], $0x80, $0x38;
	[tilespmem:$0x18800] =	vst v63  }
0x112: {  	(v2sf) =	vpush v4, $0xD;
	s31 =	spop (v2sf);
	s11 =	sadd.s32 s3, s29;
	s29 =	rddreg [dreg:$0x6]  }
0x113: {  	(v2sf) =	vpush v6, $0xE;
	[tilespmem:s20], [sflag:$0x1] =	stream.linear.gather [hbm4b:s11+s1], $0x80, $0x38;
	[tilespmem:$0x18800] =	vst v63  }
.Ltmp0:
0x114: {  	(v2sf) =	vpush v5, $0xE;
	s12 =	sand.u32 $0x1FFFFFF0, s31;
	s17 =	spop (v2sf);
	(pc) =	sbr.rel @p0 .LBB2_2-.Ltmp0, $4  }
0x115: {  	(v2sf) =	vpush v4, $0xE;
	s21 =	sadd.s32 s3, s12;
	s22 =	sand.u32 $0x1FFFFFF0, s17;
	s23 =	spop (v2sf)  }
0x116: {  	(v2sf) =	vpush v6, $0xF;
	[tilespmem:s29], [sflag:$0x2] =	stream.linear.gather [hbm4b:s21+s1], $0x80, $0x38;
	[tilespmem:$0x18800] =	vst v63  }
0x117: {  	(v2sf) =	vpush v5, $0xF;
	s31 =	sadd.s32 s4, s22;
	s0 =	sand.u32 $0x1FFFFFF0, s23;
	s2 =	spop (v2sf)  }
0x118: {  	(v2sf) =	vpush v4, $0xF;
	[tilespmem:s30], [sflag:$0x1] =	stream.linear.gather [hbm4b:s31+s1], $0x80, $0x38;
	[tilespmem:$0x18800] =	vst v63  }
0x119: {  	_ =	sdelay $0x3  }
0x11a: {  	s0 =	sadd.s32 s3, s0;
	s2 =	sand.u32 $0x1FFFFFF0, s2  }
0x11b: {  	[tilespmem:s18], [sflag:$0x2] =	stream.linear.gather [hbm4b:s0+s1], $0x80, $0x38;
	[tilespmem:$0x18800] =	vst v63  }
0x11c: {  	s29 =	sadd.s32 s3, s2  }
0x11d: {  	[tilespmem:s28], [sflag:$0x1] =	stream.linear.gather [hbm4b:s29+s1], $0x80, $0x38;
	[tilespmem:$0x18800] =	vst v63  }
0x11e: {  	s5 =	spop (v2sf)  }
0x11f: {  	s30 =	sand.u32 $0x1FFFFFF0, s5;
	s31 =	spop (v2sf)  }
0x120: {  	s6 =	sadd.s32 s4, s30;
	s7 =	sand.u32 $0x1FFFFFF0, s31;
	s11 =	spop (v2sf)  }
0x121: {  	[tilespmem:s26], [sflag:$0x2] =	stream.linear.gather [hbm4b:s6+s1], $0x80, $0x38;
	[tilespmem:$0x18800] =	vst v63  }
0x122: {  	s12 =	sadd.s32 s3, s7;
	s14 =	sand.u32 $0x1FFFFFF0, s11;
	s16 =	spop (v2sf)  }
0x123: {  	[tilespmem:s9], [sflag:$0x1] =	stream.linear.gather [hbm4b:s12+s1], $0x80, $0x38;
	[tilespmem:$0x18800] =	vst v63  }
0x124: {  	s17 =	sadd.s32 s3, s14;
	s18 =	sand.u32 $0x1FFFFFF0, s16;
	s19 =	spop (v2sf)  }
0x125: {  	[tilespmem:s10], [sflag:$0x2] =	stream.linear.gather [hbm4b:s17+s1], $0x80, $0x38;
	[tilespmem:$0x18800] =	vst v63  }
0x126: {  	s20 =	sadd.s32 s4, s18;
	s21 =	sand.u32 $0x1FFFFFF0, s19;
	s22 =	spop (v2sf)  }
0x127: {  	[tilespmem:s25], [sflag:$0x1] =	stream.linear.gather [hbm4b:s20+s1], $0x80, $0x38;
	[tilespmem:$0x18800] =	vst v63  }
0x128: {  	s23 =	sadd.s32 s3, s21;
	s24 =	sand.u32 $0x1FFFFFF0, s22;
	s25 =	spop (v2sf)  }
0x129: {  	[tilespmem:s8], [sflag:$0x2] =	stream.linear.gather [hbm4b:s23+s1], $0x80, $0x38;
	[tilespmem:$0x18800] =	vst v63  }
0x12a: {  	s26 =	sadd.s32 s3, s24;
	s28 =	sand.u32 $0x1FFFFFF0, s25  }
0x12b: {  	[tilespmem:s13], [sflag:$0x1] =	stream.linear.gather [hbm4b:s26+s1], $0x80, $0x38;
	[tilespmem:$0x18800] =	vst v63  }
0x12c: {  	s29 =	sadd.s32 $0x8D80, s15;
	s30 =	simm.s32 $0x1;
	s2 =	sadd.s32 s4, s28  }
0x12d: {  	[tilespmem:s29], [sflag:$0x2] =	stream.linear.gather [hbm4b:s2+s1], $0x80, $0x38;
	[tilespmem:$0x18800] =	vst v63  }
0x12e: {  	_ =	swait.ge [sflag:s30], $0x4000  }
0x12f: {  	[sflag:s30] =	ssyncset.done $0x0  }
0x130: {  	[sflag:s30] =	ssyncadd.s32 $0xFFFFC000  }
0x131: {  	_ =	swait.ge [sflag:s30], $0x4000  }
0x132: {  	[sflag:s30] =	ssyncset.done $0x0  }
0x133: {  	[sflag:s30] =	ssyncadd.s32 $0xFFFFC000  }
0x134: {  	_ =	swait.ge [sflag:s30], $0x4000  }
0x135: {  	[sflag:s30] =	ssyncset.done $0x0  }
0x136: {  	s31 =	simm.s32 $0x2;
	[sflag:s30] =	ssyncadd.s32 $0xFFFFC000  }
0x137: {  	_ =	swait.ge [sflag:s31], $0x4000  }
0x138: {  	[sflag:s31] =	ssyncset.done $0x0  }
0x139: {  	[sflag:s31] =	ssyncadd.s32 $0xFFFFC000  }
0x13a: {  	_ =	swait.ge [sflag:s31], $0x4000  }
0x13b: {  	[sflag:s31] =	ssyncset.done $0x0  }
0x13c: {  	[sflag:s31] =	ssyncadd.s32 $0xFFFFC000  }
0x13d: {  	_ =	swait.ge [sflag:s31], $0x4000  }
0x13e: {  	[sflag:s31] =	ssyncset.done $0x0  }
0x13f: {  	s15 =	simm.s32 $0x0;
	s16 =	simm.s32 $0x18600;
	[sflag:s31] =	ssyncadd.s32 $0xFFFFC000  }
.LBB2_4:
0x140: {  	s17 =	sshra.s32 s15, $0x2  }
0x141: {  	v61 =	vld [tilespmem:s17+$0x88B0];
	_ =	sdelay $0x4  }
0x142: {  	[tilespmem:$0x1FC20] =	vst v61;
	v61 =	vld [tilespmem:s17+$0x920]  }
0x143: {  	v57 =	vld [tilespmem:s17+$0x600]  }
0x144: {  	v12 =	vld [tilespmem:s17+$0x8600]  }
0x145: {  	v48 =	vld [tilespmem:s17+$0x10600]  }
0x146: {  	v8 =	vld [tilespmem:s17+$0x610]  }
0x147: {  	[tilespmem:$0x1FC50] =	vst v61;
	v61 =	vld [tilespmem:s17+$0x10920]  }
0x148: {  	v4 =	vld [tilespmem:s17+$0x8610]  }
0x149: {  	v16 =	vld [tilespmem:s17+$0x10610]  }
0x14a: {  	v17 =	vld [tilespmem:s17+$0x620]  }
0x14b: {  	v13 =	vld [tilespmem:s17+$0x8620]  }
0x14c: {  	[tilespmem:$0x1FCA0] =	vst v61;
	v61 =	vld [tilespmem:s17+$0x8930]  }
0x14d: {  	v31 =	vld [tilespmem:s17+$0x10620]  }
0x14e: {  	v28 =	vld [tilespmem:s17+$0x630]  }
0x14f: {  	v36 =	vld [tilespmem:s17+$0x8630]  }
0x150: {  	v46 =	vld [tilespmem:s17+$0x10630]  }
0x151: {  	[tilespmem:$0x1FCC0] =	vst v61;
	v61 =	vld [tilespmem:s17+$0x980]  }
0x152: {  	v3 =	vld [tilespmem:s17+$0x680]  }
0x153: {  	v2 =	vld [tilespmem:s17+$0x8680]  }
0x154: {  	v21 =	vld [tilespmem:s17+$0x10680]  }
0x155: {  	v1 =	vld [tilespmem:s17+$0x690]  }
0x156: {  	[tilespmem:$0x1FC80] =	vst v61;
	v61 =	vld [tilespmem:s17+$0x10980]  }
0x157: {  	v0 =	vld [tilespmem:s17+$0x8690]  }
0x158: {  	v14 =	vld [tilespmem:s17+$0x10690]  }
0x159: {  	v9 =	vld [tilespmem:s17+$0x6A0]  }
0x15a: {  	v5 =	vld [tilespmem:s17+$0x86A0]  }
0x15b: {  	[tilespmem:$0x1FCD0] =	vst v61;
	v61 =	vld [tilespmem:s17+$0x10990]  }
0x15c: {  	v22 =	vld [tilespmem:s17+$0x106A0]  }
0x15d: {  	v45 =	vld [tilespmem:s17+$0x6B0]  }
0x15e: {  	v59 =	vld [tilespmem:s17+$0x86B0]  }
0x15f: {  	v6 =	vld [tilespmem:s17+$0x106B0]  }
0x160: {  	[tilespmem:$0x1FCE0] =	vst v61;
	v61 =	vld [tilespmem:s17+$0x9A0]  }
0x161: {  	v19 =	vld [tilespmem:s17+$0x700]  }
0x162: {  	v18 =	vld [tilespmem:s17+$0x8700]  }
0x163: {  	v35 =	vld [tilespmem:s17+$0x10700]  }
0x164: {  	v10 =	vld [tilespmem:s17+$0x710]  }
0x165: {  	[tilespmem:$0x1FCF0] =	vst v61;
	v61 =	vld [tilespmem:s17+$0x89A0]  }
0x166: {  	v25 =	vld [tilespmem:s17+$0x10710]  }
0x167: {  	v29 =	vld [tilespmem:s17+$0x720]  }
0x168: {  	v23 =	vld [tilespmem:s17+$0x8720]  }
0x169: {  	v50 =	vld [tilespmem:s17+$0x10720]  }
0x16a: {  	[tilespmem:$0x1FD00] =	vst v61;
	v61 =	vld [tilespmem:s17+$0x109A0]  }
0x16b: {  	v49 =	vld [tilespmem:s17+$0x730]  }
0x16c: {  	v42 =	vld [tilespmem:s17+$0x8730]  }
0x16d: {  	v7 =	vld [tilespmem:s17+$0x10730]  }
0x16e: {  	v20 =	vld [tilespmem:s17+$0x780]  }
0x16f: {  	[tilespmem:$0x1FD20] =	vst v61;
	v61 =	vld [tilespmem:s17+$0x9B0]  }
0x170: {  	v15 =	vld [tilespmem:s17+$0x8780]  }
0x171: {  	v39 =	vld [tilespmem:s17+$0x10780]  }
0x172: {  	v11 =	vld [tilespmem:s17+$0x790]  }
0x173: {  	v30 =	vld [tilespmem:s17+$0x10790]  }
0x174: {  	[tilespmem:$0x1FD70] =	vst v61;
	v61 =	vld [tilespmem:s17+$0x89B0]  }
0x175: {  	v32 =	vld [tilespmem:s17+$0x7A0]  }
0x176: {  	v24 =	vld [tilespmem:s17+$0x87A0]  }
0x177: {  	v43 =	vld [tilespmem:s17+$0x107A0]  }
0x178: {  	v26 =	vld [tilespmem:s17+$0x7B0]  }
0x179: {  	[tilespmem:$0x1FD80] =	vst v61;
	v61 =	vld [tilespmem:s17+$0x109B0]  }
0x17a: {  	v52 =	vld [tilespmem:s17+$0x87B0]  }
0x17b: {  	v53 =	vld [tilespmem:s17+$0x107B0]  }
0x17c: {  	v41 =	vld [tilespmem:s17+$0x800]  }
0x17d: {  	v37 =	vld [tilespmem:s17+$0x8800]  }
0x17e: {  	[tilespmem:$0x1FDD0] =	vst v61;
	v61 =	vld [tilespmem:s17+$0xA00]  }
0x17f: {  	v54 =	vld [tilespmem:s17+$0x10800]  }
0x180: {  	v34 =	vld [tilespmem:s17+$0x810]  }
0x181: {  	v51 =	vld [tilespmem:s17+$0x10810]  }
0x182: {  	v44 =	vld [tilespmem:s17+$0x8820]  }
0x183: {  	[tilespmem:$0x1FD30] =	vst v61;
	v61 =	vld [tilespmem:s17+$0x8A00]  }
0x184: {  	v27 =	vld [tilespmem:s17+$0x10820]  }
0x185: {  	v55 =	vld [tilespmem:s17+$0x830]  }
0x186: {  	v56 =	vld [tilespmem:s17+$0x8830]  }
0x187: {  	v58 =	vld [tilespmem:s17+$0x10830]  }
0x188: {  	[tilespmem:$0x1FD40] =	vst v61;
	v61 =	vld [tilespmem:s17+$0x10A00]  }
0x189: {  	v40 =	vld [tilespmem:s17+$0x880]  }
0x18a: {  	v38 =	vld [tilespmem:s17+$0x8880]  }
0x18b: {  	v62 =	vld [tilespmem:s17+$0x10880]  }
0x18c: {  	v33 =	vld [tilespmem:s17+$0x890]  }
0x18d: {  	[tilespmem:$0x1FD90] =	vst v61;
	v61 =	vld [tilespmem:s17+$0xA10]  }
0x18e: {  	v47 =	vld [tilespmem:s17+$0x88A0]  }
0x18f: {  	v60 =	vld [tilespmem:s17+$0x8B0]  }
0x190: {  	v63 =	vld [tilespmem:s17+$0x108B0]  }
0x191: {  	[tilespmem:$0x1FB50] =	vst v6;
	v6 =	vld [tilespmem:s17+$0x8710]  }
0x192: {  	[tilespmem:$0x1FD50] =	vst v61;
	v61 =	vld [tilespmem:s17+$0x8A10]  }
0x193: {  	[tilespmem:$0x1FB60] =	vst v7;
	v7 =	vld [tilespmem:s17+$0x8790]  }
0x194: {  	[tilespmem:$0x1FB70] =	vst v26;
	v26 =	vld [tilespmem:s17+$0x8810]  }
0x195: {  	[tilespmem:$0x1FB80] =	vst v52;
	v52 =	vld [tilespmem:s17+$0x820]  }
0x196: {  	[tilespmem:$0x1FBB0] =	vst v27;
	v27 =	vld [tilespmem:s17+$0x8890]  }
0x197: {  	[tilespmem:$0x1FD60] =	vst v61;
	v61 =	vld [tilespmem:s17+$0x10A10]  }
0x198: {  	[tilespmem:$0x1FB90] =	vst v54;
	v54 =	vld [tilespmem:s17+$0x10890]  }
0x199: {  	[tilespmem:$0x1FBC0] =	vst v55;
	v55 =	vld [tilespmem:s17+$0x8A0]  }
0x19a: {  	[tilespmem:$0x1FBA0] =	vst v53;
	v53 =	vld [tilespmem:s17+$0x108A0]  }
0x19b: {  	[tilespmem:$0x1FBD0] =	vst v56;
	v56 =	vld [tilespmem:s17+$0x900]  }
0x19c: {  	[tilespmem:$0x1FDA0] =	vst v61;
	v61 =	vld [tilespmem:s17+$0xA20]  }
0x19d: {  	[tilespmem:$0x1FC70] =	vst v63;
	v63 =	vld [tilespmem:s17+$0x8900]  }
0x19e: {  	[tilespmem:$0x1FBE0] =	vst v58;
	v58 =	vld [tilespmem:s17+$0x10900]  }
0x19f: {  	[tilespmem:$0x1FC10] =	vst v60;
	v60 =	vld [tilespmem:s17+$0x10910]  }
0x1a0: {  	v12 =	vmul.f32 v12, v57;
	v57 =	vld [tilespmem:s17+$0xB80]  }
0x1a1: {  	[tilespmem:$0x1FDB0] =	vst v61;
	v61 =	vld [tilespmem:s17+$0x8A20]  }
0x1a2: {  	v5 =	vmul.f32 v5, v9;
	v9 =	vld [tilespmem:s17+$0x8BA0]  }
0x1a3: {  	v19 =	vmul.f32 v18, v19;
	v18 =	vmul.f32 v15, v20;
	v15 =	vld [tilespmem:s17+$0x8C00]  }
0x1a4: {  	v4 =	vmul.f32 v4, v8;
	v20 =	vmul.f32 v42, v49;
	v49 =	vld [tilespmem:$0x1FC10]  }
0x1a5: {  	v8 =	vsub.f32 v12, v48;
	v48 =	vmul.f32 v13, v17;
	v13 =	vmul.f32 v36, v28;
	v28 =	vld [tilespmem:s17+$0x8B90]  }
0x1a6: {  	v2 =	vmul.f32 v2, v3;
	[tilespmem:$0x1FDC0] =	vst v61;
	v61 =	vld [tilespmem:s17+$0x10A20]  }
0x1a7: {  	v36 =	vld [tilespmem:s17+$0x10BA0]  }
0x1a8: {  	v2 =	vsub.f32 v2, v21;
	v21 =	vmul.f32 v59, v45;
	v59 =	vld [tilespmem:s17+$0xBB0]  }
0x1a9: {  	v0 =	vmul.f32 v0, v1;
	v45 =	vld [tilespmem:$0x1FB50]  }
0x1aa: {  	v17 =	vsub.f32 v5, v22;
	v22 =	vsub.f32 v19, v35;
	v35 =	vmul.f32 v23, v29;
	v23 =	vld [tilespmem:$0x1FB60]  }
0x1ab: {  	[tilespmem:$0x1FE20] =	vst v61;
	v61 =	vld [tilespmem:s17+$0xA30]  }
0x1ac: {  	v0 =	vsub.f32 v0, v14;
	v14 =	vld [tilespmem:s17+$0xC10]  }
0x1ad: {  	v12 =	vsub.f32 v48, v31;
	v48 =	vld [tilespmem:s17+$0x10B90]  }
0x1ae: {  	v0 =	vadd.f32 v0, v2;
	v2 =	vld [tilespmem:s17+$0x10BB0]  }
0x1af: {  	v4 =	vsub.f32 v4, v16;
	v16 =	vsub.f32 v13, v46;
	v13 =	vld [tilespmem:s17+$0x10C10]  }
0x1b0: {  	[tilespmem:$0x1FE30] =	vst v61;
	v61 =	vld [tilespmem:s17+$0x8A30]  }
0x1b1: {  	v19 =	vsub.f32 v35, v50;
	v35 =	vld [tilespmem:$0x1FBA0]  }
0x1b2: {  	v50 =	vld [tilespmem:$0x1FC20]  }
0x1b3: {  	[tilespmem:$0x1FC30] =	vst v58;
	v58 =	vld [tilespmem:s17+$0x910]  }
0x1b4: {  	[tilespmem:$0x1FC00] =	vst v56;
	v56 =	vld [tilespmem:s17+$0x8910]  }
0x1b5: {  	[tilespmem:$0x1FE40] =	vst v61;
	v61 =	vld [tilespmem:s17+$0x10A30]  }
0x1b6: {  	[tilespmem:$0x1FC40] =	vst v60;
	v60 =	vld [tilespmem:s17+$0x8920]  }
0x1b7: {  	[tilespmem:$0x1FBF0] =	vst v53;
	v53 =	vld [tilespmem:s17+$0x8990]  }
0x1b8: {  	[tilespmem:$0x1FF60] =	vst v57;
	v57 =	vld [tilespmem:s17+$0xB90]  }
0x1b9: {  	v8 =	vadd.f32 v4, v8;
	v11 =	vmul.f32 v7, v11;
	v7 =	vld [tilespmem:s17+$0xC00]  }
0x1ba: {  	[tilespmem:$0x1FE90] =	vst v61;
	v61 =	vld [tilespmem:s17+$0xA80]  }
0x1bb: {  	v1 =	vadd.f32 v12, v8;
	v12 =	vld [tilespmem:s17+$0xBA0]  }
0x1bc: {  	v8 =	vld [tilespmem:s17+$0x10C00]  }
0x1bd: {  	v26 =	vmul.f32 v26, v34;
	v34 =	vmul.f32 v44, v52;
	v44 =	vld [tilespmem:$0x1FBF0]  }
0x1be: {  	v52 =	vld [tilespmem:$0x1FC40]  }
0x1bf: {  	[tilespmem:$0x1FDE0] =	vst v61;
	v61 =	vld [tilespmem:s17+$0x8A80]  }
0x1c0: {  	v11 =	vsub.f32 v11, v30;
	v30 =	vld [tilespmem:$0x1FB70]  }
0x1c1: {  	v6 =	vmul.f32 v6, v10;
	v46 =	vsub.f32 v21, v45;
	v21 =	vsub.f32 v18, v39;
	v18 =	vld [tilespmem:s17+$0xC20]  }
0x1c2: {  	v39 =	vld [tilespmem:$0x1FBB0]  }
0x1c3: {  	v31 =	vsub.f32 v6, v25;
	v25 =	vmul.f32 v37, v41;
	v37 =	vmul.f32 v38, v40;
	v40 =	vld [tilespmem:$0x1FBC0]  }
0x1c4: {  	[tilespmem:$0x1FDF0] =	vst v61;
	v61 =	vld [tilespmem:s17+$0x10A80]  }
0x1c5: {  	v41 =	vld [tilespmem:$0x1FBD0]  }
0x1c6: {  	v10 =	vsub.f32 v26, v51;
	v26 =	vld [tilespmem:s17+$0x10C30]  }
0x1c7: {  	v45 =	vld [tilespmem:$0x1FC00]  }
0x1c8: {  	v38 =	vmul.f32 v27, v33;
	v27 =	vld [tilespmem:s17+$0xC80]  }
0x1c9: {  	[tilespmem:$0x1FE50] =	vst v61;
	v61 =	vld [tilespmem:s17+$0xA90]  }
0x1ca: {  	v51 =	vld [tilespmem:$0x1FC30]  }
0x1cb: {  	v33 =	vld [tilespmem:s17+$0x8C90]  }
0x1cc: {  	v4 =	vadd.f32 v16, v1;
	v1 =	vadd.f32 v17, v0;
	v0 =	vld [tilespmem:s17+$0x8BB0]  }
0x1cd: {  	v16 =	vld [tilespmem:s17+$0x8C10]  }
0x1ce: {  	[tilespmem:$0x1FE00] =	vst v61;
	v61 =	vld [tilespmem:s17+$0x8A90]  }
0x1cf: {  	v3 =	vadd.f32 v31, v22;
	v31 =	vld [tilespmem:$0x1FB80]  }
0x1d0: {  	v22 =	vmul.f32 v24, v32;
	v32 =	vld [tilespmem:$0x1FB90]  }
0x1d1: {  	v11 =	vadd.f32 v11, v21;
	v21 =	vld [tilespmem:s17+$0x8C20]  }
0x1d2: {  	v6 =	vsub.f32 v20, v23;
	v20 =	vsub.f32 v38, v54;
	v54 =	vld [tilespmem:$0x1FC50]  }
0x1d3: {  	[tilespmem:$0x1FE10] =	vst v61;
	v61 =	vld [tilespmem:s17+$0x10A90]  }
0x1d4: {  	[tilespmem:$0x1FC60] =	vst v60;
	v60 =	vld [tilespmem:s17+$0x930]  }
0x1d5: {  	v5 =	vadd.f32 v46, v1;
	v46 =	vmul.f32 v56, v58;
	v56 =	vld [tilespmem:$0x1FC70]  }
0x1d6: {  	v7 =	vmul.f32 v15, v7;
	v15 =	vld [tilespmem:s17+$0x8D80]  }
0x1d7: {  	v24 =	vsub.f32 v22, v43;
	v22 =	vld [tilespmem:s17+$0x10C20]  }
0x1d8: {  	[tilespmem:$0x1FE60] =	vst v61;
	v61 =	vld [tilespmem:s17+$0xAA0]  }
0x1d9: {  	v43 =	vld [tilespmem:$0x1FBE0]  }
0x1da: {  	v42 =	vmul.f32 v47, v55;
	v55 =	vld [tilespmem:$0x1FC60]  }
0x1db: {  	v3 =	vadd.f32 v19, v3;
	v19 =	vsub.f32 v37, v62;
	v37 =	vld [tilespmem:$0x1FCA0]  }
0x1dc: {  	v28 =	vmul.f32 v28, v57;
	v9 =	vmul.f32 v9, v12;
	v12 =	vld [tilespmem:s17+$0xD30]  }
0x1dd: {  	[tilespmem:$0x1FE70] =	vst v61;
	v61 =	vld [tilespmem:s17+$0x8AA0]  }
0x1de: {  	v28 =	vsub.f32 v28, v48;
	v48 =	vld [tilespmem:s17+$0x8D30]  }
0x1df: {  	v9 =	vsub.f32 v9, v36;
	v36 =	vld [tilespmem:s17+$0xD80]  }
0x1e0: {  	v1 =	vsub.f32 v25, v32;
	v25 =	vld [tilespmem:s17+$0xC30]  }
0x1e1: {  	v32 =	vld [tilespmem:s17+$0xC90]  }
0x1e2: {  	v19 =	vadd.f32 v20, v19;
	v20 =	vsub.f32 v42, v44;
	[tilespmem:$0x1FE80] =	vst v61;
	v61 =	vld [tilespmem:s17+$0x10AA0]  }
0x1e3: {  	v14 =	vmul.f32 v16, v14;
	[tilespmem:$0x1FCB0] =	vst v60;
	v60 =	vld [tilespmem:s17+$0x10930]  }
0x1e4: {  	v47 =	vadd.f32 v20, v19;
	v19 =	vld [tilespmem:s17+$0x8C80]  }
0x1e5: {  	v0 =	vmul.f32 v0, v59;
	v59 =	vsub.f32 v14, v13;
	v14 =	vld [tilespmem:s17+$0xD90]  }
0x1e6: {  	v38 =	vld [tilespmem:$0x1FCB0]  }
0x1e7: {  	v29 =	vadd.f32 v24, v11;
	v11 =	vmul.f32 v31, v30;
	[tilespmem:$0x1FEA0] =	vst v61;
	v61 =	vld [tilespmem:s17+$0xAB0]  }
0x1e8: {  	v17 =	vmul.f32 v41, v40;
	v1 =	vadd.f32 v10, v1;
	v10 =	vsub.f32 v34, v39;
	v39 =	vld [tilespmem:$0x1FCC0]  }
0x1e9: {  	v6 =	vadd.f32 v6, v3;
	v11 =	vsub.f32 v11, v35;
	v35 =	vld [tilespmem:s17+$0x10C90]  }
0x1ea: {  	v3 =	vmul.f32 v63, v45;
	v1 =	vadd.f32 v10, v1;
	v10 =	vsub.f32 v17, v43;
	v17 =	vld [tilespmem:s17+$0x8C30]  }
0x1eb: {  	v23 =	vadd.f32 v11, v29;
	v29 =	vld [tilespmem:s17+$0x10C80]  }
0x1ec: {  	v3 =	vsub.f32 v3, v51;
	v20 =	vmul.f32 v55, v54;
	v11 =	vsub.f32 v46, v52;
	[tilespmem:$0x1FEF0] =	vst v61;
	v61 =	vld [tilespmem:s17+$0x8AB0]  }
0x1ed: {  	[tilespmem:$0x1FD10] =	vst v60;
	v60 =	vld [tilespmem:s17+$0x8980]  }
0x1ee: {  	v3 =	vadd.f32 v11, v3;
	v11 =	vsub.f32 v20, v37;
	v37 =	vld [tilespmem:s17+$0xCA0]  }
0x1ef: {  	v58 =	vld [tilespmem:$0x1FC80]  }
0x1f0: {  	v44 =	vld [tilespmem:$0x1FD10]  }
0x1f1: {  	[tilespmem:$0x1FF00] =	vst v61;
	v61 =	vld [tilespmem:s17+$0x10AB0]  }
0x1f2: {  	v20 =	vmul.f32 v39, v38;
	v39 =	vld [tilespmem:s17+$0x10CA0]  }
0x1f3: {  	[tilespmem:$0x1FC90] =	vst v60;
	v60 =	vld [tilespmem:s17+$0x990]  }
0x1f4: {  	v62 =	vld [tilespmem:$0x1FC90]  }
0x1f5: {  	v40 =	vld [tilespmem:$0x1FCD0]  }
0x1f6: {  	[tilespmem:$0x1FF50] =	vst v61;
	v61 =	vld [tilespmem:s17+$0xB00]  }
0x1f7: {  	v42 =	vld [tilespmem:$0x1FCF0]  }
0x1f8: {  	v43 =	vld [tilespmem:$0x1FD00]  }
0x1f9: {  	v41 =	vld [tilespmem:$0x1FCE0]  }
0x1fa: {  	v45 =	vld [tilespmem:$0x1FD20]  }
0x1fb: {  	v30 =	vmul.f32 v62, v58;
	[tilespmem:$0x1FEB0] =	vst v61;
	v61 =	vld [tilespmem:s17+$0x8B00]  }
0x1fc: {  	v20 =	vsub.f32 v20, v44;
	v44 =	vld [tilespmem:s17+$0xD00];
	v63 =	vmul.f32 v53, v60  }
0x1fd: {  	v30 =	vsub.f32 v30, v40;
	v40 =	vld [tilespmem:s17+$0x8CB0];
	v34 =	vmul.f32 v43, v42  }
0x1fe: {  	v31 =	vsub.f32 v63, v41;
	v43 =	vld [tilespmem:s17+$0x10CB0]  }
0x1ff: {  	v24 =	vadd.f32 v10, v1;
	v10 =	vmul.f32 v50, v49;
	v46 =	vsub.f32 v34, v45;
	v34 =	vld [tilespmem:s17+$0x8CA0]  }
0x200: {  	v11 =	vadd.f32 v11, v3;
	v30 =	vadd.f32 v31, v30;
	[tilespmem:$0x1FEC0] =	vst v61;
	v61 =	vld [tilespmem:s17+$0x10B00]  }
0x201: {  	v10 =	vsub.f32 v10, v56;
	v52 =	vld [tilespmem:$0x1FD70]  }
0x202: {  	v1 =	vadd.f32 v20, v11;
	v11 =	vadd.f32 v46, v30;
	v30 =	vld [tilespmem:s17+$0xCB0]  }
0x203: {  	v53 =	vld [tilespmem:$0x1FD80]  }
0x204: {  	v3 =	vadd.f32 v10, v47;
	v47 =	vld [tilespmem:$0x1FD30]  }
0x205: {  	[tilespmem:$0x1FF10] =	vst v61;
	v61 =	vld [tilespmem:s17+$0xB10]  }
0x206: {  	v49 =	vld [tilespmem:$0x1FD40]  }
0x207: {  	v54 =	vld [tilespmem:$0x1FD90]  }
0x208: {  	v50 =	vld [tilespmem:$0x1FD50]  }
0x209: {  	v51 =	vld [tilespmem:$0x1FD60]  }
0x20a: {  	[tilespmem:$0x1FED0] =	vst v61;
	v61 =	vld [tilespmem:s17+$0x8B10]  }
0x20b: {  	v55 =	vld [tilespmem:$0x1FDA0]  }
0x20c: {  	v56 =	vld [tilespmem:$0x1FDB0]  }
0x20d: {  	v58 =	vld [tilespmem:$0x1FDC0]  }
0x20e: {  	v10 =	vmul.f32 v49, v47;
	v47 =	vld [tilespmem:$0x1FE20]  }
0x20f: {  	[tilespmem:$0x1FEE0] =	vst v61;
	v61 =	vld [tilespmem:s17+$0x10B10]  }
0x210: {  	v49 =	vld [tilespmem:$0x1FE30]  }
0x211: {  	v38 =	vmul.f32 v51, v50;
	v50 =	vld [tilespmem:$0x1FE40]  }
0x212: {  	v62 =	vld [tilespmem:$0x1FDE0]  }
0x213: {  	v63 =	vld [tilespmem:$0x1FDF0]  }
0x214: {  	[tilespmem:$0x1FF20] =	vst v61;
	v61 =	vld [tilespmem:s17+$0xB20]  }
0x215: {  	v51 =	vld [tilespmem:$0x1FE50]  }
0x216: {  	v45 =	vld [tilespmem:$0x1FE00]  }
0x217: {  	v46 =	vld [tilespmem:$0x1FE10]  }
0x218: {  	v20 =	vmul.f32 v53, v52;
	v52 =	vld [tilespmem:$0x1FE60]  }
0x219: {  	[tilespmem:$0x1FF30] =	vst v61;
	v61 =	vld [tilespmem:s17+$0x8B20]  }
0x21a: {  	v53 =	vld [tilespmem:$0x1FE70]  }
0x21b: {  	v10 =	vsub.f32 v10, v54;
	v54 =	vld [tilespmem:$0x1FE80]  }
0x21c: {  	v60 =	vld [tilespmem:$0x1FDD0]  }
0x21d: {  	v31 =	vsub.f32 v38, v55;
	v38 =	vmul.f32 v58, v56;
	v56 =	vld [tilespmem:$0x1FEA0]  }
0x21e: {  	v41 =	vmul.f32 v63, v62;
	v42 =	vmul.f32 v46, v45;
	[tilespmem:$0x1FF40] =	vst v61;
	v61 =	vld [tilespmem:s17+$0x10B20]  }
0x21f: {  	v10 =	vadd.f32 v31, v10;
	v31 =	vsub.f32 v38, v47;
	v38 =	vmul.f32 v50, v49;
	v55 =	vld [tilespmem:$0x1FE90]  }
0x220: {  	v41 =	vsub.f32 v41, v51;
	v42 =	vsub.f32 v42, v52;
	v45 =	vmul.f32 v54, v53;
	v50 =	vld [tilespmem:$0x1FEF0]  }
0x221: {  	v51 =	vld [tilespmem:$0x1FF00]  }
0x222: {  	v41 =	vadd.f32 v42, v41;
	v42 =	vsub.f32 v45, v56;
	v56 =	vld [tilespmem:$0x1FF50]  }
0x223: {  	[tilespmem:$0x1FF80] =	vst v61;
	v61 =	vld [tilespmem:s17+$0xB30]  }
0x224: {  	v10 =	vadd.f32 v31, v10;
	v49 =	vld [tilespmem:s17+$0x8D10];
	v31 =	vsub.f32 v38, v55  }
0x225: {  	v38 =	vld [tilespmem:s17+$0x10D00]  }
0x226: {  	v10 =	vadd.f32 v31, v10;
	v46 =	vld [tilespmem:s17+$0x8D00];
	v31 =	vadd.f32 v42, v41;
	v41 =	vmul.f32 v51, v50  }
0x227: {  	v51 =	vld [tilespmem:s17+$0xD20]  }
0x228: {  	v41 =	vsub.f32 v41, v56;
	[tilespmem:$0x1FF90] =	vst v61;
	v61 =	vld [tilespmem:s17+$0x8B30]  }
0x229: {  	v58 =	vld [tilespmem:$0x1FEB0]  }
0x22a: {  	v31 =	vadd.f32 v41, v31;
	v41 =	vmul.f32 v34, v37;
	v37 =	vld [tilespmem:$0x1FFC0]  }
0x22b: {  	v20 =	vsub.f32 v20, v60;
	v60 =	vld [tilespmem:$0x1FEC0]  }
0x22c: {  	v52 =	vld [tilespmem:$0x1FF10]  }
0x22d: {  	[tilespmem:$0x1FFA0] =	vst v61;
	v61 =	vld [tilespmem:s17+$0x10B30]  }
0x22e: {  	v62 =	vld [tilespmem:$0x1FED0]  }
0x22f: {  	v63 =	vld [tilespmem:$0x1FEE0]  }
0x230: {  	v53 =	vld [tilespmem:$0x1FF20]  }
0x231: {  	v54 =	vld [tilespmem:$0x1FF30]  }
0x232: {  	[tilespmem:$0x1FFB0] =	vst v61;
	v61 =	vld [tilespmem:s17+$0x8B80]  }
0x233: {  	v55 =	vld [tilespmem:$0x1FF40]  }
0x234: {  	v47 =	vmul.f32 v63, v62;
	v62 =	vld [tilespmem:$0x1FF80]  }
0x235: {  	v63 =	vld [tilespmem:$0x1FF90]  }
0x236: {  	v11 =	vadd.f32 v20, v11;
	v20 =	vmul.f32 v60, v58;
	v57 =	vld [tilespmem:$0x1FFA0]  }
0x237: {  	v58 =	vld [tilespmem:$0x1FF60];
	[tilespmem:$0x1FF70] =	vst v61  }
0x238: {  	v20 =	vsub.f32 v20, v52;
	v47 =	vsub.f32 v47, v53;
	v50 =	vmul.f32 v55, v54;
	v60 =	vld [tilespmem:$0x1FF70]  }
0x239: {  	v7 =	vsub.f32 v7, v8;
	v12 =	vmul.f32 v48, v12;
	v53 =	vld [tilespmem:s17+$0x8D20]  }
0x23a: {  	v20 =	vadd.f32 v47, v20;
	v47 =	vsub.f32 v50, v62;
	v62 =	vmul.f32 v33, v32;
	v33 =	vld [tilespmem:s17+$0x10D90]  }
0x23b: {  	v0 =	vsub.f32 v0, v2;
	v15 =	vmul.f32 v15, v36;
	v50 =	vmul.f32 v57, v63;
	v63 =	vld [tilespmem:s17+$0x8D90]  }
0x23c: {  	v7 =	vadd.f32 v59, v7;
	v59 =	vmul.f32 v46, v44;
	v57 =	vmul.f32 v40, v30;
	v61 =	vld [tilespmem:s17+$0x10B80]  }
0x23d: {  	v55 =	vsub.f32 v41, v39;
	v39 =	vsel vm0, v23, v6;
	v52 =	vmul.f32 v60, v58;
	v58 =	vld [tilespmem:$0x1FFB0]  }
0x23e: {  	v54 =	vld [tilespmem:s17+$0x10D20];
	v41 =	vsel vm0, v6, v23;
	v8 =	vsub.f32 v57, v43;
	v43 =	vsel vm0, v11, v1  }
0x23f: {  	v45 =	vld [tilespmem:s17+$0xD10];
	v20 =	vadd.f32 v47, v20;
	v1 =	vsel vm0, v1, v11;
	v6 =	vperm.xlane v43, v37  }
0x240: {  	v14 =	vmul.f32 v63, v14;
	v60 =	vmul.f32 v21, v18;
	v18 =	vsub.f32 v62, v35;
	v62 =	vld [tilespmem:s17+$0x10D30]  }
0x241: {  	v42 =	vld [tilespmem:s17+$0x10D10];
	v63 =	vmul.f32 v53, v51;
	v1 =	vadd.f32 v6, v1;
	v52 =	vsub.f32 v52, v61  }
0x242: {  	v56 =	vld [tilespmem:s17+$0x10DA0];
	v14 =	vsub.f32 v14, v33;
	v61 =	vmul.f32 v19, v27;
	v47 =	vsub.f32 v50, v58  }
0x243: {  	v32 =	vmul.f32 v17, v25;
	v34 =	vsub.f32 v63, v54;
	v28 =	vadd.f32 v28, v52;
	v52 =	vld [tilespmem:s17+$0x8DA0]  }
0x244: {  	v44 =	vsel vm0, v31, v10;
	v2 =	vsub.f32 v61, v29;
	v16 =	vadd.f32 v47, v20;
	v20 =	vld [tilespmem:s17+$0x10D80]  }
0x245: {  	v10 =	vsel vm0, v10, v31;
	v50 =	vsub.f32 v32, v26;
	v12 =	vsub.f32 v12, v62;
	v47 =	vld [tilespmem:s17+$0xDA0]  }
0x246: {  	v40 =	vsel vm0, v3, v24;
	v61 =	vld [tilespmem:s17+$0x8DB0];
	v9 =	vadd.f32 v9, v28;
	v28 =	vsub.f32 v60, v22  }
0x247: {  	v58 =	vld [tilespmem:s17+$0xDB0];
	v2 =	vadd.f32 v18, v2;
	v60 =	vmul.f32 v49, v45;
	v18 =	vsub.f32 v59, v38  }
0x248: {  	v3 =	vsel vm0, v24, v3;
	v7 =	vadd.f32 v28, v7;
	v0 =	vadd.f32 v0, v9  }
0x249: {  	v32 =	vld [tilespmem:s17+$0x10DB0];
	v38 =	vsel vm0, v5, v4;
	v2 =	vadd.f32 v55, v2;
	v25 =	vsub.f32 v60, v42  }
0x24a: {  	v7 =	vadd.f32 v50, v7;
	v15 =	vsub.f32 v15, v20;
	v13 =	vmul.f32 v52, v47  }
0x24b: {  	v42 =	vperm.xlane v40, v37;
	v33 =	vadd.f32 v25, v18;
	v2 =	vadd.f32 v8, v2  }
0x24c: {  	v9 =	vmul.f32 v61, v58;
	v14 =	vadd.f32 v14, v15;
	v13 =	vsub.f32 v13, v56  }
0x24d: {  	v4 =	vsel vm0, v4, v5;
	v3 =	vadd.f32 v42, v3;
	v35 =	vadd.f32 v34, v33  }
0x24e: {  	v45 =	vsel vm0, v0, v16;
	v9 =	vsub.f32 v9, v32;
	v13 =	vadd.f32 v13, v14  }
0x24f: {  	v0 =	vsel vm0, v16, v0;
	v36 =	vadd.f32 v12, v35;
	v12 =	vperm.xlane v38, v37  }
0x250: {  	v46 =	vperm.xlane v45, v37;
	v48 =	vsel vm0, v2, v7;
	v9 =	vadd.f32 v9, v13  }
0x251: {  	v53 =	vld [tilespmem:$0x1FFD0];
	v2 =	vsel vm0, v7, v2;
	v4 =	vadd.f32 v12, v4;
	v12 =	vperm.xlane v44, v37  }
0x252: {  	v0 =	vadd.f32 v46, v0;
	v13 =	vperm.xlane v39, v37;
	v49 =	vsel vm0, v9, v36  }
0x253: {  	v52 =	vld [tilespmem:$0x1FFD0];
	v47 =	vadd.f32 v12, v10;
	v10 =	vperm.xlane v48, v37;
	v11 =	vperm.xlane v49, v37  }
0x254: {  	v54 =	vsel vm1, v1, v3;
	v5 =	vadd.f32 v13, v41;
	v51 =	vsel vm0, v36, v9  }
0x255: {  	v2 =	vadd.f32 v10, v2;
	v55 =	vsel vm1, v0, v47;
	v7 =	vadd.f32 v11, v51  }
0x256: {  	v1 =	vsel vm1, v3, v1;
	v57 =	vperm.xlane v55, v53;
	v50 =	vsel vm1, v5, v4  }
0x257: {  	v4 =	vsel vm1, v4, v5;
	v5 =	vperm.xlane v54, v53;
	v56 =	vsel vm1, v7, v2  }
0x258: {  	v59 =	vld [tilespmem:$0x1FFE0];
	v0 =	vsel vm1, v47, v0;
	v8 =	vperm.xlane v50, v52;
	v58 =	vperm.xlane v56, v53  }
0x259: {  	v0 =	vadd.f32 v57, v0;
	v1 =	vadd.f32 v5, v1;
	v2 =	vsel vm1, v2, v7  }
0x25a: {  	v4 =	vadd.f32 v8, v4;
	v2 =	vadd.f32 v58, v2;
	_ =	sdelay $0x1  }
0x25b: {  	v60 =	vsel vm2, v1, v4;
	v61 =	vsel vm2, v2, v0  }
0x25c: {  	v62 =	vld [tilespmem:$0x1FFF0];
	v3 =	vperm.xlane v60, v59;
	v5 =	vperm.xlane v61, v59  }
0x25d: {  	v1 =	vsel vm2, v4, v1;
	v0 =	vsel vm2, v0, v2  }
0x25e: {  	v1 =	vadd.f32 v3, v1;
	v0 =	vadd.f32 v5, v0;
	_ =	sdelay $0x1  }
0x25f: {  	p0 =	sne.s32 s15, $0x1E000;
	v63 =	vsel vm3, v0, v1  }
.Ltmp1:
0x260: {  	v2 =	vperm.xlane v63, v62;
	(pc) =	sbr.rel @p0 .LBB2_4-.Ltmp1, $3  }
0x261: {  	v0 =	vsel vm3, v1, v0  }
0x262: {  	v0 =	vadd.f32 v0, v2;
	_ =	sdelay $0x1  }
0x263: {  	s15 =	sadd.s32 $0x2000, s15;
	[tilespmem:s16+$0x0] =	vst v0;
	s16 =	sadd.s32 $0x10, s16  }
0x264: {  	s0 =	simm.s32 $0x100  }
0x265: {  	s15 =	simm.s32 $0x500;
	v0 =	vld [tilespmem:s0+$0x0]  }
0x266: {  	s16 =	simm.s32 $0x300;
	v1 =	vld [tilespmem:s15+$0x0]  }
0x267: {  	v2 =	vld [tilespmem:s16+$0x0];
	_ =	sdelay $0x2  }
0x268: {  	v6 =	vshll.u32 v0, $0x4  }
0x269: {  	v5 =	vshll.u32 v1, $0x4;
	(v2sf) =	vpush v6, $0x0  }
0x26a: {  	v4 =	vshll.u32 v2, $0x4;
	(v2sf) =	vpush v5, $0x0  }
0x26b: {  	(v2sf) =	vpush v4, $0x0;
	_ =	sdelay $0x1  }
0x26c: {  	(v2sf) =	vpush v6, $0x1;
	_ =	sdelay $0x2  }
0x26d: {  	(v2sf) =	vpush v5, $0x1;
	_ =	sdelay $0x1  }
0x26e: {  	(v2sf) =	vpush v4, $0x1  }
0x26f: {  	s14 =	simm.s32 $0x510  }
0x270: {  	s24 =	simm.s32 $0x310;
	s6 =	simm.s32 $0x8600;
	s7 =	simm.s32 $0x10780;
	(v2sf) =	vpush v6, $0x2  }
0x271: {  	s5 =	simm.s32 $0x980;
	s17 =	simm.s32 $0x600;
	s8 =	simm.s32 $0x10600  }
0x272: {  	s2 =	simm.s32 $0xA00;
	s10 =	simm.s32 $0x8680;
	s11 =	simm.s32 $0x780  }
0x273: {  	s21 =	simm.s32 $0x680;
	s23 =	simm.s32 $0x10680;
	s28 =	simm.s32 $0x10C80  }
0x274: {  	s16 =	simm.s32 $0x2000;
	s15 =	simm.s32 $0x0;
	s9 =	spop (v2sf);
	(v2sf) =	vpush v5, $0x2  }
0x275: {  	s0 =	simm.s32 $0xA80;
	s9 =	sand.u32 $0x1FFFFFF0, s9;
	s12 =	spop (v2sf)  }
0x276: {  	(v2sf) =	vpush v4, $0x2;
	s9 =	sadd.s32 s3, s9;
	s18 =	sand.u32 $0x1FFFFFF0, s12;
	s19 =	spop (v2sf)  }
0x277: {  	[tilespmem:s17], [sflag:$0x1] =	stream.linear.gather [hbm4b:s9+s1], $0x80, $0x38;
	[tilespmem:$0x18800] =	vst v63  }
0x278: {  	s12 =	sand.u32 $0x1FFFFFF0, s19;
	s13 =	spop (v2sf);
	s9 =	sadd.s32 s3, s18  }
0x279: {  	(v2sf) =	vpush v6, $0x3;
	s18 =	simm.s32 $0x10700;
	s20 =	sand.u32 $0x1FFFFFF0, s13;
	s12 =	sadd.s32 s4, s12  }
0x27a: {  	(v2sf) =	vpush v5, $0x3;
	[tilespmem:s8], [sflag:$0x2] =	stream.linear.gather [hbm4b:s9+s1], $0x80, $0x38;
	[tilespmem:$0x18800] =	vst v63  }
0x27b: {  	s22 =	spop (v2sf);
	s13 =	simm.s32 $0x700;
	s8 =	simm.s32 $0x8780  }
0x27c: {  	(v2sf) =	vpush v4, $0x3;
	[tilespmem:s6], [sflag:$0x1] =	stream.linear.gather [hbm4b:s12+s1], $0x80, $0x38;
	[tilespmem:$0x18800] =	vst v63  }
0x27d: {  	s9 =	sadd.s32 s3, s20;
	s25 =	sand.u32 $0x1FFFFFF0, s22;
	s26 =	spop (v2sf)  }
0x27e: {  	(v2sf) =	vpush v6, $0x4;
	[tilespmem:s21], [sflag:$0x2] =	stream.linear.gather [hbm4b:s9+s1], $0x80, $0x38;
	[tilespmem:$0x18800] =	vst v63  }
0x27f: {  	s29 =	spop (v2sf);
	s12 =	sand.u32 $0x1FFFFFF0, s26;
	s9 =	sadd.s32 s3, s25  }
0x280: {  	(v2sf) =	vpush v5, $0x4;
	[tilespmem:s23], [sflag:$0x1] =	stream.linear.gather [hbm4b:s9+s1], $0x80, $0x38;
	[tilespmem:$0x18800] =	vst v63  }
0x281: {  	s31 =	sand.u32 $0x1FFFFFF0, s29;
	s6 =	simm.s32 $0x8A80;
	s30 =	sadd.s32 s4, s12  }
0x282: {  	[tilespmem:s10], [sflag:$0x2] =	stream.linear.gather [hbm4b:s30+s1], $0x80, $0x38;
	[tilespmem:$0x18800] =	vst v63  }
0x283: {  	s26 =	simm.s32 $0x10800;
	s12 =	sadd.s32 s3, s31;
	s17 =	spop (v2sf)  }
0x284: {  	(v2sf) =	vpush v4, $0x4;
	[tilespmem:s13], [sflag:$0x1] =	stream.linear.gather [hbm4b:s12+s1], $0x80, $0x38;
	[tilespmem:$0x18800] =	vst v63  }
0x285: {  	s31 =	simm.s32 $0x8800;
	s10 =	sand.u32 $0x1FFFFFF0, s17;
	s19 =	spop (v2sf)  }
0x286: {  	s21 =	simm.s32 $0x8700;
	s10 =	sadd.s32 s3, s10;
	s12 =	sand.u32 $0x1FFFFFF0, s19  }
0x287: {  	(v2sf) =	vpush v6, $0x5;
	[tilespmem:s18], [sflag:$0x2] =	stream.linear.gather [hbm4b:s10+s1], $0x80, $0x38;
	[tilespmem:$0x18800] =	vst v63  }
0x288: {  	s9 =	simm.s32 $0x10880;
	s20 =	spop (v2sf);
	(v2sf) =	vpush v5, $0x5;
	s22 =	sadd.s32 s4, s12  }
0x289: {  	s23 =	sand.u32 $0x1FFFFFF0, s20;
	s25 =	spop (v2sf);
	s18 =	simm.s32 $0x800  }
0x28a: {  	(v2sf) =	vpush v4, $0x5;
	[tilespmem:s21], [sflag:$0x1] =	stream.linear.gather [hbm4b:s22+s1], $0x80, $0x38;
	[tilespmem:$0x18800] =	vst v63  }
0x28b: {  	s12 =	sadd.s32 s3, s23;
	(v2sf) =	vpush v6, $0x6;
	s10 =	sand.u32 $0x1FFFFFF0, s25;
	s29 =	spop (v2sf)  }
0x28c: {  	[tilespmem:s11], [sflag:$0x2] =	stream.linear.gather [hbm4b:s12+s1], $0x80, $0x38;
	[tilespmem:$0x18800] =	vst v63  }
0x28d: {  	s10 =	sadd.s32 s3, s10;
	s30 =	spop (v2sf);
	s12 =	sand.u32 $0x1FFFFFF0, s29  }
0x28e: {  	[tilespmem:s7], [sflag:$0x1] =	stream.linear.gather [hbm4b:s10+s1], $0x80, $0x38;
	[tilespmem:$0x18800] =	vst v63  }
0x28f: {  	(v2sf) =	vpush v5, $0x6;
	s17 =	sand.u32 $0x1FFFFFF0, s30;
	s19 =	spop (v2sf);
	s12 =	sadd.s32 s4, s12  }
0x290: {  	[tilespmem:s8], [sflag:$0x2] =	stream.linear.gather [hbm4b:s12+s1], $0x80, $0x38;
	[tilespmem:$0x18800] =	vst v63  }
0x291: {  	s22 =	simm.s32 $0x10900;
	(v2sf) =	vpush v4, $0x6;
	s12 =	sadd.s32 s3, s17;
	s8 =	sand.u32 $0x1FFFFFF0, s19  }
0x292: {  	[tilespmem:s18], [sflag:$0x1] =	stream.linear.gather [hbm4b:s12+s1], $0x80, $0x38;
	[tilespmem:$0x18800] =	vst v63  }
0x293: {  	(v2sf) =	vpush v6, $0x7;
	s7 =	simm.s32 $0xB00;
	s8 =	sadd.s32 s3, s8;
	s20 =	spop (v2sf)  }
0x294: {  	[tilespmem:s26], [sflag:$0x2] =	stream.linear.gather [hbm4b:s8+s1], $0x80, $0x38;
	[tilespmem:$0x18800] =	vst v63  }
0x295: {  	s17 =	simm.s32 $0x900;
	s26 =	simm.s32 $0x880;
	s12 =	sand.u32 $0x1FFFFFF0, s20  }
0x296: {  	s8 =	simm.s32 $0x10B00;
	s21 =	spop (v2sf);
	s23 =	sadd.s32 s4, s12  }
0x297: {  	(v2sf) =	vpush v5, $0x7;
	s25 =	sand.u32 $0x1FFFFFF0, s21;
	s29 =	spop (v2sf);
	s21 =	simm.s32 $0x8900  }
0x298: {  	(v2sf) =	vpush v4, $0x7;
	[tilespmem:s31], [sflag:$0x1] =	stream.linear.gather [hbm4b:s23+s1], $0x80, $0x38;
	[tilespmem:$0x18800] =	vst v63  }
0x299: {  	s12 =	sadd.s32 s3, s25;
	s10 =	sand.u32 $0x1FFFFFF0, s29;
	s30 =	spop (v2sf)  }
0x29a: {  	(v2sf) =	vpush v6, $0x8;
	s25 =	simm.s32 $0x10A00;
	s29 =	simm.s32 $0x10980;
	s31 =	spop (v2sf)  }
0x29b: {  	[tilespmem:s26], [sflag:$0x2] =	stream.linear.gather [hbm4b:s12+s1], $0x80, $0x38;
	[tilespmem:$0x18800] =	vst v63  }
0x29c: {  	s10 =	sadd.s32 s3, s10;
	s12 =	sand.u32 $0x1FFFFFF0, s30;
	s13 =	sand.u32 $0x1FFFFFF0, s31  }
0x29d: {  	(v2sf) =	vpush v5, $0x8;
	[tilespmem:s9], [sflag:$0x1] =	stream.linear.gather [hbm4b:s10+s1], $0x80, $0x38;
	[tilespmem:$0x18800] =	vst v63  }
0x29e: {  	s18 =	spop (v2sf);
	s12 =	sadd.s32 s4, s12;
	s10 =	simm.s32 $0x8880  }
0x29f: {  	(v2sf) =	vpush v4, $0x8;
	[tilespmem:s10], [sflag:$0x2] =	stream.linear.gather [hbm4b:s12+s1], $0x80, $0x38;
	[tilespmem:$0x18800] =	vst v63  }
0x2a0: {  	s19 =	spop (v2sf);
	s12 =	sadd.s32 s3, s13;
	s10 =	sand.u32 $0x1FFFFFF0, s18  }
0x2a1: {  	(v2sf) =	vpush v6, $0x9;
	[tilespmem:s17], [sflag:$0x1] =	stream.linear.gather [hbm4b:s12+s1], $0x80, $0x38;
	[tilespmem:$0x18800] =	vst v63  }
0x2a2: {  	s20 =	spop (v2sf);
	s10 =	sadd.s32 s3, s10;
	s12 =	sand.u32 $0x1FFFFFF0, s19  }
0x2a3: {  	(v2sf) =	vpush v5, $0x9;
	[tilespmem:s22], [sflag:$0x2] =	stream.linear.gather [hbm4b:s10+s1], $0x80, $0x38;
	[tilespmem:$0x18800] =	vst v63  }
0x2a4: {  	s9 =	simm.s32 $0x10A80;
	s23 =	sand.u32 $0x1FFFFFF0, s20;
	s22 =	sadd.s32 s4, s12  }
0x2a5: {  	[tilespmem:s21], [sflag:$0x1] =	stream.linear.gather [hbm4b:s22+s1], $0x80, $0x38;
	[tilespmem:$0x18800] =	vst v63  }
0x2a6: {  	s13 =	simm.s32 $0x10D80;
	s19 =	simm.s32 $0x8A00;
	s26 =	spop (v2sf)  }
0x2a7: {  	s12 =	sadd.s32 s3, s23;
	s10 =	simm.s32 $0x110;
	(v2sf) =	vpush v4, $0x9;
	s30 =	spop (v2sf)  }
0x2a8: {  	(v2sf) =	vpush v6, $0xA;
	[tilespmem:s5], [sflag:$0x2] =	stream.linear.gather [hbm4b:s12+s1], $0x80, $0x38;
	[tilespmem:$0x18800] =	vst v63  }
0x2a9: {  	s11 =	sand.u32 $0x1FFFFFF0, s26;
	s12 =	sand.u32 $0x1FFFFFF0, s30;
	s31 =	spop (v2sf)  }
0x2aa: {  	s11 =	sadd.s32 s3, s11;
	(v2sf) =	vpush v5, $0xA;
	s17 =	sadd.s32 s4, s12;
	s18 =	sand.u32 $0x1FFFFFF0, s31  }
0x2ab: {  	[tilespmem:s29], [sflag:$0x1] =	stream.linear.gather [hbm4b:s11+s1], $0x80, $0x38;
	[tilespmem:$0x18800] =	vst v63  }
0x2ac: {  	(v2sf) =	vpush v4, $0xA;
	s11 =	simm.s32 $0x8980;
	s20 =	spop (v2sf);
	s12 =	sadd.s32 s3, s18  }
0x2ad: {  	(v2sf) =	vpush v6, $0xB;
	[tilespmem:s11], [sflag:$0x2] =	stream.linear.gather [hbm4b:s17+s1], $0x80, $0x38;
	[tilespmem:$0x18800] =	vst v63  }
0x2ae: {  	s18 =	simm.s32 $0xC80;
	s21 =	sand.u32 $0x1FFFFFF0, s20;
	s22 =	spop (v2sf)  }
0x2af: {  	(v2sf) =	vpush v5, $0xB;
	[tilespmem:s2], [sflag:$0x1] =	stream.linear.gather [hbm4b:s12+s1], $0x80, $0x38;
	[tilespmem:$0x18800] =	vst v63  }
0x2b0: {  	s11 =	sand.u32 $0x1FFFFFF0, s22;
	s23 =	spop (v2sf);
	(v2sf) =	vpush v4, $0xB;
	s2 =	sadd.s32 s3, s21  }
0x2b1: {  	[tilespmem:s25], [sflag:$0x2] =	stream.linear.gather [hbm4b:s2+s1], $0x80, $0x38;
	[tilespmem:$0x18800] =	vst v63  }
0x2b2: {  	s26 =	sand.u32 $0x1FFFFFF0, s23;
	s29 =	spop (v2sf);
	(v2sf) =	vpush v6, $0xC;
	s25 =	sadd.s32 s4, s11  }
0x2b3: {  	[tilespmem:s19], [sflag:$0x1] =	stream.linear.gather [hbm4b:s25+s1], $0x80, $0x38;
	[tilespmem:$0x18800] =	vst v63  }
0x2b4: {  	s23 =	simm.s32 $0x8B00;
	s30 =	sadd.s32 s3, s26;
	s2 =	sand.u32 $0x1FFFFFF0, s29  }
0x2b5: {  	[tilespmem:s0], [sflag:$0x2] =	stream.linear.gather [hbm4b:s30+s1], $0x80, $0x38;
	[tilespmem:$0x18800] =	vst v63  }
0x2b6: {  	s29 =	simm.s32 $0xB80;
	s2 =	sadd.s32 s3, s2;
	s31 =	spop (v2sf)  }
0x2b7: {  	s25 =	simm.s32 $0x8D00;
	s5 =	sand.u32 $0x1FFFFFF0, s31;
	s11 =	spop (v2sf)  }
0x2b8: {  	(v2sf) =	vpush v5, $0xC;
	[tilespmem:s9], [sflag:$0x1] =	stream.linear.gather [hbm4b:s2+s1], $0x80, $0x38;
	[tilespmem:$0x18800] =	vst v63  }
0x2b9: {  	s0 =	simm.s32 $0x10C00;
	s17 =	sadd.s32 s4, s5;
	s20 =	spop (v2sf)  }
0x2ba: {  	(v2sf) =	vpush v4, $0xC;
	[tilespmem:s6], [sflag:$0x2] =	stream.linear.gather [hbm4b:s17+s1], $0x80, $0x38;
	[tilespmem:$0x18800] =	vst v63  }
0x2bb: {  	s2 =	simm.s32 $0x8B80;
	s19 =	sand.u32 $0x1FFFFFF0, s11;
	s21 =	spop (v2sf)  }
0x2bc: {  	s5 =	sadd.s32 s3, s19;
	s6 =	sand.u32 $0x1FFFFFF0, s20;
	s22 =	spop (v2sf)  }
0x2bd: {  	(v2sf) =	vpush v6, $0xD;
	[tilespmem:s7], [sflag:$0x1] =	stream.linear.gather [hbm4b:s5+s1], $0x80, $0x38;
	[tilespmem:$0x18800] =	vst v63  }
0x2be: {  	s31 =	simm.s32 $0x10B80;
	s6 =	sadd.s32 s3, s6;
	s30 =	spop (v2sf)  }
0x2bf: {  	(v2sf) =	vpush v5, $0xD;
	s5 =	simm.s32 $0xC00;
	s7 =	sand.u32 $0x1FFFFFF0, s21;
	s9 =	spop (v2sf)  }
0x2c0: {  	[tilespmem:s8], [sflag:$0x2] =	stream.linear.gather [hbm4b:s6+s1], $0x80, $0x38;
	[tilespmem:$0x18800] =	vst v63  }
0x2c1: {  	s26 =	sand.u32 $0x1FFFFFF0, s22;
	s7 =	sadd.s32 s4, s7;
	s11 =	spop (v2sf)  }
0x2c2: {  	[tilespmem:s23], [sflag:$0x1] =	stream.linear.gather [hbm4b:s7+s1], $0x80, $0x38;
	[tilespmem:$0x18800] =	vst v63  }
0x2c3: {  	s8 =	sadd.s32 s3, s26;
	s17 =	sand.u32 $0x1FFFFFF0, s11;
	s7 =	sand.u32 $0x1FFFFFF0, s30  }
0x2c4: {  	[tilespmem:s29], [sflag:$0x2] =	stream.linear.gather [hbm4b:s8+s1], $0x80, $0x38;
	[tilespmem:$0x18800] =	vst v63  }
0x2c5: {  	s20 =	sadd.s32 s3, s17;
	s7 =	sadd.s32 s3, s7;
	s8 =	sand.u32 $0x1FFFFFF0, s9  }
0x2c6: {  	[tilespmem:s31], [sflag:$0x1] =	stream.linear.gather [hbm4b:s7+s1], $0x80, $0x38;
	[tilespmem:$0x18800] =	vst v63  }
0x2c7: {  	s29 =	simm.s32 $0x8C00;
	s12 =	sadd.s32 s4, s8;
	s19 =	spop (v2sf)  }
0x2c8: {  	[tilespmem:s2], [sflag:$0x2] =	stream.linear.gather [hbm4b:s12+s1], $0x80, $0x38;
	[tilespmem:$0x18800] =	vst v63  }
0x2c9: {  	(v2sf) =	vpush v4, $0xD;
	s8 =	simm.s32 $0xD80;
	s7 =	simm.s32 $0x10D00;
	s22 =	spop (v2sf)  }
0x2ca: {  	(v2sf) =	vpush v6, $0xE;
	[tilespmem:s5], [sflag:$0x1] =	stream.linear.gather [hbm4b:s20+s1], $0x80, $0x38;
	[tilespmem:$0x18800] =	vst v63  }
0x2cb: {  	s21 =	sand.u32 $0x1FFFFFF0, s19;
	(v2sf) =	vpush v5, $0xE;
	s19 =	simm.s32 $0xD00;
	s26 =	sand.u32 $0x1FFFFFF0, s22  }
0x2cc: {  	s23 =	sadd.s32 s3, s21;
	(v2sf) =	vpush v4, $0xE;
	s30 =	sadd.s32 s4, s26;
	s31 =	spop (v2sf)  }
0x2cd: {  	(v2sf) =	vpush v6, $0xF;
	[tilespmem:s0], [sflag:$0x2] =	stream.linear.gather [hbm4b:s23+s1], $0x80, $0x38;
	[tilespmem:$0x18800] =	vst v63  }
0x2ce: {  	s26 =	simm.s32 $0x8C80;
	(v2sf) =	vpush v5, $0xF;
	s0 =	sand.u32 $0x1FFFFFF0, s31;
	s2 =	spop (v2sf)  }
0x2cf: {  	(v2sf) =	vpush v4, $0xF;
	[tilespmem:s29], [sflag:$0x1] =	stream.linear.gather [hbm4b:s30+s1], $0x80, $0x38;
	[tilespmem:$0x18800] =	vst v63  }
.LBB2_6:
0x2d0: {  	_ =	sdelay $0x3  }
0x2d1: {  	s0 =	sadd.s32 s3, s0;
	s2 =	sand.u32 $0x1FFFFFF0, s2  }
0x2d2: {  	[tilespmem:s18], [sflag:$0x2] =	stream.linear.gather [hbm4b:s0+s1], $0x80, $0x38;
	[tilespmem:$0x18800] =	vst v63  }
0x2d3: {  	s11 =	sadd.s32 s3, s2  }
0x2d4: {  	[tilespmem:s28], [sflag:$0x1] =	stream.linear.gather [hbm4b:s11+s1], $0x80, $0x38;
	[tilespmem:$0x18800] =	vst v63  }
0x2d5: {  	s5 =	spop (v2sf)  }
0x2d6: {  	s12 =	sand.u32 $0x1FFFFFF0, s5;
	s17 =	spop (v2sf)  }
0x2d7: {  	s18 =	sadd.s32 s4, s12;
	s20 =	sand.u32 $0x1FFFFFF0, s17;
	s21 =	spop (v2sf)  }
0x2d8: {  	[tilespmem:s26], [sflag:$0x2] =	stream.linear.gather [hbm4b:s18+s1], $0x80, $0x38;
	[tilespmem:$0x18800] =	vst v63  }
0x2d9: {  	s6 =	smov.u32 s16;
	s22 =	sadd.s32 s3, s20;
	s23 =	sand.u32 $0x1FFFFFF0, s21  }
0x2da: {  	s26 =	spop (v2sf);
	s20 =	sadd.s32 $0x8D80, s15;
	s15 =	sshra.s32 s6, $0x2  }
0x2db: {  	s29 =	sadd.s32 s3, s23;
	s30 =	sand.u32 $0x1FFFFFF0, s26;
	s31 =	spop (v2sf)  }
0x2dc: {  	s23 =	sadd.s32 $0x980, s15;
	s26 =	sadd.s32 $0xA80, s15;
	s2 =	sadd.s32 $0x10800, s15  }
0x2dd: {  	[tilespmem:s19], [sflag:$0x1] =	stream.linear.gather [hbm4b:s22+s1], $0x80, $0x38;
	[tilespmem:$0x18800] =	vst v63  }
0x2de: {  	s6 =	sadd.s32 $0xB00, s15;
	s9 =	sand.u32 $0x1FFFFFF0, s31;
	[dreg:$0x1f] =	wrdreg s23  }
0x2df: {  	[tilespmem:s7], [sflag:$0x2] =	stream.linear.gather [hbm4b:s29+s1], $0x80, $0x38;
	[tilespmem:$0x18800] =	vst v63  }
0x2e0: {  	s11 =	spop (v2sf);
	[dreg:$0x15] =	wrdreg s26;
	s7 =	sadd.s32 s4, s30  }
0x2e1: {  	[tilespmem:s25], [sflag:$0x1] =	stream.linear.gather [hbm4b:s7+s1], $0x80, $0x38;
	[tilespmem:$0x18800] =	vst v63  }
0x2e2: {  	s12 =	sadd.s32 s3, s9;
	s17 =	sand.u32 $0x1FFFFFF0, s11;
	s18 =	spop (v2sf)  }
0x2e3: {  	[tilespmem:s8], [sflag:$0x2] =	stream.linear.gather [hbm4b:s12+s1], $0x80, $0x38;
	[tilespmem:$0x18800] =	vst v63  }
0x2e4: {  	[smem:$0x7DF] =	sst s2;
	s19 =	sadd.s32 s3, s17;
	s5 =	sand.u32 $0x1FFFFFF0, s18  }
0x2e5: {  	[tilespmem:s13], [sflag:$0x1] =	stream.linear.gather [hbm4b:s19+s1], $0x80, $0x38;
	[tilespmem:$0x18800] =	vst v63  }
0x2e6: {  	s22 =	sadd.s32 $0x10780, s15;
	[dreg:$0xf] =	wrdreg s6;
	s21 =	sadd.s32 s4, s5  }
0x2e7: {  	[tilespmem:s20], [sflag:$0x2] =	stream.linear.gather [hbm4b:s21+s1], $0x80, $0x38;
	[tilespmem:$0x18800] =	vst v63  }
0x2e8: {  	s31 =	sadd.s32 $0x8A80, s15;
	[smem:$0x7DE] =	sst s22;
	v0 =	vld [tilespmem:s10+$0x0]  }
0x2e9: {  	s26 =	sadd.s32 $0x8880, s15;
	[dreg:$0x11] =	wrdreg s31;
	v1 =	vld [tilespmem:s14+$0x0]  }
0x2ea: {  	p0 =	sne.s32 s16, $0x1E000;
	s22 =	sadd.s32 $0x10980, s15;
	[smem:$0x7E3] =	sst s26;
	v2 =	vld [tilespmem:s24+$0x0]  }
0x2eb: {  	s16 =	sadd.s32 $0x2000, s16;
	s31 =	sadd.s32 $0x10C00, s15;
	[smem:$0x7E7] =	sst s22  }
0x2ec: {  	s28 =	sadd.s32 $0x600, s15;
	s26 =	sadd.s32 $0x900, s15;
	[dreg:$0x7] =	wrdreg s31  }
0x2ed: {  	s0 =	sadd.s32 $0x10700, s15;
	s29 =	sadd.s32 $0x10880, s15;
	[smem:$0x7E4] =	sst s26;
	v6 =	vshll.u32 v0, $0x4  }
0x2ee: {  	s6 =	sadd.s32 $0x800, s15;
	s17 =	sadd.s32 $0x10A00, s15;
	[smem:$0x7E2] =	sst s29;
	v5 =	vshll.u32 v1, $0x4;
	(v2sf) =	vpush v6, $0x0  }
0x2ef: {  	s23 =	sadd.s32 $0x680, s15;
	s18 =	sadd.s32 $0x8A00, s15;
	[smem:$0x7E9] =	sst s17;
	v4 =	vshll.u32 v2, $0x4;
	(v2sf) =	vpush v5, $0x0  }
0x2f0: {  	s2 =	smov.u32 s16;
	s5 =	sadd.s32 $0x8800, s15;
	[dreg:$0x1d] =	wrdreg s18;
	(v2sf) =	vpush v4, $0x0  }
0x2f1: {  	s16 =	sadd.s32 $0xC80, s15;
	s29 =	sadd.s32 $0x8900, s15;
	[smem:$0x7E0] =	sst s5  }
0x2f2: {  	s11 =	sadd.s32 $0x780, s15;
	s17 =	sadd.s32 $0xC00, s15;
	[smem:$0x7E6] =	sst s29  }
0x2f3: {  	s9 =	sadd.s32 $0x8780, s15;
	s18 =	sadd.s32 $0xB80, s15;
	[dreg:$0x9] =	wrdreg s17;
	(v2sf) =	vpush v6, $0x1  }
0x2f4: {  	s30 =	sadd.s32 $0x10600, s15;
	s25 =	sadd.s32 $0xA00, s15;
	[dreg:$0x17] =	wrdreg s18  }
0x2f5: {  	s22 =	sadd.s32 $0x8700, s15;
	s7 =	sadd.s32 $0x10900, s15;
	[dreg:$0x1b] =	wrdreg s25  }
0x2f6: {  	s31 =	sadd.s32 $0x10680, s15;
	[smem:$0x7E5] =	sst s7;
	s25 =	sadd.s32 $0x8980, s15;
	(v2sf) =	vpush v5, $0x1  }
0x2f7: {  	s26 =	sadd.s32 $0x8C80, s15;
	s7 =	sadd.s32 $0x8B80, s15;
	[smem:$0x7E8] =	sst s25  }
0x2f8: {  	s5 =	sadd.s32 $0x10D00, s15;
	s8 =	sadd.s32 $0x10B00, s15;
	[dreg:$0xd] =	wrdreg s7;
	(v2sf) =	vpush v4, $0x1  }
0x2f9: {  	s12 =	sadd.s32 $0x8680, s15;
	[dreg:$0xb] =	wrdreg s8;
	s13 =	sadd.s32 $0x10A80, s15  }
0x2fa: {  	s25 =	sadd.s32 $0x8D00, s15;
	s19 =	sadd.s32 $0x880, s15;
	[dreg:$0x19] =	wrdreg s13;
	(v2sf) =	vpush v6, $0x2  }
0x2fb: {  	s8 =	sadd.s32 $0xD80, s15;
	[smem:$0x7E1] =	sst s19;
	s13 =	sadd.s32 $0x10D80, s15  }
0x2fc: {  	s19 =	sadd.s32 $0x10B80, s15;
	s21 =	sadd.s32 $0x8600, s15;
	s20 =	sadd.s32 $0x700, s15;
	(v2sf) =	vpush v5, $0x2  }
0x2fd: {  	[dreg:$0x13] =	wrdreg s19;
	s19 =	sadd.s32 $0xD00, s15;
	s29 =	spop (v2sf)  }
0x2fe: {  	s14 =	sadd.s32 $0x10, s14;
	(v2sf) =	vpush v4, $0x2;
	s17 =	sand.u32 $0x1FFFFFF0, s29;
	s29 =	spop (v2sf)  }
0x2ff: {  	s24 =	sadd.s32 $0x10, s24;
	s17 =	sadd.s32 s3, s17;
	s7 =	spop (v2sf)  }
0x300: {  	(v2sf) =	vpush v6, $0x3;
	[tilespmem:s28], [sflag:$0x1] =	stream.linear.gather [hbm4b:s17+s1], $0x80, $0x38;
	[tilespmem:$0x18800] =	vst v63  }
0x301: {  	s10 =	sadd.s32 $0x10, s10;
	s29 =	sand.u32 $0x1FFFFFF0, s29;
	s17 =	sand.u32 $0x1FFFFFF0, s7  }
0x302: {  	s28 =	sadd.s32 $0x10C80, s15;
	s7 =	spop (v2sf);
	s29 =	sadd.s32 s3, s29  }
0x303: {  	s18 =	sand.u32 $0x1FFFFFF0, s7;
	s7 =	sadd.s32 $0x8B00, s15;
	s17 =	sadd.s32 s4, s17  }
0x304: {  	(v2sf) =	vpush v5, $0x3;
	[tilespmem:s30], [sflag:$0x2] =	stream.linear.gather [hbm4b:s29+s1], $0x80, $0x38;
	[tilespmem:$0x18800] =	vst v63  }
0x305: {  	(v2sf) =	vpush v4, $0x3;
	[smem:$0x7EA] =	sst s7;
	s30 =	sadd.s32 $0x8C00, s15;
	s7 =	spop (v2sf)  }
0x306: {  	(v2sf) =	vpush v6, $0x4;
	[tilespmem:s21], [sflag:$0x1] =	stream.linear.gather [hbm4b:s17+s1], $0x80, $0x38;
	[tilespmem:$0x18800] =	vst v63  }
0x307: {  	s29 =	sand.u32 $0x1FFFFFF0, s7;
	s7 =	spop (v2sf);
	s21 =	sadd.s32 s3, s18  }
0x308: {  	(v2sf) =	vpush v5, $0x4;
	[tilespmem:s23], [sflag:$0x2] =	stream.linear.gather [hbm4b:s21+s1], $0x80, $0x38;
	[tilespmem:$0x18800] =	vst v63  }
0x309: {  	s23 =	sadd.s32 s3, s29;
	s29 =	sand.u32 $0x1FFFFFF0, s7;
	s7 =	spop (v2sf)  }
0x30a: {  	(v2sf) =	vpush v4, $0x4;
	[tilespmem:s31], [sflag:$0x1] =	stream.linear.gather [hbm4b:s23+s1], $0x80, $0x38;
	[tilespmem:$0x18800] =	vst v63  }
0x30b: {  	s18 =	sadd.s32 s4, s29;
	s21 =	sand.u32 $0x1FFFFFF0, s7;
	s23 =	spop (v2sf)  }
0x30c: {  	[tilespmem:s12], [sflag:$0x2] =	stream.linear.gather [hbm4b:s18+s1], $0x80, $0x38;
	[tilespmem:$0x18800] =	vst v63  }
0x30d: {  	s29 =	sadd.s32 s3, s21;
	s31 =	sand.u32 $0x1FFFFFF0, s23;
	s7 =	spop (v2sf)  }
0x30e: {  	(v2sf) =	vpush v6, $0x5;
	[tilespmem:s20], [sflag:$0x1] =	stream.linear.gather [hbm4b:s29+s1], $0x80, $0x38;
	[tilespmem:$0x18800] =	vst v63  }
0x30f: {  	s17 =	sadd.s32 s3, s31;
	s18 =	sand.u32 $0x1FFFFFF0, s7;
	s20 =	spop (v2sf)  }
0x310: {  	(v2sf) =	vpush v5, $0x5;
	[tilespmem:s0], [sflag:$0x2] =	stream.linear.gather [hbm4b:s17+s1], $0x80, $0x38;
	[tilespmem:$0x18800] =	vst v63  }
0x311: {  	s21 =	sadd.s32 s4, s18;
	s18 =	smov.u32 s16;
	s23 =	sand.u32 $0x1FFFFFF0, s20  }
0x312: {  	[tilespmem:s22], [sflag:$0x1] =	stream.linear.gather [hbm4b:s21+s1], $0x80, $0x38;
	[tilespmem:$0x18800] =	vst v63  }
0x313: {  	(v2sf) =	vpush v4, $0x5;
	s16 =	smov.u32 s2;
	s29 =	spop (v2sf);
	s31 =	sadd.s32 s3, s23  }
0x314: {  	s2 =	sand.u32 $0x1FFFFFF0, s29;
	s7 =	spop (v2sf);
	s23 =	sld [smem:$0x7DE]  }
0x315: {  	(v2sf) =	vpush v6, $0x6;
	s20 =	sadd.s32 s3, s2;
	s21 =	sand.u32 $0x1FFFFFF0, s7;
	s22 =	spop (v2sf)  }
0x316: {  	(v2sf) =	vpush v5, $0x6;
	[tilespmem:s11], [sflag:$0x2] =	stream.linear.gather [hbm4b:s31+s1], $0x80, $0x38;
	[tilespmem:$0x18800] =	vst v63  }
0x317: {  	s29 =	sadd.s32 s4, s21;
	s31 =	sand.u32 $0x1FFFFFF0, s22;
	s2 =	spop (v2sf)  }
0x318: {  	(v2sf) =	vpush v4, $0x6;
	[tilespmem:s23], [sflag:$0x1] =	stream.linear.gather [hbm4b:s20+s1], $0x80, $0x38;
	[tilespmem:$0x18800] =	vst v63  }
0x319: {  	s21 =	sld [smem:$0x7DF];
	s7 =	sadd.s32 s3, s31;
	s11 =	spop (v2sf)  }
0x31a: {  	[tilespmem:s9], [sflag:$0x2] =	stream.linear.gather [hbm4b:s29+s1], $0x80, $0x38;
	[tilespmem:$0x18800] =	vst v63  }
0x31b: {  	(v2sf) =	vpush v6, $0x7;
	s31 =	sld [smem:$0x7E0];
	s9 =	sand.u32 $0x1FFFFFF0, s2;
	s17 =	sand.u32 $0x1FFFFFF0, s11  }
0x31c: {  	[tilespmem:s6], [sflag:$0x1] =	stream.linear.gather [hbm4b:s7+s1], $0x80, $0x38;
	[tilespmem:$0x18800] =	vst v63  }
0x31d: {  	(v2sf) =	vpush v5, $0x7;
	s11 =	sld [smem:$0x7E1];
	s12 =	sadd.s32 s3, s9;
	s20 =	spop (v2sf)  }
0x31e: {  	[tilespmem:s21], [sflag:$0x2] =	stream.linear.gather [hbm4b:s12+s1], $0x80, $0x38;
	[tilespmem:$0x18800] =	vst v63  }
0x31f: {  	s22 =	sadd.s32 s4, s17;
	s23 =	sand.u32 $0x1FFFFFF0, s20;
	s29 =	spop (v2sf)  }
0x320: {  	[tilespmem:s31], [sflag:$0x1] =	stream.linear.gather [hbm4b:s22+s1], $0x80, $0x38;
	[tilespmem:$0x18800] =	vst v63  }
0x321: {  	(v2sf) =	vpush v4, $0x7;
	s6 =	sadd.s32 s3, s23;
	s21 =	sld [smem:$0x7E2];
	s7 =	sand.u32 $0x1FFFFFF0, s29  }
0x322: {  	s31 =	sld [smem:$0x7E3];
	s9 =	spop (v2sf);
	s12 =	sadd.s32 s3, s7  }
0x323: {  	(v2sf) =	vpush v6, $0x8;
	[tilespmem:s11], [sflag:$0x2] =	stream.linear.gather [hbm4b:s6+s1], $0x80, $0x38;
	[tilespmem:$0x18800] =	vst v63  }
0x324: {  	s7 =	smov.u32 s5;
	s17 =	sand.u32 $0x1FFFFFF0, s9;
	s20 =	spop (v2sf)  }
0x325: {  	(v2sf) =	vpush v5, $0x8;
	s11 =	sld [smem:$0x7E4];
	s23 =	sand.u32 $0x1FFFFFF0, s20;
	s29 =	spop (v2sf)  }
0x326: {  	[tilespmem:s21], [sflag:$0x1] =	stream.linear.gather [hbm4b:s12+s1], $0x80, $0x38;
	[tilespmem:$0x18800] =	vst v63  }
0x327: {  	s22 =	sadd.s32 s4, s17;
	s2 =	sadd.s32 s3, s23;
	s9 =	spop (v2sf)  }
0x328: {  	(v2sf) =	vpush v4, $0x8;
	s5 =	sand.u32 $0x1FFFFFF0, s29;
	s21 =	sld [smem:$0x7E5];
	s17 =	sand.u32 $0x1FFFFFF0, s9  }
0x329: {  	(v2sf) =	vpush v6, $0x9;
	[tilespmem:s31], [sflag:$0x2] =	stream.linear.gather [hbm4b:s22+s1], $0x80, $0x38;
	[tilespmem:$0x18800] =	vst v63  }
0x32a: {  	(v2sf) =	vpush v5, $0x9;
	s12 =	sadd.s32 s3, s5;
	s20 =	spop (v2sf);
	s22 =	sadd.s32 s4, s17  }
0x32b: {  	[tilespmem:s11], [sflag:$0x1] =	stream.linear.gather [hbm4b:s2+s1], $0x80, $0x38;
	[tilespmem:$0x18800] =	vst v63  }
0x32c: {  	(v2sf) =	vpush v4, $0x9;
	s23 =	sand.u32 $0x1FFFFFF0, s20;
	s31 =	sld [smem:$0x7E6];
	s29 =	spop (v2sf)  }
0x32d: {  	[tilespmem:s21], [sflag:$0x2] =	stream.linear.gather [hbm4b:s12+s1], $0x80, $0x38;
	[tilespmem:$0x18800] =	vst v63  }
0x32e: {  	s2 =	sadd.s32 s3, s23;
	s11 =	rddreg [dreg:$0x1f];
	s5 =	sand.u32 $0x1FFFFFF0, s29  }
0x32f: {  	[tilespmem:s31], [sflag:$0x1] =	stream.linear.gather [hbm4b:s22+s1], $0x80, $0x38;
	[tilespmem:$0x18800] =	vst v63  }
0x330: {  	(v2sf) =	vpush v6, $0xA;
	s9 =	spop (v2sf);
	s12 =	sadd.s32 s3, s5;
	s21 =	sld [smem:$0x7E7]  }
0x331: {  	(v2sf) =	vpush v5, $0xA;
	[tilespmem:s11], [sflag:$0x2] =	stream.linear.gather [hbm4b:s2+s1], $0x80, $0x38;
	[tilespmem:$0x18800] =	vst v63  }
0x332: {  	s17 =	sand.u32 $0x1FFFFFF0, s9;
	s31 =	sld [smem:$0x7E8];
	s20 =	spop (v2sf)  }
0x333: {  	[tilespmem:s21], [sflag:$0x1] =	stream.linear.gather [hbm4b:s12+s1], $0x80, $0x38;
	[tilespmem:$0x18800] =	vst v63  }
0x334: {  	s22 =	sadd.s32 s4, s17;
	s23 =	sand.u32 $0x1FFFFFF0, s20;
	s29 =	spop (v2sf)  }
0x335: {  	(v2sf) =	vpush v4, $0xA;
	s11 =	rddreg [dreg:$0x1b];
	s2 =	sadd.s32 s3, s23;
	s5 =	sand.u32 $0x1FFFFFF0, s29  }
0x336: {  	[tilespmem:s31], [sflag:$0x2] =	stream.linear.gather [hbm4b:s22+s1], $0x80, $0x38;
	[tilespmem:$0x18800] =	vst v63  }
0x337: {  	(v2sf) =	vpush v6, $0xB;
	s21 =	sld [smem:$0x7E9];
	s9 =	spop (v2sf);
	s12 =	sadd.s32 s3, s5  }
0x338: {  	s17 =	sand.u32 $0x1FFFFFF0, s9;
	s20 =	spop (v2sf);
	s31 =	rddreg [dreg:$0x1d]  }
0x339: {  	(v2sf) =	vpush v5, $0xB;
	s22 =	sadd.s32 s4, s17;
	s23 =	sand.u32 $0x1FFFFFF0, s20;
	s29 =	spop (v2sf)  }
0x33a: {  	[tilespmem:s11], [sflag:$0x1] =	stream.linear.gather [hbm4b:s2+s1], $0x80, $0x38;
	[tilespmem:$0x18800] =	vst v63  }
0x33b: {  	s2 =	sadd.s32 s3, s23;
	s5 =	sand.u32 $0x1FFFFFF0, s29;
	s9 =	spop (v2sf)  }
0x33c: {  	[tilespmem:s21], [sflag:$0x2] =	stream.linear.gather [hbm4b:s12+s1], $0x80, $0x38;
	[tilespmem:$0x18800] =	vst v63  }
0x33d: {  	(v2sf) =	vpush v4, $0xB;
	s11 =	rddreg [dreg:$0x15];
	s17 =	sand.u32 $0x1FFFFFF0, s9;
	s12 =	sadd.s32 s3, s5  }
0x33e: {  	[tilespmem:s31], [sflag:$0x1] =	stream.linear.gather [hbm4b:s22+s1], $0x80, $0x38;
	[tilespmem:$0x18800] =	vst v63  }
0x33f: {  	(v2sf) =	vpush v6, $0xC;
	s21 =	rddreg [dreg:$0x19];
	s20 =	spop (v2sf);
	s22 =	sadd.s32 s4, s17  }
0x340: {  	s23 =	sand.u32 $0x1FFFFFF0, s20;
	s31 =	rddreg [dreg:$0x11];
	s29 =	spop (v2sf)  }
0x341: {  	[tilespmem:s11], [sflag:$0x2] =	stream.linear.gather [hbm4b:s2+s1], $0x80, $0x38;
	[tilespmem:$0x18800] =	vst v63  }
0x342: {  	s2 =	sadd.s32 s3, s23;
	s5 =	sand.u32 $0x1FFFFFF0, s29;
	s11 =	rddreg [dreg:$0xf]  }
0x343: {  	(v2sf) =	vpush v5, $0xC;
	[tilespmem:s21], [sflag:$0x1] =	stream.linear.gather [hbm4b:s12+s1], $0x80, $0x38;
	[tilespmem:$0x18800] =	vst v63  }
0x344: {  	s12 =	sadd.s32 s3, s5;
	s21 =	rddreg [dreg:$0xb];
	s9 =	spop (v2sf)  }
0x345: {  	(v2sf) =	vpush v4, $0xC;
	[tilespmem:s31], [sflag:$0x2] =	stream.linear.gather [hbm4b:s22+s1], $0x80, $0x38;
	[tilespmem:$0x18800] =	vst v63  }
0x346: {  	(v2sf) =	vpush v6, $0xD;
	s17 =	sand.u32 $0x1FFFFFF0, s9;
	s31 =	sld [smem:$0x7EA];
	s20 =	spop (v2sf)  }
0x347: {  	[tilespmem:s11], [sflag:$0x1] =	stream.linear.gather [hbm4b:s2+s1], $0x80, $0x38;
	[tilespmem:$0x18800] =	vst v63  }
0x348: {  	(v2sf) =	vpush v5, $0xD;
	s22 =	sadd.s32 s4, s17;
	s23 =	sand.u32 $0x1FFFFFF0, s20;
	s29 =	spop (v2sf)  }
0x349: {  	[tilespmem:s21], [sflag:$0x2] =	stream.linear.gather [hbm4b:s12+s1], $0x80, $0x38;
	[tilespmem:$0x18800] =	vst v63  }
0x34a: {  	s6 =	sadd.s32 s3, s23;
	s9 =	sand.u32 $0x1FFFFFF0, s29;
	s12 =	rddreg [dreg:$0x17]  }
0x34b: {  	[tilespmem:s31], [sflag:$0x1] =	stream.linear.gather [hbm4b:s22+s1], $0x80, $0x38;
	[tilespmem:$0x18800] =	vst v63  }
0x34c: {  	s11 =	spop (v2sf);
	s17 =	sadd.s32 s3, s9;
	s9 =	rddreg [dreg:$0xd]  }
0x34d: {  	[tilespmem:s12], [sflag:$0x2] =	stream.linear.gather [hbm4b:s6+s1], $0x80, $0x38;
	[tilespmem:$0x18800] =	vst v63  }
0x34e: {  	s20 =	sand.u32 $0x1FFFFFF0, s11;
	s21 =	spop (v2sf);
	s22 =	rddreg [dreg:$0x13]  }
0x34f: {  	[tilespmem:s22], [sflag:$0x1] =	stream.linear.gather [hbm4b:s17+s1], $0x80, $0x38;
	[tilespmem:$0x18800] =	vst v63  }
0x350: {  	s23 =	sadd.s32 s4, s20;
	s29 =	sand.u32 $0x1FFFFFF0, s21;
	s20 =	rddreg [dreg:$0x9]  }
0x351: {  	[tilespmem:s9], [sflag:$0x2] =	stream.linear.gather [hbm4b:s23+s1], $0x80, $0x38;
	[tilespmem:$0x18800] =	vst v63  }
0x352: {  	(v2sf) =	vpush v4, $0xD;
	s31 =	spop (v2sf);
	s11 =	sadd.s32 s3, s29;
	s29 =	rddreg [dreg:$0x7]  }
0x353: {  	(v2sf) =	vpush v6, $0xE;
	[tilespmem:s20], [sflag:$0x1] =	stream.linear.gather [hbm4b:s11+s1], $0x80, $0x38;
	[tilespmem:$0x18800] =	vst v63  }
.Ltmp2:
0x354: {  	(v2sf) =	vpush v5, $0xE;
	s12 =	sand.u32 $0x1FFFFFF0, s31;
	s17 =	spop (v2sf);
	(pc) =	sbr.rel @p0 .LBB2_6-.Ltmp2, $4  }
0x355: {  	(v2sf) =	vpush v4, $0xE;
	s21 =	sadd.s32 s3, s12;
	s22 =	sand.u32 $0x1FFFFFF0, s17;
	s23 =	spop (v2sf)  }
0x356: {  	(v2sf) =	vpush v6, $0xF;
	[tilespmem:s29], [sflag:$0x2] =	stream.linear.gather [hbm4b:s21+s1], $0x80, $0x38;
	[tilespmem:$0x18800] =	vst v63  }
0x357: {  	(v2sf) =	vpush v5, $0xF;
	s31 =	sadd.s32 s4, s22;
	s0 =	sand.u32 $0x1FFFFFF0, s23;
	s2 =	spop (v2sf)  }
0x358: {  	(v2sf) =	vpush v4, $0xF;
	[tilespmem:s30], [sflag:$0x1] =	stream.linear.gather [hbm4b:s31+s1], $0x80, $0x38;
	[tilespmem:$0x18800] =	vst v63  }
0x359: {  	_ =	sdelay $0x3  }
0x35a: {  	s0 =	sadd.s32 s3, s0;
	s2 =	sand.u32 $0x1FFFFFF0, s2  }
0x35b: {  	[tilespmem:s18], [sflag:$0x2] =	stream.linear.gather [hbm4b:s0+s1], $0x80, $0x38;
	[tilespmem:$0x18800] =	vst v63  }
0x35c: {  	s2 =	sadd.s32 s3, s2  }
0x35d: {  	[tilespmem:s28], [sflag:$0x1] =	stream.linear.gather [hbm4b:s2+s1], $0x80, $0x38;
	[tilespmem:$0x18800] =	vst v63  }
0x35e: {  	s5 =	spop (v2sf)  }
0x35f: {  	s5 =	sand.u32 $0x1FFFFFF0, s5;
	s6 =	spop (v2sf)  }
0x360: {  	s9 =	sadd.s32 s4, s5;
	s10 =	sand.u32 $0x1FFFFFF0, s6;
	s11 =	spop (v2sf)  }
0x361: {  	[tilespmem:s26], [sflag:$0x2] =	stream.linear.gather [hbm4b:s9+s1], $0x80, $0x38;
	[tilespmem:$0x18800] =	vst v63  }
0x362: {  	s12 =	sadd.s32 s3, s10;
	s14 =	sand.u32 $0x1FFFFFF0, s11;
	s16 =	spop (v2sf)  }
0x363: {  	[tilespmem:s19], [sflag:$0x1] =	stream.linear.gather [hbm4b:s12+s1], $0x80, $0x38;
	[tilespmem:$0x18800] =	vst v63  }
0x364: {  	s17 =	sadd.s32 s3, s14;
	s18 =	sand.u32 $0x1FFFFFF0, s16;
	s19 =	spop (v2sf)  }
0x365: {  	[tilespmem:s7], [sflag:$0x2] =	stream.linear.gather [hbm4b:s17+s1], $0x80, $0x38;
	[tilespmem:$0x18800] =	vst v63  }
0x366: {  	s20 =	sadd.s32 s4, s18;
	s21 =	sand.u32 $0x1FFFFFF0, s19;
	s22 =	spop (v2sf)  }
0x367: {  	[tilespmem:s25], [sflag:$0x1] =	stream.linear.gather [hbm4b:s20+s1], $0x80, $0x38;
	[tilespmem:$0x18800] =	vst v63  }
0x368: {  	s23 =	sadd.s32 s3, s21;
	s24 =	sand.u32 $0x1FFFFFF0, s22;
	s25 =	spop (v2sf)  }
0x369: {  	[tilespmem:s8], [sflag:$0x2] =	stream.linear.gather [hbm4b:s23+s1], $0x80, $0x38;
	[tilespmem:$0x18800] =	vst v63  }
0x36a: {  	s26 =	sadd.s32 s3, s24;
	s28 =	sand.u32 $0x1FFFFFF0, s25  }
0x36b: {  	[tilespmem:s13], [sflag:$0x1] =	stream.linear.gather [hbm4b:s26+s1], $0x80, $0x38;
	[tilespmem:$0x18800] =	vst v63  }
0x36c: {  	s29 =	sadd.s32 $0x8D80, s15;
	s30 =	simm.s32 $0x1;
	s2 =	sadd.s32 s4, s28  }
0x36d: {  	[tilespmem:s29], [sflag:$0x2] =	stream.linear.gather [hbm4b:s2+s1], $0x80, $0x38;
	[tilespmem:$0x18800] =	vst v63  }
0x36e: {  	_ =	swait.ge [sflag:s30], $0x4000  }
0x36f: {  	[sflag:s30] =	ssyncset.done $0x0  }
0x370: {  	[sflag:s30] =	ssyncadd.s32 $0xFFFFC000  }
0x371: {  	_ =	swait.ge [sflag:s30], $0x4000  }
0x372: {  	[sflag:s30] =	ssyncset.done $0x0  }
0x373: {  	[sflag:s30] =	ssyncadd.s32 $0xFFFFC000  }
0x374: {  	_ =	swait.ge [sflag:s30], $0x4000  }
0x375: {  	[sflag:s30] =	ssyncset.done $0x0  }
0x376: {  	s31 =	simm.s32 $0x2;
	[sflag:s30] =	ssyncadd.s32 $0xFFFFC000  }
0x377: {  	_ =	swait.ge [sflag:s31], $0x4000  }
0x378: {  	[sflag:s31] =	ssyncset.done $0x0  }
0x379: {  	[sflag:s31] =	ssyncadd.s32 $0xFFFFC000  }
0x37a: {  	_ =	swait.ge [sflag:s31], $0x4000  }
0x37b: {  	[sflag:s31] =	ssyncset.done $0x0  }
0x37c: {  	[sflag:s31] =	ssyncadd.s32 $0xFFFFC000  }
0x37d: {  	_ =	swait.ge [sflag:s31], $0x4000  }
0x37e: {  	s15 =	simm.s32 $0x0;
	s16 =	simm.s32 $0xA00;
	[sflag:s31] =	ssyncset.done $0x0  }
0x37f: {  	s18 =	simm.s32 $0x10A00;
	s17 =	simm.s32 $0x8A00;
	[sflag:s31] =	ssyncadd.s32 $0xFFFFC000  }
.LBB2_8:
0x380: {  	v60 =	vld [tilespmem:s16+$0xFFFFFEB0];
	_ =	sdelay $0x4  }
0x381: {  	[tilespmem:$0x1F7A0] =	vst v60;
	v60 =	vld [tilespmem:s18+$0xFFFFFF10]  }
0x382: {  	v63 =	vld [tilespmem:s16+$0xFFFFFC00]  }
0x383: {  	v12 =	vld [tilespmem:s17+$0xFFFFFC00]  }
0x384: {  	v48 =	vld [tilespmem:s18+$0xFFFFFC00]  }
0x385: {  	v8 =	vld [tilespmem:s16+$0xFFFFFC10]  }
0x386: {  	[tilespmem:$0x1F7D0] =	vst v60;
	v60 =	vld [tilespmem:s17+$0xFFFFFF20]  }
0x387: {  	v4 =	vld [tilespmem:s17+$0xFFFFFC10]  }
0x388: {  	v16 =	vld [tilespmem:s18+$0xFFFFFC10]  }
0x389: {  	v17 =	vld [tilespmem:s16+$0xFFFFFC20]  }
0x38a: {  	v13 =	vld [tilespmem:s17+$0xFFFFFC20]  }
0x38b: {  	[tilespmem:$0x1F7F0] =	vst v60;
	v60 =	vld [tilespmem:s16+$0xFFFFFF30]  }
0x38c: {  	v31 =	vld [tilespmem:s18+$0xFFFFFC20]  }
0x38d: {  	v28 =	vld [tilespmem:s16+$0xFFFFFC30]  }
0x38e: {  	v36 =	vld [tilespmem:s17+$0xFFFFFC30]  }
0x38f: {  	v46 =	vld [tilespmem:s18+$0xFFFFFC30]  }
0x390: {  	[tilespmem:$0x1F840] =	vst v60;
	v60 =	vld [tilespmem:s18+$0xFFFFFF30]  }
0x391: {  	v3 =	vld [tilespmem:s16+$0xFFFFFC80]  }
0x392: {  	v2 =	vld [tilespmem:s17+$0xFFFFFC80]  }
0x393: {  	v21 =	vld [tilespmem:s18+$0xFFFFFC80]  }
0x394: {  	v1 =	vld [tilespmem:s16+$0xFFFFFC90]  }
0x395: {  	[tilespmem:$0x1F8A0] =	vst v60;
	v60 =	vld [tilespmem:s17+$0xFFFFFF80]  }
0x396: {  	v0 =	vld [tilespmem:s17+$0xFFFFFC90]  }
0x397: {  	v14 =	vld [tilespmem:s18+$0xFFFFFC90]  }
0x398: {  	v9 =	vld [tilespmem:s16+$0xFFFFFCA0]  }
0x399: {  	v5 =	vld [tilespmem:s17+$0xFFFFFCA0]  }
0x39a: {  	[tilespmem:$0x1F820] =	vst v60;
	v60 =	vld [tilespmem:s18+$0xFFFFFF90]  }
0x39b: {  	v22 =	vld [tilespmem:s18+$0xFFFFFCA0]  }
0x39c: {  	v45 =	vld [tilespmem:s16+$0xFFFFFCB0]  }
0x39d: {  	v59 =	vld [tilespmem:s17+$0xFFFFFCB0]  }
0x39e: {  	v6 =	vld [tilespmem:s18+$0xFFFFFCB0]  }
0x39f: {  	[tilespmem:$0x1F870] =	vst v60;
	v60 =	vld [tilespmem:s16+$0xFFFFFFA0]  }
0x3a0: {  	v19 =	vld [tilespmem:s16+$0xFFFFFD00]  }
0x3a1: {  	v18 =	vld [tilespmem:s17+$0xFFFFFD00]  }
0x3a2: {  	v35 =	vld [tilespmem:s18+$0xFFFFFD00]  }
0x3a3: {  	v10 =	vld [tilespmem:s16+$0xFFFFFD10]  }
0x3a4: {  	[tilespmem:$0x1F880] =	vst v60;
	v60 =	vld [tilespmem:s17+$0xFFFFFFA0]  }
0x3a5: {  	v25 =	vld [tilespmem:s18+$0xFFFFFD10]  }
0x3a6: {  	v29 =	vld [tilespmem:s16+$0xFFFFFD20]  }
0x3a7: {  	v23 =	vld [tilespmem:s17+$0xFFFFFD20]  }
0x3a8: {  	v50 =	vld [tilespmem:s18+$0xFFFFFD20]  }
0x3a9: {  	[tilespmem:$0x1F890] =	vst v60;
	v60 =	vld [tilespmem:s18+$0xFFFFFFA0]  }
0x3aa: {  	v49 =	vld [tilespmem:s16+$0xFFFFFD30]  }
0x3ab: {  	v42 =	vld [tilespmem:s17+$0xFFFFFD30]  }
0x3ac: {  	v7 =	vld [tilespmem:s18+$0xFFFFFD30]  }
0x3ad: {  	v20 =	vld [tilespmem:s16+$0xFFFFFD80]  }
0x3ae: {  	[tilespmem:$0x1F8B0] =	vst v60;
	v60 =	vld [tilespmem:s16+$0xFFFFFFB0]  }
0x3af: {  	v15 =	vld [tilespmem:s17+$0xFFFFFD80]  }
0x3b0: {  	v39 =	vld [tilespmem:s18+$0xFFFFFD80]  }
0x3b1: {  	v11 =	vld [tilespmem:s16+$0xFFFFFD90]  }
0x3b2: {  	v30 =	vld [tilespmem:s18+$0xFFFFFD90]  }
0x3b3: {  	[tilespmem:$0x1F900] =	vst v60;
	v60 =	vld [tilespmem:s17+$0xFFFFFFB0]  }
0x3b4: {  	v32 =	vld [tilespmem:s16+$0xFFFFFDA0]  }
0x3b5: {  	v24 =	vld [tilespmem:s17+$0xFFFFFDA0]  }
0x3b6: {  	v43 =	vld [tilespmem:s18+$0xFFFFFDA0]  }
0x3b7: {  	v26 =	vld [tilespmem:s16+$0xFFFFFDB0]  }
0x3b8: {  	[tilespmem:$0x1F910] =	vst v60;
	v60 =	vld [tilespmem:s18+$0xFFFFFFB0]  }
0x3b9: {  	v53 =	vld [tilespmem:s17+$0xFFFFFDB0]  }
0x3ba: {  	v54 =	vld [tilespmem:s18+$0xFFFFFDB0]  }
0x3bb: {  	v41 =	vld [tilespmem:s16+$0xFFFFFE00]  }
0x3bc: {  	v37 =	vld [tilespmem:s17+$0xFFFFFE00]  }
0x3bd: {  	[tilespmem:$0x1F960] =	vst v60;
	v60 =	vld [tilespmem:s16+$0x0]  }
0x3be: {  	v55 =	vld [tilespmem:s18+$0xFFFFFE00]  }
0x3bf: {  	v34 =	vld [tilespmem:s16+$0xFFFFFE10]  }
0x3c0: {  	v51 =	vld [tilespmem:s18+$0xFFFFFE10]  }
0x3c1: {  	v52 =	vld [tilespmem:s16+$0xFFFFFE20]  }
0x3c2: {  	[tilespmem:$0x1F8C0] =	vst v60;
	v60 =	vld [tilespmem:s17+$0x0]  }
0x3c3: {  	v44 =	vld [tilespmem:s17+$0xFFFFFE20]  }
0x3c4: {  	v27 =	vld [tilespmem:s18+$0xFFFFFE20]  }
0x3c5: {  	v56 =	vld [tilespmem:s16+$0xFFFFFE30]  }
0x3c6: {  	v57 =	vld [tilespmem:s17+$0xFFFFFE30]  }
0x3c7: {  	[tilespmem:$0x1F8D0] =	vst v60;
	v60 =	vld [tilespmem:s18+$0x0]  }
0x3c8: {  	v58 =	vld [tilespmem:s18+$0xFFFFFE30]  }
0x3c9: {  	v40 =	vld [tilespmem:s16+$0xFFFFFE80]  }
0x3ca: {  	v38 =	vld [tilespmem:s17+$0xFFFFFE80]  }
0x3cb: {  	v61 =	vld [tilespmem:s18+$0xFFFFFE80]  }
0x3cc: {  	[tilespmem:$0x1F920] =	vst v60;
	v60 =	vld [tilespmem:s16+$0x10]  }
0x3cd: {  	v33 =	vld [tilespmem:s16+$0xFFFFFE90]  }
0x3ce: {  	v47 =	vld [tilespmem:s17+$0xFFFFFEA0]  }
0x3cf: {  	v62 =	vld [tilespmem:s17+$0xFFFFFEB0]  }
0x3d0: {  	[tilespmem:$0x1F6E0] =	vst v6;
	v6 =	vld [tilespmem:s17+$0xFFFFFD10]  }
0x3d1: {  	[tilespmem:$0x1F8E0] =	vst v60;
	v60 =	vld [tilespmem:s17+$0x10]  }
0x3d2: {  	[tilespmem:$0x1F6F0] =	vst v7;
	v7 =	vld [tilespmem:s17+$0xFFFFFD90]  }
0x3d3: {  	[tilespmem:$0x1F700] =	vst v26;
	v26 =	vld [tilespmem:s17+$0xFFFFFE10]  }
0x3d4: {  	[tilespmem:$0x1F740] =	vst v27;
	v27 =	vld [tilespmem:s17+$0xFFFFFE90]  }
0x3d5: {  	[tilespmem:$0x1F730] =	vst v54;
	v54 =	vld [tilespmem:s18+$0xFFFFFE90]  }
0x3d6: {  	[tilespmem:$0x1F8F0] =	vst v60;
	v60 =	vld [tilespmem:s18+$0x10]  }
0x3d7: {  	[tilespmem:$0x1F720] =	vst v55;
	v55 =	vld [tilespmem:s16+$0xFFFFFEA0]  }
0x3d8: {  	[tilespmem:$0x1F710] =	vst v53;
	v53 =	vld [tilespmem:s18+$0xFFFFFEA0]  }
0x3d9: {  	[tilespmem:$0x1F750] =	vst v56;
	v56 =	vld [tilespmem:s18+$0xFFFFFEB0]  }
0x3da: {  	[tilespmem:$0x1F760] =	vst v57;
	v57 =	vld [tilespmem:s16+$0xFFFFFF00]  }
0x3db: {  	[tilespmem:$0x1F930] =	vst v60;
	v60 =	vld [tilespmem:s16+$0x20]  }
0x3dc: {  	[tilespmem:$0x1F7B0] =	vst v62;
	v62 =	vld [tilespmem:s17+$0xFFFFFF00]  }
0x3dd: {  	[tilespmem:$0x1F770] =	vst v58;
	v58 =	vld [tilespmem:s18+$0xFFFFFF00]  }
0x3de: {  	v12 =	vmul.f32 v12, v63;
	v63 =	vld [tilespmem:s17+$0x180]  }
0x3df: {  	v5 =	vmul.f32 v5, v9;
	v9 =	vld [tilespmem:s17+$0x1A0]  }
0x3e0: {  	[tilespmem:$0x1F940] =	vst v60;
	v60 =	vld [tilespmem:s17+$0x20]  }
0x3e1: {  	v19 =	vmul.f32 v18, v19;
	v18 =	vmul.f32 v15, v20;
	v15 =	vld [tilespmem:s17+$0x200]  }
0x3e2: {  	v4 =	vmul.f32 v4, v8;
	v20 =	vmul.f32 v42, v49;
	v49 =	vld [tilespmem:$0x1F7A0]  }
0x3e3: {  	v8 =	vsub.f32 v12, v48;
	v48 =	vmul.f32 v13, v17;
	v13 =	vmul.f32 v36, v28;
	v28 =	vld [tilespmem:s17+$0x190]  }
0x3e4: {  	v2 =	vmul.f32 v2, v3;
	v36 =	vld [tilespmem:s18+$0x1A0]  }
0x3e5: {  	[tilespmem:$0x1F950] =	vst v60;
	v60 =	vld [tilespmem:s18+$0x20]  }
0x3e6: {  	v2 =	vsub.f32 v2, v21;
	v21 =	vmul.f32 v59, v45;
	v59 =	vld [tilespmem:s16+$0x1B0]  }
0x3e7: {  	v0 =	vmul.f32 v0, v1;
	v45 =	vld [tilespmem:$0x1F6E0]  }
0x3e8: {  	v17 =	vsub.f32 v5, v22;
	v22 =	vsub.f32 v19, v35;
	v35 =	vmul.f32 v23, v29;
	v23 =	vld [tilespmem:$0x1F6F0]  }
0x3e9: {  	v0 =	vsub.f32 v0, v14;
	v14 =	vld [tilespmem:s16+$0x210]  }
0x3ea: {  	[tilespmem:$0x1F9B0] =	vst v60;
	v60 =	vld [tilespmem:s16+$0x30]  }
0x3eb: {  	v12 =	vsub.f32 v48, v31;
	v48 =	vld [tilespmem:s18+$0x190]  }
0x3ec: {  	v0 =	vadd.f32 v0, v2;
	v2 =	vld [tilespmem:s18+$0x1B0]  }
0x3ed: {  	v4 =	vsub.f32 v4, v16;
	v16 =	vsub.f32 v13, v46;
	v13 =	vld [tilespmem:s18+$0x210]  }
0x3ee: {  	v19 =	vsub.f32 v35, v50;
	v35 =	vld [tilespmem:$0x1F730]  }
0x3ef: {  	[tilespmem:$0x1F9C0] =	vst v60;
	v60 =	vld [tilespmem:s17+$0x30]  }
0x3f0: {  	v50 =	vld [tilespmem:$0x1F7B0]  }
0x3f1: {  	[tilespmem:$0x1F790] =	vst v57;
	v57 =	vld [tilespmem:s16+$0xFFFFFF10]  }
0x3f2: {  	[tilespmem:$0x1F800] =	vst v56;
	v56 =	vld [tilespmem:s17+$0xFFFFFF10]  }
0x3f3: {  	[tilespmem:$0x1F7C0] =	vst v58;
	v58 =	vld [tilespmem:s16+$0xFFFFFF20]  }
0x3f4: {  	[tilespmem:$0x1F9D0] =	vst v60;
	v60 =	vld [tilespmem:s18+$0x30]  }
0x3f5: {  	[tilespmem:$0x1F780] =	vst v53;
	v53 =	vld [tilespmem:s17+$0xFFFFFF90]  }
0x3f6: {  	v8 =	vadd.f32 v4, v8;
	[tilespmem:$0x1FB00] =	vst v63;
	v63 =	vld [tilespmem:s16+$0x190]  }
0x3f7: {  	v11 =	vmul.f32 v7, v11;
	v7 =	vld [tilespmem:s16+$0x200]  }
0x3f8: {  	v1 =	vadd.f32 v12, v8;
	v12 =	vld [tilespmem:s16+$0x1A0]  }
0x3f9: {  	[tilespmem:$0x1FA20] =	vst v60;
	v60 =	vld [tilespmem:s16+$0x80]  }
0x3fa: {  	v8 =	vld [tilespmem:s18+$0x200]  }
0x3fb: {  	v26 =	vmul.f32 v26, v34;
	v34 =	vmul.f32 v44, v52;
	v44 =	vld [tilespmem:$0x1F780]  }
0x3fc: {  	v52 =	vld [tilespmem:$0x1F7D0]  }
0x3fd: {  	v11 =	vsub.f32 v11, v30;
	v30 =	vld [tilespmem:$0x1F700]  }
0x3fe: {  	[tilespmem:$0x1F970] =	vst v60;
	v60 =	vld [tilespmem:s17+$0x80]  }
0x3ff: {  	v6 =	vmul.f32 v6, v10;
	v46 =	vsub.f32 v21, v45;
	v21 =	vsub.f32 v18, v39;
	v18 =	vld [tilespmem:s16+$0x220]  }
0x400: {  	v39 =	vld [tilespmem:$0x1F740]  }
0x401: {  	v31 =	vsub.f32 v6, v25;
	v25 =	vmul.f32 v37, v41;
	v37 =	vmul.f32 v38, v40;
	v40 =	vld [tilespmem:$0x1F750]  }
0x402: {  	v41 =	vld [tilespmem:$0x1F760]  }
0x403: {  	[tilespmem:$0x1F980] =	vst v60;
	v60 =	vld [tilespmem:s18+$0x80]  }
0x404: {  	v10 =	vsub.f32 v26, v51;
	v26 =	vld [tilespmem:s18+$0x230]  }
0x405: {  	v45 =	vld [tilespmem:$0x1F790]  }
0x406: {  	v38 =	vmul.f32 v27, v33;
	v27 =	vld [tilespmem:s16+$0x280]  }
0x407: {  	v51 =	vld [tilespmem:$0x1F7C0]  }
0x408: {  	[tilespmem:$0x1F9E0] =	vst v60;
	v60 =	vld [tilespmem:s16+$0x90]  }
0x409: {  	v33 =	vld [tilespmem:s17+$0x290]  }
0x40a: {  	v4 =	vadd.f32 v16, v1;
	v1 =	vadd.f32 v17, v0;
	v0 =	vld [tilespmem:s17+$0x1B0]  }
0x40b: {  	v16 =	vld [tilespmem:s17+$0x210]  }
0x40c: {  	v3 =	vadd.f32 v31, v22;
	v31 =	vld [tilespmem:$0x1F710]  }
0x40d: {  	[tilespmem:$0x1F990] =	vst v60;
	v60 =	vld [tilespmem:s17+$0x90]  }
0x40e: {  	v22 =	vmul.f32 v24, v32;
	v32 =	vld [tilespmem:$0x1F720]  }
0x40f: {  	v11 =	vadd.f32 v11, v21;
	v21 =	vld [tilespmem:s17+$0x220]  }
0x410: {  	[tilespmem:$0x1F7E0] =	vst v58;
	v58 =	vld [tilespmem:s18+$0xFFFFFF20]  }
0x411: {  	v5 =	vadd.f32 v46, v1;
	v46 =	vmul.f32 v56, v57;
	v56 =	vld [tilespmem:$0x1F800]  }
0x412: {  	[tilespmem:$0x1F9A0] =	vst v60;
	v60 =	vld [tilespmem:s18+$0x90]  }
0x413: {  	v7 =	vmul.f32 v15, v7;
	v15 =	vld [tilespmem:s17+$0x380]  }
0x414: {  	v24 =	vsub.f32 v22, v43;
	v22 =	vld [tilespmem:s18+$0x220]  }
0x415: {  	v43 =	vld [tilespmem:$0x1F770]  }
0x416: {  	v6 =	vsub.f32 v20, v23;
	v20 =	vsub.f32 v38, v54;
	v54 =	vld [tilespmem:$0x1F7E0]  }
0x417: {  	[tilespmem:$0x1F9F0] =	vst v60;
	v60 =	vld [tilespmem:s16+$0xA0]  }
0x418: {  	v42 =	vmul.f32 v47, v55;
	v28 =	vmul.f32 v28, v63;
	v55 =	vld [tilespmem:$0x1F7F0]  }
0x419: {  	v9 =	vmul.f32 v9, v12;
	v12 =	vld [tilespmem:s16+$0x330]  }
0x41a: {  	v28 =	vsub.f32 v28, v48;
	v48 =	vld [tilespmem:s17+$0x330]  }
0x41b: {  	v9 =	vsub.f32 v9, v36;
	v36 =	vld [tilespmem:s16+$0x380]  }
0x41c: {  	v3 =	vadd.f32 v19, v3;
	v19 =	vsub.f32 v37, v61;
	[tilespmem:$0x1FA00] =	vst v60;
	v60 =	vld [tilespmem:s17+$0xA0]  }
0x41d: {  	v1 =	vsub.f32 v25, v32;
	v25 =	vld [tilespmem:s16+$0x230]  }
0x41e: {  	v19 =	vadd.f32 v20, v19;
	v20 =	vsub.f32 v42, v44;
	v32 =	vld [tilespmem:s16+$0x290]  }
0x41f: {  	[tilespmem:$0x1F830] =	vst v58;
	v58 =	vld [tilespmem:s17+$0xFFFFFF30]  }
0x420: {  	v14 =	vmul.f32 v16, v14;
	v47 =	vadd.f32 v20, v19;
	v19 =	vld [tilespmem:s17+$0x280]  }
0x421: {  	v29 =	vadd.f32 v24, v11;
	[tilespmem:$0x1FA10] =	vst v60;
	v60 =	vld [tilespmem:s18+$0xA0]  }
0x422: {  	v0 =	vmul.f32 v0, v59;
	v11 =	vmul.f32 v31, v30;
	v59 =	vsub.f32 v14, v13;
	v14 =	vld [tilespmem:s16+$0x390]  }
0x423: {  	v37 =	vld [tilespmem:$0x1F830]  }
0x424: {  	v11 =	vsub.f32 v11, v35;
	v38 =	vld [tilespmem:$0x1F840]  }
0x425: {  	v17 =	vmul.f32 v41, v40;
	v1 =	vadd.f32 v10, v1;
	v10 =	vsub.f32 v34, v39;
	v35 =	vld [tilespmem:s18+$0x290]  }
0x426: {  	[tilespmem:$0x1FA30] =	vst v60;
	v60 =	vld [tilespmem:s16+$0xB0]  }
0x427: {  	v1 =	vadd.f32 v10, v1;
	v10 =	vsub.f32 v17, v43;
	v17 =	vld [tilespmem:s17+$0x230]  }
0x428: {  	v23 =	vadd.f32 v11, v29;
	v29 =	vld [tilespmem:s18+$0x280]  }
0x429: {  	v6 =	vadd.f32 v6, v3;
	v3 =	vmul.f32 v62, v45;
	[tilespmem:$0x1F850] =	vst v58;
	v58 =	vld [tilespmem:s16+$0xFFFFFF80]  }
0x42a: {  	v39 =	vld [tilespmem:$0x1F850]  }
0x42b: {  	v3 =	vsub.f32 v3, v51;
	v20 =	vmul.f32 v55, v54;
	v11 =	vsub.f32 v46, v52;
	[tilespmem:$0x1FA80] =	vst v60;
	v60 =	vld [tilespmem:s17+$0xB0]  }
0x42c: {  	v44 =	vld [tilespmem:$0x1F8A0]  }
0x42d: {  	v3 =	vadd.f32 v11, v3;
	v11 =	vsub.f32 v20, v37;
	v37 =	vld [tilespmem:s16+$0x2A0]  }
0x42e: {  	[tilespmem:$0x1F810] =	vst v58;
	v58 =	vld [tilespmem:s18+$0xFFFFFF80]  }
0x42f: {  	v57 =	vld [tilespmem:$0x1F810]  }
0x430: {  	[tilespmem:$0x1FA90] =	vst v60;
	v60 =	vld [tilespmem:s18+$0xB0]  }
0x431: {  	v61 =	vld [tilespmem:$0x1F820]  }
0x432: {  	v20 =	vmul.f32 v39, v38;
	v39 =	vld [tilespmem:s18+$0x2A0]  }
0x433: {  	[tilespmem:$0x1F860] =	vst v58;
	v58 =	vld [tilespmem:s16+$0xFFFFFF90]  }
0x434: {  	v40 =	vld [tilespmem:$0x1F860]  }
0x435: {  	[tilespmem:$0x1FAE0] =	vst v60;
	v60 =	vld [tilespmem:s16+$0x100]  }
0x436: {  	v42 =	vld [tilespmem:$0x1F880]  }
0x437: {  	v43 =	vld [tilespmem:$0x1F890]  }
0x438: {  	v41 =	vld [tilespmem:$0x1F870]  }
0x439: {  	v45 =	vld [tilespmem:$0x1F8B0]  }
0x43a: {  	v30 =	vmul.f32 v61, v57;
	[tilespmem:$0x1FA40] =	vst v60;
	v60 =	vld [tilespmem:s17+$0x100]  }
0x43b: {  	v20 =	vsub.f32 v20, v44;
	v44 =	vld [tilespmem:s16+$0x300];
	v62 =	vmul.f32 v53, v58  }
0x43c: {  	v30 =	vsub.f32 v30, v40;
	v40 =	vld [tilespmem:s17+$0x2B0];
	v34 =	vmul.f32 v43, v42  }
0x43d: {  	v31 =	vsub.f32 v62, v41;
	v43 =	vld [tilespmem:s18+$0x2B0]  }
0x43e: {  	v24 =	vadd.f32 v10, v1;
	v10 =	vmul.f32 v50, v49;
	v46 =	vsub.f32 v34, v45;
	v34 =	vld [tilespmem:s17+$0x2A0]  }
0x43f: {  	v11 =	vadd.f32 v11, v3;
	v30 =	vadd.f32 v31, v30;
	[tilespmem:$0x1FA50] =	vst v60;
	v60 =	vld [tilespmem:s18+$0x100]  }
0x440: {  	v10 =	vsub.f32 v10, v56;
	v52 =	vld [tilespmem:$0x1F900]  }
0x441: {  	v1 =	vadd.f32 v20, v11;
	v11 =	vadd.f32 v46, v30;
	v30 =	vld [tilespmem:s16+$0x2B0]  }
0x442: {  	v3 =	vadd.f32 v10, v47;
	v47 =	vld [tilespmem:$0x1F8C0]  }
0x443: {  	v49 =	vld [tilespmem:$0x1F8D0]  }
0x444: {  	[tilespmem:$0x1FAA0] =	vst v60;
	v60 =	vld [tilespmem:s16+$0x110]  }
0x445: {  	v54 =	vld [tilespmem:$0x1F920]  }
0x446: {  	v50 =	vld [tilespmem:$0x1F8E0]  }
0x447: {  	v51 =	vld [tilespmem:$0x1F8F0]  }
0x448: {  	v55 =	vld [tilespmem:$0x1F930]  }
0x449: {  	[tilespmem:$0x1FA60] =	vst v60;
	v60 =	vld [tilespmem:s17+$0x110]  }
0x44a: {  	v56 =	vld [tilespmem:$0x1F940]  }
0x44b: {  	v57 =	vld [tilespmem:$0x1F950]  }
0x44c: {  	v10 =	vmul.f32 v49, v47;
	v47 =	vld [tilespmem:$0x1F9B0]  }
0x44d: {  	v49 =	vld [tilespmem:$0x1F9C0]  }
0x44e: {  	[tilespmem:$0x1FA70] =	vst v60;
	v60 =	vld [tilespmem:s18+$0x110]  }
0x44f: {  	v38 =	vmul.f32 v51, v50;
	v50 =	vld [tilespmem:$0x1F9D0]  }
0x450: {  	v53 =	vld [tilespmem:$0x1F910]  }
0x451: {  	v31 =	vsub.f32 v38, v55;
	v55 =	vld [tilespmem:$0x1FA20]  }
0x452: {  	v58 =	vld [tilespmem:$0x1F960];
	v10 =	vsub.f32 v10, v54;
	v38 =	vmul.f32 v57, v56  }
0x453: {  	[tilespmem:$0x1FAB0] =	vst v60;
	v60 =	vld [tilespmem:s16+$0x120]  }
0x454: {  	v10 =	vadd.f32 v31, v10;
	v31 =	vsub.f32 v38, v47;
	v38 =	vmul.f32 v50, v49;
	v49 =	vld [tilespmem:s17+$0x310]  }
0x455: {  	v61 =	vld [tilespmem:$0x1F970]  }
0x456: {  	v10 =	vadd.f32 v31, v10;
	v31 =	vsub.f32 v38, v55;
	v38 =	vld [tilespmem:s18+$0x300]  }
0x457: {  	v62 =	vld [tilespmem:$0x1F980]  }
0x458: {  	[tilespmem:$0x1FAC0] =	vst v60;
	v60 =	vld [tilespmem:s17+$0x120]  }
0x459: {  	v51 =	vld [tilespmem:$0x1F9E0]  }
0x45a: {  	v45 =	vld [tilespmem:$0x1F990]  }
0x45b: {  	v46 =	vld [tilespmem:$0x1F9A0]  }
0x45c: {  	v20 =	vmul.f32 v53, v52;
	v52 =	vld [tilespmem:$0x1F9F0]  }
0x45d: {  	[tilespmem:$0x1FAD0] =	vst v60;
	v60 =	vld [tilespmem:s18+$0x120]  }
0x45e: {  	v53 =	vld [tilespmem:$0x1FA00]  }
0x45f: {  	v41 =	vmul.f32 v62, v61;
	v54 =	vld [tilespmem:$0x1FA10]  }
0x460: {  	v56 =	vld [tilespmem:$0x1FA30]  }
0x461: {  	v41 =	vsub.f32 v41, v51;
	v42 =	vmul.f32 v46, v45;
	v51 =	vld [tilespmem:$0x1FA80]  }
0x462: {  	[tilespmem:$0x1FB10] =	vst v60;
	v60 =	vld [tilespmem:s16+$0x130]  }
0x463: {  	v42 =	vsub.f32 v42, v52;
	v52 =	vld [tilespmem:$0x1FA90]  }
0x464: {  	v45 =	vmul.f32 v54, v53;
	v57 =	vld [tilespmem:$0x1FA40]  }
0x465: {  	v20 =	vsub.f32 v20, v58;
	v58 =	vld [tilespmem:$0x1FA50]  }
0x466: {  	v46 =	vld [tilespmem:s17+$0x300];
	v41 =	vadd.f32 v42, v41;
	v42 =	vsub.f32 v45, v56  }
0x467: {  	[tilespmem:$0x1FB20] =	vst v60;
	v60 =	vld [tilespmem:s17+$0x130]  }
0x468: {  	v10 =	vadd.f32 v31, v10;
	v31 =	vadd.f32 v42, v41;
	v41 =	vmul.f32 v52, v51;
	v51 =	vld [tilespmem:s16+$0x320]  }
0x469: {  	v53 =	vld [tilespmem:$0x1FAA0]  }
0x46a: {  	v11 =	vadd.f32 v20, v11;
	v20 =	vmul.f32 v58, v57;
	v57 =	vld [tilespmem:$0x1FAE0]  }
0x46b: {  	v61 =	vld [tilespmem:$0x1FA60]  }
0x46c: {  	[tilespmem:$0x1FB30] =	vst v60;
	v60 =	vld [tilespmem:s18+$0x130]  }
0x46d: {  	v62 =	vld [tilespmem:$0x1FA70]  }
0x46e: {  	v54 =	vld [tilespmem:$0x1FAB0]  }
0x46f: {  	v55 =	vld [tilespmem:$0x1FAC0]  }
0x470: {  	v56 =	vld [tilespmem:$0x1FAD0]  }
0x471: {  	[tilespmem:$0x1FB40] =	vst v60;
	v60 =	vld [tilespmem:s16+$0x180]  }
0x472: {  	v47 =	vmul.f32 v62, v61;
	v62 =	vld [tilespmem:$0x1FB10]  }
0x473: {  	v63 =	vld [tilespmem:$0x1FB20]  }
0x474: {  	v41 =	vsub.f32 v41, v57;
	v57 =	vld [tilespmem:$0x1FB30]  }
0x475: {  	v20 =	vsub.f32 v20, v53;
	v53 =	vld [tilespmem:s17+$0x320]  }
0x476: {  	v61 =	vld [tilespmem:$0x1FB00];
	[tilespmem:$0x1FAF0] =	vst v60  }
0x477: {  	v7 =	vsub.f32 v7, v8;
	v47 =	vsub.f32 v47, v54;
	v50 =	vmul.f32 v56, v55;
	v58 =	vld [tilespmem:$0x1FAF0]  }
0x478: {  	v0 =	vsub.f32 v0, v2;
	v31 =	vadd.f32 v41, v31;
	v41 =	vmul.f32 v34, v37;
	v37 =	vld [tilespmem:$0x1FFC0]  }
0x479: {  	v20 =	vadd.f32 v47, v20;
	v47 =	vsub.f32 v50, v62;
	v50 =	vmul.f32 v57, v63;
	v63 =	vld [tilespmem:s17+$0x390]  }
0x47a: {  	v7 =	vadd.f32 v59, v7;
	v62 =	vmul.f32 v33, v32;
	v33 =	vld [tilespmem:s18+$0x390];
	v57 =	vmul.f32 v40, v30  }
0x47b: {  	v12 =	vmul.f32 v48, v12;
	v15 =	vmul.f32 v15, v36;
	v55 =	vsub.f32 v41, v39;
	v60 =	vld [tilespmem:s18+$0x180]  }
0x47c: {  	v8 =	vsub.f32 v57, v43;
	v43 =	vsel vm0, v11, v1;
	v52 =	vmul.f32 v61, v58;
	v58 =	vld [tilespmem:$0x1FB40]  }
0x47d: {  	v45 =	vld [tilespmem:s16+$0x310];
	v39 =	vsel vm0, v23, v6;
	v41 =	vsel vm0, v6, v23;
	v6 =	vperm.xlane v43, v37  }
0x47e: {  	v59 =	vmul.f32 v46, v44;
	v54 =	vld [tilespmem:s18+$0x320];
	v1 =	vsel vm0, v1, v11;
	v14 =	vmul.f32 v63, v14  }
0x47f: {  	v42 =	vld [tilespmem:s18+$0x310];
	v20 =	vadd.f32 v47, v20;
	v63 =	vmul.f32 v53, v51;
	v1 =	vadd.f32 v6, v1  }
0x480: {  	v56 =	vld [tilespmem:s18+$0x3A0];
	v14 =	vsub.f32 v14, v33;
	v61 =	vmul.f32 v19, v27;
	v52 =	vsub.f32 v52, v60  }
0x481: {  	v60 =	vmul.f32 v21, v18;
	v18 =	vsub.f32 v62, v35;
	v62 =	vld [tilespmem:s18+$0x330];
	v47 =	vsub.f32 v50, v58  }
0x482: {  	v44 =	vsel vm0, v31, v10;
	v2 =	vsub.f32 v61, v29;
	v28 =	vadd.f32 v28, v52;
	v52 =	vld [tilespmem:s17+$0x3A0]  }
0x483: {  	v10 =	vsel vm0, v10, v31;
	v34 =	vsub.f32 v63, v54;
	v16 =	vadd.f32 v47, v20;
	v20 =	vld [tilespmem:s18+$0x380]  }
0x484: {  	v32 =	vmul.f32 v17, v25;
	v2 =	vadd.f32 v18, v2;
	v18 =	vsub.f32 v59, v38;
	v47 =	vld [tilespmem:s16+$0x3A0]  }
0x485: {  	v40 =	vsel vm0, v3, v24;
	v61 =	vld [tilespmem:s17+$0x3B0];
	v9 =	vadd.f32 v9, v28;
	v28 =	vsub.f32 v60, v22  }
0x486: {  	v50 =	vsub.f32 v32, v26;
	v58 =	vld [tilespmem:s16+$0x3B0];
	v2 =	vadd.f32 v55, v2;
	v60 =	vmul.f32 v49, v45  }
0x487: {  	v3 =	vsel vm0, v24, v3;
	v12 =	vsub.f32 v12, v62;
	v7 =	vadd.f32 v28, v7  }
0x488: {  	v38 =	vsel vm0, v5, v4;
	v32 =	vld [tilespmem:s18+$0x3B0];
	v0 =	vadd.f32 v0, v9;
	v25 =	vsub.f32 v60, v42  }
0x489: {  	v2 =	vadd.f32 v8, v2;
	v15 =	vsub.f32 v15, v20;
	v13 =	vmul.f32 v52, v47  }
0x48a: {  	v42 =	vperm.xlane v40, v37;
	v7 =	vadd.f32 v50, v7;
	v33 =	vadd.f32 v25, v18  }
0x48b: {  	v9 =	vmul.f32 v61, v58;
	v14 =	vadd.f32 v14, v15;
	v13 =	vsub.f32 v13, v56  }
0x48c: {  	v4 =	vsel vm0, v4, v5;
	v3 =	vadd.f32 v42, v3;
	v35 =	vadd.f32 v34, v33  }
0x48d: {  	v45 =	vsel vm0, v0, v16;
	v9 =	vsub.f32 v9, v32;
	v13 =	vadd.f32 v13, v14  }
0x48e: {  	v0 =	vsel vm0, v16, v0;
	v36 =	vadd.f32 v12, v35;
	v12 =	vperm.xlane v38, v37  }
0x48f: {  	v46 =	vperm.xlane v45, v37;
	v48 =	vsel vm0, v2, v7;
	v9 =	vadd.f32 v9, v13  }
0x490: {  	v53 =	vld [tilespmem:$0x1FFD0];
	v2 =	vsel vm0, v7, v2;
	v4 =	vadd.f32 v12, v4;
	v12 =	vperm.xlane v44, v37  }
0x491: {  	v0 =	vadd.f32 v46, v0;
	v13 =	vperm.xlane v39, v37;
	v49 =	vsel vm0, v9, v36  }
0x492: {  	v52 =	vld [tilespmem:$0x1FFD0];
	v47 =	vadd.f32 v12, v10;
	v10 =	vperm.xlane v48, v37;
	v11 =	vperm.xlane v49, v37  }
0x493: {  	v54 =	vsel vm1, v1, v3;
	v5 =	vadd.f32 v13, v41;
	v51 =	vsel vm0, v36, v9  }
0x494: {  	v2 =	vadd.f32 v10, v2;
	v55 =	vsel vm1, v0, v47;
	v7 =	vadd.f32 v11, v51  }
0x495: {  	v1 =	vsel vm1, v3, v1;
	v57 =	vperm.xlane v55, v53;
	v50 =	vsel vm1, v5, v4  }
0x496: {  	v4 =	vsel vm1, v4, v5;
	v5 =	vperm.xlane v54, v53;
	v56 =	vsel vm1, v7, v2  }
0x497: {  	v59 =	vld [tilespmem:$0x1FFE0];
	v0 =	vsel vm1, v47, v0;
	v8 =	vperm.xlane v50, v52;
	v58 =	vperm.xlane v56, v53  }
0x498: {  	v0 =	vadd.f32 v57, v0;
	v1 =	vadd.f32 v5, v1;
	v2 =	vsel vm1, v2, v7  }
0x499: {  	v4 =	vadd.f32 v8, v4;
	v2 =	vadd.f32 v58, v2;
	_ =	sdelay $0x1  }
0x49a: {  	v60 =	vsel vm2, v1, v4;
	v61 =	vsel vm2, v2, v0  }
0x49b: {  	v62 =	vld [tilespmem:$0x1FFF0];
	v3 =	vperm.xlane v60, v59;
	v5 =	vperm.xlane v61, v59  }
0x49c: {  	v1 =	vsel vm2, v4, v1;
	v0 =	vsel vm2, v0, v2  }
0x49d: {  	v1 =	vadd.f32 v3, v1;
	v0 =	vadd.f32 v5, v0;
	_ =	sdelay $0x1  }
0x49e: {  	p0 =	sne.s32 s15, $0xF0;
	v63 =	vsel vm3, v0, v1  }
.Ltmp3:
0x49f: {  	v2 =	vperm.xlane v63, v62;
	(pc) =	sbr.rel @p0 .LBB2_8-.Ltmp3, $4  }
0x4a0: {  	v0 =	vsel vm3, v1, v0  }
0x4a1: {  	v0 =	vadd.f32 v0, v2  }
0x4a2: {  	s0 =	sand.u32 $0xF0, s15;
	s15 =	sadd.s32 $0x10, s15  }
0x4a3: {  	s17 =	sadd.s32 $0x800, s17;
	s16 =	sadd.s32 $0x800, s16;
	s18 =	sadd.s32 $0x800, s18;
	[tilespmem:s0+$0x18700] =	vst v0  }
0x4a4: {  	s0 =	sld [smem:$0x7FC];
	_ =	sdelay $0x1  }
0x4a5: {  	s2 =	simm.s32 $0x18600;
	s6 =	simm.s32 $0x3  }
0x4a6: {  	[hbm4b:s0+s1] =	stream.linear.scatter [tilespmem:s2], [sflag:$0x3], $0x200, $0x38;
	[tilespmem:$0x18800] =	vst v63  }
0x4a7: {  	_ =	swait.ge [sflag:s6], $0x200  }
0x4a8: {  	s30 =	sld [smem:$0x7F8]  }
0x4a9: {  	s31 =	sld [smem:$0x7FD];
	_ =	sdelay $0x1  }
0x4aa: {  	s2 =	sadd.s32 $0x1, s30  }
0x4ab: {  	p0 =	sne.s32 s2, s31  }
.Ltmp4:
0x4ac: {  	_ = 	snop;
	(pc) =	sbr.rel @p0 .LBB2_1-.Ltmp4, $3  }
0x4ad: {  	_ =	sdelay $0x1  }
0x4ae: {  	[sflag:s6] =	ssyncset.done $0x0  }
0x4af: {  	[sflag:s6] =	ssyncadd.s32 $0xFFFFFE00  }
0x4b0: {  	_ =	sfence.sel $0x180000  }
0x4b1: {  	[bflag:$0x0] =	sbarrier.arrive $0xFFFF  }
0x4b2: {  	_ =	strace $0x90000047  }
0x4b3: {  	s0 =	stileid.u32;
	[bflag:$0x2] =	sbarrier.arrive $0xFFFF  }
0x4b4: {  	p0 =	sne.s32 s0, $0x0;
	s0 =	rddreg [dreg:$0x5]  }
0x4b5: {  	s0 =	sadd.s32 @!p0 $0x100000, s0  }
0x4b6: {  	[sflag:s0] =	ssyncadd.tile.s32 @!p0 $0x1;
	_ =	shalt  }
.Lfunc_end2:
_tile_overlayer_lowered:
.L_overlay_start_2:
0x4b7: {  	(tag) =	ssettag $0x2  }
0x4b8: {  	s0 =	rddreg [dreg:$0x0];
	s2 =	stileid.u32  }
0x4b9: {  	s1 =	rddreg [dreg:$0x1];
	p0 =	sne.s32 s2, $0x0  }
0x4ba: {  	s3 =	rddreg [dreg:$0x2];
	[bflag:$0x3] =	sbarrier.arrive $0xFFFF;
	s2 =	simm.s32 @!p0 $0x1C03  }
0x4bb: {  	[timem:s3], [sflag:s2] =	dma.local @!p0 [hbm:s0], s1  }
0x4bc: {  	s0 =	simm.s32 @!p0 $0x3  }
0x4bd: {  	_ =	swait.ge @!p0 [sflag:s0], s1  }
0x4be: {  	s1 =	ssub.s32 @!p0 $0x0, s1;
	[sflag:s0] =	ssyncset.done @!p0 $0x0  }
0x4bf: {  	[sflag:s0] =	ssyncadd.s32 @!p0 s1  }
0x4c0: {  	[bflag:$0x3] =	sbarrier.arrive $0xFFFF  }
0x4c1: {  	_ =	shalt  }

</sc_bundles>
